<compile_context>
chip_gen: v7x
topology: tpu7x:2x2x1
jax: 0.10.2.dev20260603
libtpu: 0.0.44.dev20260713+nightly
codegen_flags: <defaults>
</compile_context>

<pallas_src>
import functools

import jax
import jax.numpy as jnp
from jax import lax
from jax.experimental import pallas as pl
from jax.experimental.pallas import tpu as pltpu
from jax.experimental.pallas import tpu_sc as plsc

N = 10000
E = 320000
NW = 32
NSUB = 16
CH = 80
CHUNKS = (E // NW) // CH
NPAD = 10240
SEG = NPAD // NSUB
BLK = 2000

_f32 = jnp.float32


def _mesh():
    return plsc.VectorSubcoreMesh(core_axis_name="c", subcore_axis_name="s")


def _sc_degree(edge3):

    @functools.partial(
        pl.kernel,
        out_type=jax.ShapeDtypeStruct((2, NPAD), _f32),
        mesh=_mesh(),
        scratch_types=[
            pltpu.VMEM((CHUNKS, CH), jnp.int32),
            pltpu.VMEM((CH,), _f32),
            pltpu.VMEM((SEG,), _f32),
            pltpu.VMEM_SHARED((NPAD,), _f32),
        ],
    )
    def k(edge_hbm, out_hbm, ridx, ones_v, zbuf, acc):
        cid = lax.axis_index("c")
        sid = lax.axis_index("s")
        wid = cid * NSUB + sid
        for t in range(CH // 16):
            ones_v[pl.ds(t * 16, 16)] = jnp.ones((16,), _f32)

        def zb(i, c):
            zbuf[pl.ds(i * 16, 16)] = jnp.zeros((16,), _f32)
            return c

        lax.fori_loop(0, SEG // 16, zb, 0)
        pltpu.sync_copy(edge_hbm.at[0].at[wid], ridx)
        base = sid * SEG
        pltpu.sync_copy(zbuf, acc.at[pl.ds(base, SEG)])
        plsc.subcore_barrier()

        def body(j, c):
            pltpu.sync_copy(ones_v, acc.at[ridx.at[j]], add=True)
            return c

        lax.fori_loop(0, CHUNKS, body, 0)
        plsc.subcore_barrier()
        pltpu.sync_copy(acc.at[pl.ds(base, SEG)],
                        out_hbm.at[cid].at[pl.ds(base, SEG)])

    return k(edge3)


def _sc_prop_half(v, edge3):
    HD = 64
    C2 = 2 * CHUNKS
    NBUF = 5

    @functools.partial(
        pl.kernel,
        out_type=jax.ShapeDtypeStruct((2, NPAD, HD), _f32),
        mesh=_mesh(),
        compiler_params=pltpu.CompilerParams(use_tc_tiling_on_sc=False),
        scratch_types=[
            pltpu.VMEM((C2, CH), jnp.int32),
            pltpu.VMEM((C2, CH), jnp.int32),
            [pltpu.VMEM((CH, HD), _f32) for _ in range(NBUF)],
            pltpu.VMEM_SHARED((NPAD, HD), _f32),
            pltpu.SemaphoreType.DMA((NBUF,)),
            pltpu.SemaphoreType.DMA((NBUF,)),
        ],
    )
    def k(v_hbm, edge_hbm, out_hbm, ridx, cidx, gbufs, acc, gsem, ssem):
        cid = lax.axis_index("c")
        sid = lax.axis_index("s")
        vh = v_hbm.at[cid]
        pltpu.sync_copy(edge_hbm.at[0].at[2 * sid], ridx.at[pl.ds(0, CHUNKS)])
        pltpu.sync_copy(edge_hbm.at[0].at[2 * sid + 1],
                        ridx.at[pl.ds(CHUNKS, CHUNKS)])
        pltpu.sync_copy(edge_hbm.at[1].at[2 * sid], cidx.at[pl.ds(0, CHUNKS)])
        pltpu.sync_copy(edge_hbm.at[1].at[2 * sid + 1],
                        cidx.at[pl.ds(CHUNKS, CHUNKS)])

        def zrow(i, c):
            for t in range(HD // 16):
                gbufs[0][i, pl.ds(t * 16, 16)] = jnp.zeros((16,), _f32)
            return c

        lax.fori_loop(0, CH, zrow, 0)
        base = sid * SEG
        for t in range(SEG // CH):
            pltpu.sync_copy(gbufs[0], acc.at[pl.ds(base + t * CH, CH)])
        plsc.subcore_barrier()

        for b in range(NBUF):
            pltpu.async_copy(vh.at[cidx.at[b]], gbufs[b], gsem.at[b])

        def body(i, c):
            j0 = i * NBUF
            for b in range(NBUF):
                pltpu.make_async_copy(vh.at[cidx.at[j0 + b]],
                                      gbufs[b], gsem.at[b]).wait()
                pltpu.async_copy(gbufs[b], acc.at[ridx.at[j0 + b]],
                                 ssem.at[b], add=True)

            @pl.when(j0 + NBUF < C2)
            def _():
                for b in range(NBUF):
                    pltpu.make_async_copy(gbufs[b], acc.at[ridx.at[j0 + b]],
                                          ssem.at[b]).wait()
                    pltpu.async_copy(vh.at[cidx.at[j0 + NBUF + b]],
                                     gbufs[b], gsem.at[b])
            return c

        lax.fori_loop(0, C2 // NBUF, body, 0)
        for b in range(NBUF):
            pltpu.make_async_copy(gbufs[b], acc.at[ridx.at[b]],
                                  ssem.at[b]).wait()
        plsc.subcore_barrier()
        pltpu.sync_copy(acc.at[pl.ds(base, SEG)],
                        out_hbm.at[cid].at[pl.ds(base, SEG)])

    return k(v, edge3)


def _sc_prop(v, edge3, d):
    NBUF = 2 if d > 16 else 5
    MAIN = (CHUNKS // NBUF) * NBUF

    @functools.partial(
        pl.kernel,
        out_type=jax.ShapeDtypeStruct((2, NPAD, d), _f32),
        mesh=_mesh(),
        compiler_params=pltpu.CompilerParams(use_tc_tiling_on_sc=False),
        scratch_types=[
            pltpu.VMEM((CHUNKS, CH), jnp.int32),
            pltpu.VMEM((CHUNKS, CH), jnp.int32),
            [pltpu.VMEM((CH, d), _f32) for _ in range(NBUF)],
            pltpu.VMEM_SHARED((NPAD, d), _f32),
            pltpu.SemaphoreType.DMA((NBUF,)),
            pltpu.SemaphoreType.DMA((NBUF,)),
        ],
    )
    def k(v_hbm, edge_hbm, out_hbm, ridx, cidx, gbufs, acc,
          gsem, ssem):
        cid = lax.axis_index("c")
        sid = lax.axis_index("s")
        wid = cid * NSUB + sid
        pltpu.sync_copy(edge_hbm.at[0].at[wid], ridx)
        pltpu.sync_copy(edge_hbm.at[1].at[wid], cidx)

        def zrow(i, c):
            for t in range(d // 16):
                gbufs[0][i, pl.ds(t * 16, 16)] = jnp.zeros((16,), _f32)
            return c

        lax.fori_loop(0, CH, zrow, 0)
        base = sid * SEG
        for t in range(SEG // CH):
            pltpu.sync_copy(gbufs[0], acc.at[pl.ds(base + t * CH, CH)])
        plsc.subcore_barrier()

        for b in range(NBUF):
            pltpu.async_copy(v_hbm.at[cidx.at[b]], gbufs[b], gsem.at[b])

        def body(i, c):
            j0 = i * NBUF
            for b in range(NBUF):
                pltpu.make_async_copy(v_hbm.at[cidx.at[j0 + b]],
                                      gbufs[b], gsem.at[b]).wait()
                pltpu.async_copy(gbufs[b], acc.at[ridx.at[j0 + b]],
                                 ssem.at[b], add=True)

            @pl.when(j0 + NBUF < MAIN)
            def _():
                for b in range(NBUF):
                    pltpu.make_async_copy(gbufs[b], acc.at[ridx.at[j0 + b]],
                                          ssem.at[b]).wait()
                    pltpu.async_copy(v_hbm.at[cidx.at[j0 + NBUF + b]],
                                     gbufs[b], gsem.at[b])
            return c

        lax.fori_loop(0, MAIN // NBUF, body, 0)
        for b in range(NBUF):
            pltpu.make_async_copy(gbufs[b], acc.at[ridx.at[b]],
                                  ssem.at[b]).wait()
        for j in range(MAIN, CHUNKS):
            pltpu.sync_copy(v_hbm.at[cidx.at[j]], gbufs[0])
            pltpu.sync_copy(gbufs[0], acc.at[ridx.at[j]], add=True)
        plsc.subcore_barrier()
        pltpu.sync_copy(acc.at[pl.ds(base, SEG)],
                        out_hbm.at[cid].at[pl.ds(base, SEG)])

    return k(v, edge3)


def _tc_scale(deg3, x):

    def body(d0, d1, xr, dinv_o, v1_o):
        d = d0[0] + d1[0]
        dinv = lax.rsqrt(d)
        dinv_o[...] = dinv
        v1 = xr[...] * dinv
        v1_o[0] = v1[:, :64]
        v1_o[1] = v1[:, 64:]

    return pl.pallas_call(
        body,
        grid=(N // BLK,),
        in_specs=[
            pl.BlockSpec((1, BLK, 1), lambda j: (0, j, 0)),
            pl.BlockSpec((1, BLK, 1), lambda j: (1, j, 0)),
            pl.BlockSpec((BLK, 128), lambda j: (j, 0)),
        ],
        out_specs=[
            pl.BlockSpec((BLK, 1), lambda j: (j, 0)),
            pl.BlockSpec((2, BLK, 64), lambda j: (0, j, 0)),
        ],
        out_shape=[
            jax.ShapeDtypeStruct((N, 1), _f32),
            jax.ShapeDtypeStruct((2, N, 64), _f32),
        ],
    )(deg3, deg3, x)


def _tc_layer1(u1, dinv, W1, b1, W2):

    def body(p0, p1, s_r, w1_r, b1_r, w2_r, v2_o):
        s = s_r[...]
        p = jnp.concatenate([p0[0], p1[0]], axis=1) * s
        h = jnp.maximum(
            jnp.dot(p, w1_r[...], preferred_element_type=_f32) + b1_r[...], 0.0)
        v2 = jnp.dot(h, w2_r[...], preferred_element_type=_f32) * s
        v2_o[0] = v2[:, :64]
        v2_o[1] = v2[:, 64:]

    return pl.pallas_call(
        body,
        grid=(N // BLK,),
        in_specs=[
            pl.BlockSpec((1, BLK, 64), lambda j: (0, j, 0)),
            pl.BlockSpec((1, BLK, 64), lambda j: (1, j, 0)),
            pl.BlockSpec((BLK, 1), lambda j: (j, 0)),
            pl.BlockSpec((128, 256), lambda j: (0, 0)),
            pl.BlockSpec((1, 256), lambda j: (0, 0)),
            pl.BlockSpec((256, 128), lambda j: (0, 0)),
        ],
        out_specs=pl.BlockSpec((2, BLK, 64), lambda j: (0, j, 0)),
        out_shape=jax.ShapeDtypeStruct((2, N, 64), _f32),
    )(u1, u1, dinv, W1, b1, W2)


def _tc_layer2(u2, dinv, b2, W3):

    def body(p0, p1, s_r, b2_r, w3_r, v3_o):
        s = s_r[...]
        p = jnp.concatenate([p0[0], p1[0]], axis=1)
        h = jnp.maximum(p * s + b2_r[...], 0.0)
        v3_o[...] = jnp.dot(h, w3_r[...], preferred_element_type=_f32) * s

    return pl.pallas_call(
        body,
        grid=(N // BLK,),
        in_specs=[
            pl.BlockSpec((1, BLK, 64), lambda j: (0, j, 0)),
            pl.BlockSpec((1, BLK, 64), lambda j: (1, j, 0)),
            pl.BlockSpec((BLK, 1), lambda j: (j, 0)),
            pl.BlockSpec((1, 128), lambda j: (0, 0)),
            pl.BlockSpec((128, 16), lambda j: (0, 0)),
        ],
        out_specs=pl.BlockSpec((BLK, 16), lambda j: (j, 0)),
        out_shape=jax.ShapeDtypeStruct((N, 16), _f32),
    )(u2, u2, dinv, b2, W3)


def _tc_softmax(u3, dinv, b3):

    def body(p0, p1, s_r, b3_r, o):
        z = (p0[0] + p1[0]) * s_r[...] + b3_r[...]
        z = z - jnp.max(z, axis=1, keepdims=True)
        e = jnp.exp(z)
        o[...] = e / jnp.sum(e, axis=1, keepdims=True)

    return pl.pallas_call(
        body,
        grid=(N // BLK,),
        in_specs=[
            pl.BlockSpec((1, BLK, 16), lambda j: (0, j, 0)),
            pl.BlockSpec((1, BLK, 16), lambda j: (1, j, 0)),
            pl.BlockSpec((BLK, 1), lambda j: (j, 0)),
            pl.BlockSpec((1, 16), lambda j: (0, 0)),
        ],
        out_specs=pl.BlockSpec((BLK, 16), lambda j: (j, 0)),
        out_shape=jax.ShapeDtypeStruct((N, 16), _f32),
    )(u3, u3, dinv, b3)


def kernel(x, edge_index, W1, b1, W2, b2, W3, b3):
    edge3 = edge_index.reshape(2, NW, CHUNKS, CH)
    degs = _sc_degree(edge3)
    deg3 = degs[:, :, None]
    dinv, v1 = _tc_scale(deg3, x)
    u1 = _sc_prop_half(v1, edge3)
    v2 = _tc_layer1(u1, dinv, W1, b1.reshape(1, -1), W2)
    u2 = _sc_prop_half(v2, edge3)
    v3 = _tc_layer2(u2, dinv, b2.reshape(1, -1), W3)
    u3 = _sc_prop(v3, edge3, 16)
    return _tc_softmax(u3, dinv, b3.reshape(1, -1))

# --- scband reference (transcript-rebuilt; emitter-appended) ---
"""Pipeline reference for scband-gcn-25237227831552 (READ-ONLY COPY).

The authoritative reference and input builder live on the scoring server;
editing this copy changes nothing except your own understanding.
"""

import jax, jax.numpy as jnp
import numpy as np

N = 10000
E = 320000
D_FEAT = 128
HID = 128
NCLS = 16


def _xavier_uniform(key, fan_in, fan_out):
    a = np.sqrt(6.0 / (fan_in + fan_out))
    return jax.random.uniform(key, (fan_in, fan_out), dtype=jnp.float32, minval=-a, maxval=a)


def setup_inputs(seed: int = 0) -> dict:
    key = jax.random.key(seed)
    ks = jax.random.split(key, 5)
    x = jax.random.normal(ks[0], (N, D_FEAT), dtype=jnp.float32)
    edge_index = jax.random.randint(ks[1], (2, E), 0, N, dtype=jnp.int32)
    # GCNConv weights: conv1 (D_FEAT -> 2*HID), conv2 (2*HID -> HID), conv3 (HID -> NCLS)
    W1 = _xavier_uniform(ks[2], D_FEAT, 2 * HID)
    b1 = jnp.zeros((2 * HID,), dtype=jnp.float32)
    W2 = _xavier_uniform(ks[3], 2 * HID, HID)
    b2 = jnp.zeros((HID,), dtype=jnp.float32)
    W3 = _xavier_uniform(ks[4], HID, NCLS)
    b3 = jnp.zeros((NCLS,), dtype=jnp.float32)
    return {"x": x, "edge_index": edge_index, "W1": W1, "b1": b1, "W2": W2, "b2": b2, "W3": W3, "b3": b3}


def reference(x, edge_index, W1, b1, W2, b2, W3, b3):
    row = edge_index[0]
    col = edge_index[1]
    # out_degree = edges_sparse.sum(dim=1)  (row-wise sum of the sparse adjacency)
    deg = jax.ops.segment_sum(jnp.ones((E,), dtype=jnp.float32), row, num_segments=N)
    deg_inv_sqrt = deg ** -0.5
    # Normalized adjacency: A_hat_ij = d_i^{-1/2} * A_ij * d_j^{-1/2}
    edge_w = deg_inv_sqrt[row] * deg_inv_sqrt[col]

    def prop(h):
        # sparse.mm(A_hat, h): gather source features, weight, scatter-add to rows
        return jax.ops.segment_sum(edge_w[:, None] * h[col], row, num_segments=N)

    h = prop(x) @ W1 + b1
    h = jax.nn.relu(h)
    # dropout skipped (eval mode / training=False)
    h = prop(h) @ W2 + b2
    h = jax.nn.relu(h)
    h = prop(h) @ W3 + b3
    return jax.nn.softmax(h, axis=1)

if __name__ == "__main__":
    import jax
    _d = setup_inputs()
    print(jax.jit(kernel)(*tuple(_d.values())))

</pallas_src>

<mosaic_0001>
#map = affine_map<(d0, d1) -> (0, 0, 0)>
#map1 = affine_map<(d0, d1) -> (0, 0, 0, 0)>
module attributes {stable_mosaic.version = 14 : i64} {
  func.func @k(%arg0: i32, %arg1: i32, %arg2: memref<2x10000x64xf32, #tpu.memory_space<hbm>>, %arg3: memref<2x32x125x80xi32, #tpu.memory_space<hbm>>, %arg4: memref<2x10240x64xf32, #tpu.memory_space<hbm>>, %arg5: memref<250x80xi32, #tpu.memory_space<vmem>>, %arg6: memref<250x80xi32, #tpu.memory_space<vmem>>, %arg7: memref<80x64xf32, #tpu.memory_space<vmem>>, %arg8: memref<80x64xf32, #tpu.memory_space<vmem>>, %arg9: memref<80x64xf32, #tpu.memory_space<vmem>>, %arg10: memref<80x64xf32, #tpu.memory_space<vmem>>, %arg11: memref<80x64xf32, #tpu.memory_space<vmem>>, %arg12: memref<10240x64xf32, #tpu.memory_space<vmem_shared>>, %arg13: memref<5x!tpu.dma_semaphore, #tpu.memory_space<semaphore_mem>>, %arg14: memref<5x!tpu.dma_semaphore, #tpu.memory_space<semaphore_mem>>) attributes {dimension_semantics = [#tpu.dimension_semantics<core_parallel>, #tpu.dimension_semantics<subcore_parallel>], iteration_bounds = array<i64: 2, 16>, scalar_prefetch = 0 : i64, scratch_operands = 10 : i64, tpu.core_type = #tpu.core_type<sc_vector_subcore>, window_params = [{transform_indices = #map}, {transform_indices = #map1}, {transform_indices = #map}]} {
    %mul3A = arith.constant 2 : i32
    %mul3A_0 = arith.muli %mul3A, %arg1 : i32
    %run_scoped3A = arith.constant 0 : i32
    "tpu.region"() ({
      %run_scoped3A_161 = tpu.sem_alloc : memref<!tpu.dma_semaphore, #tpu.memory_space<semaphore_mem>>
      %dma_start3A_162 = arith.constant 0 : i32
      %dma_start3A_163 = arith.constant 0 : i32
      %dma_start3A_164 = tpu.memref_slice %arg5[%dma_start3A_162, %dma_start3A_163] : memref<250x80xi32, #tpu.memory_space<vmem>> -> memref<125x80xi32, #tpu.memory_space<vmem>>
      %dma_start3A_165 = arith.constant 0 : i32
      %dma_start3A_166 = arith.constant 0 : i32
      %dma_start3A_167 = arith.constant 0 : i32
      %dma_start3A_168 = tpu.memref_slice %arg3[%run_scoped3A, %dma_start3A_165, %dma_start3A_166, %dma_start3A_167] : memref<2x32x125x80xi32, #tpu.memory_space<hbm>> -> memref<1x32x125x80xi32, #tpu.memory_space<hbm>>
      %dma_start3A_169 = tpu.memref_squeeze %dma_start3A_168 : memref<1x32x125x80xi32, #tpu.memory_space<hbm>> -> memref<32x125x80xi32, #tpu.memory_space<hbm>>
      %dma_start3A_170 = arith.constant 0 : i32
      %dma_start3A_171 = arith.constant 0 : i32
      %dma_start3A_172 = tpu.memref_slice %dma_start3A_169[%mul3A_0, %dma_start3A_170, %dma_start3A_171] : memref<32x125x80xi32, #tpu.memory_space<hbm>> -> memref<1x125x80xi32, #tpu.memory_space<hbm>>
      %dma_start3A_173 = tpu.memref_squeeze %dma_start3A_172 : memref<1x125x80xi32, #tpu.memory_space<hbm>> -> memref<125x80xi32, #tpu.memory_space<hbm>>
      %dma_start3A_174 = arith.constant 0 : i32
      %dma_start3A_175 = arith.constant 0 : i32
      %dma_start3A_176 = tpu.memref_slice %arg5[%dma_start3A_174, %dma_start3A_175] : memref<250x80xi32, #tpu.memory_space<vmem>> -> memref<125x80xi32, #tpu.memory_space<vmem>>
      %dma_start3A_177 = arith.constant 0 : i32
      %dma_start3A_178 = arith.constant 0 : i32
      %dma_start3A_179 = arith.constant 0 : i32
      %dma_start3A_180 = tpu.memref_slice %arg3[%run_scoped3A, %dma_start3A_177, %dma_start3A_178, %dma_start3A_179] : memref<2x32x125x80xi32, #tpu.memory_space<hbm>> -> memref<1x32x125x80xi32, #tpu.memory_space<hbm>>
      %dma_start3A_181 = tpu.memref_squeeze %dma_start3A_180 : memref<1x32x125x80xi32, #tpu.memory_space<hbm>> -> memref<32x125x80xi32, #tpu.memory_space<hbm>>
      %dma_start3A_182 = arith.constant 0 : i32
      %dma_start3A_183 = arith.constant 0 : i32
      %dma_start3A_184 = tpu.memref_slice %dma_start3A_181[%mul3A_0, %dma_start3A_182, %dma_start3A_183] : memref<32x125x80xi32, #tpu.memory_space<hbm>> -> memref<1x125x80xi32, #tpu.memory_space<hbm>>
      %dma_start3A_185 = tpu.memref_squeeze %dma_start3A_184 : memref<1x125x80xi32, #tpu.memory_space<hbm>> -> memref<125x80xi32, #tpu.memory_space<hbm>>
      tpu.enqueue_dma source(%dma_start3A_185 : memref<125x80xi32, #tpu.memory_space<hbm>>) target(%dma_start3A_176 : memref<125x80xi32, #tpu.memory_space<vmem>>) target_semaphore(%run_scoped3A_161 : memref<!tpu.dma_semaphore, #tpu.memory_space<semaphore_mem>>)
      %dma_wait3A_186 = arith.constant 0 : i32
      %dma_wait3A_187 = arith.constant 0 : i32
      %dma_wait3A_188 = tpu.memref_slice %arg5[%dma_wait3A_186, %dma_wait3A_187] : memref<250x80xi32, #tpu.memory_space<vmem>> -> memref<125x80xi32, #tpu.memory_space<vmem>>
      %dma_wait3A_189 = arith.constant 0 : i32
      %dma_wait3A_190 = arith.constant 0 : i32
      %dma_wait3A_191 = arith.constant 0 : i32
      %dma_wait3A_192 = tpu.memref_slice %arg3[%run_scoped3A, %dma_wait3A_189, %dma_wait3A_190, %dma_wait3A_191] : memref<2x32x125x80xi32, #tpu.memory_space<hbm>> -> memref<1x32x125x80xi32, #tpu.memory_space<hbm>>
      %dma_wait3A_193 = tpu.memref_squeeze %dma_wait3A_192 : memref<1x32x125x80xi32, #tpu.memory_space<hbm>> -> memref<32x125x80xi32, #tpu.memory_space<hbm>>
      %dma_wait3A_194 = arith.constant 0 : i32
      %dma_wait3A_195 = arith.constant 0 : i32
      %dma_wait3A_196 = tpu.memref_slice %dma_wait3A_193[%mul3A_0, %dma_wait3A_194, %dma_wait3A_195] : memref<32x125x80xi32, #tpu.memory_space<hbm>> -> memref<1x125x80xi32, #tpu.memory_space<hbm>>
      %dma_wait3A_197 = tpu.memref_squeeze %dma_wait3A_196 : memref<1x125x80xi32, #tpu.memory_space<hbm>> -> memref<125x80xi32, #tpu.memory_space<hbm>>
      %dma_wait3A_198 = arith.constant 0 : i32
      %dma_wait3A_199 = arith.constant 0 : i32
      %dma_wait3A_200 = tpu.memref_slice %arg5[%dma_wait3A_198, %dma_wait3A_199] : memref<250x80xi32, #tpu.memory_space<vmem>> -> memref<125x80xi32, #tpu.memory_space<vmem>>
      %dma_wait3A_201 = arith.constant 0 : i32
      %dma_wait3A_202 = arith.constant 0 : i32
      %dma_wait3A_203 = arith.constant 0 : i32
      %dma_wait3A_204 = tpu.memref_slice %arg3[%run_scoped3A, %dma_wait3A_201, %dma_wait3A_202, %dma_wait3A_203] : memref<2x32x125x80xi32, #tpu.memory_space<hbm>> -> memref<1x32x125x80xi32, #tpu.memory_space<hbm>>
      %dma_wait3A_205 = tpu.memref_squeeze %dma_wait3A_204 : memref<1x32x125x80xi32, #tpu.memory_space<hbm>> -> memref<32x125x80xi32, #tpu.memory_space<hbm>>
      %dma_wait3A_206 = arith.constant 0 : i32
      %dma_wait3A_207 = arith.constant 0 : i32
      %dma_wait3A_208 = tpu.memref_slice %dma_wait3A_205[%mul3A_0, %dma_wait3A_206, %dma_wait3A_207] : memref<32x125x80xi32, #tpu.memory_space<hbm>> -> memref<1x125x80xi32, #tpu.memory_space<hbm>>
      %dma_wait3A_209 = tpu.memref_squeeze %dma_wait3A_208 : memref<1x125x80xi32, #tpu.memory_space<hbm>> -> memref<125x80xi32, #tpu.memory_space<hbm>>
      tpu.wait_dma2 semaphore(%run_scoped3A_161 : memref<!tpu.dma_semaphore, #tpu.memory_space<semaphore_mem>>) src(%dma_wait3A_209 : memref<125x80xi32, #tpu.memory_space<hbm>>) dst(%dma_wait3A_200 : memref<125x80xi32, #tpu.memory_space<vmem>>)
      tpu.yield
    }) : () -> ()
    %mul3A_1 = arith.constant 2 : i32
    %mul3A_2 = arith.muli %mul3A_1, %arg1 : i32
    %add3A = arith.constant 1 : i32
    %add3A_3 = arith.addi %mul3A_2, %add3A : i32
    %run_scoped3A_4 = arith.constant 0 : i32
    "tpu.region"() ({
      %run_scoped3A_161 = tpu.sem_alloc : memref<!tpu.dma_semaphore, #tpu.memory_space<semaphore_mem>>
      %dma_start3A_162 = arith.constant 125 : i32
      %dma_start3A_163 = arith.constant 0 : i32
      %dma_start3A_164 = tpu.memref_slice %arg5[%dma_start3A_162, %dma_start3A_163] : memref<250x80xi32, #tpu.memory_space<vmem>> -> memref<125x80xi32, #tpu.memory_space<vmem>>
      %dma_start3A_165 = arith.constant 0 : i32
      %dma_start3A_166 = arith.constant 0 : i32
      %dma_start3A_167 = arith.constant 0 : i32
      %dma_start3A_168 = tpu.memref_slice %arg3[%run_scoped3A_4, %dma_start3A_165, %dma_start3A_166, %dma_start3A_167] : memref<2x32x125x80xi32, #tpu.memory_space<hbm>> -> memref<1x32x125x80xi32, #tpu.memory_space<hbm>>
      %dma_start3A_169 = tpu.memref_squeeze %dma_start3A_168 : memref<1x32x125x80xi32, #tpu.memory_space<hbm>> -> memref<32x125x80xi32, #tpu.memory_space<hbm>>
      %dma_start3A_170 = arith.constant 0 : i32
      %dma_start3A_171 = arith.constant 0 : i32
      %dma_start3A_172 = tpu.memref_slice %dma_start3A_169[%add3A_3, %dma_start3A_170, %dma_start3A_171] : memref<32x125x80xi32, #tpu.memory_space<hbm>> -> memref<1x125x80xi32, #tpu.memory_space<hbm>>
      %dma_start3A_173 = tpu.memref_squeeze %dma_start3A_172 : memref<1x125x80xi32, #tpu.memory_space<hbm>> -> memref<125x80xi32, #tpu.memory_space<hbm>>
      %dma_start3A_174 = arith.constant 125 : i32
      %dma_start3A_175 = arith.constant 0 : i32
      %dma_start3A_176 = tpu.memref_slice %arg5[%dma_start3A_174, %dma_start3A_175] : memref<250x80xi32, #tpu.memory_space<vmem>> -> memref<125x80xi32, #tpu.memory_space<vmem>>
      %dma_start3A_177 = arith.constant 0 : i32
      %dma_start3A_178 = arith.constant 0 : i32
      %dma_start3A_179 = arith.constant 0 : i32
      %dma_start3A_180 = tpu.memref_slice %arg3[%run_scoped3A_4, %dma_start3A_177, %dma_start3A_178, %dma_start3A_179] : memref<2x32x125x80xi32, #tpu.memory_space<hbm>> -> memref<1x32x125x80xi32, #tpu.memory_space<hbm>>
      %dma_start3A_181 = tpu.memref_squeeze %dma_start3A_180 : memref<1x32x125x80xi32, #tpu.memory_space<hbm>> -> memref<32x125x80xi32, #tpu.memory_space<hbm>>
      %dma_start3A_182 = arith.constant 0 : i32
      %dma_start3A_183 = arith.constant 0 : i32
      %dma_start3A_184 = tpu.memref_slice %dma_start3A_181[%add3A_3, %dma_start3A_182, %dma_start3A_183] : memref<32x125x80xi32, #tpu.memory_space<hbm>> -> memref<1x125x80xi32, #tpu.memory_space<hbm>>
      %dma_start3A_185 = tpu.memref_squeeze %dma_start3A_184 : memref<1x125x80xi32, #tpu.memory_space<hbm>> -> memref<125x80xi32, #tpu.memory_space<hbm>>
      tpu.enqueue_dma source(%dma_start3A_185 : memref<125x80xi32, #tpu.memory_space<hbm>>) target(%dma_start3A_176 : memref<125x80xi32, #tpu.memory_space<vmem>>) target_semaphore(%run_scoped3A_161 : memref<!tpu.dma_semaphore, #tpu.memory_space<semaphore_mem>>)
      %dma_wait3A_186 = arith.constant 125 : i32
      %dma_wait3A_187 = arith.constant 0 : i32
      %dma_wait3A_188 = tpu.memref_slice %arg5[%dma_wait3A_186, %dma_wait3A_187] : memref<250x80xi32, #tpu.memory_space<vmem>> -> memref<125x80xi32, #tpu.memory_space<vmem>>
      %dma_wait3A_189 = arith.constant 0 : i32
      %dma_wait3A_190 = arith.constant 0 : i32
      %dma_wait3A_191 = arith.constant 0 : i32
      %dma_wait3A_192 = tpu.memref_slice %arg3[%run_scoped3A_4, %dma_wait3A_189, %dma_wait3A_190, %dma_wait3A_191] : memref<2x32x125x80xi32, #tpu.memory_space<hbm>> -> memref<1x32x125x80xi32, #tpu.memory_space<hbm>>
      %dma_wait3A_193 = tpu.memref_squeeze %dma_wait3A_192 : memref<1x32x125x80xi32, #tpu.memory_space<hbm>> -> memref<32x125x80xi32, #tpu.memory_space<hbm>>
      %dma_wait3A_194 = arith.constant 0 : i32
      %dma_wait3A_195 = arith.constant 0 : i32
      %dma_wait3A_196 = tpu.memref_slice %dma_wait3A_193[%add3A_3, %dma_wait3A_194, %dma_wait3A_195] : memref<32x125x80xi32, #tpu.memory_space<hbm>> -> memref<1x125x80xi32, #tpu.memory_space<hbm>>
      %dma_wait3A_197 = tpu.memref_squeeze %dma_wait3A_196 : memref<1x125x80xi32, #tpu.memory_space<hbm>> -> memref<125x80xi32, #tpu.memory_space<hbm>>
      %dma_wait3A_198 = arith.constant 125 : i32
      %dma_wait3A_199 = arith.constant 0 : i32
      %dma_wait3A_200 = tpu.memref_slice %arg5[%dma_wait3A_198, %dma_wait3A_199] : memref<250x80xi32, #tpu.memory_space<vmem>> -> memref<125x80xi32, #tpu.memory_space<vmem>>
      %dma_wait3A_201 = arith.constant 0 : i32
      %dma_wait3A_202 = arith.constant 0 : i32
      %dma_wait3A_203 = arith.constant 0 : i32
      %dma_wait3A_204 = tpu.memref_slice %arg3[%run_scoped3A_4, %dma_wait3A_201, %dma_wait3A_202, %dma_wait3A_203] : memref<2x32x125x80xi32, #tpu.memory_space<hbm>> -> memref<1x32x125x80xi32, #tpu.memory_space<hbm>>
      %dma_wait3A_205 = tpu.memref_squeeze %dma_wait3A_204 : memref<1x32x125x80xi32, #tpu.memory_space<hbm>> -> memref<32x125x80xi32, #tpu.memory_space<hbm>>
      %dma_wait3A_206 = arith.constant 0 : i32
      %dma_wait3A_207 = arith.constant 0 : i32
      %dma_wait3A_208 = tpu.memref_slice %dma_wait3A_205[%add3A_3, %dma_wait3A_206, %dma_wait3A_207] : memref<32x125x80xi32, #tpu.memory_space<hbm>> -> memref<1x125x80xi32, #tpu.memory_space<hbm>>
      %dma_wait3A_209 = tpu.memref_squeeze %dma_wait3A_208 : memref<1x125x80xi32, #tpu.memory_space<hbm>> -> memref<125x80xi32, #tpu.memory_space<hbm>>
      tpu.wait_dma2 semaphore(%run_scoped3A_161 : memref<!tpu.dma_semaphore, #tpu.memory_space<semaphore_mem>>) src(%dma_wait3A_209 : memref<125x80xi32, #tpu.memory_space<hbm>>) dst(%dma_wait3A_200 : memref<125x80xi32, #tpu.memory_space<vmem>>)
      tpu.yield
    }) : () -> ()
    %mul3A_5 = arith.constant 2 : i32
    %mul3A_6 = arith.muli %mul3A_5, %arg1 : i32
    %run_scoped3A_7 = arith.constant 1 : i32
    "tpu.region"() ({
      %run_scoped3A_161 = tpu.sem_alloc : memref<!tpu.dma_semaphore, #tpu.memory_space<semaphore_mem>>
      %dma_start3A_162 = arith.constant 0 : i32
      %dma_start3A_163 = arith.constant 0 : i32
      %dma_start3A_164 = tpu.memref_slice %arg6[%dma_start3A_162, %dma_start3A_163] : memref<250x80xi32, #tpu.memory_space<vmem>> -> memref<125x80xi32, #tpu.memory_space<vmem>>
      %dma_start3A_165 = arith.constant 0 : i32
      %dma_start3A_166 = arith.constant 0 : i32
      %dma_start3A_167 = arith.constant 0 : i32
      %dma_start3A_168 = tpu.memref_slice %arg3[%run_scoped3A_7, %dma_start3A_165, %dma_start3A_166, %dma_start3A_167] : memref<2x32x125x80xi32, #tpu.memory_space<hbm>> -> memref<1x32x125x80xi32, #tpu.memory_space<hbm>>
      %dma_start3A_169 = tpu.memref_squeeze %dma_start3A_168 : memref<1x32x125x80xi32, #tpu.memory_space<hbm>> -> memref<32x125x80xi32, #tpu.memory_space<hbm>>
      %dma_start3A_170 = arith.constant 0 : i32
      %dma_start3A_171 = arith.constant 0 : i32
      %dma_start3A_172 = tpu.memref_slice %dma_start3A_169[%mul3A_6, %dma_start3A_170, %dma_start3A_171] : memref<32x125x80xi32, #tpu.memory_space<hbm>> -> memref<1x125x80xi32, #tpu.memory_space<hbm>>
      %dma_start3A_173 = tpu.memref_squeeze %dma_start3A_172 : memref<1x125x80xi32, #tpu.memory_space<hbm>> -> memref<125x80xi32, #tpu.memory_space<hbm>>
      %dma_start3A_174 = arith.constant 0 : i32
      %dma_start3A_175 = arith.constant 0 : i32
      %dma_start3A_176 = tpu.memref_slice %arg6[%dma_start3A_174, %dma_start3A_175] : memref<250x80xi32, #tpu.memory_space<vmem>> -> memref<125x80xi32, #tpu.memory_space<vmem>>
      %dma_start3A_177 = arith.constant 0 : i32
      %dma_start3A_178 = arith.constant 0 : i32
      %dma_start3A_179 = arith.constant 0 : i32
      %dma_start3A_180 = tpu.memref_slice %arg3[%run_scoped3A_7, %dma_start3A_177, %dma_start3A_178, %dma_start3A_179] : memref<2x32x125x80xi32, #tpu.memory_space<hbm>> -> memref<1x32x125x80xi32, #tpu.memory_space<hbm>>
      %dma_start3A_181 = tpu.memref_squeeze %dma_start3A_180 : memref<1x32x125x80xi32, #tpu.memory_space<hbm>> -> memref<32x125x80xi32, #tpu.memory_space<hbm>>
      %dma_start3A_182 = arith.constant 0 : i32
      %dma_start3A_183 = arith.constant 0 : i32
      %dma_start3A_184 = tpu.memref_slice %dma_start3A_181[%mul3A_6, %dma_start3A_182, %dma_start3A_183] : memref<32x125x80xi32, #tpu.memory_space<hbm>> -> memref<1x125x80xi32, #tpu.memory_space<hbm>>
      %dma_start3A_185 = tpu.memref_squeeze %dma_start3A_184 : memref<1x125x80xi32, #tpu.memory_space<hbm>> -> memref<125x80xi32, #tpu.memory_space<hbm>>
      tpu.enqueue_dma source(%dma_start3A_185 : memref<125x80xi32, #tpu.memory_space<hbm>>) target(%dma_start3A_176 : memref<125x80xi32, #tpu.memory_space<vmem>>) target_semaphore(%run_scoped3A_161 : memref<!tpu.dma_semaphore, #tpu.memory_space<semaphore_mem>>)
      %dma_wait3A_186 = arith.constant 0 : i32
      %dma_wait3A_187 = arith.constant 0 : i32
      %dma_wait3A_188 = tpu.memref_slice %arg6[%dma_wait3A_186, %dma_wait3A_187] : memref<250x80xi32, #tpu.memory_space<vmem>> -> memref<125x80xi32, #tpu.memory_space<vmem>>
      %dma_wait3A_189 = arith.constant 0 : i32
      %dma_wait3A_190 = arith.constant 0 : i32
      %dma_wait3A_191 = arith.constant 0 : i32
      %dma_wait3A_192 = tpu.memref_slice %arg3[%run_scoped3A_7, %dma_wait3A_189, %dma_wait3A_190, %dma_wait3A_191] : memref<2x32x125x80xi32, #tpu.memory_space<hbm>> -> memref<1x32x125x80xi32, #tpu.memory_space<hbm>>
      %dma_wait3A_193 = tpu.memref_squeeze %dma_wait3A_192 : memref<1x32x125x80xi32, #tpu.memory_space<hbm>> -> memref<32x125x80xi32, #tpu.memory_space<hbm>>
      %dma_wait3A_194 = arith.constant 0 : i32
      %dma_wait3A_195 = arith.constant 0 : i32
      %dma_wait3A_196 = tpu.memref_slice %dma_wait3A_193[%mul3A_6, %dma_wait3A_194, %dma_wait3A_195] : memref<32x125x80xi32, #tpu.memory_space<hbm>> -> memref<1x125x80xi32, #tpu.memory_space<hbm>>
      %dma_wait3A_197 = tpu.memref_squeeze %dma_wait3A_196 : memref<1x125x80xi32, #tpu.memory_space<hbm>> -> memref<125x80xi32, #tpu.memory_space<hbm>>
      %dma_wait3A_198 = arith.constant 0 : i32
      %dma_wait3A_199 = arith.constant 0 : i32
      %dma_wait3A_200 = tpu.memref_slice %arg6[%dma_wait3A_198, %dma_wait3A_199] : memref<250x80xi32, #tpu.memory_space<vmem>> -> memref<125x80xi32, #tpu.memory_space<vmem>>
      %dma_wait3A_201 = arith.constant 0 : i32
      %dma_wait3A_202 = arith.constant 0 : i32
      %dma_wait3A_203 = arith.constant 0 : i32
      %dma_wait3A_204 = tpu.memref_slice %arg3[%run_scoped3A_7, %dma_wait3A_201, %dma_wait3A_202, %dma_wait3A_203] : memref<2x32x125x80xi32, #tpu.memory_space<hbm>> -> memref<1x32x125x80xi32, #tpu.memory_space<hbm>>
      %dma_wait3A_205 = tpu.memref_squeeze %dma_wait3A_204 : memref<1x32x125x80xi32, #tpu.memory_space<hbm>> -> memref<32x125x80xi32, #tpu.memory_space<hbm>>
      %dma_wait3A_206 = arith.constant 0 : i32
      %dma_wait3A_207 = arith.constant 0 : i32
      %dma_wait3A_208 = tpu.memref_slice %dma_wait3A_205[%mul3A_6, %dma_wait3A_206, %dma_wait3A_207] : memref<32x125x80xi32, #tpu.memory_space<hbm>> -> memref<1x125x80xi32, #tpu.memory_space<hbm>>
      %dma_wait3A_209 = tpu.memref_squeeze %dma_wait3A_208 : memref<1x125x80xi32, #tpu.memory_space<hbm>> -> memref<125x80xi32, #tpu.memory_space<hbm>>
      tpu.wait_dma2 semaphore(%run_scoped3A_161 : memref<!tpu.dma_semaphore, #tpu.memory_space<semaphore_mem>>) src(%dma_wait3A_209 : memref<125x80xi32, #tpu.memory_space<hbm>>) dst(%dma_wait3A_200 : memref<125x80xi32, #tpu.memory_space<vmem>>)
      tpu.yield
    }) : () -> ()
    %mul3A_8 = arith.constant 2 : i32
    %mul3A_9 = arith.muli %mul3A_8, %arg1 : i32
    %add3A_10 = arith.constant 1 : i32
    %add3A_11 = arith.addi %mul3A_9, %add3A_10 : i32
    %run_scoped3A_12 = arith.constant 1 : i32
    "tpu.region"() ({
      %run_scoped3A_161 = tpu.sem_alloc : memref<!tpu.dma_semaphore, #tpu.memory_space<semaphore_mem>>
      %dma_start3A_162 = arith.constant 125 : i32
      %dma_start3A_163 = arith.constant 0 : i32
      %dma_start3A_164 = tpu.memref_slice %arg6[%dma_start3A_162, %dma_start3A_163] : memref<250x80xi32, #tpu.memory_space<vmem>> -> memref<125x80xi32, #tpu.memory_space<vmem>>
      %dma_start3A_165 = arith.constant 0 : i32
      %dma_start3A_166 = arith.constant 0 : i32
      %dma_start3A_167 = arith.constant 0 : i32
      %dma_start3A_168 = tpu.memref_slice %arg3[%run_scoped3A_12, %dma_start3A_165, %dma_start3A_166, %dma_start3A_167] : memref<2x32x125x80xi32, #tpu.memory_space<hbm>> -> memref<1x32x125x80xi32, #tpu.memory_space<hbm>>
      %dma_start3A_169 = tpu.memref_squeeze %dma_start3A_168 : memref<1x32x125x80xi32, #tpu.memory_space<hbm>> -> memref<32x125x80xi32, #tpu.memory_space<hbm>>
      %dma_start3A_170 = arith.constant 0 : i32
      %dma_start3A_171 = arith.constant 0 : i32
      %dma_start3A_172 = tpu.memref_slice %dma_start3A_169[%add3A_11, %dma_start3A_170, %dma_start3A_171] : memref<32x125x80xi32, #tpu.memory_space<hbm>> -> memref<1x125x80xi32, #tpu.memory_space<hbm>>
      %dma_start3A_173 = tpu.memref_squeeze %dma_start3A_172 : memref<1x125x80xi32, #tpu.memory_space<hbm>> -> memref<125x80xi32, #tpu.memory_space<hbm>>
      %dma_start3A_174 = arith.constant 125 : i32
      %dma_start3A_175 = arith.constant 0 : i32
      %dma_start3A_176 = tpu.memref_slice %arg6[%dma_start3A_174, %dma_start3A_175] : memref<250x80xi32, #tpu.memory_space<vmem>> -> memref<125x80xi32, #tpu.memory_space<vmem>>
      %dma_start3A_177 = arith.constant 0 : i32
      %dma_start3A_178 = arith.constant 0 : i32
      %dma_start3A_179 = arith.constant 0 : i32
      %dma_start3A_180 = tpu.memref_slice %arg3[%run_scoped3A_12, %dma_start3A_177, %dma_start3A_178, %dma_start3A_179] : memref<2x32x125x80xi32, #tpu.memory_space<hbm>> -> memref<1x32x125x80xi32, #tpu.memory_space<hbm>>
      %dma_start3A_181 = tpu.memref_squeeze %dma_start3A_180 : memref<1x32x125x80xi32, #tpu.memory_space<hbm>> -> memref<32x125x80xi32, #tpu.memory_space<hbm>>
      %dma_start3A_182 = arith.constant 0 : i32
      %dma_start3A_183 = arith.constant 0 : i32
      %dma_start3A_184 = tpu.memref_slice %dma_start3A_181[%add3A_11, %dma_start3A_182, %dma_start3A_183] : memref<32x125x80xi32, #tpu.memory_space<hbm>> -> memref<1x125x80xi32, #tpu.memory_space<hbm>>
      %dma_start3A_185 = tpu.memref_squeeze %dma_start3A_184 : memref<1x125x80xi32, #tpu.memory_space<hbm>> -> memref<125x80xi32, #tpu.memory_space<hbm>>
      tpu.enqueue_dma source(%dma_start3A_185 : memref<125x80xi32, #tpu.memory_space<hbm>>) target(%dma_start3A_176 : memref<125x80xi32, #tpu.memory_space<vmem>>) target_semaphore(%run_scoped3A_161 : memref<!tpu.dma_semaphore, #tpu.memory_space<semaphore_mem>>)
      %dma_wait3A_186 = arith.constant 125 : i32
      %dma_wait3A_187 = arith.constant 0 : i32
      %dma_wait3A_188 = tpu.memref_slice %arg6[%dma_wait3A_186, %dma_wait3A_187] : memref<250x80xi32, #tpu.memory_space<vmem>> -> memref<125x80xi32, #tpu.memory_space<vmem>>
      %dma_wait3A_189 = arith.constant 0 : i32
      %dma_wait3A_190 = arith.constant 0 : i32
      %dma_wait3A_191 = arith.constant 0 : i32
      %dma_wait3A_192 = tpu.memref_slice %arg3[%run_scoped3A_12, %dma_wait3A_189, %dma_wait3A_190, %dma_wait3A_191] : memref<2x32x125x80xi32, #tpu.memory_space<hbm>> -> memref<1x32x125x80xi32, #tpu.memory_space<hbm>>
      %dma_wait3A_193 = tpu.memref_squeeze %dma_wait3A_192 : memref<1x32x125x80xi32, #tpu.memory_space<hbm>> -> memref<32x125x80xi32, #tpu.memory_space<hbm>>
      %dma_wait3A_194 = arith.constant 0 : i32
      %dma_wait3A_195 = arith.constant 0 : i32
      %dma_wait3A_196 = tpu.memref_slice %dma_wait3A_193[%add3A_11, %dma_wait3A_194, %dma_wait3A_195] : memref<32x125x80xi32, #tpu.memory_space<hbm>> -> memref<1x125x80xi32, #tpu.memory_space<hbm>>
      %dma_wait3A_197 = tpu.memref_squeeze %dma_wait3A_196 : memref<1x125x80xi32, #tpu.memory_space<hbm>> -> memref<125x80xi32, #tpu.memory_space<hbm>>
      %dma_wait3A_198 = arith.constant 125 : i32
      %dma_wait3A_199 = arith.constant 0 : i32
      %dma_wait3A_200 = tpu.memref_slice %arg6[%dma_wait3A_198, %dma_wait3A_199] : memref<250x80xi32, #tpu.memory_space<vmem>> -> memref<125x80xi32, #tpu.memory_space<vmem>>
      %dma_wait3A_201 = arith.constant 0 : i32
      %dma_wait3A_202 = arith.constant 0 : i32
      %dma_wait3A_203 = arith.constant 0 : i32
      %dma_wait3A_204 = tpu.memref_slice %arg3[%run_scoped3A_12, %dma_wait3A_201, %dma_wait3A_202, %dma_wait3A_203] : memref<2x32x125x80xi32, #tpu.memory_space<hbm>> -> memref<1x32x125x80xi32, #tpu.memory_space<hbm>>
      %dma_wait3A_205 = tpu.memref_squeeze %dma_wait3A_204 : memref<1x32x125x80xi32, #tpu.memory_space<hbm>> -> memref<32x125x80xi32, #tpu.memory_space<hbm>>
      %dma_wait3A_206 = arith.constant 0 : i32
      %dma_wait3A_207 = arith.constant 0 : i32
      %dma_wait3A_208 = tpu.memref_slice %dma_wait3A_205[%add3A_11, %dma_wait3A_206, %dma_wait3A_207] : memref<32x125x80xi32, #tpu.memory_space<hbm>> -> memref<1x125x80xi32, #tpu.memory_space<hbm>>
      %dma_wait3A_209 = tpu.memref_squeeze %dma_wait3A_208 : memref<1x125x80xi32, #tpu.memory_space<hbm>> -> memref<125x80xi32, #tpu.memory_space<hbm>>
      tpu.wait_dma2 semaphore(%run_scoped3A_161 : memref<!tpu.dma_semaphore, #tpu.memory_space<semaphore_mem>>) src(%dma_wait3A_209 : memref<125x80xi32, #tpu.memory_space<hbm>>) dst(%dma_wait3A_200 : memref<125x80xi32, #tpu.memory_space<vmem>>)
      tpu.yield
    }) : () -> ()
    %scan3A = arith.constant 0 : i32
    %scan3A_13 = arith.constant 0 : i32
    %scan3A_14 = arith.constant 80 : i32
    %scan3A_15 = arith.addi %scan3A_13, %scan3A_14 : i32
    %scan3A_16 = arith.constant 1 : i32
    scf.for %scan3A_161 = %scan3A_13 to %scan3A_15 step %scan3A_16  : i32 {
      %broadcast_in_dim3A = arith.constant 0.000000e+00 : f32
      %broadcast_in_dim3A_162 = vector.broadcast %broadcast_in_dim3A : f32 to vector<16xf32>
      %swap3A = arith.index_cast %scan3A_161 : i32 to index
      %swap3A_163 = arith.constant 0 : index
      %swap3A_164 = tpu.vector_load %arg7[%swap3A, %swap3A_163] {strides = array<i32>} : memref<80x64xf32, #tpu.memory_space<vmem>>, vector<1x16xf32>,
      %swap3A_165 = vector.shape_cast %swap3A_164 : vector<1x16xf32> to vector<16xf32>
      %swap3A_166 = vector.shape_cast %broadcast_in_dim3A_162 : vector<16xf32> to vector<1x16xf32>
      tpu.vector_store %arg7[%swap3A, %swap3A_163], %swap3A_166 {strides = array<i32>} : memref<80x64xf32, #tpu.memory_space<vmem>>, vector<1x16xf32>,
      %broadcast_in_dim3A_167 = arith.constant 0.000000e+00 : f32
      %broadcast_in_dim3A_168 = vector.broadcast %broadcast_in_dim3A_167 : f32 to vector<16xf32>
      %swap3A_169 = arith.index_cast %scan3A_161 : i32 to index
      %swap3A_170 = arith.constant 16 : index
      %swap3A_171 = tpu.vector_load %arg7[%swap3A_169, %swap3A_170] {strides = array<i32>} : memref<80x64xf32, #tpu.memory_space<vmem>>, vector<1x16xf32>,
      %swap3A_172 = vector.shape_cast %swap3A_171 : vector<1x16xf32> to vector<16xf32>
      %swap3A_173 = vector.shape_cast %broadcast_in_dim3A_168 : vector<16xf32> to vector<1x16xf32>
      tpu.vector_store %arg7[%swap3A_169, %swap3A_170], %swap3A_173 {strides = array<i32>} : memref<80x64xf32, #tpu.memory_space<vmem>>, vector<1x16xf32>,
      %broadcast_in_dim3A_174 = arith.constant 0.000000e+00 : f32
      %broadcast_in_dim3A_175 = vector.broadcast %broadcast_in_dim3A_174 : f32 to vector<16xf32>
      %swap3A_176 = arith.index_cast %scan3A_161 : i32 to index
      %swap3A_177 = arith.constant 32 : index
      %swap3A_178 = tpu.vector_load %arg7[%swap3A_176, %swap3A_177] {strides = array<i32>} : memref<80x64xf32, #tpu.memory_space<vmem>>, vector<1x16xf32>,
      %swap3A_179 = vector.shape_cast %swap3A_178 : vector<1x16xf32> to vector<16xf32>
      %swap3A_180 = vector.shape_cast %broadcast_in_dim3A_175 : vector<16xf32> to vector<1x16xf32>
      tpu.vector_store %arg7[%swap3A_176, %swap3A_177], %swap3A_180 {strides = array<i32>} : memref<80x64xf32, #tpu.memory_space<vmem>>, vector<1x16xf32>,
      %broadcast_in_dim3A_181 = arith.constant 0.000000e+00 : f32
      %broadcast_in_dim3A_182 = vector.broadcast %broadcast_in_dim3A_181 : f32 to vector<16xf32>
      %swap3A_183 = arith.index_cast %scan3A_161 : i32 to index
      %swap3A_184 = arith.constant 48 : index
      %swap3A_185 = tpu.vector_load %arg7[%swap3A_183, %swap3A_184] {strides = array<i32>} : memref<80x64xf32, #tpu.memory_space<vmem>>, vector<1x16xf32>,
      %swap3A_186 = vector.shape_cast %swap3A_185 : vector<1x16xf32> to vector<16xf32>
      %swap3A_187 = vector.shape_cast %broadcast_in_dim3A_182 : vector<16xf32> to vector<1x16xf32>
      tpu.vector_store %arg7[%swap3A_183, %swap3A_184], %swap3A_187 {strides = array<i32>} : memref<80x64xf32, #tpu.memory_space<vmem>>, vector<1x16xf32>,
    }
    %scan3A_17 = arith.constant 80 : i32
    %mul3A_18 = arith.constant 640 : i32
    %mul3A_19 = arith.muli %arg1, %mul3A_18 : i32
    %add3A_20 = arith.constant 0 : i32
    %add3A_21 = arith.addi %mul3A_19, %add3A_20 : i32
    "tpu.region"() ({
      %run_scoped3A_161 = tpu.sem_alloc : memref<!tpu.dma_semaphore, #tpu.memory_space<semaphore_mem>>
      %dma_start3A_162 = arith.constant 0 : i32
      %dma_start3A_163 = tpu.memref_slice %arg12[%add3A_21, %dma_start3A_162] : memref<10240x64xf32, #tpu.memory_space<vmem_shared>> -> memref<80x64xf32, #tpu.memory_space<vmem_shared>>
      %dma_start3A_164 = arith.constant 0 : i32
      %dma_start3A_165 = tpu.memref_slice %arg12[%add3A_21, %dma_start3A_164] : memref<10240x64xf32, #tpu.memory_space<vmem_shared>> -> memref<80x64xf32, #tpu.memory_space<vmem_shared>>
      tpu.enqueue_dma source(%arg7 : memref<80x64xf32, #tpu.memory_space<vmem>>) target(%dma_start3A_165 : memref<80x64xf32, #tpu.memory_space<vmem_shared>>) target_semaphore(%run_scoped3A_161 : memref<!tpu.dma_semaphore, #tpu.memory_space<semaphore_mem>>)
      %dma_wait3A_166 = arith.constant 0 : i32
      %dma_wait3A_167 = tpu.memref_slice %arg12[%add3A_21, %dma_wait3A_166] : memref<10240x64xf32, #tpu.memory_space<vmem_shared>> -> memref<80x64xf32, #tpu.memory_space<vmem_shared>>
      %dma_wait3A_168 = arith.constant 0 : i32
      %dma_wait3A_169 = tpu.memref_slice %arg12[%add3A_21, %dma_wait3A_168] : memref<10240x64xf32, #tpu.memory_space<vmem_shared>> -> memref<80x64xf32, #tpu.memory_space<vmem_shared>>
      tpu.wait_dma2 semaphore(%run_scoped3A_161 : memref<!tpu.dma_semaphore, #tpu.memory_space<semaphore_mem>>) src(%arg7 : memref<80x64xf32, #tpu.memory_space<vmem>>) dst(%dma_wait3A_169 : memref<80x64xf32, #tpu.memory_space<vmem_shared>>)
      tpu.yield
    }) : () -> ()
    %add3A_22 = arith.constant 80 : i32
    %add3A_23 = arith.addi %mul3A_19, %add3A_22 : i32
    "tpu.region"() ({
      %run_scoped3A_161 = tpu.sem_alloc : memref<!tpu.dma_semaphore, #tpu.memory_space<semaphore_mem>>
      %dma_start3A_162 = arith.constant 0 : i32
      %dma_start3A_163 = tpu.memref_slice %arg12[%add3A_23, %dma_start3A_162] : memref<10240x64xf32, #tpu.memory_space<vmem_shared>> -> memref<80x64xf32, #tpu.memory_space<vmem_shared>>
      %dma_start3A_164 = arith.constant 0 : i32
      %dma_start3A_165 = tpu.memref_slice %arg12[%add3A_23, %dma_start3A_164] : memref<10240x64xf32, #tpu.memory_space<vmem_shared>> -> memref<80x64xf32, #tpu.memory_space<vmem_shared>>
      tpu.enqueue_dma source(%arg7 : memref<80x64xf32, #tpu.memory_space<vmem>>) target(%dma_start3A_165 : memref<80x64xf32, #tpu.memory_space<vmem_shared>>) target_semaphore(%run_scoped3A_161 : memref<!tpu.dma_semaphore, #tpu.memory_space<semaphore_mem>>)
      %dma_wait3A_166 = arith.constant 0 : i32
      %dma_wait3A_167 = tpu.memref_slice %arg12[%add3A_23, %dma_wait3A_166] : memref<10240x64xf32, #tpu.memory_space<vmem_shared>> -> memref<80x64xf32, #tpu.memory_space<vmem_shared>>
      %dma_wait3A_168 = arith.constant 0 : i32
      %dma_wait3A_169 = tpu.memref_slice %arg12[%add3A_23, %dma_wait3A_168] : memref<10240x64xf32, #tpu.memory_space<vmem_shared>> -> memref<80x64xf32, #tpu.memory_space<vmem_shared>>
      tpu.wait_dma2 semaphore(%run_scoped3A_161 : memref<!tpu.dma_semaphore, #tpu.memory_space<semaphore_mem>>) src(%arg7 : memref<80x64xf32, #tpu.memory_space<vmem>>) dst(%dma_wait3A_169 : memref<80x64xf32, #tpu.memory_space<vmem_shared>>)
      tpu.yield
    }) : () -> ()
    %add3A_24 = arith.constant 160 : i32
    %add3A_25 = arith.addi %mul3A_19, %add3A_24 : i32
    "tpu.region"() ({
      %run_scoped3A_161 = tpu.sem_alloc : memref<!tpu.dma_semaphore, #tpu.memory_space<semaphore_mem>>
      %dma_start3A_162 = arith.constant 0 : i32
      %dma_start3A_163 = tpu.memref_slice %arg12[%add3A_25, %dma_start3A_162] : memref<10240x64xf32, #tpu.memory_space<vmem_shared>> -> memref<80x64xf32, #tpu.memory_space<vmem_shared>>
      %dma_start3A_164 = arith.constant 0 : i32
      %dma_start3A_165 = tpu.memref_slice %arg12[%add3A_25, %dma_start3A_164] : memref<10240x64xf32, #tpu.memory_space<vmem_shared>> -> memref<80x64xf32, #tpu.memory_space<vmem_shared>>
      tpu.enqueue_dma source(%arg7 : memref<80x64xf32, #tpu.memory_space<vmem>>) target(%dma_start3A_165 : memref<80x64xf32, #tpu.memory_space<vmem_shared>>) target_semaphore(%run_scoped3A_161 : memref<!tpu.dma_semaphore, #tpu.memory_space<semaphore_mem>>)
      %dma_wait3A_166 = arith.constant 0 : i32
      %dma_wait3A_167 = tpu.memref_slice %arg12[%add3A_25, %dma_wait3A_166] : memref<10240x64xf32, #tpu.memory_space<vmem_shared>> -> memref<80x64xf32, #tpu.memory_space<vmem_shared>>
      %dma_wait3A_168 = arith.constant 0 : i32
      %dma_wait3A_169 = tpu.memref_slice %arg12[%add3A_25, %dma_wait3A_168] : memref<10240x64xf32, #tpu.memory_space<vmem_shared>> -> memref<80x64xf32, #tpu.memory_space<vmem_shared>>
      tpu.wait_dma2 semaphore(%run_scoped3A_161 : memref<!tpu.dma_semaphore, #tpu.memory_space<semaphore_mem>>) src(%arg7 : memref<80x64xf32, #tpu.memory_space<vmem>>) dst(%dma_wait3A_169 : memref<80x64xf32, #tpu.memory_space<vmem_shared>>)
      tpu.yield
    }) : () -> ()
    %add3A_26 = arith.constant 240 : i32
    %add3A_27 = arith.addi %mul3A_19, %add3A_26 : i32
    "tpu.region"() ({
      %run_scoped3A_161 = tpu.sem_alloc : memref<!tpu.dma_semaphore, #tpu.memory_space<semaphore_mem>>
      %dma_start3A_162 = arith.constant 0 : i32
      %dma_start3A_163 = tpu.memref_slice %arg12[%add3A_27, %dma_start3A_162] : memref<10240x64xf32, #tpu.memory_space<vmem_shared>> -> memref<80x64xf32, #tpu.memory_space<vmem_shared>>
      %dma_start3A_164 = arith.constant 0 : i32
      %dma_start3A_165 = tpu.memref_slice %arg12[%add3A_27, %dma_start3A_164] : memref<10240x64xf32, #tpu.memory_space<vmem_shared>> -> memref<80x64xf32, #tpu.memory_space<vmem_shared>>
      tpu.enqueue_dma source(%arg7 : memref<80x64xf32, #tpu.memory_space<vmem>>) target(%dma_start3A_165 : memref<80x64xf32, #tpu.memory_space<vmem_shared>>) target_semaphore(%run_scoped3A_161 : memref<!tpu.dma_semaphore, #tpu.memory_space<semaphore_mem>>)
      %dma_wait3A_166 = arith.constant 0 : i32
      %dma_wait3A_167 = tpu.memref_slice %arg12[%add3A_27, %dma_wait3A_166] : memref<10240x64xf32, #tpu.memory_space<vmem_shared>> -> memref<80x64xf32, #tpu.memory_space<vmem_shared>>
      %dma_wait3A_168 = arith.constant 0 : i32
      %dma_wait3A_169 = tpu.memref_slice %arg12[%add3A_27, %dma_wait3A_168] : memref<10240x64xf32, #tpu.memory_space<vmem_shared>> -> memref<80x64xf32, #tpu.memory_space<vmem_shared>>
      tpu.wait_dma2 semaphore(%run_scoped3A_161 : memref<!tpu.dma_semaphore, #tpu.memory_space<semaphore_mem>>) src(%arg7 : memref<80x64xf32, #tpu.memory_space<vmem>>) dst(%dma_wait3A_169 : memref<80x64xf32, #tpu.memory_space<vmem_shared>>)
      tpu.yield
    }) : () -> ()
    %add3A_28 = arith.constant 320 : i32
    %add3A_29 = arith.addi %mul3A_19, %add3A_28 : i32
    "tpu.region"() ({
      %run_scoped3A_161 = tpu.sem_alloc : memref<!tpu.dma_semaphore, #tpu.memory_space<semaphore_mem>>
      %dma_start3A_162 = arith.constant 0 : i32
      %dma_start3A_163 = tpu.memref_slice %arg12[%add3A_29, %dma_start3A_162] : memref<10240x64xf32, #tpu.memory_space<vmem_shared>> -> memref<80x64xf32, #tpu.memory_space<vmem_shared>>
      %dma_start3A_164 = arith.constant 0 : i32
      %dma_start3A_165 = tpu.memref_slice %arg12[%add3A_29, %dma_start3A_164] : memref<10240x64xf32, #tpu.memory_space<vmem_shared>> -> memref<80x64xf32, #tpu.memory_space<vmem_shared>>
      tpu.enqueue_dma source(%arg7 : memref<80x64xf32, #tpu.memory_space<vmem>>) target(%dma_start3A_165 : memref<80x64xf32, #tpu.memory_space<vmem_shared>>) target_semaphore(%run_scoped3A_161 : memref<!tpu.dma_semaphore, #tpu.memory_space<semaphore_mem>>)
      %dma_wait3A_166 = arith.constant 0 : i32
      %dma_wait3A_167 = tpu.memref_slice %arg12[%add3A_29, %dma_wait3A_166] : memref<10240x64xf32, #tpu.memory_space<vmem_shared>> -> memref<80x64xf32, #tpu.memory_space<vmem_shared>>
      %dma_wait3A_168 = arith.constant 0 : i32
      %dma_wait3A_169 = tpu.memref_slice %arg12[%add3A_29, %dma_wait3A_168] : memref<10240x64xf32, #tpu.memory_space<vmem_shared>> -> memref<80x64xf32, #tpu.memory_space<vmem_shared>>
      tpu.wait_dma2 semaphore(%run_scoped3A_161 : memref<!tpu.dma_semaphore, #tpu.memory_space<semaphore_mem>>) src(%arg7 : memref<80x64xf32, #tpu.memory_space<vmem>>) dst(%dma_wait3A_169 : memref<80x64xf32, #tpu.memory_space<vmem_shared>>)
      tpu.yield
    }) : () -> ()
    %add3A_30 = arith.constant 400 : i32
    %add3A_31 = arith.addi %mul3A_19, %add3A_30 : i32
    "tpu.region"() ({
      %run_scoped3A_161 = tpu.sem_alloc : memref<!tpu.dma_semaphore, #tpu.memory_space<semaphore_mem>>
      %dma_start3A_162 = arith.constant 0 : i32
      %dma_start3A_163 = tpu.memref_slice %arg12[%add3A_31, %dma_start3A_162] : memref<10240x64xf32, #tpu.memory_space<vmem_shared>> -> memref<80x64xf32, #tpu.memory_space<vmem_shared>>
      %dma_start3A_164 = arith.constant 0 : i32
      %dma_start3A_165 = tpu.memref_slice %arg12[%add3A_31, %dma_start3A_164] : memref<10240x64xf32, #tpu.memory_space<vmem_shared>> -> memref<80x64xf32, #tpu.memory_space<vmem_shared>>
      tpu.enqueue_dma source(%arg7 : memref<80x64xf32, #tpu.memory_space<vmem>>) target(%dma_start3A_165 : memref<80x64xf32, #tpu.memory_space<vmem_shared>>) target_semaphore(%run_scoped3A_161 : memref<!tpu.dma_semaphore, #tpu.memory_space<semaphore_mem>>)
      %dma_wait3A_166 = arith.constant 0 : i32
      %dma_wait3A_167 = tpu.memref_slice %arg12[%add3A_31, %dma_wait3A_166] : memref<10240x64xf32, #tpu.memory_space<vmem_shared>> -> memref<80x64xf32, #tpu.memory_space<vmem_shared>>
      %dma_wait3A_168 = arith.constant 0 : i32
      %dma_wait3A_169 = tpu.memref_slice %arg12[%add3A_31, %dma_wait3A_168] : memref<10240x64xf32, #tpu.memory_space<vmem_shared>> -> memref<80x64xf32, #tpu.memory_space<vmem_shared>>
      tpu.wait_dma2 semaphore(%run_scoped3A_161 : memref<!tpu.dma_semaphore, #tpu.memory_space<semaphore_mem>>) src(%arg7 : memref<80x64xf32, #tpu.memory_space<vmem>>) dst(%dma_wait3A_169 : memref<80x64xf32, #tpu.memory_space<vmem_shared>>)
      tpu.yield
    }) : () -> ()
    %add3A_32 = arith.constant 480 : i32
    %add3A_33 = arith.addi %mul3A_19, %add3A_32 : i32
    "tpu.region"() ({
      %run_scoped3A_161 = tpu.sem_alloc : memref<!tpu.dma_semaphore, #tpu.memory_space<semaphore_mem>>
      %dma_start3A_162 = arith.constant 0 : i32
      %dma_start3A_163 = tpu.memref_slice %arg12[%add3A_33, %dma_start3A_162] : memref<10240x64xf32, #tpu.memory_space<vmem_shared>> -> memref<80x64xf32, #tpu.memory_space<vmem_shared>>
      %dma_start3A_164 = arith.constant 0 : i32
      %dma_start3A_165 = tpu.memref_slice %arg12[%add3A_33, %dma_start3A_164] : memref<10240x64xf32, #tpu.memory_space<vmem_shared>> -> memref<80x64xf32, #tpu.memory_space<vmem_shared>>
      tpu.enqueue_dma source(%arg7 : memref<80x64xf32, #tpu.memory_space<vmem>>) target(%dma_start3A_165 : memref<80x64xf32, #tpu.memory_space<vmem_shared>>) target_semaphore(%run_scoped3A_161 : memref<!tpu.dma_semaphore, #tpu.memory_space<semaphore_mem>>)
      %dma_wait3A_166 = arith.constant 0 : i32
      %dma_wait3A_167 = tpu.memref_slice %arg12[%add3A_33, %dma_wait3A_166] : memref<10240x64xf32, #tpu.memory_space<vmem_shared>> -> memref<80x64xf32, #tpu.memory_space<vmem_shared>>
      %dma_wait3A_168 = arith.constant 0 : i32
      %dma_wait3A_169 = tpu.memref_slice %arg12[%add3A_33, %dma_wait3A_168] : memref<10240x64xf32, #tpu.memory_space<vmem_shared>> -> memref<80x64xf32, #tpu.memory_space<vmem_shared>>
      tpu.wait_dma2 semaphore(%run_scoped3A_161 : memref<!tpu.dma_semaphore, #tpu.memory_space<semaphore_mem>>) src(%arg7 : memref<80x64xf32, #tpu.memory_space<vmem>>) dst(%dma_wait3A_169 : memref<80x64xf32, #tpu.memory_space<vmem_shared>>)
      tpu.yield
    }) : () -> ()
    %add3A_34 = arith.constant 560 : i32
    %add3A_35 = arith.addi %mul3A_19, %add3A_34 : i32
    "tpu.region"() ({
      %run_scoped3A_161 = tpu.sem_alloc : memref<!tpu.dma_semaphore, #tpu.memory_space<semaphore_mem>>
      %dma_start3A_162 = arith.constant 0 : i32
      %dma_start3A_163 = tpu.memref_slice %arg12[%add3A_35, %dma_start3A_162] : memref<10240x64xf32, #tpu.memory_space<vmem_shared>> -> memref<80x64xf32, #tpu.memory_space<vmem_shared>>
      %dma_start3A_164 = arith.constant 0 : i32
      %dma_start3A_165 = tpu.memref_slice %arg12[%add3A_35, %dma_start3A_164] : memref<10240x64xf32, #tpu.memory_space<vmem_shared>> -> memref<80x64xf32, #tpu.memory_space<vmem_shared>>
      tpu.enqueue_dma source(%arg7 : memref<80x64xf32, #tpu.memory_space<vmem>>) target(%dma_start3A_165 : memref<80x64xf32, #tpu.memory_space<vmem_shared>>) target_semaphore(%run_scoped3A_161 : memref<!tpu.dma_semaphore, #tpu.memory_space<semaphore_mem>>)
      %dma_wait3A_166 = arith.constant 0 : i32
      %dma_wait3A_167 = tpu.memref_slice %arg12[%add3A_35, %dma_wait3A_166] : memref<10240x64xf32, #tpu.memory_space<vmem_shared>> -> memref<80x64xf32, #tpu.memory_space<vmem_shared>>
      %dma_wait3A_168 = arith.constant 0 : i32
      %dma_wait3A_169 = tpu.memref_slice %arg12[%add3A_35, %dma_wait3A_168] : memref<10240x64xf32, #tpu.memory_space<vmem_shared>> -> memref<80x64xf32, #tpu.memory_space<vmem_shared>>
      tpu.wait_dma2 semaphore(%run_scoped3A_161 : memref<!tpu.dma_semaphore, #tpu.memory_space<semaphore_mem>>) src(%arg7 : memref<80x64xf32, #tpu.memory_space<vmem>>) dst(%dma_wait3A_169 : memref<80x64xf32, #tpu.memory_space<vmem_shared>>)
      tpu.yield
    }) : () -> ()
    %barrier3A = arith.constant 0 : index
    tpu.barrier barrier_id(%barrier3A)
    %dma_start3A = arith.constant 0 : i32
    %dma_start3A_36 = arith.constant 0 : i32
    %dma_start3A_37 = arith.constant 0 : i32
    %dma_start3A_38 = tpu.memref_slice %arg6[%dma_start3A, %dma_start3A_37] : memref<250x80xi32, #tpu.memory_space<vmem>> -> memref<1x80xi32, #tpu.memory_space<vmem>>
    %dma_start3A_39 = tpu.memref_squeeze %dma_start3A_38 : memref<1x80xi32, #tpu.memory_space<vmem>> -> memref<80xi32, #tpu.memory_space<vmem>>
    %dma_start3A_40 = arith.constant 0 : i32
    %dma_start3A_41 = arith.constant 0 : i32
    %dma_start3A_42 = tpu.memref_slice %arg2[%arg0, %dma_start3A_40, %dma_start3A_41] : memref<2x10000x64xf32, #tpu.memory_space<hbm>> -> memref<1x10000x64xf32, #tpu.memory_space<hbm>>
    %dma_start3A_43 = tpu.memref_squeeze %dma_start3A_42 : memref<1x10000x64xf32, #tpu.memory_space<hbm>> -> memref<10000x64xf32, #tpu.memory_space<hbm>>
    %dma_start3A_44 = arith.constant 0 : i32
    %dma_start3A_45 = arith.constant 0 : i32
    %dma_start3A_46 = tpu.memref_slice %dma_start3A_43[%dma_start3A_44, %dma_start3A_45] : memref<10000x64xf32, #tpu.memory_space<hbm>> -> memref<10000x64xf32, #tpu.memory_space<hbm>>
    %dma_start3A_47 = tpu.memref_slice %arg13[%dma_start3A_36] : memref<5x!tpu.dma_semaphore, #tpu.memory_space<semaphore_mem>> -> memref<1x!tpu.dma_semaphore, #tpu.memory_space<semaphore_mem>>
    %dma_start3A_48 = tpu.memref_squeeze %dma_start3A_47 : memref<1x!tpu.dma_semaphore, #tpu.memory_space<semaphore_mem>> -> memref<!tpu.dma_semaphore, #tpu.memory_space<semaphore_mem>>
    tpu.enqueue_indirect_dma source(%dma_start3A_46 : memref<10000x64xf32, #tpu.memory_space<hbm>>) target(%arg7 : memref<80x64xf32, #tpu.memory_space<vmem>>) offsets(%dma_start3A_39 : memref<80xi32, #tpu.memory_space<vmem>>) semaphore(%dma_start3A_48 : memref<!tpu.dma_semaphore, #tpu.memory_space<semaphore_mem>>)
    %dma_start3A_49 = arith.constant 1 : i32
    %dma_start3A_50 = arith.constant 1 : i32
    %dma_start3A_51 = arith.constant 0 : i32
    %dma_start3A_52 = tpu.memref_slice %arg6[%dma_start3A_49, %dma_start3A_51] : memref<250x80xi32, #tpu.memory_space<vmem>> -> memref<1x80xi32, #tpu.memory_space<vmem>>
    %dma_start3A_53 = tpu.memref_squeeze %dma_start3A_52 : memref<1x80xi32, #tpu.memory_space<vmem>> -> memref<80xi32, #tpu.memory_space<vmem>>
    %dma_start3A_54 = arith.constant 0 : i32
    %dma_start3A_55 = arith.constant 0 : i32
    %dma_start3A_56 = tpu.memref_slice %arg2[%arg0, %dma_start3A_54, %dma_start3A_55] : memref<2x10000x64xf32, #tpu.memory_space<hbm>> -> memref<1x10000x64xf32, #tpu.memory_space<hbm>>
    %dma_start3A_57 = tpu.memref_squeeze %dma_start3A_56 : memref<1x10000x64xf32, #tpu.memory_space<hbm>> -> memref<10000x64xf32, #tpu.memory_space<hbm>>
    %dma_start3A_58 = arith.constant 0 : i32
    %dma_start3A_59 = arith.constant 0 : i32
    %dma_start3A_60 = tpu.memref_slice %dma_start3A_57[%dma_start3A_58, %dma_start3A_59] : memref<10000x64xf32, #tpu.memory_space<hbm>> -> memref<10000x64xf32, #tpu.memory_space<hbm>>
    %dma_start3A_61 = tpu.memref_slice %arg13[%dma_start3A_50] : memref<5x!tpu.dma_semaphore, #tpu.memory_space<semaphore_mem>> -> memref<1x!tpu.dma_semaphore, #tpu.memory_space<semaphore_mem>>
    %dma_start3A_62 = tpu.memref_squeeze %dma_start3A_61 : memref<1x!tpu.dma_semaphore, #tpu.memory_space<semaphore_mem>> -> memref<!tpu.dma_semaphore, #tpu.memory_space<semaphore_mem>>
    tpu.enqueue_indirect_dma source(%dma_start3A_60 : memref<10000x64xf32, #tpu.memory_space<hbm>>) target(%arg8 : memref<80x64xf32, #tpu.memory_space<vmem>>) offsets(%dma_start3A_53 : memref<80xi32, #tpu.memory_space<vmem>>) semaphore(%dma_start3A_62 : memref<!tpu.dma_semaphore, #tpu.memory_space<semaphore_mem>>)
    %dma_start3A_63 = arith.constant 2 : i32
    %dma_start3A_64 = arith.constant 2 : i32
    %dma_start3A_65 = arith.constant 0 : i32
    %dma_start3A_66 = tpu.memref_slice %arg6[%dma_start3A_63, %dma_start3A_65] : memref<250x80xi32, #tpu.memory_space<vmem>> -> memref<1x80xi32, #tpu.memory_space<vmem>>
    %dma_start3A_67 = tpu.memref_squeeze %dma_start3A_66 : memref<1x80xi32, #tpu.memory_space<vmem>> -> memref<80xi32, #tpu.memory_space<vmem>>
    %dma_start3A_68 = arith.constant 0 : i32
    %dma_start3A_69 = arith.constant 0 : i32
    %dma_start3A_70 = tpu.memref_slice %arg2[%arg0, %dma_start3A_68, %dma_start3A_69] : memref<2x10000x64xf32, #tpu.memory_space<hbm>> -> memref<1x10000x64xf32, #tpu.memory_space<hbm>>
    %dma_start3A_71 = tpu.memref_squeeze %dma_start3A_70 : memref<1x10000x64xf32, #tpu.memory_space<hbm>> -> memref<10000x64xf32, #tpu.memory_space<hbm>>
    %dma_start3A_72 = arith.constant 0 : i32
    %dma_start3A_73 = arith.constant 0 : i32
    %dma_start3A_74 = tpu.memref_slice %dma_start3A_71[%dma_start3A_72, %dma_start3A_73] : memref<10000x64xf32, #tpu.memory_space<hbm>> -> memref<10000x64xf32, #tpu.memory_space<hbm>>
    %dma_start3A_75 = tpu.memref_slice %arg13[%dma_start3A_64] : memref<5x!tpu.dma_semaphore, #tpu.memory_space<semaphore_mem>> -> memref<1x!tpu.dma_semaphore, #tpu.memory_space<semaphore_mem>>
    %dma_start3A_76 = tpu.memref_squeeze %dma_start3A_75 : memref<1x!tpu.dma_semaphore, #tpu.memory_space<semaphore_mem>> -> memref<!tpu.dma_semaphore, #tpu.memory_space<semaphore_mem>>
    tpu.enqueue_indirect_dma source(%dma_start3A_74 : memref<10000x64xf32, #tpu.memory_space<hbm>>) target(%arg9 : memref<80x64xf32, #tpu.memory_space<vmem>>) offsets(%dma_start3A_67 : memref<80xi32, #tpu.memory_space<vmem>>) semaphore(%dma_start3A_76 : memref<!tpu.dma_semaphore, #tpu.memory_space<semaphore_mem>>)
    %dma_start3A_77 = arith.constant 3 : i32
    %dma_start3A_78 = arith.constant 3 : i32
    %dma_start3A_79 = arith.constant 0 : i32
    %dma_start3A_80 = tpu.memref_slice %arg6[%dma_start3A_77, %dma_start3A_79] : memref<250x80xi32, #tpu.memory_space<vmem>> -> memref<1x80xi32, #tpu.memory_space<vmem>>
    %dma_start3A_81 = tpu.memref_squeeze %dma_start3A_80 : memref<1x80xi32, #tpu.memory_space<vmem>> -> memref<80xi32, #tpu.memory_space<vmem>>
    %dma_start3A_82 = arith.constant 0 : i32
    %dma_start3A_83 = arith.constant 0 : i32
    %dma_start3A_84 = tpu.memref_slice %arg2[%arg0, %dma_start3A_82, %dma_start3A_83] : memref<2x10000x64xf32, #tpu.memory_space<hbm>> -> memref<1x10000x64xf32, #tpu.memory_space<hbm>>
    %dma_start3A_85 = tpu.memref_squeeze %dma_start3A_84 : memref<1x10000x64xf32, #tpu.memory_space<hbm>> -> memref<10000x64xf32, #tpu.memory_space<hbm>>
    %dma_start3A_86 = arith.constant 0 : i32
    %dma_start3A_87 = arith.constant 0 : i32
    %dma_start3A_88 = tpu.memref_slice %dma_start3A_85[%dma_start3A_86, %dma_start3A_87] : memref<10000x64xf32, #tpu.memory_space<hbm>> -> memref<10000x64xf32, #tpu.memory_space<hbm>>
    %dma_start3A_89 = tpu.memref_slice %arg13[%dma_start3A_78] : memref<5x!tpu.dma_semaphore, #tpu.memory_space<semaphore_mem>> -> memref<1x!tpu.dma_semaphore, #tpu.memory_space<semaphore_mem>>
    %dma_start3A_90 = tpu.memref_squeeze %dma_start3A_89 : memref<1x!tpu.dma_semaphore, #tpu.memory_space<semaphore_mem>> -> memref<!tpu.dma_semaphore, #tpu.memory_space<semaphore_mem>>
    tpu.enqueue_indirect_dma source(%dma_start3A_88 : memref<10000x64xf32, #tpu.memory_space<hbm>>) target(%arg10 : memref<80x64xf32, #tpu.memory_space<vmem>>) offsets(%dma_start3A_81 : memref<80xi32, #tpu.memory_space<vmem>>) semaphore(%dma_start3A_90 : memref<!tpu.dma_semaphore, #tpu.memory_space<semaphore_mem>>)
    %dma_start3A_91 = arith.constant 4 : i32
    %dma_start3A_92 = arith.constant 4 : i32
    %dma_start3A_93 = arith.constant 0 : i32
    %dma_start3A_94 = tpu.memref_slice %arg6[%dma_start3A_91, %dma_start3A_93] : memref<250x80xi32, #tpu.memory_space<vmem>> -> memref<1x80xi32, #tpu.memory_space<vmem>>
    %dma_start3A_95 = tpu.memref_squeeze %dma_start3A_94 : memref<1x80xi32, #tpu.memory_space<vmem>> -> memref<80xi32, #tpu.memory_space<vmem>>
    %dma_start3A_96 = arith.constant 0 : i32
    %dma_start3A_97 = arith.constant 0 : i32
    %dma_start3A_98 = tpu.memref_slice %arg2[%arg0, %dma_start3A_96, %dma_start3A_97] : memref<2x10000x64xf32, #tpu.memory_space<hbm>> -> memref<1x10000x64xf32, #tpu.memory_space<hbm>>
    %dma_start3A_99 = tpu.memref_squeeze %dma_start3A_98 : memref<1x10000x64xf32, #tpu.memory_space<hbm>> -> memref<10000x64xf32, #tpu.memory_space<hbm>>
    %dma_start3A_100 = arith.constant 0 : i32
    %dma_start3A_101 = arith.constant 0 : i32
    %dma_start3A_102 = tpu.memref_slice %dma_start3A_99[%dma_start3A_100, %dma_start3A_101] : memref<10000x64xf32, #tpu.memory_space<hbm>> -> memref<10000x64xf32, #tpu.memory_space<hbm>>
    %dma_start3A_103 = tpu.memref_slice %arg13[%dma_start3A_92] : memref<5x!tpu.dma_semaphore, #tpu.memory_space<semaphore_mem>> -> memref<1x!tpu.dma_semaphore, #tpu.memory_space<semaphore_mem>>
    %dma_start3A_104 = tpu.memref_squeeze %dma_start3A_103 : memref<1x!tpu.dma_semaphore, #tpu.memory_space<semaphore_mem>> -> memref<!tpu.dma_semaphore, #tpu.memory_space<semaphore_mem>>
    tpu.enqueue_indirect_dma source(%dma_start3A_102 : memref<10000x64xf32, #tpu.memory_space<hbm>>) target(%arg11 : memref<80x64xf32, #tpu.memory_space<vmem>>) offsets(%dma_start3A_95 : memref<80xi32, #tpu.memory_space<vmem>>) semaphore(%dma_start3A_104 : memref<!tpu.dma_semaphore, #tpu.memory_space<semaphore_mem>>)
    %scan3A_105 = arith.constant 0 : i32
    %scan3A_106 = arith.constant 0 : i32
    %scan3A_107 = arith.constant 50 : i32
    %scan3A_108 = arith.addi %scan3A_106, %scan3A_107 : i32
    %scan3A_109 = arith.constant 1 : i32
    scf.for %scan3A_161 = %scan3A_106 to %scan3A_108 step %scan3A_109  : i32 {
      %mul3A_162 = arith.constant 5 : i32
      %mul3A_163 = arith.muli %scan3A_161, %mul3A_162 : i32
      %add3A_164 = arith.constant 0 : i32
      %add3A_165 = arith.addi %mul3A_163, %add3A_164 : i32
      %dma_wait3A_166 = arith.constant 0 : i32
      %dma_wait3A_167 = arith.constant 0 : i32
      %dma_wait3A_168 = tpu.memref_slice %arg6[%add3A_165, %dma_wait3A_167] : memref<250x80xi32, #tpu.memory_space<vmem>> -> memref<1x80xi32, #tpu.memory_space<vmem>>
      %dma_wait3A_169 = tpu.memref_squeeze %dma_wait3A_168 : memref<1x80xi32, #tpu.memory_space<vmem>> -> memref<80xi32, #tpu.memory_space<vmem>>
      %dma_wait3A_170 = arith.constant 0 : i32
      %dma_wait3A_171 = arith.constant 0 : i32
      %dma_wait3A_172 = tpu.memref_slice %arg2[%arg0, %dma_wait3A_170, %dma_wait3A_171] : memref<2x10000x64xf32, #tpu.memory_space<hbm>> -> memref<1x10000x64xf32, #tpu.memory_space<hbm>>
      %dma_wait3A_173 = tpu.memref_squeeze %dma_wait3A_172 : memref<1x10000x64xf32, #tpu.memory_space<hbm>> -> memref<10000x64xf32, #tpu.memory_space<hbm>>
      %dma_wait3A_174 = arith.constant 0 : i32
      %dma_wait3A_175 = arith.constant 0 : i32
      %dma_wait3A_176 = tpu.memref_slice %dma_wait3A_173[%dma_wait3A_174, %dma_wait3A_175] : memref<10000x64xf32, #tpu.memory_space<hbm>> -> memref<10000x64xf32, #tpu.memory_space<hbm>>
      %dma_wait3A_177 = tpu.memref_slice %arg13[%dma_wait3A_166] : memref<5x!tpu.dma_semaphore, #tpu.memory_space<semaphore_mem>> -> memref<1x!tpu.dma_semaphore, #tpu.memory_space<semaphore_mem>>
      %dma_wait3A_178 = tpu.memref_squeeze %dma_wait3A_177 : memref<1x!tpu.dma_semaphore, #tpu.memory_space<semaphore_mem>> -> memref<!tpu.dma_semaphore, #tpu.memory_space<semaphore_mem>>
      tpu.wait_indirect_dma semaphore(%dma_wait3A_178 : memref<!tpu.dma_semaphore, #tpu.memory_space<semaphore_mem>>) src(%dma_wait3A_176 : memref<10000x64xf32, #tpu.memory_space<hbm>>) dst(%arg7 : memref<80x64xf32, #tpu.memory_space<vmem>>)
      %add3A_179 = arith.constant 0 : i32
      %add3A_180 = arith.addi %mul3A_163, %add3A_179 : i32
      %dma_start3A_181 = arith.constant 0 : i32
      %dma_start3A_182 = arith.constant 0 : i32
      %dma_start3A_183 = tpu.memref_slice %arg5[%add3A_180, %dma_start3A_182] : memref<250x80xi32, #tpu.memory_space<vmem>> -> memref<1x80xi32, #tpu.memory_space<vmem>>
      %dma_start3A_184 = tpu.memref_squeeze %dma_start3A_183 : memref<1x80xi32, #tpu.memory_space<vmem>> -> memref<80xi32, #tpu.memory_space<vmem>>
      %dma_start3A_185 = arith.constant 0 : i32
      %dma_start3A_186 = arith.constant 0 : i32
      %dma_start3A_187 = tpu.memref_slice %arg12[%dma_start3A_185, %dma_start3A_186] : memref<10240x64xf32, #tpu.memory_space<vmem_shared>> -> memref<10240x64xf32, #tpu.memory_space<vmem_shared>>
      %dma_start3A_188 = tpu.memref_slice %arg14[%dma_start3A_181] : memref<5x!tpu.dma_semaphore, #tpu.memory_space<semaphore_mem>> -> memref<1x!tpu.dma_semaphore, #tpu.memory_space<semaphore_mem>>
      %dma_start3A_189 = tpu.memref_squeeze %dma_start3A_188 : memref<1x!tpu.dma_semaphore, #tpu.memory_space<semaphore_mem>> -> memref<!tpu.dma_semaphore, #tpu.memory_space<semaphore_mem>>
      tpu.enqueue_indirect_dma source(%arg7 : memref<80x64xf32, #tpu.memory_space<vmem>>) target(%dma_start3A_187 : memref<10240x64xf32, #tpu.memory_space<vmem_shared>>) offsets(%dma_start3A_184 : memref<80xi32, #tpu.memory_space<vmem>>) semaphore(%dma_start3A_189 : memref<!tpu.dma_semaphore, #tpu.memory_space<semaphore_mem>>) {add = true}
      %add3A_190 = arith.constant 1 : i32
      %add3A_191 = arith.addi %mul3A_163, %add3A_190 : i32
      %dma_wait3A_192 = arith.constant 1 : i32
      %dma_wait3A_193 = arith.constant 0 : i32
      %dma_wait3A_194 = tpu.memref_slice %arg6[%add3A_191, %dma_wait3A_193] : memref<250x80xi32, #tpu.memory_space<vmem>> -> memref<1x80xi32, #tpu.memory_space<vmem>>
      %dma_wait3A_195 = tpu.memref_squeeze %dma_wait3A_194 : memref<1x80xi32, #tpu.memory_space<vmem>> -> memref<80xi32, #tpu.memory_space<vmem>>
      %dma_wait3A_196 = arith.constant 0 : i32
      %dma_wait3A_197 = arith.constant 0 : i32
      %dma_wait3A_198 = tpu.memref_slice %arg2[%arg0, %dma_wait3A_196, %dma_wait3A_197] : memref<2x10000x64xf32, #tpu.memory_space<hbm>> -> memref<1x10000x64xf32, #tpu.memory_space<hbm>>
      %dma_wait3A_199 = tpu.memref_squeeze %dma_wait3A_198 : memref<1x10000x64xf32, #tpu.memory_space<hbm>> -> memref<10000x64xf32, #tpu.memory_space<hbm>>
      %dma_wait3A_200 = arith.constant 0 : i32
      %dma_wait3A_201 = arith.constant 0 : i32
      %dma_wait3A_202 = tpu.memref_slice %dma_wait3A_199[%dma_wait3A_200, %dma_wait3A_201] : memref<10000x64xf32, #tpu.memory_space<hbm>> -> memref<10000x64xf32, #tpu.memory_space<hbm>>
      %dma_wait3A_203 = tpu.memref_slice %arg13[%dma_wait3A_192] : memref<5x!tpu.dma_semaphore, #tpu.memory_space<semaphore_mem>> -> memref<1x!tpu.dma_semaphore, #tpu.memory_space<semaphore_mem>>
      %dma_wait3A_204 = tpu.memref_squeeze %dma_wait3A_203 : memref<1x!tpu.dma_semaphore, #tpu.memory_space<semaphore_mem>> -> memref<!tpu.dma_semaphore, #tpu.memory_space<semaphore_mem>>
      tpu.wait_indirect_dma semaphore(%dma_wait3A_204 : memref<!tpu.dma_semaphore, #tpu.memory_space<semaphore_mem>>) src(%dma_wait3A_202 : memref<10000x64xf32, #tpu.memory_space<hbm>>) dst(%arg8 : memref<80x64xf32, #tpu.memory_space<vmem>>)
      %add3A_205 = arith.constant 1 : i32
      %add3A_206 = arith.addi %mul3A_163, %add3A_205 : i32
      %dma_start3A_207 = arith.constant 1 : i32
      %dma_start3A_208 = arith.constant 0 : i32
      %dma_start3A_209 = tpu.memref_slice %arg5[%add3A_206, %dma_start3A_208] : memref<250x80xi32, #tpu.memory_space<vmem>> -> memref<1x80xi32, #tpu.memory_space<vmem>>
      %dma_start3A_210 = tpu.memref_squeeze %dma_start3A_209 : memref<1x80xi32, #tpu.memory_space<vmem>> -> memref<80xi32, #tpu.memory_space<vmem>>
      %dma_start3A_211 = arith.constant 0 : i32
      %dma_start3A_212 = arith.constant 0 : i32
      %dma_start3A_213 = tpu.memref_slice %arg12[%dma_start3A_211, %dma_start3A_212] : memref<10240x64xf32, #tpu.memory_space<vmem_shared>> -> memref<10240x64xf32, #tpu.memory_space<vmem_shared>>
      %dma_start3A_214 = tpu.memref_slice %arg14[%dma_start3A_207] : memref<5x!tpu.dma_semaphore, #tpu.memory_space<semaphore_mem>> -> memref<1x!tpu.dma_semaphore, #tpu.memory_space<semaphore_mem>>
      %dma_start3A_215 = tpu.memref_squeeze %dma_start3A_214 : memref<1x!tpu.dma_semaphore, #tpu.memory_space<semaphore_mem>> -> memref<!tpu.dma_semaphore, #tpu.memory_space<semaphore_mem>>
      tpu.enqueue_indirect_dma source(%arg8 : memref<80x64xf32, #tpu.memory_space<vmem>>) target(%dma_start3A_213 : memref<10240x64xf32, #tpu.memory_space<vmem_shared>>) offsets(%dma_start3A_210 : memref<80xi32, #tpu.memory_space<vmem>>) semaphore(%dma_start3A_215 : memref<!tpu.dma_semaphore, #tpu.memory_space<semaphore_mem>>) {add = true}
      %add3A_216 = arith.constant 2 : i32
      %add3A_217 = arith.addi %mul3A_163, %add3A_216 : i32
      %dma_wait3A_218 = arith.constant 2 : i32
      %dma_wait3A_219 = arith.constant 0 : i32
      %dma_wait3A_220 = tpu.memref_slice %arg6[%add3A_217, %dma_wait3A_219] : memref<250x80xi32, #tpu.memory_space<vmem>> -> memref<1x80xi32, #tpu.memory_space<vmem>>
      %dma_wait3A_221 = tpu.memref_squeeze %dma_wait3A_220 : memref<1x80xi32, #tpu.memory_space<vmem>> -> memref<80xi32, #tpu.memory_space<vmem>>
      %dma_wait3A_222 = arith.constant 0 : i32
      %dma_wait3A_223 = arith.constant 0 : i32
      %dma_wait3A_224 = tpu.memref_slice %arg2[%arg0, %dma_wait3A_222, %dma_wait3A_223] : memref<2x10000x64xf32, #tpu.memory_space<hbm>> -> memref<1x10000x64xf32, #tpu.memory_space<hbm>>
      %dma_wait3A_225 = tpu.memref_squeeze %dma_wait3A_224 : memref<1x10000x64xf32, #tpu.memory_space<hbm>> -> memref<10000x64xf32, #tpu.memory_space<hbm>>
      %dma_wait3A_226 = arith.constant 0 : i32
      %dma_wait3A_227 = arith.constant 0 : i32
      %dma_wait3A_228 = tpu.memref_slice %dma_wait3A_225[%dma_wait3A_226, %dma_wait3A_227] : memref<10000x64xf32, #tpu.memory_space<hbm>> -> memref<10000x64xf32, #tpu.memory_space<hbm>>
      %dma_wait3A_229 = tpu.memref_slice %arg13[%dma_wait3A_218] : memref<5x!tpu.dma_semaphore, #tpu.memory_space<semaphore_mem>> -> memref<1x!tpu.dma_semaphore, #tpu.memory_space<semaphore_mem>>
      %dma_wait3A_230 = tpu.memref_squeeze %dma_wait3A_229 : memref<1x!tpu.dma_semaphore, #tpu.memory_space<semaphore_mem>> -> memref<!tpu.dma_semaphore, #tpu.memory_space<semaphore_mem>>
      tpu.wait_indirect_dma semaphore(%dma_wait3A_230 : memref<!tpu.dma_semaphore, #tpu.memory_space<semaphore_mem>>) src(%dma_wait3A_228 : memref<10000x64xf32, #tpu.memory_space<hbm>>) dst(%arg9 : memref<80x64xf32, #tpu.memory_space<vmem>>)
      %add3A_231 = arith.constant 2 : i32
      %add3A_232 = arith.addi %mul3A_163, %add3A_231 : i32
      %dma_start3A_233 = arith.constant 2 : i32
      %dma_start3A_234 = arith.constant 0 : i32
      %dma_start3A_235 = tpu.memref_slice %arg5[%add3A_232, %dma_start3A_234] : memref<250x80xi32, #tpu.memory_space<vmem>> -> memref<1x80xi32, #tpu.memory_space<vmem>>
      %dma_start3A_236 = tpu.memref_squeeze %dma_start3A_235 : memref<1x80xi32, #tpu.memory_space<vmem>> -> memref<80xi32, #tpu.memory_space<vmem>>
      %dma_start3A_237 = arith.constant 0 : i32
      %dma_start3A_238 = arith.constant 0 : i32
      %dma_start3A_239 = tpu.memref_slice %arg12[%dma_start3A_237, %dma_start3A_238] : memref<10240x64xf32, #tpu.memory_space<vmem_shared>> -> memref<10240x64xf32, #tpu.memory_space<vmem_shared>>
      %dma_start3A_240 = tpu.memref_slice %arg14[%dma_start3A_233] : memref<5x!tpu.dma_semaphore, #tpu.memory_space<semaphore_mem>> -> memref<1x!tpu.dma_semaphore, #tpu.memory_space<semaphore_mem>>
      %dma_start3A_241 = tpu.memref_squeeze %dma_start3A_240 : memref<1x!tpu.dma_semaphore, #tpu.memory_space<semaphore_mem>> -> memref<!tpu.dma_semaphore, #tpu.memory_space<semaphore_mem>>
      tpu.enqueue_indirect_dma source(%arg9 : memref<80x64xf32, #tpu.memory_space<vmem>>) target(%dma_start3A_239 : memref<10240x64xf32, #tpu.memory_space<vmem_shared>>) offsets(%dma_start3A_236 : memref<80xi32, #tpu.memory_space<vmem>>) semaphore(%dma_start3A_241 : memref<!tpu.dma_semaphore, #tpu.memory_space<semaphore_mem>>) {add = true}
      %add3A_242 = arith.constant 3 : i32
      %add3A_243 = arith.addi %mul3A_163, %add3A_242 : i32
      %dma_wait3A_244 = arith.constant 3 : i32
      %dma_wait3A_245 = arith.constant 0 : i32
      %dma_wait3A_246 = tpu.memref_slice %arg6[%add3A_243, %dma_wait3A_245] : memref<250x80xi32, #tpu.memory_space<vmem>> -> memref<1x80xi32, #tpu.memory_space<vmem>>
      %dma_wait3A_247 = tpu.memref_squeeze %dma_wait3A_246 : memref<1x80xi32, #tpu.memory_space<vmem>> -> memref<80xi32, #tpu.memory_space<vmem>>
      %dma_wait3A_248 = arith.constant 0 : i32
      %dma_wait3A_249 = arith.constant 0 : i32
      %dma_wait3A_250 = tpu.memref_slice %arg2[%arg0, %dma_wait3A_248, %dma_wait3A_249] : memref<2x10000x64xf32, #tpu.memory_space<hbm>> -> memref<1x10000x64xf32, #tpu.memory_space<hbm>>
      %dma_wait3A_251 = tpu.memref_squeeze %dma_wait3A_250 : memref<1x10000x64xf32, #tpu.memory_space<hbm>> -> memref<10000x64xf32, #tpu.memory_space<hbm>>
      %dma_wait3A_252 = arith.constant 0 : i32
      %dma_wait3A_253 = arith.constant 0 : i32
      %dma_wait3A_254 = tpu.memref_slice %dma_wait3A_251[%dma_wait3A_252, %dma_wait3A_253] : memref<10000x64xf32, #tpu.memory_space<hbm>> -> memref<10000x64xf32, #tpu.memory_space<hbm>>
      %dma_wait3A_255 = tpu.memref_slice %arg13[%dma_wait3A_244] : memref<5x!tpu.dma_semaphore, #tpu.memory_space<semaphore_mem>> -> memref<1x!tpu.dma_semaphore, #tpu.memory_space<semaphore_mem>>
      %dma_wait3A_256 = tpu.memref_squeeze %dma_wait3A_255 : memref<1x!tpu.dma_semaphore, #tpu.memory_space<semaphore_mem>> -> memref<!tpu.dma_semaphore, #tpu.memory_space<semaphore_mem>>
      tpu.wait_indirect_dma semaphore(%dma_wait3A_256 : memref<!tpu.dma_semaphore, #tpu.memory_space<semaphore_mem>>) src(%dma_wait3A_254 : memref<10000x64xf32, #tpu.memory_space<hbm>>) dst(%arg10 : memref<80x64xf32, #tpu.memory_space<vmem>>)
      %add3A_257 = arith.constant 3 : i32
      %add3A_258 = arith.addi %mul3A_163, %add3A_257 : i32
      %dma_start3A_259 = arith.constant 3 : i32
      %dma_start3A_260 = arith.constant 0 : i32
      %dma_start3A_261 = tpu.memref_slice %arg5[%add3A_258, %dma_start3A_260] : memref<250x80xi32, #tpu.memory_space<vmem>> -> memref<1x80xi32, #tpu.memory_space<vmem>>
      %dma_start3A_262 = tpu.memref_squeeze %dma_start3A_261 : memref<1x80xi32, #tpu.memory_space<vmem>> -> memref<80xi32, #tpu.memory_space<vmem>>
      %dma_start3A_263 = arith.constant 0 : i32
      %dma_start3A_264 = arith.constant 0 : i32
      %dma_start3A_265 = tpu.memref_slice %arg12[%dma_start3A_263, %dma_start3A_264] : memref<10240x64xf32, #tpu.memory_space<vmem_shared>> -> memref<10240x64xf32, #tpu.memory_space<vmem_shared>>
      %dma_start3A_266 = tpu.memref_slice %arg14[%dma_start3A_259] : memref<5x!tpu.dma_semaphore, #tpu.memory_space<semaphore_mem>> -> memref<1x!tpu.dma_semaphore, #tpu.memory_space<semaphore_mem>>
      %dma_start3A_267 = tpu.memref_squeeze %dma_start3A_266 : memref<1x!tpu.dma_semaphore, #tpu.memory_space<semaphore_mem>> -> memref<!tpu.dma_semaphore, #tpu.memory_space<semaphore_mem>>
      tpu.enqueue_indirect_dma source(%arg10 : memref<80x64xf32, #tpu.memory_space<vmem>>) target(%dma_start3A_265 : memref<10240x64xf32, #tpu.memory_space<vmem_shared>>) offsets(%dma_start3A_262 : memref<80xi32, #tpu.memory_space<vmem>>) semaphore(%dma_start3A_267 : memref<!tpu.dma_semaphore, #tpu.memory_space<semaphore_mem>>) {add = true}
      %add3A_268 = arith.constant 4 : i32
      %add3A_269 = arith.addi %mul3A_163, %add3A_268 : i32
      %dma_wait3A_270 = arith.constant 4 : i32
      %dma_wait3A_271 = arith.constant 0 : i32
      %dma_wait3A_272 = tpu.memref_slice %arg6[%add3A_269, %dma_wait3A_271] : memref<250x80xi32, #tpu.memory_space<vmem>> -> memref<1x80xi32, #tpu.memory_space<vmem>>
      %dma_wait3A_273 = tpu.memref_squeeze %dma_wait3A_272 : memref<1x80xi32, #tpu.memory_space<vmem>> -> memref<80xi32, #tpu.memory_space<vmem>>
      %dma_wait3A_274 = arith.constant 0 : i32
      %dma_wait3A_275 = arith.constant 0 : i32
      %dma_wait3A_276 = tpu.memref_slice %arg2[%arg0, %dma_wait3A_274, %dma_wait3A_275] : memref<2x10000x64xf32, #tpu.memory_space<hbm>> -> memref<1x10000x64xf32, #tpu.memory_space<hbm>>
      %dma_wait3A_277 = tpu.memref_squeeze %dma_wait3A_276 : memref<1x10000x64xf32, #tpu.memory_space<hbm>> -> memref<10000x64xf32, #tpu.memory_space<hbm>>
      %dma_wait3A_278 = arith.constant 0 : i32
      %dma_wait3A_279 = arith.constant 0 : i32
      %dma_wait3A_280 = tpu.memref_slice %dma_wait3A_277[%dma_wait3A_278, %dma_wait3A_279] : memref<10000x64xf32, #tpu.memory_space<hbm>> -> memref<10000x64xf32, #tpu.memory_space<hbm>>
      %dma_wait3A_281 = tpu.memref_slice %arg13[%dma_wait3A_270] : memref<5x!tpu.dma_semaphore, #tpu.memory_space<semaphore_mem>> -> memref<1x!tpu.dma_semaphore, #tpu.memory_space<semaphore_mem>>
      %dma_wait3A_282 = tpu.memref_squeeze %dma_wait3A_281 : memref<1x!tpu.dma_semaphore, #tpu.memory_space<semaphore_mem>> -> memref<!tpu.dma_semaphore, #tpu.memory_space<semaphore_mem>>
      tpu.wait_indirect_dma semaphore(%dma_wait3A_282 : memref<!tpu.dma_semaphore, #tpu.memory_space<semaphore_mem>>) src(%dma_wait3A_280 : memref<10000x64xf32, #tpu.memory_space<hbm>>) dst(%arg11 : memref<80x64xf32, #tpu.memory_space<vmem>>)
      %add3A_283 = arith.constant 4 : i32
      %add3A_284 = arith.addi %mul3A_163, %add3A_283 : i32
      %dma_start3A_285 = arith.constant 4 : i32
      %dma_start3A_286 = arith.constant 0 : i32
      %dma_start3A_287 = tpu.memref_slice %arg5[%add3A_284, %dma_start3A_286] : memref<250x80xi32, #tpu.memory_space<vmem>> -> memref<1x80xi32, #tpu.memory_space<vmem>>
      %dma_start3A_288 = tpu.memref_squeeze %dma_start3A_287 : memref<1x80xi32, #tpu.memory_space<vmem>> -> memref<80xi32, #tpu.memory_space<vmem>>
      %dma_start3A_289 = arith.constant 0 : i32
      %dma_start3A_290 = arith.constant 0 : i32
      %dma_start3A_291 = tpu.memref_slice %arg12[%dma_start3A_289, %dma_start3A_290] : memref<10240x64xf32, #tpu.memory_space<vmem_shared>> -> memref<10240x64xf32, #tpu.memory_space<vmem_shared>>
      %dma_start3A_292 = tpu.memref_slice %arg14[%dma_start3A_285] : memref<5x!tpu.dma_semaphore, #tpu.memory_space<semaphore_mem>> -> memref<1x!tpu.dma_semaphore, #tpu.memory_space<semaphore_mem>>
      %dma_start3A_293 = tpu.memref_squeeze %dma_start3A_292 : memref<1x!tpu.dma_semaphore, #tpu.memory_space<semaphore_mem>> -> memref<!tpu.dma_semaphore, #tpu.memory_space<semaphore_mem>>
      tpu.enqueue_indirect_dma source(%arg11 : memref<80x64xf32, #tpu.memory_space<vmem>>) target(%dma_start3A_291 : memref<10240x64xf32, #tpu.memory_space<vmem_shared>>) offsets(%dma_start3A_288 : memref<80xi32, #tpu.memory_space<vmem>>) semaphore(%dma_start3A_293 : memref<!tpu.dma_semaphore, #tpu.memory_space<semaphore_mem>>) {add = true}
      %add3A_294 = arith.constant 5 : i32
      %add3A_295 = arith.addi %mul3A_163, %add3A_294 : i32
      %lt3A = arith.constant 250 : i32
      %lt3A_296 = arith.cmpi slt, %add3A_295, %lt3A : i32
      %convert_element_type3A = arith.extui %lt3A_296 : i1 to i32
      %cond3A = arith.constant 0 : i32
      %cond3A_297 = arith.cmpi ne, %convert_element_type3A, %cond3A : i32
      scf.if %cond3A_297 {
        %add3A_298 = arith.constant 0 : i32
        %add3A_299 = arith.addi %mul3A_163, %add3A_298 : i32
        %dma_wait3A_300 = arith.constant 0 : i32
        %dma_wait3A_301 = arith.constant 0 : i32
        %dma_wait3A_302 = tpu.memref_slice %arg5[%add3A_299, %dma_wait3A_301] : memref<250x80xi32, #tpu.memory_space<vmem>> -> memref<1x80xi32, #tpu.memory_space<vmem>>
        %dma_wait3A_303 = tpu.memref_squeeze %dma_wait3A_302 : memref<1x80xi32, #tpu.memory_space<vmem>> -> memref<80xi32, #tpu.memory_space<vmem>>
        %dma_wait3A_304 = arith.constant 0 : i32
        %dma_wait3A_305 = arith.constant 0 : i32
        %dma_wait3A_306 = tpu.memref_slice %arg12[%dma_wait3A_304, %dma_wait3A_305] : memref<10240x64xf32, #tpu.memory_space<vmem_shared>> -> memref<10240x64xf32, #tpu.memory_space<vmem_shared>>
        %dma_wait3A_307 = tpu.memref_slice %arg14[%dma_wait3A_300] : memref<5x!tpu.dma_semaphore, #tpu.memory_space<semaphore_mem>> -> memref<1x!tpu.dma_semaphore, #tpu.memory_space<semaphore_mem>>
        %dma_wait3A_308 = tpu.memref_squeeze %dma_wait3A_307 : memref<1x!tpu.dma_semaphore, #tpu.memory_space<semaphore_mem>> -> memref<!tpu.dma_semaphore, #tpu.memory_space<semaphore_mem>>
        tpu.wait_indirect_dma semaphore(%dma_wait3A_308 : memref<!tpu.dma_semaphore, #tpu.memory_space<semaphore_mem>>) src(%arg7 : memref<80x64xf32, #tpu.memory_space<vmem>>) dst(%dma_wait3A_306 : memref<10240x64xf32, #tpu.memory_space<vmem_shared>>)
        %add3A_309 = arith.constant 5 : i32
        %add3A_310 = arith.addi %mul3A_163, %add3A_309 : i32
        %add3A_311 = arith.constant 0 : i32
        %add3A_312 = arith.addi %add3A_310, %add3A_311 : i32
        %dma_start3A_313 = arith.constant 0 : i32
        %dma_start3A_314 = arith.constant 0 : i32
        %dma_start3A_315 = tpu.memref_slice %arg6[%add3A_312, %dma_start3A_314] : memref<250x80xi32, #tpu.memory_space<vmem>> -> memref<1x80xi32, #tpu.memory_space<vmem>>
        %dma_start3A_316 = tpu.memref_squeeze %dma_start3A_315 : memref<1x80xi32, #tpu.memory_space<vmem>> -> memref<80xi32, #tpu.memory_space<vmem>>
        %dma_start3A_317 = arith.constant 0 : i32
        %dma_start3A_318 = arith.constant 0 : i32
        %dma_start3A_319 = tpu.memref_slice %arg2[%arg0, %dma_start3A_317, %dma_start3A_318] : memref<2x10000x64xf32, #tpu.memory_space<hbm>> -> memref<1x10000x64xf32, #tpu.memory_space<hbm>>
        %dma_start3A_320 = tpu.memref_squeeze %dma_start3A_319 : memref<1x10000x64xf32, #tpu.memory_space<hbm>> -> memref<10000x64xf32, #tpu.memory_space<hbm>>
        %dma_start3A_321 = arith.constant 0 : i32
        %dma_start3A_322 = arith.constant 0 : i32
        %dma_start3A_323 = tpu.memref_slice %dma_start3A_320[%dma_start3A_321, %dma_start3A_322] : memref<10000x64xf32, #tpu.memory_space<hbm>> -> memref<10000x64xf32, #tpu.memory_space<hbm>>
        %dma_start3A_324 = tpu.memref_slice %arg13[%dma_start3A_313] : memref<5x!tpu.dma_semaphore, #tpu.memory_space<semaphore_mem>> -> memref<1x!tpu.dma_semaphore, #tpu.memory_space<semaphore_mem>>
        %dma_start3A_325 = tpu.memref_squeeze %dma_start3A_324 : memref<1x!tpu.dma_semaphore, #tpu.memory_space<semaphore_mem>> -> memref<!tpu.dma_semaphore, #tpu.memory_space<semaphore_mem>>
        tpu.enqueue_indirect_dma source(%dma_start3A_323 : memref<10000x64xf32, #tpu.memory_space<hbm>>) target(%arg7 : memref<80x64xf32, #tpu.memory_space<vmem>>) offsets(%dma_start3A_316 : memref<80xi32, #tpu.memory_space<vmem>>) semaphore(%dma_start3A_325 : memref<!tpu.dma_semaphore, #tpu.memory_space<semaphore_mem>>)
        %add3A_326 = arith.constant 1 : i32
        %add3A_327 = arith.addi %mul3A_163, %add3A_326 : i32
        %dma_wait3A_328 = arith.constant 1 : i32
        %dma_wait3A_329 = arith.constant 0 : i32
        %dma_wait3A_330 = tpu.memref_slice %arg5[%add3A_327, %dma_wait3A_329] : memref<250x80xi32, #tpu.memory_space<vmem>> -> memref<1x80xi32, #tpu.memory_space<vmem>>
        %dma_wait3A_331 = tpu.memref_squeeze %dma_wait3A_330 : memref<1x80xi32, #tpu.memory_space<vmem>> -> memref<80xi32, #tpu.memory_space<vmem>>
        %dma_wait3A_332 = arith.constant 0 : i32
        %dma_wait3A_333 = arith.constant 0 : i32
        %dma_wait3A_334 = tpu.memref_slice %arg12[%dma_wait3A_332, %dma_wait3A_333] : memref<10240x64xf32, #tpu.memory_space<vmem_shared>> -> memref<10240x64xf32, #tpu.memory_space<vmem_shared>>
        %dma_wait3A_335 = tpu.memref_slice %arg14[%dma_wait3A_328] : memref<5x!tpu.dma_semaphore, #tpu.memory_space<semaphore_mem>> -> memref<1x!tpu.dma_semaphore, #tpu.memory_space<semaphore_mem>>
        %dma_wait3A_336 = tpu.memref_squeeze %dma_wait3A_335 : memref<1x!tpu.dma_semaphore, #tpu.memory_space<semaphore_mem>> -> memref<!tpu.dma_semaphore, #tpu.memory_space<semaphore_mem>>
        tpu.wait_indirect_dma semaphore(%dma_wait3A_336 : memref<!tpu.dma_semaphore, #tpu.memory_space<semaphore_mem>>) src(%arg8 : memref<80x64xf32, #tpu.memory_space<vmem>>) dst(%dma_wait3A_334 : memref<10240x64xf32, #tpu.memory_space<vmem_shared>>)
        %add3A_337 = arith.constant 5 : i32
        %add3A_338 = arith.addi %mul3A_163, %add3A_337 : i32
        %add3A_339 = arith.constant 1 : i32
        %add3A_340 = arith.addi %add3A_338, %add3A_339 : i32
        %dma_start3A_341 = arith.constant 1 : i32
        %dma_start3A_342 = arith.constant 0 : i32
        %dma_start3A_343 = tpu.memref_slice %arg6[%add3A_340, %dma_start3A_342] : memref<250x80xi32, #tpu.memory_space<vmem>> -> memref<1x80xi32, #tpu.memory_space<vmem>>
        %dma_start3A_344 = tpu.memref_squeeze %dma_start3A_343 : memref<1x80xi32, #tpu.memory_space<vmem>> -> memref<80xi32, #tpu.memory_space<vmem>>
        %dma_start3A_345 = arith.constant 0 : i32
        %dma_start3A_346 = arith.constant 0 : i32
        %dma_start3A_347 = tpu.memref_slice %arg2[%arg0, %dma_start3A_345, %dma_start3A_346] : memref<2x10000x64xf32, #tpu.memory_space<hbm>> -> memref<1x10000x64xf32, #tpu.memory_space<hbm>>
        %dma_start3A_348 = tpu.memref_squeeze %dma_start3A_347 : memref<1x10000x64xf32, #tpu.memory_space<hbm>> -> memref<10000x64xf32, #tpu.memory_space<hbm>>
        %dma_start3A_349 = arith.constant 0 : i32
        %dma_start3A_350 = arith.constant 0 : i32
        %dma_start3A_351 = tpu.memref_slice %dma_start3A_348[%dma_start3A_349, %dma_start3A_350] : memref<10000x64xf32, #tpu.memory_space<hbm>> -> memref<10000x64xf32, #tpu.memory_space<hbm>>
        %dma_start3A_352 = tpu.memref_slice %arg13[%dma_start3A_341] : memref<5x!tpu.dma_semaphore, #tpu.memory_space<semaphore_mem>> -> memref<1x!tpu.dma_semaphore, #tpu.memory_space<semaphore_mem>>
        %dma_start3A_353 = tpu.memref_squeeze %dma_start3A_352 : memref<1x!tpu.dma_semaphore, #tpu.memory_space<semaphore_mem>> -> memref<!tpu.dma_semaphore, #tpu.memory_space<semaphore_mem>>
        tpu.enqueue_indirect_dma source(%dma_start3A_351 : memref<10000x64xf32, #tpu.memory_space<hbm>>) target(%arg8 : memref<80x64xf32, #tpu.memory_space<vmem>>) offsets(%dma_start3A_344 : memref<80xi32, #tpu.memory_space<vmem>>) semaphore(%dma_start3A_353 : memref<!tpu.dma_semaphore, #tpu.memory_space<semaphore_mem>>)
        %add3A_354 = arith.constant 2 : i32
        %add3A_355 = arith.addi %mul3A_163, %add3A_354 : i32
        %dma_wait3A_356 = arith.constant 2 : i32
        %dma_wait3A_357 = arith.constant 0 : i32
        %dma_wait3A_358 = tpu.memref_slice %arg5[%add3A_355, %dma_wait3A_357] : memref<250x80xi32, #tpu.memory_space<vmem>> -> memref<1x80xi32, #tpu.memory_space<vmem>>
        %dma_wait3A_359 = tpu.memref_squeeze %dma_wait3A_358 : memref<1x80xi32, #tpu.memory_space<vmem>> -> memref<80xi32, #tpu.memory_space<vmem>>
        %dma_wait3A_360 = arith.constant 0 : i32
        %dma_wait3A_361 = arith.constant 0 : i32
        %dma_wait3A_362 = tpu.memref_slice %arg12[%dma_wait3A_360, %dma_wait3A_361] : memref<10240x64xf32, #tpu.memory_space<vmem_shared>> -> memref<10240x64xf32, #tpu.memory_space<vmem_shared>>
        %dma_wait3A_363 = tpu.memref_slice %arg14[%dma_wait3A_356] : memref<5x!tpu.dma_semaphore, #tpu.memory_space<semaphore_mem>> -> memref<1x!tpu.dma_semaphore, #tpu.memory_space<semaphore_mem>>
        %dma_wait3A_364 = tpu.memref_squeeze %dma_wait3A_363 : memref<1x!tpu.dma_semaphore, #tpu.memory_space<semaphore_mem>> -> memref<!tpu.dma_semaphore, #tpu.memory_space<semaphore_mem>>
        tpu.wait_indirect_dma semaphore(%dma_wait3A_364 : memref<!tpu.dma_semaphore, #tpu.memory_space<semaphore_mem>>) src(%arg9 : memref<80x64xf32, #tpu.memory_space<vmem>>) dst(%dma_wait3A_362 : memref<10240x64xf32, #tpu.memory_space<vmem_shared>>)
        %add3A_365 = arith.constant 5 : i32
        %add3A_366 = arith.addi %mul3A_163, %add3A_365 : i32
        %add3A_367 = arith.constant 2 : i32
        %add3A_368 = arith.addi %add3A_366, %add3A_367 : i32
        %dma_start3A_369 = arith.constant 2 : i32
        %dma_start3A_370 = arith.constant 0 : i32
        %dma_start3A_371 = tpu.memref_slice %arg6[%add3A_368, %dma_start3A_370] : memref<250x80xi32, #tpu.memory_space<vmem>> -> memref<1x80xi32, #tpu.memory_space<vmem>>
        %dma_start3A_372 = tpu.memref_squeeze %dma_start3A_371 : memref<1x80xi32, #tpu.memory_space<vmem>> -> memref<80xi32, #tpu.memory_space<vmem>>
        %dma_start3A_373 = arith.constant 0 : i32
        %dma_start3A_374 = arith.constant 0 : i32
        %dma_start3A_375 = tpu.memref_slice %arg2[%arg0, %dma_start3A_373, %dma_start3A_374] : memref<2x10000x64xf32, #tpu.memory_space<hbm>> -> memref<1x10000x64xf32, #tpu.memory_space<hbm>>
        %dma_start3A_376 = tpu.memref_squeeze %dma_start3A_375 : memref<1x10000x64xf32, #tpu.memory_space<hbm>> -> memref<10000x64xf32, #tpu.memory_space<hbm>>
        %dma_start3A_377 = arith.constant 0 : i32
        %dma_start3A_378 = arith.constant 0 : i32
        %dma_start3A_379 = tpu.memref_slice %dma_start3A_376[%dma_start3A_377, %dma_start3A_378] : memref<10000x64xf32, #tpu.memory_space<hbm>> -> memref<10000x64xf32, #tpu.memory_space<hbm>>
        %dma_start3A_380 = tpu.memref_slice %arg13[%dma_start3A_369] : memref<5x!tpu.dma_semaphore, #tpu.memory_space<semaphore_mem>> -> memref<1x!tpu.dma_semaphore, #tpu.memory_space<semaphore_mem>>
        %dma_start3A_381 = tpu.memref_squeeze %dma_start3A_380 : memref<1x!tpu.dma_semaphore, #tpu.memory_space<semaphore_mem>> -> memref<!tpu.dma_semaphore, #tpu.memory_space<semaphore_mem>>
        tpu.enqueue_indirect_dma source(%dma_start3A_379 : memref<10000x64xf32, #tpu.memory_space<hbm>>) target(%arg9 : memref<80x64xf32, #tpu.memory_space<vmem>>) offsets(%dma_start3A_372 : memref<80xi32, #tpu.memory_space<vmem>>) semaphore(%dma_start3A_381 : memref<!tpu.dma_semaphore, #tpu.memory_space<semaphore_mem>>)
        %add3A_382 = arith.constant 3 : i32
        %add3A_383 = arith.addi %mul3A_163, %add3A_382 : i32
        %dma_wait3A_384 = arith.constant 3 : i32
        %dma_wait3A_385 = arith.constant 0 : i32
        %dma_wait3A_386 = tpu.memref_slice %arg5[%add3A_383, %dma_wait3A_385] : memref<250x80xi32, #tpu.memory_space<vmem>> -> memref<1x80xi32, #tpu.memory_space<vmem>>
        %dma_wait3A_387 = tpu.memref_squeeze %dma_wait3A_386 : memref<1x80xi32, #tpu.memory_space<vmem>> -> memref<80xi32, #tpu.memory_space<vmem>>
        %dma_wait3A_388 = arith.constant 0 : i32
        %dma_wait3A_389 = arith.constant 0 : i32
        %dma_wait3A_390 = tpu.memref_slice %arg12[%dma_wait3A_388, %dma_wait3A_389] : memref<10240x64xf32, #tpu.memory_space<vmem_shared>> -> memref<10240x64xf32, #tpu.memory_space<vmem_shared>>
        %dma_wait3A_391 = tpu.memref_slice %arg14[%dma_wait3A_384] : memref<5x!tpu.dma_semaphore, #tpu.memory_space<semaphore_mem>> -> memref<1x!tpu.dma_semaphore, #tpu.memory_space<semaphore_mem>>
        %dma_wait3A_392 = tpu.memref_squeeze %dma_wait3A_391 : memref<1x!tpu.dma_semaphore, #tpu.memory_space<semaphore_mem>> -> memref<!tpu.dma_semaphore, #tpu.memory_space<semaphore_mem>>
        tpu.wait_indirect_dma semaphore(%dma_wait3A_392 : memref<!tpu.dma_semaphore, #tpu.memory_space<semaphore_mem>>) src(%arg10 : memref<80x64xf32, #tpu.memory_space<vmem>>) dst(%dma_wait3A_390 : memref<10240x64xf32, #tpu.memory_space<vmem_shared>>)
        %add3A_393 = arith.constant 5 : i32
        %add3A_394 = arith.addi %mul3A_163, %add3A_393 : i32
        %add3A_395 = arith.constant 3 : i32
        %add3A_396 = arith.addi %add3A_394, %add3A_395 : i32
        %dma_start3A_397 = arith.constant 3 : i32
        %dma_start3A_398 = arith.constant 0 : i32
        %dma_start3A_399 = tpu.memref_slice %arg6[%add3A_396, %dma_start3A_398] : memref<250x80xi32, #tpu.memory_space<vmem>> -> memref<1x80xi32, #tpu.memory_space<vmem>>
        %dma_start3A_400 = tpu.memref_squeeze %dma_start3A_399 : memref<1x80xi32, #tpu.memory_space<vmem>> -> memref<80xi32, #tpu.memory_space<vmem>>
        %dma_start3A_401 = arith.constant 0 : i32
        %dma_start3A_402 = arith.constant 0 : i32
        %dma_start3A_403 = tpu.memref_slice %arg2[%arg0, %dma_start3A_401, %dma_start3A_402] : memref<2x10000x64xf32, #tpu.memory_space<hbm>> -> memref<1x10000x64xf32, #tpu.memory_space<hbm>>
        %dma_start3A_404 = tpu.memref_squeeze %dma_start3A_403 : memref<1x10000x64xf32, #tpu.memory_space<hbm>> -> memref<10000x64xf32, #tpu.memory_space<hbm>>
        %dma_start3A_405 = arith.constant 0 : i32
        %dma_start3A_406 = arith.constant 0 : i32
        %dma_start3A_407 = tpu.memref_slice %dma_start3A_404[%dma_start3A_405, %dma_start3A_406] : memref<10000x64xf32, #tpu.memory_space<hbm>> -> memref<10000x64xf32, #tpu.memory_space<hbm>>
        %dma_start3A_408 = tpu.memref_slice %arg13[%dma_start3A_397] : memref<5x!tpu.dma_semaphore, #tpu.memory_space<semaphore_mem>> -> memref<1x!tpu.dma_semaphore, #tpu.memory_space<semaphore_mem>>
        %dma_start3A_409 = tpu.memref_squeeze %dma_start3A_408 : memref<1x!tpu.dma_semaphore, #tpu.memory_space<semaphore_mem>> -> memref<!tpu.dma_semaphore, #tpu.memory_space<semaphore_mem>>
        tpu.enqueue_indirect_dma source(%dma_start3A_407 : memref<10000x64xf32, #tpu.memory_space<hbm>>) target(%arg10 : memref<80x64xf32, #tpu.memory_space<vmem>>) offsets(%dma_start3A_400 : memref<80xi32, #tpu.memory_space<vmem>>) semaphore(%dma_start3A_409 : memref<!tpu.dma_semaphore, #tpu.memory_space<semaphore_mem>>)
        %add3A_410 = arith.constant 4 : i32
        %add3A_411 = arith.addi %mul3A_163, %add3A_410 : i32
        %dma_wait3A_412 = arith.constant 4 : i32
        %dma_wait3A_413 = arith.constant 0 : i32
        %dma_wait3A_414 = tpu.memref_slice %arg5[%add3A_411, %dma_wait3A_413] : memref<250x80xi32, #tpu.memory_space<vmem>> -> memref<1x80xi32, #tpu.memory_space<vmem>>
        %dma_wait3A_415 = tpu.memref_squeeze %dma_wait3A_414 : memref<1x80xi32, #tpu.memory_space<vmem>> -> memref<80xi32, #tpu.memory_space<vmem>>
        %dma_wait3A_416 = arith.constant 0 : i32
        %dma_wait3A_417 = arith.constant 0 : i32
        %dma_wait3A_418 = tpu.memref_slice %arg12[%dma_wait3A_416, %dma_wait3A_417] : memref<10240x64xf32, #tpu.memory_space<vmem_shared>> -> memref<10240x64xf32, #tpu.memory_space<vmem_shared>>
        %dma_wait3A_419 = tpu.memref_slice %arg14[%dma_wait3A_412] : memref<5x!tpu.dma_semaphore, #tpu.memory_space<semaphore_mem>> -> memref<1x!tpu.dma_semaphore, #tpu.memory_space<semaphore_mem>>
        %dma_wait3A_420 = tpu.memref_squeeze %dma_wait3A_419 : memref<1x!tpu.dma_semaphore, #tpu.memory_space<semaphore_mem>> -> memref<!tpu.dma_semaphore, #tpu.memory_space<semaphore_mem>>
        tpu.wait_indirect_dma semaphore(%dma_wait3A_420 : memref<!tpu.dma_semaphore, #tpu.memory_space<semaphore_mem>>) src(%arg11 : memref<80x64xf32, #tpu.memory_space<vmem>>) dst(%dma_wait3A_418 : memref<10240x64xf32, #tpu.memory_space<vmem_shared>>)
        %add3A_421 = arith.constant 5 : i32
        %add3A_422 = arith.addi %mul3A_163, %add3A_421 : i32
        %add3A_423 = arith.constant 4 : i32
        %add3A_424 = arith.addi %add3A_422, %add3A_423 : i32
        %dma_start3A_425 = arith.constant 4 : i32
        %dma_start3A_426 = arith.constant 0 : i32
        %dma_start3A_427 = tpu.memref_slice %arg6[%add3A_424, %dma_start3A_426] : memref<250x80xi32, #tpu.memory_space<vmem>> -> memref<1x80xi32, #tpu.memory_space<vmem>>
        %dma_start3A_428 = tpu.memref_squeeze %dma_start3A_427 : memref<1x80xi32, #tpu.memory_space<vmem>> -> memref<80xi32, #tpu.memory_space<vmem>>
        %dma_start3A_429 = arith.constant 0 : i32
        %dma_start3A_430 = arith.constant 0 : i32
        %dma_start3A_431 = tpu.memref_slice %arg2[%arg0, %dma_start3A_429, %dma_start3A_430] : memref<2x10000x64xf32, #tpu.memory_space<hbm>> -> memref<1x10000x64xf32, #tpu.memory_space<hbm>>
        %dma_start3A_432 = tpu.memref_squeeze %dma_start3A_431 : memref<1x10000x64xf32, #tpu.memory_space<hbm>> -> memref<10000x64xf32, #tpu.memory_space<hbm>>
        %dma_start3A_433 = arith.constant 0 : i32
        %dma_start3A_434 = arith.constant 0 : i32
        %dma_start3A_435 = tpu.memref_slice %dma_start3A_432[%dma_start3A_433, %dma_start3A_434] : memref<10000x64xf32, #tpu.memory_space<hbm>> -> memref<10000x64xf32, #tpu.memory_space<hbm>>
        %dma_start3A_436 = tpu.memref_slice %arg13[%dma_start3A_425] : memref<5x!tpu.dma_semaphore, #tpu.memory_space<semaphore_mem>> -> memref<1x!tpu.dma_semaphore, #tpu.memory_space<semaphore_mem>>
        %dma_start3A_437 = tpu.memref_squeeze %dma_start3A_436 : memref<1x!tpu.dma_semaphore, #tpu.memory_space<semaphore_mem>> -> memref<!tpu.dma_semaphore, #tpu.memory_space<semaphore_mem>>
        tpu.enqueue_indirect_dma source(%dma_start3A_435 : memref<10000x64xf32, #tpu.memory_space<hbm>>) target(%arg11 : memref<80x64xf32, #tpu.memory_space<vmem>>) offsets(%dma_start3A_428 : memref<80xi32, #tpu.memory_space<vmem>>) semaphore(%dma_start3A_437 : memref<!tpu.dma_semaphore, #tpu.memory_space<semaphore_mem>>)
      } else {
      }
    }
    %scan3A_110 = arith.constant 50 : i32
    %dma_wait3A = arith.constant 0 : i32
    %dma_wait3A_111 = arith.constant 0 : i32
    %dma_wait3A_112 = arith.constant 0 : i32
    %dma_wait3A_113 = tpu.memref_slice %arg5[%dma_wait3A, %dma_wait3A_112] : memref<250x80xi32, #tpu.memory_space<vmem>> -> memref<1x80xi32, #tpu.memory_space<vmem>>
    %dma_wait3A_114 = tpu.memref_squeeze %dma_wait3A_113 : memref<1x80xi32, #tpu.memory_space<vmem>> -> memref<80xi32, #tpu.memory_space<vmem>>
    %dma_wait3A_115 = arith.constant 0 : i32
    %dma_wait3A_116 = arith.constant 0 : i32
    %dma_wait3A_117 = tpu.memref_slice %arg12[%dma_wait3A_115, %dma_wait3A_116] : memref<10240x64xf32, #tpu.memory_space<vmem_shared>> -> memref<10240x64xf32, #tpu.memory_space<vmem_shared>>
    %dma_wait3A_118 = tpu.memref_slice %arg14[%dma_wait3A_111] : memref<5x!tpu.dma_semaphore, #tpu.memory_space<semaphore_mem>> -> memref<1x!tpu.dma_semaphore, #tpu.memory_space<semaphore_mem>>
    %dma_wait3A_119 = tpu.memref_squeeze %dma_wait3A_118 : memref<1x!tpu.dma_semaphore, #tpu.memory_space<semaphore_mem>> -> memref<!tpu.dma_semaphore, #tpu.memory_space<semaphore_mem>>
    tpu.wait_indirect_dma semaphore(%dma_wait3A_119 : memref<!tpu.dma_semaphore, #tpu.memory_space<semaphore_mem>>) src(%arg7 : memref<80x64xf32, #tpu.memory_space<vmem>>) dst(%dma_wait3A_117 : memref<10240x64xf32, #tpu.memory_space<vmem_shared>>)
    %dma_wait3A_120 = arith.constant 1 : i32
    %dma_wait3A_121 = arith.constant 1 : i32
    %dma_wait3A_122 = arith.constant 0 : i32
    %dma_wait3A_123 = tpu.memref_slice %arg5[%dma_wait3A_120, %dma_wait3A_122] : memref<250x80xi32, #tpu.memory_space<vmem>> -> memref<1x80xi32, #tpu.memory_space<vmem>>
    %dma_wait3A_124 = tpu.memref_squeeze %dma_wait3A_123 : memref<1x80xi32, #tpu.memory_space<vmem>> -> memref<80xi32, #tpu.memory_space<vmem>>
    %dma_wait3A_125 = arith.constant 0 : i32
    %dma_wait3A_126 = arith.constant 0 : i32
    %dma_wait3A_127 = tpu.memref_slice %arg12[%dma_wait3A_125, %dma_wait3A_126] : memref<10240x64xf32, #tpu.memory_space<vmem_shared>> -> memref<10240x64xf32, #tpu.memory_space<vmem_shared>>
    %dma_wait3A_128 = tpu.memref_slice %arg14[%dma_wait3A_121] : memref<5x!tpu.dma_semaphore, #tpu.memory_space<semaphore_mem>> -> memref<1x!tpu.dma_semaphore, #tpu.memory_space<semaphore_mem>>
    %dma_wait3A_129 = tpu.memref_squeeze %dma_wait3A_128 : memref<1x!tpu.dma_semaphore, #tpu.memory_space<semaphore_mem>> -> memref<!tpu.dma_semaphore, #tpu.memory_space<semaphore_mem>>
    tpu.wait_indirect_dma semaphore(%dma_wait3A_129 : memref<!tpu.dma_semaphore, #tpu.memory_space<semaphore_mem>>) src(%arg8 : memref<80x64xf32, #tpu.memory_space<vmem>>) dst(%dma_wait3A_127 : memref<10240x64xf32, #tpu.memory_space<vmem_shared>>)
    %dma_wait3A_130 = arith.constant 2 : i32
    %dma_wait3A_131 = arith.constant 2 : i32
    %dma_wait3A_132 = arith.constant 0 : i32
    %dma_wait3A_133 = tpu.memref_slice %arg5[%dma_wait3A_130, %dma_wait3A_132] : memref<250x80xi32, #tpu.memory_space<vmem>> -> memref<1x80xi32, #tpu.memory_space<vmem>>
    %dma_wait3A_134 = tpu.memref_squeeze %dma_wait3A_133 : memref<1x80xi32, #tpu.memory_space<vmem>> -> memref<80xi32, #tpu.memory_space<vmem>>
    %dma_wait3A_135 = arith.constant 0 : i32
    %dma_wait3A_136 = arith.constant 0 : i32
    %dma_wait3A_137 = tpu.memref_slice %arg12[%dma_wait3A_135, %dma_wait3A_136] : memref<10240x64xf32, #tpu.memory_space<vmem_shared>> -> memref<10240x64xf32, #tpu.memory_space<vmem_shared>>
    %dma_wait3A_138 = tpu.memref_slice %arg14[%dma_wait3A_131] : memref<5x!tpu.dma_semaphore, #tpu.memory_space<semaphore_mem>> -> memref<1x!tpu.dma_semaphore, #tpu.memory_space<semaphore_mem>>
    %dma_wait3A_139 = tpu.memref_squeeze %dma_wait3A_138 : memref<1x!tpu.dma_semaphore, #tpu.memory_space<semaphore_mem>> -> memref<!tpu.dma_semaphore, #tpu.memory_space<semaphore_mem>>
    tpu.wait_indirect_dma semaphore(%dma_wait3A_139 : memref<!tpu.dma_semaphore, #tpu.memory_space<semaphore_mem>>) src(%arg9 : memref<80x64xf32, #tpu.memory_space<vmem>>) dst(%dma_wait3A_137 : memref<10240x64xf32, #tpu.memory_space<vmem_shared>>)
    %dma_wait3A_140 = arith.constant 3 : i32
    %dma_wait3A_141 = arith.constant 3 : i32
    %dma_wait3A_142 = arith.constant 0 : i32
    %dma_wait3A_143 = tpu.memref_slice %arg5[%dma_wait3A_140, %dma_wait3A_142] : memref<250x80xi32, #tpu.memory_space<vmem>> -> memref<1x80xi32, #tpu.memory_space<vmem>>
    %dma_wait3A_144 = tpu.memref_squeeze %dma_wait3A_143 : memref<1x80xi32, #tpu.memory_space<vmem>> -> memref<80xi32, #tpu.memory_space<vmem>>
    %dma_wait3A_145 = arith.constant 0 : i32
    %dma_wait3A_146 = arith.constant 0 : i32
    %dma_wait3A_147 = tpu.memref_slice %arg12[%dma_wait3A_145, %dma_wait3A_146] : memref<10240x64xf32, #tpu.memory_space<vmem_shared>> -> memref<10240x64xf32, #tpu.memory_space<vmem_shared>>
    %dma_wait3A_148 = tpu.memref_slice %arg14[%dma_wait3A_141] : memref<5x!tpu.dma_semaphore, #tpu.memory_space<semaphore_mem>> -> memref<1x!tpu.dma_semaphore, #tpu.memory_space<semaphore_mem>>
    %dma_wait3A_149 = tpu.memref_squeeze %dma_wait3A_148 : memref<1x!tpu.dma_semaphore, #tpu.memory_space<semaphore_mem>> -> memref<!tpu.dma_semaphore, #tpu.memory_space<semaphore_mem>>
    tpu.wait_indirect_dma semaphore(%dma_wait3A_149 : memref<!tpu.dma_semaphore, #tpu.memory_space<semaphore_mem>>) src(%arg10 : memref<80x64xf32, #tpu.memory_space<vmem>>) dst(%dma_wait3A_147 : memref<10240x64xf32, #tpu.memory_space<vmem_shared>>)
    %dma_wait3A_150 = arith.constant 4 : i32
    %dma_wait3A_151 = arith.constant 4 : i32
    %dma_wait3A_152 = arith.constant 0 : i32
    %dma_wait3A_153 = tpu.memref_slice %arg5[%dma_wait3A_150, %dma_wait3A_152] : memref<250x80xi32, #tpu.memory_space<vmem>> -> memref<1x80xi32, #tpu.memory_space<vmem>>
    %dma_wait3A_154 = tpu.memref_squeeze %dma_wait3A_153 : memref<1x80xi32, #tpu.memory_space<vmem>> -> memref<80xi32, #tpu.memory_space<vmem>>
    %dma_wait3A_155 = arith.constant 0 : i32
    %dma_wait3A_156 = arith.constant 0 : i32
    %dma_wait3A_157 = tpu.memref_slice %arg12[%dma_wait3A_155, %dma_wait3A_156] : memref<10240x64xf32, #tpu.memory_space<vmem_shared>> -> memref<10240x64xf32, #tpu.memory_space<vmem_shared>>
    %dma_wait3A_158 = tpu.memref_slice %arg14[%dma_wait3A_151] : memref<5x!tpu.dma_semaphore, #tpu.memory_space<semaphore_mem>> -> memref<1x!tpu.dma_semaphore, #tpu.memory_space<semaphore_mem>>
    %dma_wait3A_159 = tpu.memref_squeeze %dma_wait3A_158 : memref<1x!tpu.dma_semaphore, #tpu.memory_space<semaphore_mem>> -> memref<!tpu.dma_semaphore, #tpu.memory_space<semaphore_mem>>
    tpu.wait_indirect_dma semaphore(%dma_wait3A_159 : memref<!tpu.dma_semaphore, #tpu.memory_space<semaphore_mem>>) src(%arg11 : memref<80x64xf32, #tpu.memory_space<vmem>>) dst(%dma_wait3A_157 : memref<10240x64xf32, #tpu.memory_space<vmem_shared>>)
    %barrier3A_160 = arith.constant 0 : index
    tpu.barrier barrier_id(%barrier3A_160)
    "tpu.region"() ({
      %run_scoped3A_161 = tpu.sem_alloc : memref<!tpu.dma_semaphore, #tpu.memory_space<semaphore_mem>>
      %dma_start3A_162 = arith.constant 0 : i32
      %dma_start3A_163 = arith.constant 0 : i32
      %dma_start3A_164 = tpu.memref_slice %arg4[%arg0, %dma_start3A_162, %dma_start3A_163] : memref<2x10240x64xf32, #tpu.memory_space<hbm>> -> memref<1x10240x64xf32, #tpu.memory_space<hbm>>
      %dma_start3A_165 = tpu.memref_squeeze %dma_start3A_164 : memref<1x10240x64xf32, #tpu.memory_space<hbm>> -> memref<10240x64xf32, #tpu.memory_space<hbm>>
      %dma_start3A_166 = arith.constant 0 : i32
      %dma_start3A_167 = tpu.memref_slice %dma_start3A_165[%mul3A_19, %dma_start3A_166] : memref<10240x64xf32, #tpu.memory_space<hbm>> -> memref<640x64xf32, #tpu.memory_space<hbm>>
      %dma_start3A_168 = arith.constant 0 : i32
      %dma_start3A_169 = tpu.memref_slice %arg12[%mul3A_19, %dma_start3A_168] : memref<10240x64xf32, #tpu.memory_space<vmem_shared>> -> memref<640x64xf32, #tpu.memory_space<vmem_shared>>
      tpu.enqueue_dma source(%dma_start3A_169 : memref<640x64xf32, #tpu.memory_space<vmem_shared>>) target(%dma_start3A_167 : memref<640x64xf32, #tpu.memory_space<hbm>>) target_semaphore(%run_scoped3A_161 : memref<!tpu.dma_semaphore, #tpu.memory_space<semaphore_mem>>)
      %dma_wait3A_170 = arith.constant 0 : i32
      %dma_wait3A_171 = arith.constant 0 : i32
      %dma_wait3A_172 = tpu.memref_slice %arg4[%arg0, %dma_wait3A_170, %dma_wait3A_171] : memref<2x10240x64xf32, #tpu.memory_space<hbm>> -> memref<1x10240x64xf32, #tpu.memory_space<hbm>>
      %dma_wait3A_173 = tpu.memref_squeeze %dma_wait3A_172 : memref<1x10240x64xf32, #tpu.memory_space<hbm>> -> memref<10240x64xf32, #tpu.memory_space<hbm>>
      %dma_wait3A_174 = arith.constant 0 : i32
      %dma_wait3A_175 = tpu.memref_slice %dma_wait3A_173[%mul3A_19, %dma_wait3A_174] : memref<10240x64xf32, #tpu.memory_space<hbm>> -> memref<640x64xf32, #tpu.memory_space<hbm>>
      %dma_wait3A_176 = arith.constant 0 : i32
      %dma_wait3A_177 = tpu.memref_slice %arg12[%mul3A_19, %dma_wait3A_176] : memref<10240x64xf32, #tpu.memory_space<vmem_shared>> -> memref<640x64xf32, #tpu.memory_space<vmem_shared>>
      tpu.wait_dma2 semaphore(%run_scoped3A_161 : memref<!tpu.dma_semaphore, #tpu.memory_space<semaphore_mem>>) src(%dma_wait3A_177 : memref<640x64xf32, #tpu.memory_space<vmem_shared>>) dst(%dma_wait3A_175 : memref<640x64xf32, #tpu.memory_space<hbm>>)
      tpu.yield
    }) : () -> ()
    return
  }
}

#map = affine_map<(d0, d1) -> (0, 0, 0, 0)>
#map1 = affine_map<(d0, d1) -> (0, 0)>
module attributes {stable_mosaic.version = 14 : i64} {
  func.func @k(%arg0: i32, %arg1: i32, %arg2: memref<2x32x125x80xi32, #tpu.memory_space<hbm>>, %arg3: memref<2x10240xf32, #tpu.memory_space<hbm>>, %arg4: memref<125x80xi32, #tpu.memory_space<vmem>>, %arg5: memref<80xf32, #tpu.memory_space<vmem>>, %arg6: memref<640xf32, #tpu.memory_space<vmem>>, %arg7: memref<10240xf32, #tpu.memory_space<vmem_shared>>) attributes {dimension_semantics = [#tpu.dimension_semantics<core_parallel>, #tpu.dimension_semantics<subcore_parallel>], iteration_bounds = array<i64: 2, 16>, scalar_prefetch = 0 : i64, scratch_operands = 4 : i64, tpu.core_type = #tpu.core_type<sc_vector_subcore>, window_params = [{transform_indices = #map}, {transform_indices = #map1}]} {
    %mul3A = arith.constant 16 : i32
    %mul3A_0 = arith.muli %arg0, %mul3A : i32
    %add3A = arith.addi %mul3A_0, %arg1 : i32
    %broadcast_in_dim3A = arith.constant 1.000000e+00 : f32
    %broadcast_in_dim3A_1 = vector.broadcast %broadcast_in_dim3A : f32 to vector<16xf32>
    %swap3A = arith.constant 0 : index
    %swap3A_2 = tpu.vector_load %arg5[%swap3A] {strides = array<i32>} : memref<80xf32, #tpu.memory_space<vmem>>, vector<16xf32>,
    %swap3A_3 = vector.shape_cast %swap3A_2 : vector<16xf32> to vector<16xf32>
    %swap3A_4 = vector.shape_cast %broadcast_in_dim3A_1 : vector<16xf32> to vector<16xf32>
    tpu.vector_store %arg5[%swap3A], %swap3A_4 {strides = array<i32>} : memref<80xf32, #tpu.memory_space<vmem>>, vector<16xf32>,
    %broadcast_in_dim3A_5 = arith.constant 1.000000e+00 : f32
    %broadcast_in_dim3A_6 = vector.broadcast %broadcast_in_dim3A_5 : f32 to vector<16xf32>
    %swap3A_7 = arith.constant 16 : index
    %swap3A_8 = tpu.vector_load %arg5[%swap3A_7] {strides = array<i32>} : memref<80xf32, #tpu.memory_space<vmem>>, vector<16xf32>,
    %swap3A_9 = vector.shape_cast %swap3A_8 : vector<16xf32> to vector<16xf32>
    %swap3A_10 = vector.shape_cast %broadcast_in_dim3A_6 : vector<16xf32> to vector<16xf32>
    tpu.vector_store %arg5[%swap3A_7], %swap3A_10 {strides = array<i32>} : memref<80xf32, #tpu.memory_space<vmem>>, vector<16xf32>,
    %broadcast_in_dim3A_11 = arith.constant 1.000000e+00 : f32
    %broadcast_in_dim3A_12 = vector.broadcast %broadcast_in_dim3A_11 : f32 to vector<16xf32>
    %swap3A_13 = arith.constant 32 : index
    %swap3A_14 = tpu.vector_load %arg5[%swap3A_13] {strides = array<i32>} : memref<80xf32, #tpu.memory_space<vmem>>, vector<16xf32>,
    %swap3A_15 = vector.shape_cast %swap3A_14 : vector<16xf32> to vector<16xf32>
    %swap3A_16 = vector.shape_cast %broadcast_in_dim3A_12 : vector<16xf32> to vector<16xf32>
    tpu.vector_store %arg5[%swap3A_13], %swap3A_16 {strides = array<i32>} : memref<80xf32, #tpu.memory_space<vmem>>, vector<16xf32>,
    %broadcast_in_dim3A_17 = arith.constant 1.000000e+00 : f32
    %broadcast_in_dim3A_18 = vector.broadcast %broadcast_in_dim3A_17 : f32 to vector<16xf32>
    %swap3A_19 = arith.constant 48 : index
    %swap3A_20 = tpu.vector_load %arg5[%swap3A_19] {strides = array<i32>} : memref<80xf32, #tpu.memory_space<vmem>>, vector<16xf32>,
    %swap3A_21 = vector.shape_cast %swap3A_20 : vector<16xf32> to vector<16xf32>
    %swap3A_22 = vector.shape_cast %broadcast_in_dim3A_18 : vector<16xf32> to vector<16xf32>
    tpu.vector_store %arg5[%swap3A_19], %swap3A_22 {strides = array<i32>} : memref<80xf32, #tpu.memory_space<vmem>>, vector<16xf32>,
    %broadcast_in_dim3A_23 = arith.constant 1.000000e+00 : f32
    %broadcast_in_dim3A_24 = vector.broadcast %broadcast_in_dim3A_23 : f32 to vector<16xf32>
    %swap3A_25 = arith.constant 64 : index
    %swap3A_26 = tpu.vector_load %arg5[%swap3A_25] {strides = array<i32>} : memref<80xf32, #tpu.memory_space<vmem>>, vector<16xf32>,
    %swap3A_27 = vector.shape_cast %swap3A_26 : vector<16xf32> to vector<16xf32>
    %swap3A_28 = vector.shape_cast %broadcast_in_dim3A_24 : vector<16xf32> to vector<16xf32>
    tpu.vector_store %arg5[%swap3A_25], %swap3A_28 {strides = array<i32>} : memref<80xf32, #tpu.memory_space<vmem>>, vector<16xf32>,
    %scan3A = arith.constant 0 : i32
    %scan3A_29 = arith.constant 0 : i32
    %scan3A_30 = arith.constant 40 : i32
    %scan3A_31 = arith.addi %scan3A_29, %scan3A_30 : i32
    %scan3A_32 = arith.constant 1 : i32
    scf.for %scan3A_43 = %scan3A_29 to %scan3A_31 step %scan3A_32  : i32 {
      %broadcast_in_dim3A_44 = arith.constant 0.000000e+00 : f32
      %broadcast_in_dim3A_45 = vector.broadcast %broadcast_in_dim3A_44 : f32 to vector<16xf32>
      %mul3A_46 = arith.constant 16 : i32
      %mul3A_47 = arith.muli %scan3A_43, %mul3A_46 : i32
      %swap3A_48 = arith.index_cast %mul3A_47 : i32 to index
      %swap3A_49 = tpu.vector_load %arg6[%swap3A_48] {strides = array<i32>} : memref<640xf32, #tpu.memory_space<vmem>>, vector<16xf32>,
      %swap3A_50 = vector.shape_cast %swap3A_49 : vector<16xf32> to vector<16xf32>
      %swap3A_51 = vector.shape_cast %broadcast_in_dim3A_45 : vector<16xf32> to vector<16xf32>
      tpu.vector_store %arg6[%swap3A_48], %swap3A_51 {strides = array<i32>} : memref<640xf32, #tpu.memory_space<vmem>>, vector<16xf32>,
    }
    %scan3A_33 = arith.constant 40 : i32
    %run_scoped3A = arith.constant 0 : i32
    "tpu.region"() ({
      %run_scoped3A_43 = tpu.sem_alloc : memref<!tpu.dma_semaphore, #tpu.memory_space<semaphore_mem>>
      %dma_start3A = arith.constant 0 : i32
      %dma_start3A_44 = arith.constant 0 : i32
      %dma_start3A_45 = arith.constant 0 : i32
      %dma_start3A_46 = tpu.memref_slice %arg2[%run_scoped3A, %dma_start3A, %dma_start3A_44, %dma_start3A_45] : memref<2x32x125x80xi32, #tpu.memory_space<hbm>> -> memref<1x32x125x80xi32, #tpu.memory_space<hbm>>
      %dma_start3A_47 = tpu.memref_squeeze %dma_start3A_46 : memref<1x32x125x80xi32, #tpu.memory_space<hbm>> -> memref<32x125x80xi32, #tpu.memory_space<hbm>>
      %dma_start3A_48 = arith.constant 0 : i32
      %dma_start3A_49 = arith.constant 0 : i32
      %dma_start3A_50 = tpu.memref_slice %dma_start3A_47[%add3A, %dma_start3A_48, %dma_start3A_49] : memref<32x125x80xi32, #tpu.memory_space<hbm>> -> memref<1x125x80xi32, #tpu.memory_space<hbm>>
      %dma_start3A_51 = tpu.memref_squeeze %dma_start3A_50 : memref<1x125x80xi32, #tpu.memory_space<hbm>> -> memref<125x80xi32, #tpu.memory_space<hbm>>
      %dma_start3A_52 = arith.constant 0 : i32
      %dma_start3A_53 = arith.constant 0 : i32
      %dma_start3A_54 = arith.constant 0 : i32
      %dma_start3A_55 = tpu.memref_slice %arg2[%run_scoped3A, %dma_start3A_52, %dma_start3A_53, %dma_start3A_54] : memref<2x32x125x80xi32, #tpu.memory_space<hbm>> -> memref<1x32x125x80xi32, #tpu.memory_space<hbm>>
      %dma_start3A_56 = tpu.memref_squeeze %dma_start3A_55 : memref<1x32x125x80xi32, #tpu.memory_space<hbm>> -> memref<32x125x80xi32, #tpu.memory_space<hbm>>
      %dma_start3A_57 = arith.constant 0 : i32
      %dma_start3A_58 = arith.constant 0 : i32
      %dma_start3A_59 = tpu.memref_slice %dma_start3A_56[%add3A, %dma_start3A_57, %dma_start3A_58] : memref<32x125x80xi32, #tpu.memory_space<hbm>> -> memref<1x125x80xi32, #tpu.memory_space<hbm>>
      %dma_start3A_60 = tpu.memref_squeeze %dma_start3A_59 : memref<1x125x80xi32, #tpu.memory_space<hbm>> -> memref<125x80xi32, #tpu.memory_space<hbm>>
      tpu.enqueue_dma source(%dma_start3A_60 : memref<125x80xi32, #tpu.memory_space<hbm>>) target(%arg4 : memref<125x80xi32, #tpu.memory_space<vmem>>) target_semaphore(%run_scoped3A_43 : memref<!tpu.dma_semaphore, #tpu.memory_space<semaphore_mem>>)
      %dma_wait3A = arith.constant 0 : i32
      %dma_wait3A_61 = arith.constant 0 : i32
      %dma_wait3A_62 = arith.constant 0 : i32
      %dma_wait3A_63 = tpu.memref_slice %arg2[%run_scoped3A, %dma_wait3A, %dma_wait3A_61, %dma_wait3A_62] : memref<2x32x125x80xi32, #tpu.memory_space<hbm>> -> memref<1x32x125x80xi32, #tpu.memory_space<hbm>>
      %dma_wait3A_64 = tpu.memref_squeeze %dma_wait3A_63 : memref<1x32x125x80xi32, #tpu.memory_space<hbm>> -> memref<32x125x80xi32, #tpu.memory_space<hbm>>
      %dma_wait3A_65 = arith.constant 0 : i32
      %dma_wait3A_66 = arith.constant 0 : i32
      %dma_wait3A_67 = tpu.memref_slice %dma_wait3A_64[%add3A, %dma_wait3A_65, %dma_wait3A_66] : memref<32x125x80xi32, #tpu.memory_space<hbm>> -> memref<1x125x80xi32, #tpu.memory_space<hbm>>
      %dma_wait3A_68 = tpu.memref_squeeze %dma_wait3A_67 : memref<1x125x80xi32, #tpu.memory_space<hbm>> -> memref<125x80xi32, #tpu.memory_space<hbm>>
      %dma_wait3A_69 = arith.constant 0 : i32
      %dma_wait3A_70 = arith.constant 0 : i32
      %dma_wait3A_71 = arith.constant 0 : i32
      %dma_wait3A_72 = tpu.memref_slice %arg2[%run_scoped3A, %dma_wait3A_69, %dma_wait3A_70, %dma_wait3A_71] : memref<2x32x125x80xi32, #tpu.memory_space<hbm>> -> memref<1x32x125x80xi32, #tpu.memory_space<hbm>>
      %dma_wait3A_73 = tpu.memref_squeeze %dma_wait3A_72 : memref<1x32x125x80xi32, #tpu.memory_space<hbm>> -> memref<32x125x80xi32, #tpu.memory_space<hbm>>
      %dma_wait3A_74 = arith.constant 0 : i32
      %dma_wait3A_75 = arith.constant 0 : i32
      %dma_wait3A_76 = tpu.memref_slice %dma_wait3A_73[%add3A, %dma_wait3A_74, %dma_wait3A_75] : memref<32x125x80xi32, #tpu.memory_space<hbm>> -> memref<1x125x80xi32, #tpu.memory_space<hbm>>
      %dma_wait3A_77 = tpu.memref_squeeze %dma_wait3A_76 : memref<1x125x80xi32, #tpu.memory_space<hbm>> -> memref<125x80xi32, #tpu.memory_space<hbm>>
      tpu.wait_dma2 semaphore(%run_scoped3A_43 : memref<!tpu.dma_semaphore, #tpu.memory_space<semaphore_mem>>) src(%dma_wait3A_77 : memref<125x80xi32, #tpu.memory_space<hbm>>) dst(%arg4 : memref<125x80xi32, #tpu.memory_space<vmem>>)
      tpu.yield
    }) : () -> ()
    %mul3A_34 = arith.constant 640 : i32
    %mul3A_35 = arith.muli %arg1, %mul3A_34 : i32
    "tpu.region"() ({
      %run_scoped3A_43 = tpu.sem_alloc : memref<!tpu.dma_semaphore, #tpu.memory_space<semaphore_mem>>
      %dma_start3A = tpu.memref_slice %arg7[%mul3A_35] : memref<10240xf32, #tpu.memory_space<vmem_shared>> -> memref<640xf32, #tpu.memory_space<vmem_shared>>
      %dma_start3A_44 = tpu.memref_slice %arg7[%mul3A_35] : memref<10240xf32, #tpu.memory_space<vmem_shared>> -> memref<640xf32, #tpu.memory_space<vmem_shared>>
      tpu.enqueue_dma source(%arg6 : memref<640xf32, #tpu.memory_space<vmem>>) target(%dma_start3A_44 : memref<640xf32, #tpu.memory_space<vmem_shared>>) target_semaphore(%run_scoped3A_43 : memref<!tpu.dma_semaphore, #tpu.memory_space<semaphore_mem>>)
      %dma_wait3A = tpu.memref_slice %arg7[%mul3A_35] : memref<10240xf32, #tpu.memory_space<vmem_shared>> -> memref<640xf32, #tpu.memory_space<vmem_shared>>
      %dma_wait3A_45 = tpu.memref_slice %arg7[%mul3A_35] : memref<10240xf32, #tpu.memory_space<vmem_shared>> -> memref<640xf32, #tpu.memory_space<vmem_shared>>
      tpu.wait_dma2 semaphore(%run_scoped3A_43 : memref<!tpu.dma_semaphore, #tpu.memory_space<semaphore_mem>>) src(%arg6 : memref<640xf32, #tpu.memory_space<vmem>>) dst(%dma_wait3A_45 : memref<640xf32, #tpu.memory_space<vmem_shared>>)
      tpu.yield
    }) : () -> ()
    %barrier3A = arith.constant 0 : index
    tpu.barrier barrier_id(%barrier3A)
    %scan3A_36 = arith.constant 0 : i32
    %scan3A_37 = arith.constant 0 : i32
    %scan3A_38 = arith.constant 125 : i32
    %scan3A_39 = arith.addi %scan3A_37, %scan3A_38 : i32
    %scan3A_40 = arith.constant 1 : i32
    scf.for %scan3A_43 = %scan3A_37 to %scan3A_39 step %scan3A_40  : i32 {
      "tpu.region"() ({
        %run_scoped3A_44 = tpu.sem_alloc : memref<!tpu.dma_semaphore, #tpu.memory_space<semaphore_mem>>
        %dma_start3A = arith.constant 0 : i32
        %dma_start3A_45 = tpu.memref_slice %arg4[%scan3A_43, %dma_start3A] : memref<125x80xi32, #tpu.memory_space<vmem>> -> memref<1x80xi32, #tpu.memory_space<vmem>>
        %dma_start3A_46 = tpu.memref_squeeze %dma_start3A_45 : memref<1x80xi32, #tpu.memory_space<vmem>> -> memref<80xi32, #tpu.memory_space<vmem>>
        %dma_start3A_47 = arith.constant 0 : i32
        %dma_start3A_48 = tpu.memref_slice %arg7[%dma_start3A_47] : memref<10240xf32, #tpu.memory_space<vmem_shared>> -> memref<10240xf32, #tpu.memory_space<vmem_shared>>
        tpu.enqueue_indirect_dma source(%arg5 : memref<80xf32, #tpu.memory_space<vmem>>) target(%dma_start3A_48 : memref<10240xf32, #tpu.memory_space<vmem_shared>>) offsets(%dma_start3A_46 : memref<80xi32, #tpu.memory_space<vmem>>) semaphore(%run_scoped3A_44 : memref<!tpu.dma_semaphore, #tpu.memory_space<semaphore_mem>>) {add = true}
        %dma_wait3A = arith.constant 0 : i32
        %dma_wait3A_49 = tpu.memref_slice %arg4[%scan3A_43, %dma_wait3A] : memref<125x80xi32, #tpu.memory_space<vmem>> -> memref<1x80xi32, #tpu.memory_space<vmem>>
        %dma_wait3A_50 = tpu.memref_squeeze %dma_wait3A_49 : memref<1x80xi32, #tpu.memory_space<vmem>> -> memref<80xi32, #tpu.memory_space<vmem>>
        %dma_wait3A_51 = arith.constant 0 : i32
        %dma_wait3A_52 = tpu.memref_slice %arg7[%dma_wait3A_51] : memref<10240xf32, #tpu.memory_space<vmem_shared>> -> memref<10240xf32, #tpu.memory_space<vmem_shared>>
        tpu.wait_indirect_dma semaphore(%run_scoped3A_44 : memref<!tpu.dma_semaphore, #tpu.memory_space<semaphore_mem>>) src(%arg5 : memref<80xf32, #tpu.memory_space<vmem>>) dst(%dma_wait3A_52 : memref<10240xf32, #tpu.memory_space<vmem_shared>>)
        tpu.yield
      }) : () -> ()
    }
    %scan3A_41 = arith.constant 125 : i32
    %barrier3A_42 = arith.constant 0 : index
    tpu.barrier barrier_id(%barrier3A_42)
    "tpu.region"() ({
      %run_scoped3A_43 = tpu.sem_alloc : memref<!tpu.dma_semaphore, #tpu.memory_space<semaphore_mem>>
      %dma_start3A = arith.constant 0 : i32
      %dma_start3A_44 = tpu.memref_slice %arg3[%arg0, %dma_start3A] : memref<2x10240xf32, #tpu.memory_space<hbm>> -> memref<1x10240xf32, #tpu.memory_space<hbm>>
      %dma_start3A_45 = tpu.memref_squeeze %dma_start3A_44 : memref<1x10240xf32, #tpu.memory_space<hbm>> -> memref<10240xf32, #tpu.memory_space<hbm>>
      %dma_start3A_46 = tpu.memref_slice %dma_start3A_45[%mul3A_35] : memref<10240xf32, #tpu.memory_space<hbm>> -> memref<640xf32, #tpu.memory_space<hbm>>
      %dma_start3A_47 = tpu.memref_slice %arg7[%mul3A_35] : memref<10240xf32, #tpu.memory_space<vmem_shared>> -> memref<640xf32, #tpu.memory_space<vmem_shared>>
      tpu.enqueue_dma source(%dma_start3A_47 : memref<640xf32, #tpu.memory_space<vmem_shared>>) target(%dma_start3A_46 : memref<640xf32, #tpu.memory_space<hbm>>) target_semaphore(%run_scoped3A_43 : memref<!tpu.dma_semaphore, #tpu.memory_space<semaphore_mem>>)
      %dma_wait3A = arith.constant 0 : i32
      %dma_wait3A_48 = tpu.memref_slice %arg3[%arg0, %dma_wait3A] : memref<2x10240xf32, #tpu.memory_space<hbm>> -> memref<1x10240xf32, #tpu.memory_space<hbm>>
      %dma_wait3A_49 = tpu.memref_squeeze %dma_wait3A_48 : memref<1x10240xf32, #tpu.memory_space<hbm>> -> memref<10240xf32, #tpu.memory_space<hbm>>
      %dma_wait3A_50 = tpu.memref_slice %dma_wait3A_49[%mul3A_35] : memref<10240xf32, #tpu.memory_space<hbm>> -> memref<640xf32, #tpu.memory_space<hbm>>
      %dma_wait3A_51 = tpu.memref_slice %arg7[%mul3A_35] : memref<10240xf32, #tpu.memory_space<vmem_shared>> -> memref<640xf32, #tpu.memory_space<vmem_shared>>
      tpu.wait_dma2 semaphore(%run_scoped3A_43 : memref<!tpu.dma_semaphore, #tpu.memory_space<semaphore_mem>>) src(%dma_wait3A_51 : memref<640xf32, #tpu.memory_space<vmem_shared>>) dst(%dma_wait3A_50 : memref<640xf32, #tpu.memory_space<hbm>>)
      tpu.yield
    }) : () -> ()
    return
  }
}

#map = affine_map<(d0, d1) -> (0, 0)>
#map1 = affine_map<(d0, d1) -> (0, 0, 0, 0)>
#map2 = affine_map<(d0, d1) -> (0, 0, 0)>
module attributes {stable_mosaic.version = 14 : i64} {
  func.func @k(%arg0: i32, %arg1: i32, %arg2: memref<10000x16xf32, #tpu.memory_space<hbm>>, %arg3: memref<2x32x125x80xi32, #tpu.memory_space<hbm>>, %arg4: memref<2x10240x16xf32, #tpu.memory_space<hbm>>, %arg5: memref<125x80xi32, #tpu.memory_space<vmem>>, %arg6: memref<125x80xi32, #tpu.memory_space<vmem>>, %arg7: memref<80x16xf32, #tpu.memory_space<vmem>>, %arg8: memref<80x16xf32, #tpu.memory_space<vmem>>, %arg9: memref<80x16xf32, #tpu.memory_space<vmem>>, %arg10: memref<80x16xf32, #tpu.memory_space<vmem>>, %arg11: memref<80x16xf32, #tpu.memory_space<vmem>>, %arg12: memref<10240x16xf32, #tpu.memory_space<vmem_shared>>, %arg13: memref<5x!tpu.dma_semaphore, #tpu.memory_space<semaphore_mem>>, %arg14: memref<5x!tpu.dma_semaphore, #tpu.memory_space<semaphore_mem>>) attributes {dimension_semantics = [#tpu.dimension_semantics<core_parallel>, #tpu.dimension_semantics<subcore_parallel>], iteration_bounds = array<i64: 2, 16>, scalar_prefetch = 0 : i64, scratch_operands = 10 : i64, tpu.core_type = #tpu.core_type<sc_vector_subcore>, window_params = [{transform_indices = #map}, {transform_indices = #map1}, {transform_indices = #map2}]} {
    %mul3A = arith.constant 16 : i32
    %mul3A_0 = arith.muli %arg0, %mul3A : i32
    %add3A = arith.addi %mul3A_0, %arg1 : i32
    %run_scoped3A = arith.constant 0 : i32
    "tpu.region"() ({
      %run_scoped3A_130 = tpu.sem_alloc : memref<!tpu.dma_semaphore, #tpu.memory_space<semaphore_mem>>
      %dma_start3A_131 = arith.constant 0 : i32
      %dma_start3A_132 = arith.constant 0 : i32
      %dma_start3A_133 = arith.constant 0 : i32
      %dma_start3A_134 = tpu.memref_slice %arg3[%run_scoped3A, %dma_start3A_131, %dma_start3A_132, %dma_start3A_133] : memref<2x32x125x80xi32, #tpu.memory_space<hbm>> -> memref<1x32x125x80xi32, #tpu.memory_space<hbm>>
      %dma_start3A_135 = tpu.memref_squeeze %dma_start3A_134 : memref<1x32x125x80xi32, #tpu.memory_space<hbm>> -> memref<32x125x80xi32, #tpu.memory_space<hbm>>
      %dma_start3A_136 = arith.constant 0 : i32
      %dma_start3A_137 = arith.constant 0 : i32
      %dma_start3A_138 = tpu.memref_slice %dma_start3A_135[%add3A, %dma_start3A_136, %dma_start3A_137] : memref<32x125x80xi32, #tpu.memory_space<hbm>> -> memref<1x125x80xi32, #tpu.memory_space<hbm>>
      %dma_start3A_139 = tpu.memref_squeeze %dma_start3A_138 : memref<1x125x80xi32, #tpu.memory_space<hbm>> -> memref<125x80xi32, #tpu.memory_space<hbm>>
      %dma_start3A_140 = arith.constant 0 : i32
      %dma_start3A_141 = arith.constant 0 : i32
      %dma_start3A_142 = arith.constant 0 : i32
      %dma_start3A_143 = tpu.memref_slice %arg3[%run_scoped3A, %dma_start3A_140, %dma_start3A_141, %dma_start3A_142] : memref<2x32x125x80xi32, #tpu.memory_space<hbm>> -> memref<1x32x125x80xi32, #tpu.memory_space<hbm>>
      %dma_start3A_144 = tpu.memref_squeeze %dma_start3A_143 : memref<1x32x125x80xi32, #tpu.memory_space<hbm>> -> memref<32x125x80xi32, #tpu.memory_space<hbm>>
      %dma_start3A_145 = arith.constant 0 : i32
      %dma_start3A_146 = arith.constant 0 : i32
      %dma_start3A_147 = tpu.memref_slice %dma_start3A_144[%add3A, %dma_start3A_145, %dma_start3A_146] : memref<32x125x80xi32, #tpu.memory_space<hbm>> -> memref<1x125x80xi32, #tpu.memory_space<hbm>>
      %dma_start3A_148 = tpu.memref_squeeze %dma_start3A_147 : memref<1x125x80xi32, #tpu.memory_space<hbm>> -> memref<125x80xi32, #tpu.memory_space<hbm>>
      tpu.enqueue_dma source(%dma_start3A_148 : memref<125x80xi32, #tpu.memory_space<hbm>>) target(%arg5 : memref<125x80xi32, #tpu.memory_space<vmem>>) target_semaphore(%run_scoped3A_130 : memref<!tpu.dma_semaphore, #tpu.memory_space<semaphore_mem>>)
      %dma_wait3A_149 = arith.constant 0 : i32
      %dma_wait3A_150 = arith.constant 0 : i32
      %dma_wait3A_151 = arith.constant 0 : i32
      %dma_wait3A_152 = tpu.memref_slice %arg3[%run_scoped3A, %dma_wait3A_149, %dma_wait3A_150, %dma_wait3A_151] : memref<2x32x125x80xi32, #tpu.memory_space<hbm>> -> memref<1x32x125x80xi32, #tpu.memory_space<hbm>>
      %dma_wait3A_153 = tpu.memref_squeeze %dma_wait3A_152 : memref<1x32x125x80xi32, #tpu.memory_space<hbm>> -> memref<32x125x80xi32, #tpu.memory_space<hbm>>
      %dma_wait3A_154 = arith.constant 0 : i32
      %dma_wait3A_155 = arith.constant 0 : i32
      %dma_wait3A_156 = tpu.memref_slice %dma_wait3A_153[%add3A, %dma_wait3A_154, %dma_wait3A_155] : memref<32x125x80xi32, #tpu.memory_space<hbm>> -> memref<1x125x80xi32, #tpu.memory_space<hbm>>
      %dma_wait3A_157 = tpu.memref_squeeze %dma_wait3A_156 : memref<1x125x80xi32, #tpu.memory_space<hbm>> -> memref<125x80xi32, #tpu.memory_space<hbm>>
      %dma_wait3A_158 = arith.constant 0 : i32
      %dma_wait3A_159 = arith.constant 0 : i32
      %dma_wait3A_160 = arith.constant 0 : i32
      %dma_wait3A_161 = tpu.memref_slice %arg3[%run_scoped3A, %dma_wait3A_158, %dma_wait3A_159, %dma_wait3A_160] : memref<2x32x125x80xi32, #tpu.memory_space<hbm>> -> memref<1x32x125x80xi32, #tpu.memory_space<hbm>>
      %dma_wait3A_162 = tpu.memref_squeeze %dma_wait3A_161 : memref<1x32x125x80xi32, #tpu.memory_space<hbm>> -> memref<32x125x80xi32, #tpu.memory_space<hbm>>
      %dma_wait3A_163 = arith.constant 0 : i32
      %dma_wait3A_164 = arith.constant 0 : i32
      %dma_wait3A_165 = tpu.memref_slice %dma_wait3A_162[%add3A, %dma_wait3A_163, %dma_wait3A_164] : memref<32x125x80xi32, #tpu.memory_space<hbm>> -> memref<1x125x80xi32, #tpu.memory_space<hbm>>
      %dma_wait3A_166 = tpu.memref_squeeze %dma_wait3A_165 : memref<1x125x80xi32, #tpu.memory_space<hbm>> -> memref<125x80xi32, #tpu.memory_space<hbm>>
      tpu.wait_dma2 semaphore(%run_scoped3A_130 : memref<!tpu.dma_semaphore, #tpu.memory_space<semaphore_mem>>) src(%dma_wait3A_166 : memref<125x80xi32, #tpu.memory_space<hbm>>) dst(%arg5 : memref<125x80xi32, #tpu.memory_space<vmem>>)
      tpu.yield
    }) : () -> ()
    %run_scoped3A_1 = arith.constant 1 : i32
    "tpu.region"() ({
      %run_scoped3A_130 = tpu.sem_alloc : memref<!tpu.dma_semaphore, #tpu.memory_space<semaphore_mem>>
      %dma_start3A_131 = arith.constant 0 : i32
      %dma_start3A_132 = arith.constant 0 : i32
      %dma_start3A_133 = arith.constant 0 : i32
      %dma_start3A_134 = tpu.memref_slice %arg3[%run_scoped3A_1, %dma_start3A_131, %dma_start3A_132, %dma_start3A_133] : memref<2x32x125x80xi32, #tpu.memory_space<hbm>> -> memref<1x32x125x80xi32, #tpu.memory_space<hbm>>
      %dma_start3A_135 = tpu.memref_squeeze %dma_start3A_134 : memref<1x32x125x80xi32, #tpu.memory_space<hbm>> -> memref<32x125x80xi32, #tpu.memory_space<hbm>>
      %dma_start3A_136 = arith.constant 0 : i32
      %dma_start3A_137 = arith.constant 0 : i32
      %dma_start3A_138 = tpu.memref_slice %dma_start3A_135[%add3A, %dma_start3A_136, %dma_start3A_137] : memref<32x125x80xi32, #tpu.memory_space<hbm>> -> memref<1x125x80xi32, #tpu.memory_space<hbm>>
      %dma_start3A_139 = tpu.memref_squeeze %dma_start3A_138 : memref<1x125x80xi32, #tpu.memory_space<hbm>> -> memref<125x80xi32, #tpu.memory_space<hbm>>
      %dma_start3A_140 = arith.constant 0 : i32
      %dma_start3A_141 = arith.constant 0 : i32
      %dma_start3A_142 = arith.constant 0 : i32
      %dma_start3A_143 = tpu.memref_slice %arg3[%run_scoped3A_1, %dma_start3A_140, %dma_start3A_141, %dma_start3A_142] : memref<2x32x125x80xi32, #tpu.memory_space<hbm>> -> memref<1x32x125x80xi32, #tpu.memory_space<hbm>>
      %dma_start3A_144 = tpu.memref_squeeze %dma_start3A_143 : memref<1x32x125x80xi32, #tpu.memory_space<hbm>> -> memref<32x125x80xi32, #tpu.memory_space<hbm>>
      %dma_start3A_145 = arith.constant 0 : i32
      %dma_start3A_146 = arith.constant 0 : i32
      %dma_start3A_147 = tpu.memref_slice %dma_start3A_144[%add3A, %dma_start3A_145, %dma_start3A_146] : memref<32x125x80xi32, #tpu.memory_space<hbm>> -> memref<1x125x80xi32, #tpu.memory_space<hbm>>
      %dma_start3A_148 = tpu.memref_squeeze %dma_start3A_147 : memref<1x125x80xi32, #tpu.memory_space<hbm>> -> memref<125x80xi32, #tpu.memory_space<hbm>>
      tpu.enqueue_dma source(%dma_start3A_148 : memref<125x80xi32, #tpu.memory_space<hbm>>) target(%arg6 : memref<125x80xi32, #tpu.memory_space<vmem>>) target_semaphore(%run_scoped3A_130 : memref<!tpu.dma_semaphore, #tpu.memory_space<semaphore_mem>>)
      %dma_wait3A_149 = arith.constant 0 : i32
      %dma_wait3A_150 = arith.constant 0 : i32
      %dma_wait3A_151 = arith.constant 0 : i32
      %dma_wait3A_152 = tpu.memref_slice %arg3[%run_scoped3A_1, %dma_wait3A_149, %dma_wait3A_150, %dma_wait3A_151] : memref<2x32x125x80xi32, #tpu.memory_space<hbm>> -> memref<1x32x125x80xi32, #tpu.memory_space<hbm>>
      %dma_wait3A_153 = tpu.memref_squeeze %dma_wait3A_152 : memref<1x32x125x80xi32, #tpu.memory_space<hbm>> -> memref<32x125x80xi32, #tpu.memory_space<hbm>>
      %dma_wait3A_154 = arith.constant 0 : i32
      %dma_wait3A_155 = arith.constant 0 : i32
      %dma_wait3A_156 = tpu.memref_slice %dma_wait3A_153[%add3A, %dma_wait3A_154, %dma_wait3A_155] : memref<32x125x80xi32, #tpu.memory_space<hbm>> -> memref<1x125x80xi32, #tpu.memory_space<hbm>>
      %dma_wait3A_157 = tpu.memref_squeeze %dma_wait3A_156 : memref<1x125x80xi32, #tpu.memory_space<hbm>> -> memref<125x80xi32, #tpu.memory_space<hbm>>
      %dma_wait3A_158 = arith.constant 0 : i32
      %dma_wait3A_159 = arith.constant 0 : i32
      %dma_wait3A_160 = arith.constant 0 : i32
      %dma_wait3A_161 = tpu.memref_slice %arg3[%run_scoped3A_1, %dma_wait3A_158, %dma_wait3A_159, %dma_wait3A_160] : memref<2x32x125x80xi32, #tpu.memory_space<hbm>> -> memref<1x32x125x80xi32, #tpu.memory_space<hbm>>
      %dma_wait3A_162 = tpu.memref_squeeze %dma_wait3A_161 : memref<1x32x125x80xi32, #tpu.memory_space<hbm>> -> memref<32x125x80xi32, #tpu.memory_space<hbm>>
      %dma_wait3A_163 = arith.constant 0 : i32
      %dma_wait3A_164 = arith.constant 0 : i32
      %dma_wait3A_165 = tpu.memref_slice %dma_wait3A_162[%add3A, %dma_wait3A_163, %dma_wait3A_164] : memref<32x125x80xi32, #tpu.memory_space<hbm>> -> memref<1x125x80xi32, #tpu.memory_space<hbm>>
      %dma_wait3A_166 = tpu.memref_squeeze %dma_wait3A_165 : memref<1x125x80xi32, #tpu.memory_space<hbm>> -> memref<125x80xi32, #tpu.memory_space<hbm>>
      tpu.wait_dma2 semaphore(%run_scoped3A_130 : memref<!tpu.dma_semaphore, #tpu.memory_space<semaphore_mem>>) src(%dma_wait3A_166 : memref<125x80xi32, #tpu.memory_space<hbm>>) dst(%arg6 : memref<125x80xi32, #tpu.memory_space<vmem>>)
      tpu.yield
    }) : () -> ()
    %scan3A = arith.constant 0 : i32
    %scan3A_2 = arith.constant 0 : i32
    %scan3A_3 = arith.constant 80 : i32
    %scan3A_4 = arith.addi %scan3A_2, %scan3A_3 : i32
    %scan3A_5 = arith.constant 1 : i32
    scf.for %scan3A_130 = %scan3A_2 to %scan3A_4 step %scan3A_5  : i32 {
      %broadcast_in_dim3A = arith.constant 0.000000e+00 : f32
      %broadcast_in_dim3A_131 = vector.broadcast %broadcast_in_dim3A : f32 to vector<16xf32>
      %swap3A = arith.index_cast %scan3A_130 : i32 to index
      %swap3A_132 = arith.constant 0 : index
      %swap3A_133 = tpu.vector_load %arg7[%swap3A, %swap3A_132] {strides = array<i32>} : memref<80x16xf32, #tpu.memory_space<vmem>>, vector<1x16xf32>,
      %swap3A_134 = vector.shape_cast %swap3A_133 : vector<1x16xf32> to vector<16xf32>
      %swap3A_135 = vector.shape_cast %broadcast_in_dim3A_131 : vector<16xf32> to vector<1x16xf32>
      tpu.vector_store %arg7[%swap3A, %swap3A_132], %swap3A_135 {strides = array<i32>} : memref<80x16xf32, #tpu.memory_space<vmem>>, vector<1x16xf32>,
    }
    %scan3A_6 = arith.constant 80 : i32
    %mul3A_7 = arith.constant 640 : i32
    %mul3A_8 = arith.muli %arg1, %mul3A_7 : i32
    %add3A_9 = arith.constant 0 : i32
    %add3A_10 = arith.addi %mul3A_8, %add3A_9 : i32
    "tpu.region"() ({
      %run_scoped3A_130 = tpu.sem_alloc : memref<!tpu.dma_semaphore, #tpu.memory_space<semaphore_mem>>
      %dma_start3A_131 = arith.constant 0 : i32
      %dma_start3A_132 = tpu.memref_slice %arg12[%add3A_10, %dma_start3A_131] : memref<10240x16xf32, #tpu.memory_space<vmem_shared>> -> memref<80x16xf32, #tpu.memory_space<vmem_shared>>
      %dma_start3A_133 = arith.constant 0 : i32
      %dma_start3A_134 = tpu.memref_slice %arg12[%add3A_10, %dma_start3A_133] : memref<10240x16xf32, #tpu.memory_space<vmem_shared>> -> memref<80x16xf32, #tpu.memory_space<vmem_shared>>
      tpu.enqueue_dma source(%arg7 : memref<80x16xf32, #tpu.memory_space<vmem>>) target(%dma_start3A_134 : memref<80x16xf32, #tpu.memory_space<vmem_shared>>) target_semaphore(%run_scoped3A_130 : memref<!tpu.dma_semaphore, #tpu.memory_space<semaphore_mem>>)
      %dma_wait3A_135 = arith.constant 0 : i32
      %dma_wait3A_136 = tpu.memref_slice %arg12[%add3A_10, %dma_wait3A_135] : memref<10240x16xf32, #tpu.memory_space<vmem_shared>> -> memref<80x16xf32, #tpu.memory_space<vmem_shared>>
      %dma_wait3A_137 = arith.constant 0 : i32
      %dma_wait3A_138 = tpu.memref_slice %arg12[%add3A_10, %dma_wait3A_137] : memref<10240x16xf32, #tpu.memory_space<vmem_shared>> -> memref<80x16xf32, #tpu.memory_space<vmem_shared>>
      tpu.wait_dma2 semaphore(%run_scoped3A_130 : memref<!tpu.dma_semaphore, #tpu.memory_space<semaphore_mem>>) src(%arg7 : memref<80x16xf32, #tpu.memory_space<vmem>>) dst(%dma_wait3A_138 : memref<80x16xf32, #tpu.memory_space<vmem_shared>>)
      tpu.yield
    }) : () -> ()
    %add3A_11 = arith.constant 80 : i32
    %add3A_12 = arith.addi %mul3A_8, %add3A_11 : i32
    "tpu.region"() ({
      %run_scoped3A_130 = tpu.sem_alloc : memref<!tpu.dma_semaphore, #tpu.memory_space<semaphore_mem>>
      %dma_start3A_131 = arith.constant 0 : i32
      %dma_start3A_132 = tpu.memref_slice %arg12[%add3A_12, %dma_start3A_131] : memref<10240x16xf32, #tpu.memory_space<vmem_shared>> -> memref<80x16xf32, #tpu.memory_space<vmem_shared>>
      %dma_start3A_133 = arith.constant 0 : i32
      %dma_start3A_134 = tpu.memref_slice %arg12[%add3A_12, %dma_start3A_133] : memref<10240x16xf32, #tpu.memory_space<vmem_shared>> -> memref<80x16xf32, #tpu.memory_space<vmem_shared>>
      tpu.enqueue_dma source(%arg7 : memref<80x16xf32, #tpu.memory_space<vmem>>) target(%dma_start3A_134 : memref<80x16xf32, #tpu.memory_space<vmem_shared>>) target_semaphore(%run_scoped3A_130 : memref<!tpu.dma_semaphore, #tpu.memory_space<semaphore_mem>>)
      %dma_wait3A_135 = arith.constant 0 : i32
      %dma_wait3A_136 = tpu.memref_slice %arg12[%add3A_12, %dma_wait3A_135] : memref<10240x16xf32, #tpu.memory_space<vmem_shared>> -> memref<80x16xf32, #tpu.memory_space<vmem_shared>>
      %dma_wait3A_137 = arith.constant 0 : i32
      %dma_wait3A_138 = tpu.memref_slice %arg12[%add3A_12, %dma_wait3A_137] : memref<10240x16xf32, #tpu.memory_space<vmem_shared>> -> memref<80x16xf32, #tpu.memory_space<vmem_shared>>
      tpu.wait_dma2 semaphore(%run_scoped3A_130 : memref<!tpu.dma_semaphore, #tpu.memory_space<semaphore_mem>>) src(%arg7 : memref<80x16xf32, #tpu.memory_space<vmem>>) dst(%dma_wait3A_138 : memref<80x16xf32, #tpu.memory_space<vmem_shared>>)
      tpu.yield
    }) : () -> ()
    %add3A_13 = arith.constant 160 : i32
    %add3A_14 = arith.addi %mul3A_8, %add3A_13 : i32
    "tpu.region"() ({
      %run_scoped3A_130 = tpu.sem_alloc : memref<!tpu.dma_semaphore, #tpu.memory_space<semaphore_mem>>
      %dma_start3A_131 = arith.constant 0 : i32
      %dma_start3A_132 = tpu.memref_slice %arg12[%add3A_14, %dma_start3A_131] : memref<10240x16xf32, #tpu.memory_space<vmem_shared>> -> memref<80x16xf32, #tpu.memory_space<vmem_shared>>
      %dma_start3A_133 = arith.constant 0 : i32
      %dma_start3A_134 = tpu.memref_slice %arg12[%add3A_14, %dma_start3A_133] : memref<10240x16xf32, #tpu.memory_space<vmem_shared>> -> memref<80x16xf32, #tpu.memory_space<vmem_shared>>
      tpu.enqueue_dma source(%arg7 : memref<80x16xf32, #tpu.memory_space<vmem>>) target(%dma_start3A_134 : memref<80x16xf32, #tpu.memory_space<vmem_shared>>) target_semaphore(%run_scoped3A_130 : memref<!tpu.dma_semaphore, #tpu.memory_space<semaphore_mem>>)
      %dma_wait3A_135 = arith.constant 0 : i32
      %dma_wait3A_136 = tpu.memref_slice %arg12[%add3A_14, %dma_wait3A_135] : memref<10240x16xf32, #tpu.memory_space<vmem_shared>> -> memref<80x16xf32, #tpu.memory_space<vmem_shared>>
      %dma_wait3A_137 = arith.constant 0 : i32
      %dma_wait3A_138 = tpu.memref_slice %arg12[%add3A_14, %dma_wait3A_137] : memref<10240x16xf32, #tpu.memory_space<vmem_shared>> -> memref<80x16xf32, #tpu.memory_space<vmem_shared>>
      tpu.wait_dma2 semaphore(%run_scoped3A_130 : memref<!tpu.dma_semaphore, #tpu.memory_space<semaphore_mem>>) src(%arg7 : memref<80x16xf32, #tpu.memory_space<vmem>>) dst(%dma_wait3A_138 : memref<80x16xf32, #tpu.memory_space<vmem_shared>>)
      tpu.yield
    }) : () -> ()
    %add3A_15 = arith.constant 240 : i32
    %add3A_16 = arith.addi %mul3A_8, %add3A_15 : i32
    "tpu.region"() ({
      %run_scoped3A_130 = tpu.sem_alloc : memref<!tpu.dma_semaphore, #tpu.memory_space<semaphore_mem>>
      %dma_start3A_131 = arith.constant 0 : i32
      %dma_start3A_132 = tpu.memref_slice %arg12[%add3A_16, %dma_start3A_131] : memref<10240x16xf32, #tpu.memory_space<vmem_shared>> -> memref<80x16xf32, #tpu.memory_space<vmem_shared>>
      %dma_start3A_133 = arith.constant 0 : i32
      %dma_start3A_134 = tpu.memref_slice %arg12[%add3A_16, %dma_start3A_133] : memref<10240x16xf32, #tpu.memory_space<vmem_shared>> -> memref<80x16xf32, #tpu.memory_space<vmem_shared>>
      tpu.enqueue_dma source(%arg7 : memref<80x16xf32, #tpu.memory_space<vmem>>) target(%dma_start3A_134 : memref<80x16xf32, #tpu.memory_space<vmem_shared>>) target_semaphore(%run_scoped3A_130 : memref<!tpu.dma_semaphore, #tpu.memory_space<semaphore_mem>>)
      %dma_wait3A_135 = arith.constant 0 : i32
      %dma_wait3A_136 = tpu.memref_slice %arg12[%add3A_16, %dma_wait3A_135] : memref<10240x16xf32, #tpu.memory_space<vmem_shared>> -> memref<80x16xf32, #tpu.memory_space<vmem_shared>>
      %dma_wait3A_137 = arith.constant 0 : i32
      %dma_wait3A_138 = tpu.memref_slice %arg12[%add3A_16, %dma_wait3A_137] : memref<10240x16xf32, #tpu.memory_space<vmem_shared>> -> memref<80x16xf32, #tpu.memory_space<vmem_shared>>
      tpu.wait_dma2 semaphore(%run_scoped3A_130 : memref<!tpu.dma_semaphore, #tpu.memory_space<semaphore_mem>>) src(%arg7 : memref<80x16xf32, #tpu.memory_space<vmem>>) dst(%dma_wait3A_138 : memref<80x16xf32, #tpu.memory_space<vmem_shared>>)
      tpu.yield
    }) : () -> ()
    %add3A_17 = arith.constant 320 : i32
    %add3A_18 = arith.addi %mul3A_8, %add3A_17 : i32
    "tpu.region"() ({
      %run_scoped3A_130 = tpu.sem_alloc : memref<!tpu.dma_semaphore, #tpu.memory_space<semaphore_mem>>
      %dma_start3A_131 = arith.constant 0 : i32
      %dma_start3A_132 = tpu.memref_slice %arg12[%add3A_18, %dma_start3A_131] : memref<10240x16xf32, #tpu.memory_space<vmem_shared>> -> memref<80x16xf32, #tpu.memory_space<vmem_shared>>
      %dma_start3A_133 = arith.constant 0 : i32
      %dma_start3A_134 = tpu.memref_slice %arg12[%add3A_18, %dma_start3A_133] : memref<10240x16xf32, #tpu.memory_space<vmem_shared>> -> memref<80x16xf32, #tpu.memory_space<vmem_shared>>
      tpu.enqueue_dma source(%arg7 : memref<80x16xf32, #tpu.memory_space<vmem>>) target(%dma_start3A_134 : memref<80x16xf32, #tpu.memory_space<vmem_shared>>) target_semaphore(%run_scoped3A_130 : memref<!tpu.dma_semaphore, #tpu.memory_space<semaphore_mem>>)
      %dma_wait3A_135 = arith.constant 0 : i32
      %dma_wait3A_136 = tpu.memref_slice %arg12[%add3A_18, %dma_wait3A_135] : memref<10240x16xf32, #tpu.memory_space<vmem_shared>> -> memref<80x16xf32, #tpu.memory_space<vmem_shared>>
      %dma_wait3A_137 = arith.constant 0 : i32
      %dma_wait3A_138 = tpu.memref_slice %arg12[%add3A_18, %dma_wait3A_137] : memref<10240x16xf32, #tpu.memory_space<vmem_shared>> -> memref<80x16xf32, #tpu.memory_space<vmem_shared>>
      tpu.wait_dma2 semaphore(%run_scoped3A_130 : memref<!tpu.dma_semaphore, #tpu.memory_space<semaphore_mem>>) src(%arg7 : memref<80x16xf32, #tpu.memory_space<vmem>>) dst(%dma_wait3A_138 : memref<80x16xf32, #tpu.memory_space<vmem_shared>>)
      tpu.yield
    }) : () -> ()
    %add3A_19 = arith.constant 400 : i32
    %add3A_20 = arith.addi %mul3A_8, %add3A_19 : i32
    "tpu.region"() ({
      %run_scoped3A_130 = tpu.sem_alloc : memref<!tpu.dma_semaphore, #tpu.memory_space<semaphore_mem>>
      %dma_start3A_131 = arith.constant 0 : i32
      %dma_start3A_132 = tpu.memref_slice %arg12[%add3A_20, %dma_start3A_131] : memref<10240x16xf32, #tpu.memory_space<vmem_shared>> -> memref<80x16xf32, #tpu.memory_space<vmem_shared>>
      %dma_start3A_133 = arith.constant 0 : i32
      %dma_start3A_134 = tpu.memref_slice %arg12[%add3A_20, %dma_start3A_133] : memref<10240x16xf32, #tpu.memory_space<vmem_shared>> -> memref<80x16xf32, #tpu.memory_space<vmem_shared>>
      tpu.enqueue_dma source(%arg7 : memref<80x16xf32, #tpu.memory_space<vmem>>) target(%dma_start3A_134 : memref<80x16xf32, #tpu.memory_space<vmem_shared>>) target_semaphore(%run_scoped3A_130 : memref<!tpu.dma_semaphore, #tpu.memory_space<semaphore_mem>>)
      %dma_wait3A_135 = arith.constant 0 : i32
      %dma_wait3A_136 = tpu.memref_slice %arg12[%add3A_20, %dma_wait3A_135] : memref<10240x16xf32, #tpu.memory_space<vmem_shared>> -> memref<80x16xf32, #tpu.memory_space<vmem_shared>>
      %dma_wait3A_137 = arith.constant 0 : i32
      %dma_wait3A_138 = tpu.memref_slice %arg12[%add3A_20, %dma_wait3A_137] : memref<10240x16xf32, #tpu.memory_space<vmem_shared>> -> memref<80x16xf32, #tpu.memory_space<vmem_shared>>
      tpu.wait_dma2 semaphore(%run_scoped3A_130 : memref<!tpu.dma_semaphore, #tpu.memory_space<semaphore_mem>>) src(%arg7 : memref<80x16xf32, #tpu.memory_space<vmem>>) dst(%dma_wait3A_138 : memref<80x16xf32, #tpu.memory_space<vmem_shared>>)
      tpu.yield
    }) : () -> ()
    %add3A_21 = arith.constant 480 : i32
    %add3A_22 = arith.addi %mul3A_8, %add3A_21 : i32
    "tpu.region"() ({
      %run_scoped3A_130 = tpu.sem_alloc : memref<!tpu.dma_semaphore, #tpu.memory_space<semaphore_mem>>
      %dma_start3A_131 = arith.constant 0 : i32
      %dma_start3A_132 = tpu.memref_slice %arg12[%add3A_22, %dma_start3A_131] : memref<10240x16xf32, #tpu.memory_space<vmem_shared>> -> memref<80x16xf32, #tpu.memory_space<vmem_shared>>
      %dma_start3A_133 = arith.constant 0 : i32
      %dma_start3A_134 = tpu.memref_slice %arg12[%add3A_22, %dma_start3A_133] : memref<10240x16xf32, #tpu.memory_space<vmem_shared>> -> memref<80x16xf32, #tpu.memory_space<vmem_shared>>
      tpu.enqueue_dma source(%arg7 : memref<80x16xf32, #tpu.memory_space<vmem>>) target(%dma_start3A_134 : memref<80x16xf32, #tpu.memory_space<vmem_shared>>) target_semaphore(%run_scoped3A_130 : memref<!tpu.dma_semaphore, #tpu.memory_space<semaphore_mem>>)
      %dma_wait3A_135 = arith.constant 0 : i32
      %dma_wait3A_136 = tpu.memref_slice %arg12[%add3A_22, %dma_wait3A_135] : memref<10240x16xf32, #tpu.memory_space<vmem_shared>> -> memref<80x16xf32, #tpu.memory_space<vmem_shared>>
      %dma_wait3A_137 = arith.constant 0 : i32
      %dma_wait3A_138 = tpu.memref_slice %arg12[%add3A_22, %dma_wait3A_137] : memref<10240x16xf32, #tpu.memory_space<vmem_shared>> -> memref<80x16xf32, #tpu.memory_space<vmem_shared>>
      tpu.wait_dma2 semaphore(%run_scoped3A_130 : memref<!tpu.dma_semaphore, #tpu.memory_space<semaphore_mem>>) src(%arg7 : memref<80x16xf32, #tpu.memory_space<vmem>>) dst(%dma_wait3A_138 : memref<80x16xf32, #tpu.memory_space<vmem_shared>>)
      tpu.yield
    }) : () -> ()
    %add3A_23 = arith.constant 560 : i32
    %add3A_24 = arith.addi %mul3A_8, %add3A_23 : i32
    "tpu.region"() ({
      %run_scoped3A_130 = tpu.sem_alloc : memref<!tpu.dma_semaphore, #tpu.memory_space<semaphore_mem>>
      %dma_start3A_131 = arith.constant 0 : i32
      %dma_start3A_132 = tpu.memref_slice %arg12[%add3A_24, %dma_start3A_131] : memref<10240x16xf32, #tpu.memory_space<vmem_shared>> -> memref<80x16xf32, #tpu.memory_space<vmem_shared>>
      %dma_start3A_133 = arith.constant 0 : i32
      %dma_start3A_134 = tpu.memref_slice %arg12[%add3A_24, %dma_start3A_133] : memref<10240x16xf32, #tpu.memory_space<vmem_shared>> -> memref<80x16xf32, #tpu.memory_space<vmem_shared>>
      tpu.enqueue_dma source(%arg7 : memref<80x16xf32, #tpu.memory_space<vmem>>) target(%dma_start3A_134 : memref<80x16xf32, #tpu.memory_space<vmem_shared>>) target_semaphore(%run_scoped3A_130 : memref<!tpu.dma_semaphore, #tpu.memory_space<semaphore_mem>>)
      %dma_wait3A_135 = arith.constant 0 : i32
      %dma_wait3A_136 = tpu.memref_slice %arg12[%add3A_24, %dma_wait3A_135] : memref<10240x16xf32, #tpu.memory_space<vmem_shared>> -> memref<80x16xf32, #tpu.memory_space<vmem_shared>>
      %dma_wait3A_137 = arith.constant 0 : i32
      %dma_wait3A_138 = tpu.memref_slice %arg12[%add3A_24, %dma_wait3A_137] : memref<10240x16xf32, #tpu.memory_space<vmem_shared>> -> memref<80x16xf32, #tpu.memory_space<vmem_shared>>
      tpu.wait_dma2 semaphore(%run_scoped3A_130 : memref<!tpu.dma_semaphore, #tpu.memory_space<semaphore_mem>>) src(%arg7 : memref<80x16xf32, #tpu.memory_space<vmem>>) dst(%dma_wait3A_138 : memref<80x16xf32, #tpu.memory_space<vmem_shared>>)
      tpu.yield
    }) : () -> ()
    %barrier3A = arith.constant 0 : index
    tpu.barrier barrier_id(%barrier3A)
    %dma_start3A = arith.constant 0 : i32
    %dma_start3A_25 = arith.constant 0 : i32
    %dma_start3A_26 = arith.constant 0 : i32
    %dma_start3A_27 = tpu.memref_slice %arg6[%dma_start3A, %dma_start3A_26] : memref<125x80xi32, #tpu.memory_space<vmem>> -> memref<1x80xi32, #tpu.memory_space<vmem>>
    %dma_start3A_28 = tpu.memref_squeeze %dma_start3A_27 : memref<1x80xi32, #tpu.memory_space<vmem>> -> memref<80xi32, #tpu.memory_space<vmem>>
    %dma_start3A_29 = arith.constant 0 : i32
    %dma_start3A_30 = arith.constant 0 : i32
    %dma_start3A_31 = tpu.memref_slice %arg2[%dma_start3A_29, %dma_start3A_30] : memref<10000x16xf32, #tpu.memory_space<hbm>> -> memref<10000x16xf32, #tpu.memory_space<hbm>>
    %dma_start3A_32 = tpu.memref_slice %arg13[%dma_start3A_25] : memref<5x!tpu.dma_semaphore, #tpu.memory_space<semaphore_mem>> -> memref<1x!tpu.dma_semaphore, #tpu.memory_space<semaphore_mem>>
    %dma_start3A_33 = tpu.memref_squeeze %dma_start3A_32 : memref<1x!tpu.dma_semaphore, #tpu.memory_space<semaphore_mem>> -> memref<!tpu.dma_semaphore, #tpu.memory_space<semaphore_mem>>
    tpu.enqueue_indirect_dma source(%dma_start3A_31 : memref<10000x16xf32, #tpu.memory_space<hbm>>) target(%arg7 : memref<80x16xf32, #tpu.memory_space<vmem>>) offsets(%dma_start3A_28 : memref<80xi32, #tpu.memory_space<vmem>>) semaphore(%dma_start3A_33 : memref<!tpu.dma_semaphore, #tpu.memory_space<semaphore_mem>>)
    %dma_start3A_34 = arith.constant 1 : i32
    %dma_start3A_35 = arith.constant 1 : i32
    %dma_start3A_36 = arith.constant 0 : i32
    %dma_start3A_37 = tpu.memref_slice %arg6[%dma_start3A_34, %dma_start3A_36] : memref<125x80xi32, #tpu.memory_space<vmem>> -> memref<1x80xi32, #tpu.memory_space<vmem>>
    %dma_start3A_38 = tpu.memref_squeeze %dma_start3A_37 : memref<1x80xi32, #tpu.memory_space<vmem>> -> memref<80xi32, #tpu.memory_space<vmem>>
    %dma_start3A_39 = arith.constant 0 : i32
    %dma_start3A_40 = arith.constant 0 : i32
    %dma_start3A_41 = tpu.memref_slice %arg2[%dma_start3A_39, %dma_start3A_40] : memref<10000x16xf32, #tpu.memory_space<hbm>> -> memref<10000x16xf32, #tpu.memory_space<hbm>>
    %dma_start3A_42 = tpu.memref_slice %arg13[%dma_start3A_35] : memref<5x!tpu.dma_semaphore, #tpu.memory_space<semaphore_mem>> -> memref<1x!tpu.dma_semaphore, #tpu.memory_space<semaphore_mem>>
    %dma_start3A_43 = tpu.memref_squeeze %dma_start3A_42 : memref<1x!tpu.dma_semaphore, #tpu.memory_space<semaphore_mem>> -> memref<!tpu.dma_semaphore, #tpu.memory_space<semaphore_mem>>
    tpu.enqueue_indirect_dma source(%dma_start3A_41 : memref<10000x16xf32, #tpu.memory_space<hbm>>) target(%arg8 : memref<80x16xf32, #tpu.memory_space<vmem>>) offsets(%dma_start3A_38 : memref<80xi32, #tpu.memory_space<vmem>>) semaphore(%dma_start3A_43 : memref<!tpu.dma_semaphore, #tpu.memory_space<semaphore_mem>>)
    %dma_start3A_44 = arith.constant 2 : i32
    %dma_start3A_45 = arith.constant 2 : i32
    %dma_start3A_46 = arith.constant 0 : i32
    %dma_start3A_47 = tpu.memref_slice %arg6[%dma_start3A_44, %dma_start3A_46] : memref<125x80xi32, #tpu.memory_space<vmem>> -> memref<1x80xi32, #tpu.memory_space<vmem>>
    %dma_start3A_48 = tpu.memref_squeeze %dma_start3A_47 : memref<1x80xi32, #tpu.memory_space<vmem>> -> memref<80xi32, #tpu.memory_space<vmem>>
    %dma_start3A_49 = arith.constant 0 : i32
    %dma_start3A_50 = arith.constant 0 : i32
    %dma_start3A_51 = tpu.memref_slice %arg2[%dma_start3A_49, %dma_start3A_50] : memref<10000x16xf32, #tpu.memory_space<hbm>> -> memref<10000x16xf32, #tpu.memory_space<hbm>>
    %dma_start3A_52 = tpu.memref_slice %arg13[%dma_start3A_45] : memref<5x!tpu.dma_semaphore, #tpu.memory_space<semaphore_mem>> -> memref<1x!tpu.dma_semaphore, #tpu.memory_space<semaphore_mem>>
    %dma_start3A_53 = tpu.memref_squeeze %dma_start3A_52 : memref<1x!tpu.dma_semaphore, #tpu.memory_space<semaphore_mem>> -> memref<!tpu.dma_semaphore, #tpu.memory_space<semaphore_mem>>
    tpu.enqueue_indirect_dma source(%dma_start3A_51 : memref<10000x16xf32, #tpu.memory_space<hbm>>) target(%arg9 : memref<80x16xf32, #tpu.memory_space<vmem>>) offsets(%dma_start3A_48 : memref<80xi32, #tpu.memory_space<vmem>>) semaphore(%dma_start3A_53 : memref<!tpu.dma_semaphore, #tpu.memory_space<semaphore_mem>>)
    %dma_start3A_54 = arith.constant 3 : i32
    %dma_start3A_55 = arith.constant 3 : i32
    %dma_start3A_56 = arith.constant 0 : i32
    %dma_start3A_57 = tpu.memref_slice %arg6[%dma_start3A_54, %dma_start3A_56] : memref<125x80xi32, #tpu.memory_space<vmem>> -> memref<1x80xi32, #tpu.memory_space<vmem>>
    %dma_start3A_58 = tpu.memref_squeeze %dma_start3A_57 : memref<1x80xi32, #tpu.memory_space<vmem>> -> memref<80xi32, #tpu.memory_space<vmem>>
    %dma_start3A_59 = arith.constant 0 : i32
    %dma_start3A_60 = arith.constant 0 : i32
    %dma_start3A_61 = tpu.memref_slice %arg2[%dma_start3A_59, %dma_start3A_60] : memref<10000x16xf32, #tpu.memory_space<hbm>> -> memref<10000x16xf32, #tpu.memory_space<hbm>>
    %dma_start3A_62 = tpu.memref_slice %arg13[%dma_start3A_55] : memref<5x!tpu.dma_semaphore, #tpu.memory_space<semaphore_mem>> -> memref<1x!tpu.dma_semaphore, #tpu.memory_space<semaphore_mem>>
    %dma_start3A_63 = tpu.memref_squeeze %dma_start3A_62 : memref<1x!tpu.dma_semaphore, #tpu.memory_space<semaphore_mem>> -> memref<!tpu.dma_semaphore, #tpu.memory_space<semaphore_mem>>
    tpu.enqueue_indirect_dma source(%dma_start3A_61 : memref<10000x16xf32, #tpu.memory_space<hbm>>) target(%arg10 : memref<80x16xf32, #tpu.memory_space<vmem>>) offsets(%dma_start3A_58 : memref<80xi32, #tpu.memory_space<vmem>>) semaphore(%dma_start3A_63 : memref<!tpu.dma_semaphore, #tpu.memory_space<semaphore_mem>>)
    %dma_start3A_64 = arith.constant 4 : i32
    %dma_start3A_65 = arith.constant 4 : i32
    %dma_start3A_66 = arith.constant 0 : i32
    %dma_start3A_67 = tpu.memref_slice %arg6[%dma_start3A_64, %dma_start3A_66] : memref<125x80xi32, #tpu.memory_space<vmem>> -> memref<1x80xi32, #tpu.memory_space<vmem>>
    %dma_start3A_68 = tpu.memref_squeeze %dma_start3A_67 : memref<1x80xi32, #tpu.memory_space<vmem>> -> memref<80xi32, #tpu.memory_space<vmem>>
    %dma_start3A_69 = arith.constant 0 : i32
    %dma_start3A_70 = arith.constant 0 : i32
    %dma_start3A_71 = tpu.memref_slice %arg2[%dma_start3A_69, %dma_start3A_70] : memref<10000x16xf32, #tpu.memory_space<hbm>> -> memref<10000x16xf32, #tpu.memory_space<hbm>>
    %dma_start3A_72 = tpu.memref_slice %arg13[%dma_start3A_65] : memref<5x!tpu.dma_semaphore, #tpu.memory_space<semaphore_mem>> -> memref<1x!tpu.dma_semaphore, #tpu.memory_space<semaphore_mem>>
    %dma_start3A_73 = tpu.memref_squeeze %dma_start3A_72 : memref<1x!tpu.dma_semaphore, #tpu.memory_space<semaphore_mem>> -> memref<!tpu.dma_semaphore, #tpu.memory_space<semaphore_mem>>
    tpu.enqueue_indirect_dma source(%dma_start3A_71 : memref<10000x16xf32, #tpu.memory_space<hbm>>) target(%arg11 : memref<80x16xf32, #tpu.memory_space<vmem>>) offsets(%dma_start3A_68 : memref<80xi32, #tpu.memory_space<vmem>>) semaphore(%dma_start3A_73 : memref<!tpu.dma_semaphore, #tpu.memory_space<semaphore_mem>>)
    %scan3A_74 = arith.constant 0 : i32
    %scan3A_75 = arith.constant 0 : i32
    %scan3A_76 = arith.constant 25 : i32
    %scan3A_77 = arith.addi %scan3A_75, %scan3A_76 : i32
    %scan3A_78 = arith.constant 1 : i32
    scf.for %scan3A_130 = %scan3A_75 to %scan3A_77 step %scan3A_78  : i32 {
      %mul3A_131 = arith.constant 5 : i32
      %mul3A_132 = arith.muli %scan3A_130, %mul3A_131 : i32
      %add3A_133 = arith.constant 0 : i32
      %add3A_134 = arith.addi %mul3A_132, %add3A_133 : i32
      %dma_wait3A_135 = arith.constant 0 : i32
      %dma_wait3A_136 = arith.constant 0 : i32
      %dma_wait3A_137 = tpu.memref_slice %arg6[%add3A_134, %dma_wait3A_136] : memref<125x80xi32, #tpu.memory_space<vmem>> -> memref<1x80xi32, #tpu.memory_space<vmem>>
      %dma_wait3A_138 = tpu.memref_squeeze %dma_wait3A_137 : memref<1x80xi32, #tpu.memory_space<vmem>> -> memref<80xi32, #tpu.memory_space<vmem>>
      %dma_wait3A_139 = arith.constant 0 : i32
      %dma_wait3A_140 = arith.constant 0 : i32
      %dma_wait3A_141 = tpu.memref_slice %arg2[%dma_wait3A_139, %dma_wait3A_140] : memref<10000x16xf32, #tpu.memory_space<hbm>> -> memref<10000x16xf32, #tpu.memory_space<hbm>>
      %dma_wait3A_142 = tpu.memref_slice %arg13[%dma_wait3A_135] : memref<5x!tpu.dma_semaphore, #tpu.memory_space<semaphore_mem>> -> memref<1x!tpu.dma_semaphore, #tpu.memory_space<semaphore_mem>>
      %dma_wait3A_143 = tpu.memref_squeeze %dma_wait3A_142 : memref<1x!tpu.dma_semaphore, #tpu.memory_space<semaphore_mem>> -> memref<!tpu.dma_semaphore, #tpu.memory_space<semaphore_mem>>
      tpu.wait_indirect_dma semaphore(%dma_wait3A_143 : memref<!tpu.dma_semaphore, #tpu.memory_space<semaphore_mem>>) src(%dma_wait3A_141 : memref<10000x16xf32, #tpu.memory_space<hbm>>) dst(%arg7 : memref<80x16xf32, #tpu.memory_space<vmem>>)
      %add3A_144 = arith.constant 0 : i32
      %add3A_145 = arith.addi %mul3A_132, %add3A_144 : i32
      %dma_start3A_146 = arith.constant 0 : i32
      %dma_start3A_147 = arith.constant 0 : i32
      %dma_start3A_148 = tpu.memref_slice %arg5[%add3A_145, %dma_start3A_147] : memref<125x80xi32, #tpu.memory_space<vmem>> -> memref<1x80xi32, #tpu.memory_space<vmem>>
      %dma_start3A_149 = tpu.memref_squeeze %dma_start3A_148 : memref<1x80xi32, #tpu.memory_space<vmem>> -> memref<80xi32, #tpu.memory_space<vmem>>
      %dma_start3A_150 = arith.constant 0 : i32
      %dma_start3A_151 = arith.constant 0 : i32
      %dma_start3A_152 = tpu.memref_slice %arg12[%dma_start3A_150, %dma_start3A_151] : memref<10240x16xf32, #tpu.memory_space<vmem_shared>> -> memref<10240x16xf32, #tpu.memory_space<vmem_shared>>
      %dma_start3A_153 = tpu.memref_slice %arg14[%dma_start3A_146] : memref<5x!tpu.dma_semaphore, #tpu.memory_space<semaphore_mem>> -> memref<1x!tpu.dma_semaphore, #tpu.memory_space<semaphore_mem>>
      %dma_start3A_154 = tpu.memref_squeeze %dma_start3A_153 : memref<1x!tpu.dma_semaphore, #tpu.memory_space<semaphore_mem>> -> memref<!tpu.dma_semaphore, #tpu.memory_space<semaphore_mem>>
      tpu.enqueue_indirect_dma source(%arg7 : memref<80x16xf32, #tpu.memory_space<vmem>>) target(%dma_start3A_152 : memref<10240x16xf32, #tpu.memory_space<vmem_shared>>) offsets(%dma_start3A_149 : memref<80xi32, #tpu.memory_space<vmem>>) semaphore(%dma_start3A_154 : memref<!tpu.dma_semaphore, #tpu.memory_space<semaphore_mem>>) {add = true}
      %add3A_155 = arith.constant 1 : i32
      %add3A_156 = arith.addi %mul3A_132, %add3A_155 : i32
      %dma_wait3A_157 = arith.constant 1 : i32
      %dma_wait3A_158 = arith.constant 0 : i32
      %dma_wait3A_159 = tpu.memref_slice %arg6[%add3A_156, %dma_wait3A_158] : memref<125x80xi32, #tpu.memory_space<vmem>> -> memref<1x80xi32, #tpu.memory_space<vmem>>
      %dma_wait3A_160 = tpu.memref_squeeze %dma_wait3A_159 : memref<1x80xi32, #tpu.memory_space<vmem>> -> memref<80xi32, #tpu.memory_space<vmem>>
      %dma_wait3A_161 = arith.constant 0 : i32
      %dma_wait3A_162 = arith.constant 0 : i32
      %dma_wait3A_163 = tpu.memref_slice %arg2[%dma_wait3A_161, %dma_wait3A_162] : memref<10000x16xf32, #tpu.memory_space<hbm>> -> memref<10000x16xf32, #tpu.memory_space<hbm>>
      %dma_wait3A_164 = tpu.memref_slice %arg13[%dma_wait3A_157] : memref<5x!tpu.dma_semaphore, #tpu.memory_space<semaphore_mem>> -> memref<1x!tpu.dma_semaphore, #tpu.memory_space<semaphore_mem>>
      %dma_wait3A_165 = tpu.memref_squeeze %dma_wait3A_164 : memref<1x!tpu.dma_semaphore, #tpu.memory_space<semaphore_mem>> -> memref<!tpu.dma_semaphore, #tpu.memory_space<semaphore_mem>>
      tpu.wait_indirect_dma semaphore(%dma_wait3A_165 : memref<!tpu.dma_semaphore, #tpu.memory_space<semaphore_mem>>) src(%dma_wait3A_163 : memref<10000x16xf32, #tpu.memory_space<hbm>>) dst(%arg8 : memref<80x16xf32, #tpu.memory_space<vmem>>)
      %add3A_166 = arith.constant 1 : i32
      %add3A_167 = arith.addi %mul3A_132, %add3A_166 : i32
      %dma_start3A_168 = arith.constant 1 : i32
      %dma_start3A_169 = arith.constant 0 : i32
      %dma_start3A_170 = tpu.memref_slice %arg5[%add3A_167, %dma_start3A_169] : memref<125x80xi32, #tpu.memory_space<vmem>> -> memref<1x80xi32, #tpu.memory_space<vmem>>
      %dma_start3A_171 = tpu.memref_squeeze %dma_start3A_170 : memref<1x80xi32, #tpu.memory_space<vmem>> -> memref<80xi32, #tpu.memory_space<vmem>>
      %dma_start3A_172 = arith.constant 0 : i32
      %dma_start3A_173 = arith.constant 0 : i32
      %dma_start3A_174 = tpu.memref_slice %arg12[%dma_start3A_172, %dma_start3A_173] : memref<10240x16xf32, #tpu.memory_space<vmem_shared>> -> memref<10240x16xf32, #tpu.memory_space<vmem_shared>>
      %dma_start3A_175 = tpu.memref_slice %arg14[%dma_start3A_168] : memref<5x!tpu.dma_semaphore, #tpu.memory_space<semaphore_mem>> -> memref<1x!tpu.dma_semaphore, #tpu.memory_space<semaphore_mem>>
      %dma_start3A_176 = tpu.memref_squeeze %dma_start3A_175 : memref<1x!tpu.dma_semaphore, #tpu.memory_space<semaphore_mem>> -> memref<!tpu.dma_semaphore, #tpu.memory_space<semaphore_mem>>
      tpu.enqueue_indirect_dma source(%arg8 : memref<80x16xf32, #tpu.memory_space<vmem>>) target(%dma_start3A_174 : memref<10240x16xf32, #tpu.memory_space<vmem_shared>>) offsets(%dma_start3A_171 : memref<80xi32, #tpu.memory_space<vmem>>) semaphore(%dma_start3A_176 : memref<!tpu.dma_semaphore, #tpu.memory_space<semaphore_mem>>) {add = true}
      %add3A_177 = arith.constant 2 : i32
      %add3A_178 = arith.addi %mul3A_132, %add3A_177 : i32
      %dma_wait3A_179 = arith.constant 2 : i32
      %dma_wait3A_180 = arith.constant 0 : i32
      %dma_wait3A_181 = tpu.memref_slice %arg6[%add3A_178, %dma_wait3A_180] : memref<125x80xi32, #tpu.memory_space<vmem>> -> memref<1x80xi32, #tpu.memory_space<vmem>>
      %dma_wait3A_182 = tpu.memref_squeeze %dma_wait3A_181 : memref<1x80xi32, #tpu.memory_space<vmem>> -> memref<80xi32, #tpu.memory_space<vmem>>
      %dma_wait3A_183 = arith.constant 0 : i32
      %dma_wait3A_184 = arith.constant 0 : i32
      %dma_wait3A_185 = tpu.memref_slice %arg2[%dma_wait3A_183, %dma_wait3A_184] : memref<10000x16xf32, #tpu.memory_space<hbm>> -> memref<10000x16xf32, #tpu.memory_space<hbm>>
      %dma_wait3A_186 = tpu.memref_slice %arg13[%dma_wait3A_179] : memref<5x!tpu.dma_semaphore, #tpu.memory_space<semaphore_mem>> -> memref<1x!tpu.dma_semaphore, #tpu.memory_space<semaphore_mem>>
      %dma_wait3A_187 = tpu.memref_squeeze %dma_wait3A_186 : memref<1x!tpu.dma_semaphore, #tpu.memory_space<semaphore_mem>> -> memref<!tpu.dma_semaphore, #tpu.memory_space<semaphore_mem>>
      tpu.wait_indirect_dma semaphore(%dma_wait3A_187 : memref<!tpu.dma_semaphore, #tpu.memory_space<semaphore_mem>>) src(%dma_wait3A_185 : memref<10000x16xf32, #tpu.memory_space<hbm>>) dst(%arg9 : memref<80x16xf32, #tpu.memory_space<vmem>>)
      %add3A_188 = arith.constant 2 : i32
      %add3A_189 = arith.addi %mul3A_132, %add3A_188 : i32
      %dma_start3A_190 = arith.constant 2 : i32
      %dma_start3A_191 = arith.constant 0 : i32
      %dma_start3A_192 = tpu.memref_slice %arg5[%add3A_189, %dma_start3A_191] : memref<125x80xi32, #tpu.memory_space<vmem>> -> memref<1x80xi32, #tpu.memory_space<vmem>>
      %dma_start3A_193 = tpu.memref_squeeze %dma_start3A_192 : memref<1x80xi32, #tpu.memory_space<vmem>> -> memref<80xi32, #tpu.memory_space<vmem>>
      %dma_start3A_194 = arith.constant 0 : i32
      %dma_start3A_195 = arith.constant 0 : i32
      %dma_start3A_196 = tpu.memref_slice %arg12[%dma_start3A_194, %dma_start3A_195] : memref<10240x16xf32, #tpu.memory_space<vmem_shared>> -> memref<10240x16xf32, #tpu.memory_space<vmem_shared>>
      %dma_start3A_197 = tpu.memref_slice %arg14[%dma_start3A_190] : memref<5x!tpu.dma_semaphore, #tpu.memory_space<semaphore_mem>> -> memref<1x!tpu.dma_semaphore, #tpu.memory_space<semaphore_mem>>
      %dma_start3A_198 = tpu.memref_squeeze %dma_start3A_197 : memref<1x!tpu.dma_semaphore, #tpu.memory_space<semaphore_mem>> -> memref<!tpu.dma_semaphore, #tpu.memory_space<semaphore_mem>>
      tpu.enqueue_indirect_dma source(%arg9 : memref<80x16xf32, #tpu.memory_space<vmem>>) target(%dma_start3A_196 : memref<10240x16xf32, #tpu.memory_space<vmem_shared>>) offsets(%dma_start3A_193 : memref<80xi32, #tpu.memory_space<vmem>>) semaphore(%dma_start3A_198 : memref<!tpu.dma_semaphore, #tpu.memory_space<semaphore_mem>>) {add = true}
      %add3A_199 = arith.constant 3 : i32
      %add3A_200 = arith.addi %mul3A_132, %add3A_199 : i32
      %dma_wait3A_201 = arith.constant 3 : i32
      %dma_wait3A_202 = arith.constant 0 : i32
      %dma_wait3A_203 = tpu.memref_slice %arg6[%add3A_200, %dma_wait3A_202] : memref<125x80xi32, #tpu.memory_space<vmem>> -> memref<1x80xi32, #tpu.memory_space<vmem>>
      %dma_wait3A_204 = tpu.memref_squeeze %dma_wait3A_203 : memref<1x80xi32, #tpu.memory_space<vmem>> -> memref<80xi32, #tpu.memory_space<vmem>>
      %dma_wait3A_205 = arith.constant 0 : i32
      %dma_wait3A_206 = arith.constant 0 : i32
      %dma_wait3A_207 = tpu.memref_slice %arg2[%dma_wait3A_205, %dma_wait3A_206] : memref<10000x16xf32, #tpu.memory_space<hbm>> -> memref<10000x16xf32, #tpu.memory_space<hbm>>
      %dma_wait3A_208 = tpu.memref_slice %arg13[%dma_wait3A_201] : memref<5x!tpu.dma_semaphore, #tpu.memory_space<semaphore_mem>> -> memref<1x!tpu.dma_semaphore, #tpu.memory_space<semaphore_mem>>
      %dma_wait3A_209 = tpu.memref_squeeze %dma_wait3A_208 : memref<1x!tpu.dma_semaphore, #tpu.memory_space<semaphore_mem>> -> memref<!tpu.dma_semaphore, #tpu.memory_space<semaphore_mem>>
      tpu.wait_indirect_dma semaphore(%dma_wait3A_209 : memref<!tpu.dma_semaphore, #tpu.memory_space<semaphore_mem>>) src(%dma_wait3A_207 : memref<10000x16xf32, #tpu.memory_space<hbm>>) dst(%arg10 : memref<80x16xf32, #tpu.memory_space<vmem>>)
      %add3A_210 = arith.constant 3 : i32
      %add3A_211 = arith.addi %mul3A_132, %add3A_210 : i32
      %dma_start3A_212 = arith.constant 3 : i32
      %dma_start3A_213 = arith.constant 0 : i32
      %dma_start3A_214 = tpu.memref_slice %arg5[%add3A_211, %dma_start3A_213] : memref<125x80xi32, #tpu.memory_space<vmem>> -> memref<1x80xi32, #tpu.memory_space<vmem>>
      %dma_start3A_215 = tpu.memref_squeeze %dma_start3A_214 : memref<1x80xi32, #tpu.memory_space<vmem>> -> memref<80xi32, #tpu.memory_space<vmem>>
      %dma_start3A_216 = arith.constant 0 : i32
      %dma_start3A_217 = arith.constant 0 : i32
      %dma_start3A_218 = tpu.memref_slice %arg12[%dma_start3A_216, %dma_start3A_217] : memref<10240x16xf32, #tpu.memory_space<vmem_shared>> -> memref<10240x16xf32, #tpu.memory_space<vmem_shared>>
      %dma_start3A_219 = tpu.memref_slice %arg14[%dma_start3A_212] : memref<5x!tpu.dma_semaphore, #tpu.memory_space<semaphore_mem>> -> memref<1x!tpu.dma_semaphore, #tpu.memory_space<semaphore_mem>>
      %dma_start3A_220 = tpu.memref_squeeze %dma_start3A_219 : memref<1x!tpu.dma_semaphore, #tpu.memory_space<semaphore_mem>> -> memref<!tpu.dma_semaphore, #tpu.memory_space<semaphore_mem>>
      tpu.enqueue_indirect_dma source(%arg10 : memref<80x16xf32, #tpu.memory_space<vmem>>) target(%dma_start3A_218 : memref<10240x16xf32, #tpu.memory_space<vmem_shared>>) offsets(%dma_start3A_215 : memref<80xi32, #tpu.memory_space<vmem>>) semaphore(%dma_start3A_220 : memref<!tpu.dma_semaphore, #tpu.memory_space<semaphore_mem>>) {add = true}
      %add3A_221 = arith.constant 4 : i32
      %add3A_222 = arith.addi %mul3A_132, %add3A_221 : i32
      %dma_wait3A_223 = arith.constant 4 : i32
      %dma_wait3A_224 = arith.constant 0 : i32
      %dma_wait3A_225 = tpu.memref_slice %arg6[%add3A_222, %dma_wait3A_224] : memref<125x80xi32, #tpu.memory_space<vmem>> -> memref<1x80xi32, #tpu.memory_space<vmem>>
      %dma_wait3A_226 = tpu.memref_squeeze %dma_wait3A_225 : memref<1x80xi32, #tpu.memory_space<vmem>> -> memref<80xi32, #tpu.memory_space<vmem>>
      %dma_wait3A_227 = arith.constant 0 : i32
      %dma_wait3A_228 = arith.constant 0 : i32
      %dma_wait3A_229 = tpu.memref_slice %arg2[%dma_wait3A_227, %dma_wait3A_228] : memref<10000x16xf32, #tpu.memory_space<hbm>> -> memref<10000x16xf32, #tpu.memory_space<hbm>>
      %dma_wait3A_230 = tpu.memref_slice %arg13[%dma_wait3A_223] : memref<5x!tpu.dma_semaphore, #tpu.memory_space<semaphore_mem>> -> memref<1x!tpu.dma_semaphore, #tpu.memory_space<semaphore_mem>>
      %dma_wait3A_231 = tpu.memref_squeeze %dma_wait3A_230 : memref<1x!tpu.dma_semaphore, #tpu.memory_space<semaphore_mem>> -> memref<!tpu.dma_semaphore, #tpu.memory_space<semaphore_mem>>
      tpu.wait_indirect_dma semaphore(%dma_wait3A_231 : memref<!tpu.dma_semaphore, #tpu.memory_space<semaphore_mem>>) src(%dma_wait3A_229 : memref<10000x16xf32, #tpu.memory_space<hbm>>) dst(%arg11 : memref<80x16xf32, #tpu.memory_space<vmem>>)
      %add3A_232 = arith.constant 4 : i32
      %add3A_233 = arith.addi %mul3A_132, %add3A_232 : i32
      %dma_start3A_234 = arith.constant 4 : i32
      %dma_start3A_235 = arith.constant 0 : i32
      %dma_start3A_236 = tpu.memref_slice %arg5[%add3A_233, %dma_start3A_235] : memref<125x80xi32, #tpu.memory_space<vmem>> -> memref<1x80xi32, #tpu.memory_space<vmem>>
      %dma_start3A_237 = tpu.memref_squeeze %dma_start3A_236 : memref<1x80xi32, #tpu.memory_space<vmem>> -> memref<80xi32, #tpu.memory_space<vmem>>
      %dma_start3A_238 = arith.constant 0 : i32
      %dma_start3A_239 = arith.constant 0 : i32
      %dma_start3A_240 = tpu.memref_slice %arg12[%dma_start3A_238, %dma_start3A_239] : memref<10240x16xf32, #tpu.memory_space<vmem_shared>> -> memref<10240x16xf32, #tpu.memory_space<vmem_shared>>
      %dma_start3A_241 = tpu.memref_slice %arg14[%dma_start3A_234] : memref<5x!tpu.dma_semaphore, #tpu.memory_space<semaphore_mem>> -> memref<1x!tpu.dma_semaphore, #tpu.memory_space<semaphore_mem>>
      %dma_start3A_242 = tpu.memref_squeeze %dma_start3A_241 : memref<1x!tpu.dma_semaphore, #tpu.memory_space<semaphore_mem>> -> memref<!tpu.dma_semaphore, #tpu.memory_space<semaphore_mem>>
      tpu.enqueue_indirect_dma source(%arg11 : memref<80x16xf32, #tpu.memory_space<vmem>>) target(%dma_start3A_240 : memref<10240x16xf32, #tpu.memory_space<vmem_shared>>) offsets(%dma_start3A_237 : memref<80xi32, #tpu.memory_space<vmem>>) semaphore(%dma_start3A_242 : memref<!tpu.dma_semaphore, #tpu.memory_space<semaphore_mem>>) {add = true}
      %add3A_243 = arith.constant 5 : i32
      %add3A_244 = arith.addi %mul3A_132, %add3A_243 : i32
      %lt3A = arith.constant 125 : i32
      %lt3A_245 = arith.cmpi slt, %add3A_244, %lt3A : i32
      %convert_element_type3A = arith.extui %lt3A_245 : i1 to i32
      %cond3A = arith.constant 0 : i32
      %cond3A_246 = arith.cmpi ne, %convert_element_type3A, %cond3A : i32
      scf.if %cond3A_246 {
        %add3A_247 = arith.constant 0 : i32
        %add3A_248 = arith.addi %mul3A_132, %add3A_247 : i32
        %dma_wait3A_249 = arith.constant 0 : i32
        %dma_wait3A_250 = arith.constant 0 : i32
        %dma_wait3A_251 = tpu.memref_slice %arg5[%add3A_248, %dma_wait3A_250] : memref<125x80xi32, #tpu.memory_space<vmem>> -> memref<1x80xi32, #tpu.memory_space<vmem>>
        %dma_wait3A_252 = tpu.memref_squeeze %dma_wait3A_251 : memref<1x80xi32, #tpu.memory_space<vmem>> -> memref<80xi32, #tpu.memory_space<vmem>>
        %dma_wait3A_253 = arith.constant 0 : i32
        %dma_wait3A_254 = arith.constant 0 : i32
        %dma_wait3A_255 = tpu.memref_slice %arg12[%dma_wait3A_253, %dma_wait3A_254] : memref<10240x16xf32, #tpu.memory_space<vmem_shared>> -> memref<10240x16xf32, #tpu.memory_space<vmem_shared>>
        %dma_wait3A_256 = tpu.memref_slice %arg14[%dma_wait3A_249] : memref<5x!tpu.dma_semaphore, #tpu.memory_space<semaphore_mem>> -> memref<1x!tpu.dma_semaphore, #tpu.memory_space<semaphore_mem>>
        %dma_wait3A_257 = tpu.memref_squeeze %dma_wait3A_256 : memref<1x!tpu.dma_semaphore, #tpu.memory_space<semaphore_mem>> -> memref<!tpu.dma_semaphore, #tpu.memory_space<semaphore_mem>>
        tpu.wait_indirect_dma semaphore(%dma_wait3A_257 : memref<!tpu.dma_semaphore, #tpu.memory_space<semaphore_mem>>) src(%arg7 : memref<80x16xf32, #tpu.memory_space<vmem>>) dst(%dma_wait3A_255 : memref<10240x16xf32, #tpu.memory_space<vmem_shared>>)
        %add3A_258 = arith.constant 5 : i32
        %add3A_259 = arith.addi %mul3A_132, %add3A_258 : i32
        %add3A_260 = arith.constant 0 : i32
        %add3A_261 = arith.addi %add3A_259, %add3A_260 : i32
        %dma_start3A_262 = arith.constant 0 : i32
        %dma_start3A_263 = arith.constant 0 : i32
        %dma_start3A_264 = tpu.memref_slice %arg6[%add3A_261, %dma_start3A_263] : memref<125x80xi32, #tpu.memory_space<vmem>> -> memref<1x80xi32, #tpu.memory_space<vmem>>
        %dma_start3A_265 = tpu.memref_squeeze %dma_start3A_264 : memref<1x80xi32, #tpu.memory_space<vmem>> -> memref<80xi32, #tpu.memory_space<vmem>>
        %dma_start3A_266 = arith.constant 0 : i32
        %dma_start3A_267 = arith.constant 0 : i32
        %dma_start3A_268 = tpu.memref_slice %arg2[%dma_start3A_266, %dma_start3A_267] : memref<10000x16xf32, #tpu.memory_space<hbm>> -> memref<10000x16xf32, #tpu.memory_space<hbm>>
        %dma_start3A_269 = tpu.memref_slice %arg13[%dma_start3A_262] : memref<5x!tpu.dma_semaphore, #tpu.memory_space<semaphore_mem>> -> memref<1x!tpu.dma_semaphore, #tpu.memory_space<semaphore_mem>>
        %dma_start3A_270 = tpu.memref_squeeze %dma_start3A_269 : memref<1x!tpu.dma_semaphore, #tpu.memory_space<semaphore_mem>> -> memref<!tpu.dma_semaphore, #tpu.memory_space<semaphore_mem>>
        tpu.enqueue_indirect_dma source(%dma_start3A_268 : memref<10000x16xf32, #tpu.memory_space<hbm>>) target(%arg7 : memref<80x16xf32, #tpu.memory_space<vmem>>) offsets(%dma_start3A_265 : memref<80xi32, #tpu.memory_space<vmem>>) semaphore(%dma_start3A_270 : memref<!tpu.dma_semaphore, #tpu.memory_space<semaphore_mem>>)
        %add3A_271 = arith.constant 1 : i32
        %add3A_272 = arith.addi %mul3A_132, %add3A_271 : i32
        %dma_wait3A_273 = arith.constant 1 : i32
        %dma_wait3A_274 = arith.constant 0 : i32
        %dma_wait3A_275 = tpu.memref_slice %arg5[%add3A_272, %dma_wait3A_274] : memref<125x80xi32, #tpu.memory_space<vmem>> -> memref<1x80xi32, #tpu.memory_space<vmem>>
        %dma_wait3A_276 = tpu.memref_squeeze %dma_wait3A_275 : memref<1x80xi32, #tpu.memory_space<vmem>> -> memref<80xi32, #tpu.memory_space<vmem>>
        %dma_wait3A_277 = arith.constant 0 : i32
        %dma_wait3A_278 = arith.constant 0 : i32
        %dma_wait3A_279 = tpu.memref_slice %arg12[%dma_wait3A_277, %dma_wait3A_278] : memref<10240x16xf32, #tpu.memory_space<vmem_shared>> -> memref<10240x16xf32, #tpu.memory_space<vmem_shared>>
        %dma_wait3A_280 = tpu.memref_slice %arg14[%dma_wait3A_273] : memref<5x!tpu.dma_semaphore, #tpu.memory_space<semaphore_mem>> -> memref<1x!tpu.dma_semaphore, #tpu.memory_space<semaphore_mem>>
        %dma_wait3A_281 = tpu.memref_squeeze %dma_wait3A_280 : memref<1x!tpu.dma_semaphore, #tpu.memory_space<semaphore_mem>> -> memref<!tpu.dma_semaphore, #tpu.memory_space<semaphore_mem>>
        tpu.wait_indirect_dma semaphore(%dma_wait3A_281 : memref<!tpu.dma_semaphore, #tpu.memory_space<semaphore_mem>>) src(%arg8 : memref<80x16xf32, #tpu.memory_space<vmem>>) dst(%dma_wait3A_279 : memref<10240x16xf32, #tpu.memory_space<vmem_shared>>)
        %add3A_282 = arith.constant 5 : i32
        %add3A_283 = arith.addi %mul3A_132, %add3A_282 : i32
        %add3A_284 = arith.constant 1 : i32
        %add3A_285 = arith.addi %add3A_283, %add3A_284 : i32
        %dma_start3A_286 = arith.constant 1 : i32
        %dma_start3A_287 = arith.constant 0 : i32
        %dma_start3A_288 = tpu.memref_slice %arg6[%add3A_285, %dma_start3A_287] : memref<125x80xi32, #tpu.memory_space<vmem>> -> memref<1x80xi32, #tpu.memory_space<vmem>>
        %dma_start3A_289 = tpu.memref_squeeze %dma_start3A_288 : memref<1x80xi32, #tpu.memory_space<vmem>> -> memref<80xi32, #tpu.memory_space<vmem>>
        %dma_start3A_290 = arith.constant 0 : i32
        %dma_start3A_291 = arith.constant 0 : i32
        %dma_start3A_292 = tpu.memref_slice %arg2[%dma_start3A_290, %dma_start3A_291] : memref<10000x16xf32, #tpu.memory_space<hbm>> -> memref<10000x16xf32, #tpu.memory_space<hbm>>
        %dma_start3A_293 = tpu.memref_slice %arg13[%dma_start3A_286] : memref<5x!tpu.dma_semaphore, #tpu.memory_space<semaphore_mem>> -> memref<1x!tpu.dma_semaphore, #tpu.memory_space<semaphore_mem>>
        %dma_start3A_294 = tpu.memref_squeeze %dma_start3A_293 : memref<1x!tpu.dma_semaphore, #tpu.memory_space<semaphore_mem>> -> memref<!tpu.dma_semaphore, #tpu.memory_space<semaphore_mem>>
        tpu.enqueue_indirect_dma source(%dma_start3A_292 : memref<10000x16xf32, #tpu.memory_space<hbm>>) target(%arg8 : memref<80x16xf32, #tpu.memory_space<vmem>>) offsets(%dma_start3A_289 : memref<80xi32, #tpu.memory_space<vmem>>) semaphore(%dma_start3A_294 : memref<!tpu.dma_semaphore, #tpu.memory_space<semaphore_mem>>)
        %add3A_295 = arith.constant 2 : i32
        %add3A_296 = arith.addi %mul3A_132, %add3A_295 : i32
        %dma_wait3A_297 = arith.constant 2 : i32
        %dma_wait3A_298 = arith.constant 0 : i32
        %dma_wait3A_299 = tpu.memref_slice %arg5[%add3A_296, %dma_wait3A_298] : memref<125x80xi32, #tpu.memory_space<vmem>> -> memref<1x80xi32, #tpu.memory_space<vmem>>
        %dma_wait3A_300 = tpu.memref_squeeze %dma_wait3A_299 : memref<1x80xi32, #tpu.memory_space<vmem>> -> memref<80xi32, #tpu.memory_space<vmem>>
        %dma_wait3A_301 = arith.constant 0 : i32
        %dma_wait3A_302 = arith.constant 0 : i32
        %dma_wait3A_303 = tpu.memref_slice %arg12[%dma_wait3A_301, %dma_wait3A_302] : memref<10240x16xf32, #tpu.memory_space<vmem_shared>> -> memref<10240x16xf32, #tpu.memory_space<vmem_shared>>
        %dma_wait3A_304 = tpu.memref_slice %arg14[%dma_wait3A_297] : memref<5x!tpu.dma_semaphore, #tpu.memory_space<semaphore_mem>> -> memref<1x!tpu.dma_semaphore, #tpu.memory_space<semaphore_mem>>
        %dma_wait3A_305 = tpu.memref_squeeze %dma_wait3A_304 : memref<1x!tpu.dma_semaphore, #tpu.memory_space<semaphore_mem>> -> memref<!tpu.dma_semaphore, #tpu.memory_space<semaphore_mem>>
        tpu.wait_indirect_dma semaphore(%dma_wait3A_305 : memref<!tpu.dma_semaphore, #tpu.memory_space<semaphore_mem>>) src(%arg9 : memref<80x16xf32, #tpu.memory_space<vmem>>) dst(%dma_wait3A_303 : memref<10240x16xf32, #tpu.memory_space<vmem_shared>>)
        %add3A_306 = arith.constant 5 : i32
        %add3A_307 = arith.addi %mul3A_132, %add3A_306 : i32
        %add3A_308 = arith.constant 2 : i32
        %add3A_309 = arith.addi %add3A_307, %add3A_308 : i32
        %dma_start3A_310 = arith.constant 2 : i32
        %dma_start3A_311 = arith.constant 0 : i32
        %dma_start3A_312 = tpu.memref_slice %arg6[%add3A_309, %dma_start3A_311] : memref<125x80xi32, #tpu.memory_space<vmem>> -> memref<1x80xi32, #tpu.memory_space<vmem>>
        %dma_start3A_313 = tpu.memref_squeeze %dma_start3A_312 : memref<1x80xi32, #tpu.memory_space<vmem>> -> memref<80xi32, #tpu.memory_space<vmem>>
        %dma_start3A_314 = arith.constant 0 : i32
        %dma_start3A_315 = arith.constant 0 : i32
        %dma_start3A_316 = tpu.memref_slice %arg2[%dma_start3A_314, %dma_start3A_315] : memref<10000x16xf32, #tpu.memory_space<hbm>> -> memref<10000x16xf32, #tpu.memory_space<hbm>>
        %dma_start3A_317 = tpu.memref_slice %arg13[%dma_start3A_310] : memref<5x!tpu.dma_semaphore, #tpu.memory_space<semaphore_mem>> -> memref<1x!tpu.dma_semaphore, #tpu.memory_space<semaphore_mem>>
        %dma_start3A_318 = tpu.memref_squeeze %dma_start3A_317 : memref<1x!tpu.dma_semaphore, #tpu.memory_space<semaphore_mem>> -> memref<!tpu.dma_semaphore, #tpu.memory_space<semaphore_mem>>
        tpu.enqueue_indirect_dma source(%dma_start3A_316 : memref<10000x16xf32, #tpu.memory_space<hbm>>) target(%arg9 : memref<80x16xf32, #tpu.memory_space<vmem>>) offsets(%dma_start3A_313 : memref<80xi32, #tpu.memory_space<vmem>>) semaphore(%dma_start3A_318 : memref<!tpu.dma_semaphore, #tpu.memory_space<semaphore_mem>>)
        %add3A_319 = arith.constant 3 : i32
        %add3A_320 = arith.addi %mul3A_132, %add3A_319 : i32
        %dma_wait3A_321 = arith.constant 3 : i32
        %dma_wait3A_322 = arith.constant 0 : i32
        %dma_wait3A_323 = tpu.memref_slice %arg5[%add3A_320, %dma_wait3A_322] : memref<125x80xi32, #tpu.memory_space<vmem>> -> memref<1x80xi32, #tpu.memory_space<vmem>>
        %dma_wait3A_324 = tpu.memref_squeeze %dma_wait3A_323 : memref<1x80xi32, #tpu.memory_space<vmem>> -> memref<80xi32, #tpu.memory_space<vmem>>
        %dma_wait3A_325 = arith.constant 0 : i32
        %dma_wait3A_326 = arith.constant 0 : i32
        %dma_wait3A_327 = tpu.memref_slice %arg12[%dma_wait3A_325, %dma_wait3A_326] : memref<10240x16xf32, #tpu.memory_space<vmem_shared>> -> memref<10240x16xf32, #tpu.memory_space<vmem_shared>>
        %dma_wait3A_328 = tpu.memref_slice %arg14[%dma_wait3A_321] : memref<5x!tpu.dma_semaphore, #tpu.memory_space<semaphore_mem>> -> memref<1x!tpu.dma_semaphore, #tpu.memory_space<semaphore_mem>>
        %dma_wait3A_329 = tpu.memref_squeeze %dma_wait3A_328 : memref<1x!tpu.dma_semaphore, #tpu.memory_space<semaphore_mem>> -> memref<!tpu.dma_semaphore, #tpu.memory_space<semaphore_mem>>
        tpu.wait_indirect_dma semaphore(%dma_wait3A_329 : memref<!tpu.dma_semaphore, #tpu.memory_space<semaphore_mem>>) src(%arg10 : memref<80x16xf32, #tpu.memory_space<vmem>>) dst(%dma_wait3A_327 : memref<10240x16xf32, #tpu.memory_space<vmem_shared>>)
        %add3A_330 = arith.constant 5 : i32
        %add3A_331 = arith.addi %mul3A_132, %add3A_330 : i32
        %add3A_332 = arith.constant 3 : i32
        %add3A_333 = arith.addi %add3A_331, %add3A_332 : i32
        %dma_start3A_334 = arith.constant 3 : i32
        %dma_start3A_335 = arith.constant 0 : i32
        %dma_start3A_336 = tpu.memref_slice %arg6[%add3A_333, %dma_start3A_335] : memref<125x80xi32, #tpu.memory_space<vmem>> -> memref<1x80xi32, #tpu.memory_space<vmem>>
        %dma_start3A_337 = tpu.memref_squeeze %dma_start3A_336 : memref<1x80xi32, #tpu.memory_space<vmem>> -> memref<80xi32, #tpu.memory_space<vmem>>
        %dma_start3A_338 = arith.constant 0 : i32
        %dma_start3A_339 = arith.constant 0 : i32
        %dma_start3A_340 = tpu.memref_slice %arg2[%dma_start3A_338, %dma_start3A_339] : memref<10000x16xf32, #tpu.memory_space<hbm>> -> memref<10000x16xf32, #tpu.memory_space<hbm>>
        %dma_start3A_341 = tpu.memref_slice %arg13[%dma_start3A_334] : memref<5x!tpu.dma_semaphore, #tpu.memory_space<semaphore_mem>> -> memref<1x!tpu.dma_semaphore, #tpu.memory_space<semaphore_mem>>
        %dma_start3A_342 = tpu.memref_squeeze %dma_start3A_341 : memref<1x!tpu.dma_semaphore, #tpu.memory_space<semaphore_mem>> -> memref<!tpu.dma_semaphore, #tpu.memory_space<semaphore_mem>>
        tpu.enqueue_indirect_dma source(%dma_start3A_340 : memref<10000x16xf32, #tpu.memory_space<hbm>>) target(%arg10 : memref<80x16xf32, #tpu.memory_space<vmem>>) offsets(%dma_start3A_337 : memref<80xi32, #tpu.memory_space<vmem>>) semaphore(%dma_start3A_342 : memref<!tpu.dma_semaphore, #tpu.memory_space<semaphore_mem>>)
        %add3A_343 = arith.constant 4 : i32
        %add3A_344 = arith.addi %mul3A_132, %add3A_343 : i32
        %dma_wait3A_345 = arith.constant 4 : i32
        %dma_wait3A_346 = arith.constant 0 : i32
        %dma_wait3A_347 = tpu.memref_slice %arg5[%add3A_344, %dma_wait3A_346] : memref<125x80xi32, #tpu.memory_space<vmem>> -> memref<1x80xi32, #tpu.memory_space<vmem>>
        %dma_wait3A_348 = tpu.memref_squeeze %dma_wait3A_347 : memref<1x80xi32, #tpu.memory_space<vmem>> -> memref<80xi32, #tpu.memory_space<vmem>>
        %dma_wait3A_349 = arith.constant 0 : i32
        %dma_wait3A_350 = arith.constant 0 : i32
        %dma_wait3A_351 = tpu.memref_slice %arg12[%dma_wait3A_349, %dma_wait3A_350] : memref<10240x16xf32, #tpu.memory_space<vmem_shared>> -> memref<10240x16xf32, #tpu.memory_space<vmem_shared>>
        %dma_wait3A_352 = tpu.memref_slice %arg14[%dma_wait3A_345] : memref<5x!tpu.dma_semaphore, #tpu.memory_space<semaphore_mem>> -> memref<1x!tpu.dma_semaphore, #tpu.memory_space<semaphore_mem>>
        %dma_wait3A_353 = tpu.memref_squeeze %dma_wait3A_352 : memref<1x!tpu.dma_semaphore, #tpu.memory_space<semaphore_mem>> -> memref<!tpu.dma_semaphore, #tpu.memory_space<semaphore_mem>>
        tpu.wait_indirect_dma semaphore(%dma_wait3A_353 : memref<!tpu.dma_semaphore, #tpu.memory_space<semaphore_mem>>) src(%arg11 : memref<80x16xf32, #tpu.memory_space<vmem>>) dst(%dma_wait3A_351 : memref<10240x16xf32, #tpu.memory_space<vmem_shared>>)
        %add3A_354 = arith.constant 5 : i32
        %add3A_355 = arith.addi %mul3A_132, %add3A_354 : i32
        %add3A_356 = arith.constant 4 : i32
        %add3A_357 = arith.addi %add3A_355, %add3A_356 : i32
        %dma_start3A_358 = arith.constant 4 : i32
        %dma_start3A_359 = arith.constant 0 : i32
        %dma_start3A_360 = tpu.memref_slice %arg6[%add3A_357, %dma_start3A_359] : memref<125x80xi32, #tpu.memory_space<vmem>> -> memref<1x80xi32, #tpu.memory_space<vmem>>
        %dma_start3A_361 = tpu.memref_squeeze %dma_start3A_360 : memref<1x80xi32, #tpu.memory_space<vmem>> -> memref<80xi32, #tpu.memory_space<vmem>>
        %dma_start3A_362 = arith.constant 0 : i32
        %dma_start3A_363 = arith.constant 0 : i32
        %dma_start3A_364 = tpu.memref_slice %arg2[%dma_start3A_362, %dma_start3A_363] : memref<10000x16xf32, #tpu.memory_space<hbm>> -> memref<10000x16xf32, #tpu.memory_space<hbm>>
        %dma_start3A_365 = tpu.memref_slice %arg13[%dma_start3A_358] : memref<5x!tpu.dma_semaphore, #tpu.memory_space<semaphore_mem>> -> memref<1x!tpu.dma_semaphore, #tpu.memory_space<semaphore_mem>>
        %dma_start3A_366 = tpu.memref_squeeze %dma_start3A_365 : memref<1x!tpu.dma_semaphore, #tpu.memory_space<semaphore_mem>> -> memref<!tpu.dma_semaphore, #tpu.memory_space<semaphore_mem>>
        tpu.enqueue_indirect_dma source(%dma_start3A_364 : memref<10000x16xf32, #tpu.memory_space<hbm>>) target(%arg11 : memref<80x16xf32, #tpu.memory_space<vmem>>) offsets(%dma_start3A_361 : memref<80xi32, #tpu.memory_space<vmem>>) semaphore(%dma_start3A_366 : memref<!tpu.dma_semaphore, #tpu.memory_space<semaphore_mem>>)
      } else {
      }
    }
    %scan3A_79 = arith.constant 25 : i32
    %dma_wait3A = arith.constant 0 : i32
    %dma_wait3A_80 = arith.constant 0 : i32
    %dma_wait3A_81 = arith.constant 0 : i32
    %dma_wait3A_82 = tpu.memref_slice %arg5[%dma_wait3A, %dma_wait3A_81] : memref<125x80xi32, #tpu.memory_space<vmem>> -> memref<1x80xi32, #tpu.memory_space<vmem>>
    %dma_wait3A_83 = tpu.memref_squeeze %dma_wait3A_82 : memref<1x80xi32, #tpu.memory_space<vmem>> -> memref<80xi32, #tpu.memory_space<vmem>>
    %dma_wait3A_84 = arith.constant 0 : i32
    %dma_wait3A_85 = arith.constant 0 : i32
    %dma_wait3A_86 = tpu.memref_slice %arg12[%dma_wait3A_84, %dma_wait3A_85] : memref<10240x16xf32, #tpu.memory_space<vmem_shared>> -> memref<10240x16xf32, #tpu.memory_space<vmem_shared>>
    %dma_wait3A_87 = tpu.memref_slice %arg14[%dma_wait3A_80] : memref<5x!tpu.dma_semaphore, #tpu.memory_space<semaphore_mem>> -> memref<1x!tpu.dma_semaphore, #tpu.memory_space<semaphore_mem>>
    %dma_wait3A_88 = tpu.memref_squeeze %dma_wait3A_87 : memref<1x!tpu.dma_semaphore, #tpu.memory_space<semaphore_mem>> -> memref<!tpu.dma_semaphore, #tpu.memory_space<semaphore_mem>>
    tpu.wait_indirect_dma semaphore(%dma_wait3A_88 : memref<!tpu.dma_semaphore, #tpu.memory_space<semaphore_mem>>) src(%arg7 : memref<80x16xf32, #tpu.memory_space<vmem>>) dst(%dma_wait3A_86 : memref<10240x16xf32, #tpu.memory_space<vmem_shared>>)
    %dma_wait3A_89 = arith.constant 1 : i32
    %dma_wait3A_90 = arith.constant 1 : i32
    %dma_wait3A_91 = arith.constant 0 : i32
    %dma_wait3A_92 = tpu.memref_slice %arg5[%dma_wait3A_89, %dma_wait3A_91] : memref<125x80xi32, #tpu.memory_space<vmem>> -> memref<1x80xi32, #tpu.memory_space<vmem>>
    %dma_wait3A_93 = tpu.memref_squeeze %dma_wait3A_92 : memref<1x80xi32, #tpu.memory_space<vmem>> -> memref<80xi32, #tpu.memory_space<vmem>>
    %dma_wait3A_94 = arith.constant 0 : i32
    %dma_wait3A_95 = arith.constant 0 : i32
    %dma_wait3A_96 = tpu.memref_slice %arg12[%dma_wait3A_94, %dma_wait3A_95] : memref<10240x16xf32, #tpu.memory_space<vmem_shared>> -> memref<10240x16xf32, #tpu.memory_space<vmem_shared>>
    %dma_wait3A_97 = tpu.memref_slice %arg14[%dma_wait3A_90] : memref<5x!tpu.dma_semaphore, #tpu.memory_space<semaphore_mem>> -> memref<1x!tpu.dma_semaphore, #tpu.memory_space<semaphore_mem>>
    %dma_wait3A_98 = tpu.memref_squeeze %dma_wait3A_97 : memref<1x!tpu.dma_semaphore, #tpu.memory_space<semaphore_mem>> -> memref<!tpu.dma_semaphore, #tpu.memory_space<semaphore_mem>>
    tpu.wait_indirect_dma semaphore(%dma_wait3A_98 : memref<!tpu.dma_semaphore, #tpu.memory_space<semaphore_mem>>) src(%arg8 : memref<80x16xf32, #tpu.memory_space<vmem>>) dst(%dma_wait3A_96 : memref<10240x16xf32, #tpu.memory_space<vmem_shared>>)
    %dma_wait3A_99 = arith.constant 2 : i32
    %dma_wait3A_100 = arith.constant 2 : i32
    %dma_wait3A_101 = arith.constant 0 : i32
    %dma_wait3A_102 = tpu.memref_slice %arg5[%dma_wait3A_99, %dma_wait3A_101] : memref<125x80xi32, #tpu.memory_space<vmem>> -> memref<1x80xi32, #tpu.memory_space<vmem>>
    %dma_wait3A_103 = tpu.memref_squeeze %dma_wait3A_102 : memref<1x80xi32, #tpu.memory_space<vmem>> -> memref<80xi32, #tpu.memory_space<vmem>>
    %dma_wait3A_104 = arith.constant 0 : i32
    %dma_wait3A_105 = arith.constant 0 : i32
    %dma_wait3A_106 = tpu.memref_slice %arg12[%dma_wait3A_104, %dma_wait3A_105] : memref<10240x16xf32, #tpu.memory_space<vmem_shared>> -> memref<10240x16xf32, #tpu.memory_space<vmem_shared>>
    %dma_wait3A_107 = tpu.memref_slice %arg14[%dma_wait3A_100] : memref<5x!tpu.dma_semaphore, #tpu.memory_space<semaphore_mem>> -> memref<1x!tpu.dma_semaphore, #tpu.memory_space<semaphore_mem>>
    %dma_wait3A_108 = tpu.memref_squeeze %dma_wait3A_107 : memref<1x!tpu.dma_semaphore, #tpu.memory_space<semaphore_mem>> -> memref<!tpu.dma_semaphore, #tpu.memory_space<semaphore_mem>>
    tpu.wait_indirect_dma semaphore(%dma_wait3A_108 : memref<!tpu.dma_semaphore, #tpu.memory_space<semaphore_mem>>) src(%arg9 : memref<80x16xf32, #tpu.memory_space<vmem>>) dst(%dma_wait3A_106 : memref<10240x16xf32, #tpu.memory_space<vmem_shared>>)
    %dma_wait3A_109 = arith.constant 3 : i32
    %dma_wait3A_110 = arith.constant 3 : i32
    %dma_wait3A_111 = arith.constant 0 : i32
    %dma_wait3A_112 = tpu.memref_slice %arg5[%dma_wait3A_109, %dma_wait3A_111] : memref<125x80xi32, #tpu.memory_space<vmem>> -> memref<1x80xi32, #tpu.memory_space<vmem>>
    %dma_wait3A_113 = tpu.memref_squeeze %dma_wait3A_112 : memref<1x80xi32, #tpu.memory_space<vmem>> -> memref<80xi32, #tpu.memory_space<vmem>>
    %dma_wait3A_114 = arith.constant 0 : i32
    %dma_wait3A_115 = arith.constant 0 : i32
    %dma_wait3A_116 = tpu.memref_slice %arg12[%dma_wait3A_114, %dma_wait3A_115] : memref<10240x16xf32, #tpu.memory_space<vmem_shared>> -> memref<10240x16xf32, #tpu.memory_space<vmem_shared>>
    %dma_wait3A_117 = tpu.memref_slice %arg14[%dma_wait3A_110] : memref<5x!tpu.dma_semaphore, #tpu.memory_space<semaphore_mem>> -> memref<1x!tpu.dma_semaphore, #tpu.memory_space<semaphore_mem>>
    %dma_wait3A_118 = tpu.memref_squeeze %dma_wait3A_117 : memref<1x!tpu.dma_semaphore, #tpu.memory_space<semaphore_mem>> -> memref<!tpu.dma_semaphore, #tpu.memory_space<semaphore_mem>>
    tpu.wait_indirect_dma semaphore(%dma_wait3A_118 : memref<!tpu.dma_semaphore, #tpu.memory_space<semaphore_mem>>) src(%arg10 : memref<80x16xf32, #tpu.memory_space<vmem>>) dst(%dma_wait3A_116 : memref<10240x16xf32, #tpu.memory_space<vmem_shared>>)
    %dma_wait3A_119 = arith.constant 4 : i32
    %dma_wait3A_120 = arith.constant 4 : i32
    %dma_wait3A_121 = arith.constant 0 : i32
    %dma_wait3A_122 = tpu.memref_slice %arg5[%dma_wait3A_119, %dma_wait3A_121] : memref<125x80xi32, #tpu.memory_space<vmem>> -> memref<1x80xi32, #tpu.memory_space<vmem>>
    %dma_wait3A_123 = tpu.memref_squeeze %dma_wait3A_122 : memref<1x80xi32, #tpu.memory_space<vmem>> -> memref<80xi32, #tpu.memory_space<vmem>>
    %dma_wait3A_124 = arith.constant 0 : i32
    %dma_wait3A_125 = arith.constant 0 : i32
    %dma_wait3A_126 = tpu.memref_slice %arg12[%dma_wait3A_124, %dma_wait3A_125] : memref<10240x16xf32, #tpu.memory_space<vmem_shared>> -> memref<10240x16xf32, #tpu.memory_space<vmem_shared>>
    %dma_wait3A_127 = tpu.memref_slice %arg14[%dma_wait3A_120] : memref<5x!tpu.dma_semaphore, #tpu.memory_space<semaphore_mem>> -> memref<1x!tpu.dma_semaphore, #tpu.memory_space<semaphore_mem>>
    %dma_wait3A_128 = tpu.memref_squeeze %dma_wait3A_127 : memref<1x!tpu.dma_semaphore, #tpu.memory_space<semaphore_mem>> -> memref<!tpu.dma_semaphore, #tpu.memory_space<semaphore_mem>>
    tpu.wait_indirect_dma semaphore(%dma_wait3A_128 : memref<!tpu.dma_semaphore, #tpu.memory_space<semaphore_mem>>) src(%arg11 : memref<80x16xf32, #tpu.memory_space<vmem>>) dst(%dma_wait3A_126 : memref<10240x16xf32, #tpu.memory_space<vmem_shared>>)
    %barrier3A_129 = arith.constant 0 : index
    tpu.barrier barrier_id(%barrier3A_129)
    "tpu.region"() ({
      %run_scoped3A_130 = tpu.sem_alloc : memref<!tpu.dma_semaphore, #tpu.memory_space<semaphore_mem>>
      %dma_start3A_131 = arith.constant 0 : i32
      %dma_start3A_132 = arith.constant 0 : i32
      %dma_start3A_133 = tpu.memref_slice %arg4[%arg0, %dma_start3A_131, %dma_start3A_132] : memref<2x10240x16xf32, #tpu.memory_space<hbm>> -> memref<1x10240x16xf32, #tpu.memory_space<hbm>>
      %dma_start3A_134 = tpu.memref_squeeze %dma_start3A_133 : memref<1x10240x16xf32, #tpu.memory_space<hbm>> -> memref<10240x16xf32, #tpu.memory_space<hbm>>
      %dma_start3A_135 = arith.constant 0 : i32
      %dma_start3A_136 = tpu.memref_slice %dma_start3A_134[%mul3A_8, %dma_start3A_135] : memref<10240x16xf32, #tpu.memory_space<hbm>> -> memref<640x16xf32, #tpu.memory_space<hbm>>
      %dma_start3A_137 = arith.constant 0 : i32
      %dma_start3A_138 = tpu.memref_slice %arg12[%mul3A_8, %dma_start3A_137] : memref<10240x16xf32, #tpu.memory_space<vmem_shared>> -> memref<640x16xf32, #tpu.memory_space<vmem_shared>>
      tpu.enqueue_dma source(%dma_start3A_138 : memref<640x16xf32, #tpu.memory_space<vmem_shared>>) target(%dma_start3A_136 : memref<640x16xf32, #tpu.memory_space<hbm>>) target_semaphore(%run_scoped3A_130 : memref<!tpu.dma_semaphore, #tpu.memory_space<semaphore_mem>>)
      %dma_wait3A_139 = arith.constant 0 : i32
      %dma_wait3A_140 = arith.constant 0 : i32
      %dma_wait3A_141 = tpu.memref_slice %arg4[%arg0, %dma_wait3A_139, %dma_wait3A_140] : memref<2x10240x16xf32, #tpu.memory_space<hbm>> -> memref<1x10240x16xf32, #tpu.memory_space<hbm>>
      %dma_wait3A_142 = tpu.memref_squeeze %dma_wait3A_141 : memref<1x10240x16xf32, #tpu.memory_space<hbm>> -> memref<10240x16xf32, #tpu.memory_space<hbm>>
      %dma_wait3A_143 = arith.constant 0 : i32
      %dma_wait3A_144 = tpu.memref_slice %dma_wait3A_142[%mul3A_8, %dma_wait3A_143] : memref<10240x16xf32, #tpu.memory_space<hbm>> -> memref<640x16xf32, #tpu.memory_space<hbm>>
      %dma_wait3A_145 = arith.constant 0 : i32
      %dma_wait3A_146 = tpu.memref_slice %arg12[%mul3A_8, %dma_wait3A_145] : memref<10240x16xf32, #tpu.memory_space<vmem_shared>> -> memref<640x16xf32, #tpu.memory_space<vmem_shared>>
      tpu.wait_dma2 semaphore(%run_scoped3A_130 : memref<!tpu.dma_semaphore, #tpu.memory_space<semaphore_mem>>) src(%dma_wait3A_146 : memref<640x16xf32, #tpu.memory_space<vmem_shared>>) dst(%dma_wait3A_144 : memref<640x16xf32, #tpu.memory_space<hbm>>)
      tpu.yield
    }) : () -> ()
    return
  }
}

#map = affine_map<(d0, d1) -> (0, 0, 0)>
#map1 = affine_map<(d0, d1) -> (0, 0, 0, 0)>
module attributes {stable_mosaic.version = 14 : i64} {
  func.func @k(%arg0: i32, %arg1: i32, %arg2: memref<2x10000x64xf32, #tpu.memory_space<hbm>>, %arg3: memref<2x32x125x80xi32, #tpu.memory_space<hbm>>, %arg4: memref<2x10240x64xf32, #tpu.memory_space<hbm>>, %arg5: memref<250x80xi32, #tpu.memory_space<vmem>>, %arg6: memref<250x80xi32, #tpu.memory_space<vmem>>, %arg7: memref<80x64xf32, #tpu.memory_space<vmem>>, %arg8: memref<80x64xf32, #tpu.memory_space<vmem>>, %arg9: memref<80x64xf32, #tpu.memory_space<vmem>>, %arg10: memref<80x64xf32, #tpu.memory_space<vmem>>, %arg11: memref<80x64xf32, #tpu.memory_space<vmem>>, %arg12: memref<10240x64xf32, #tpu.memory_space<vmem_shared>>, %arg13: memref<5x!tpu.dma_semaphore, #tpu.memory_space<semaphore_mem>>, %arg14: memref<5x!tpu.dma_semaphore, #tpu.memory_space<semaphore_mem>>) attributes {dimension_semantics = [#tpu.dimension_semantics<core_parallel>, #tpu.dimension_semantics<subcore_parallel>], iteration_bounds = array<i64: 2, 16>, scalar_prefetch = 0 : i64, scratch_operands = 10 : i64, tpu.core_type = #tpu.core_type<sc_vector_subcore>, window_params = [{transform_indices = #map}, {transform_indices = #map1}, {transform_indices = #map}]} {
    %mul3A = arith.constant 2 : i32
    %mul3A_0 = arith.muli %mul3A, %arg1 : i32
    %run_scoped3A = arith.constant 0 : i32
    "tpu.region"() ({
      %run_scoped3A_161 = tpu.sem_alloc : memref<!tpu.dma_semaphore, #tpu.memory_space<semaphore_mem>>
      %dma_start3A_162 = arith.constant 0 : i32
      %dma_start3A_163 = arith.constant 0 : i32
      %dma_start3A_164 = tpu.memref_slice %arg5[%dma_start3A_162, %dma_start3A_163] : memref<250x80xi32, #tpu.memory_space<vmem>> -> memref<125x80xi32, #tpu.memory_space<vmem>>
      %dma_start3A_165 = arith.constant 0 : i32
      %dma_start3A_166 = arith.constant 0 : i32
      %dma_start3A_167 = arith.constant 0 : i32
      %dma_start3A_168 = tpu.memref_slice %arg3[%run_scoped3A, %dma_start3A_165, %dma_start3A_166, %dma_start3A_167] : memref<2x32x125x80xi32, #tpu.memory_space<hbm>> -> memref<1x32x125x80xi32, #tpu.memory_space<hbm>>
      %dma_start3A_169 = tpu.memref_squeeze %dma_start3A_168 : memref<1x32x125x80xi32, #tpu.memory_space<hbm>> -> memref<32x125x80xi32, #tpu.memory_space<hbm>>
      %dma_start3A_170 = arith.constant 0 : i32
      %dma_start3A_171 = arith.constant 0 : i32
      %dma_start3A_172 = tpu.memref_slice %dma_start3A_169[%mul3A_0, %dma_start3A_170, %dma_start3A_171] : memref<32x125x80xi32, #tpu.memory_space<hbm>> -> memref<1x125x80xi32, #tpu.memory_space<hbm>>
      %dma_start3A_173 = tpu.memref_squeeze %dma_start3A_172 : memref<1x125x80xi32, #tpu.memory_space<hbm>> -> memref<125x80xi32, #tpu.memory_space<hbm>>
      %dma_start3A_174 = arith.constant 0 : i32
      %dma_start3A_175 = arith.constant 0 : i32
      %dma_start3A_176 = tpu.memref_slice %arg5[%dma_start3A_174, %dma_start3A_175] : memref<250x80xi32, #tpu.memory_space<vmem>> -> memref<125x80xi32, #tpu.memory_space<vmem>>
      %dma_start3A_177 = arith.constant 0 : i32
      %dma_start3A_178 = arith.constant 0 : i32
      %dma_start3A_179 = arith.constant 0 : i32
      %dma_start3A_180 = tpu.memref_slice %arg3[%run_scoped3A, %dma_start3A_177, %dma_start3A_178, %dma_start3A_179] : memref<2x32x125x80xi32, #tpu.memory_space<hbm>> -> memref<1x32x125x80xi32, #tpu.memory_space<hbm>>
      %dma_start3A_181 = tpu.memref_squeeze %dma_start3A_180 : memref<1x32x125x80xi32, #tpu.memory_space<hbm>> -> memref<32x125x80xi32, #tpu.memory_space<hbm>>
      %dma_start3A_182 = arith.constant 0 : i32
      %dma_start3A_183 = arith.constant 0 : i32
      %dma_start3A_184 = tpu.memref_slice %dma_start3A_181[%mul3A_0, %dma_start3A_182, %dma_start3A_183] : memref<32x125x80xi32, #tpu.memory_space<hbm>> -> memref<1x125x80xi32, #tpu.memory_space<hbm>>
      %dma_start3A_185 = tpu.memref_squeeze %dma_start3A_184 : memref<1x125x80xi32, #tpu.memory_space<hbm>> -> memref<125x80xi32, #tpu.memory_space<hbm>>
      tpu.enqueue_dma source(%dma_start3A_185 : memref<125x80xi32, #tpu.memory_space<hbm>>) target(%dma_start3A_176 : memref<125x80xi32, #tpu.memory_space<vmem>>) target_semaphore(%run_scoped3A_161 : memref<!tpu.dma_semaphore, #tpu.memory_space<semaphore_mem>>)
      %dma_wait3A_186 = arith.constant 0 : i32
      %dma_wait3A_187 = arith.constant 0 : i32
      %dma_wait3A_188 = tpu.memref_slice %arg5[%dma_wait3A_186, %dma_wait3A_187] : memref<250x80xi32, #tpu.memory_space<vmem>> -> memref<125x80xi32, #tpu.memory_space<vmem>>
      %dma_wait3A_189 = arith.constant 0 : i32
      %dma_wait3A_190 = arith.constant 0 : i32
      %dma_wait3A_191 = arith.constant 0 : i32
      %dma_wait3A_192 = tpu.memref_slice %arg3[%run_scoped3A, %dma_wait3A_189, %dma_wait3A_190, %dma_wait3A_191] : memref<2x32x125x80xi32, #tpu.memory_space<hbm>> -> memref<1x32x125x80xi32, #tpu.memory_space<hbm>>
      %dma_wait3A_193 = tpu.memref_squeeze %dma_wait3A_192 : memref<1x32x125x80xi32, #tpu.memory_space<hbm>> -> memref<32x125x80xi32, #tpu.memory_space<hbm>>
      %dma_wait3A_194 = arith.constant 0 : i32
      %dma_wait3A_195 = arith.constant 0 : i32
      %dma_wait3A_196 = tpu.memref_slice %dma_wait3A_193[%mul3A_0, %dma_wait3A_194, %dma_wait3A_195] : memref<32x125x80xi32, #tpu.memory_space<hbm>> -> memref<1x125x80xi32, #tpu.memory_space<hbm>>
      %dma_wait3A_197 = tpu.memref_squeeze %dma_wait3A_196 : memref<1x125x80xi32, #tpu.memory_space<hbm>> -> memref<125x80xi32, #tpu.memory_space<hbm>>
      %dma_wait3A_198 = arith.constant 0 : i32
      %dma_wait3A_199 = arith.constant 0 : i32
      %dma_wait3A_200 = tpu.memref_slice %arg5[%dma_wait3A_198, %dma_wait3A_199] : memref<250x80xi32, #tpu.memory_space<vmem>> -> memref<125x80xi32, #tpu.memory_space<vmem>>
      %dma_wait3A_201 = arith.constant 0 : i32
      %dma_wait3A_202 = arith.constant 0 : i32
      %dma_wait3A_203 = arith.constant 0 : i32
      %dma_wait3A_204 = tpu.memref_slice %arg3[%run_scoped3A, %dma_wait3A_201, %dma_wait3A_202, %dma_wait3A_203] : memref<2x32x125x80xi32, #tpu.memory_space<hbm>> -> memref<1x32x125x80xi32, #tpu.memory_space<hbm>>
      %dma_wait3A_205 = tpu.memref_squeeze %dma_wait3A_204 : memref<1x32x125x80xi32, #tpu.memory_space<hbm>> -> memref<32x125x80xi32, #tpu.memory_space<hbm>>
      %dma_wait3A_206 = arith.constant 0 : i32
      %dma_wait3A_207 = arith.constant 0 : i32
      %dma_wait3A_208 = tpu.memref_slice %dma_wait3A_205[%mul3A_0, %dma_wait3A_206, %dma_wait3A_207] : memref<32x125x80xi32, #tpu.memory_space<hbm>> -> memref<1x125x80xi32, #tpu.memory_space<hbm>>
      %dma_wait3A_209 = tpu.memref_squeeze %dma_wait3A_208 : memref<1x125x80xi32, #tpu.memory_space<hbm>> -> memref<125x80xi32, #tpu.memory_space<hbm>>
      tpu.wait_dma2 semaphore(%run_scoped3A_161 : memref<!tpu.dma_semaphore, #tpu.memory_space<semaphore_mem>>) src(%dma_wait3A_209 : memref<125x80xi32, #tpu.memory_space<hbm>>) dst(%dma_wait3A_200 : memref<125x80xi32, #tpu.memory_space<vmem>>)
      tpu.yield
    }) : () -> ()
    %mul3A_1 = arith.constant 2 : i32
    %mul3A_2 = arith.muli %mul3A_1, %arg1 : i32
    %add3A = arith.constant 1 : i32
    %add3A_3 = arith.addi %mul3A_2, %add3A : i32
    %run_scoped3A_4 = arith.constant 0 : i32
    "tpu.region"() ({
      %run_scoped3A_161 = tpu.sem_alloc : memref<!tpu.dma_semaphore, #tpu.memory_space<semaphore_mem>>
      %dma_start3A_162 = arith.constant 125 : i32
      %dma_start3A_163 = arith.constant 0 : i32
      %dma_start3A_164 = tpu.memref_slice %arg5[%dma_start3A_162, %dma_start3A_163] : memref<250x80xi32, #tpu.memory_space<vmem>> -> memref<125x80xi32, #tpu.memory_space<vmem>>
      %dma_start3A_165 = arith.constant 0 : i32
      %dma_start3A_166 = arith.constant 0 : i32
      %dma_start3A_167 = arith.constant 0 : i32
      %dma_start3A_168 = tpu.memref_slice %arg3[%run_scoped3A_4, %dma_start3A_165, %dma_start3A_166, %dma_start3A_167] : memref<2x32x125x80xi32, #tpu.memory_space<hbm>> -> memref<1x32x125x80xi32, #tpu.memory_space<hbm>>
      %dma_start3A_169 = tpu.memref_squeeze %dma_start3A_168 : memref<1x32x125x80xi32, #tpu.memory_space<hbm>> -> memref<32x125x80xi32, #tpu.memory_space<hbm>>
      %dma_start3A_170 = arith.constant 0 : i32
      %dma_start3A_171 = arith.constant 0 : i32
      %dma_start3A_172 = tpu.memref_slice %dma_start3A_169[%add3A_3, %dma_start3A_170, %dma_start3A_171] : memref<32x125x80xi32, #tpu.memory_space<hbm>> -> memref<1x125x80xi32, #tpu.memory_space<hbm>>
      %dma_start3A_173 = tpu.memref_squeeze %dma_start3A_172 : memref<1x125x80xi32, #tpu.memory_space<hbm>> -> memref<125x80xi32, #tpu.memory_space<hbm>>
      %dma_start3A_174 = arith.constant 125 : i32
      %dma_start3A_175 = arith.constant 0 : i32
      %dma_start3A_176 = tpu.memref_slice %arg5[%dma_start3A_174, %dma_start3A_175] : memref<250x80xi32, #tpu.memory_space<vmem>> -> memref<125x80xi32, #tpu.memory_space<vmem>>
      %dma_start3A_177 = arith.constant 0 : i32
      %dma_start3A_178 = arith.constant 0 : i32
      %dma_start3A_179 = arith.constant 0 : i32
      %dma_start3A_180 = tpu.memref_slice %arg3[%run_scoped3A_4, %dma_start3A_177, %dma_start3A_178, %dma_start3A_179] : memref<2x32x125x80xi32, #tpu.memory_space<hbm>> -> memref<1x32x125x80xi32, #tpu.memory_space<hbm>>
      %dma_start3A_181 = tpu.memref_squeeze %dma_start3A_180 : memref<1x32x125x80xi32, #tpu.memory_space<hbm>> -> memref<32x125x80xi32, #tpu.memory_space<hbm>>
      %dma_start3A_182 = arith.constant 0 : i32
      %dma_start3A_183 = arith.constant 0 : i32
      %dma_start3A_184 = tpu.memref_slice %dma_start3A_181[%add3A_3, %dma_start3A_182, %dma_start3A_183] : memref<32x125x80xi32, #tpu.memory_space<hbm>> -> memref<1x125x80xi32, #tpu.memory_space<hbm>>
      %dma_start3A_185 = tpu.memref_squeeze %dma_start3A_184 : memref<1x125x80xi32, #tpu.memory_space<hbm>> -> memref<125x80xi32, #tpu.memory_space<hbm>>
      tpu.enqueue_dma source(%dma_start3A_185 : memref<125x80xi32, #tpu.memory_space<hbm>>) target(%dma_start3A_176 : memref<125x80xi32, #tpu.memory_space<vmem>>) target_semaphore(%run_scoped3A_161 : memref<!tpu.dma_semaphore, #tpu.memory_space<semaphore_mem>>)
      %dma_wait3A_186 = arith.constant 125 : i32
      %dma_wait3A_187 = arith.constant 0 : i32
      %dma_wait3A_188 = tpu.memref_slice %arg5[%dma_wait3A_186, %dma_wait3A_187] : memref<250x80xi32, #tpu.memory_space<vmem>> -> memref<125x80xi32, #tpu.memory_space<vmem>>
      %dma_wait3A_189 = arith.constant 0 : i32
      %dma_wait3A_190 = arith.constant 0 : i32
      %dma_wait3A_191 = arith.constant 0 : i32
      %dma_wait3A_192 = tpu.memref_slice %arg3[%run_scoped3A_4, %dma_wait3A_189, %dma_wait3A_190, %dma_wait3A_191] : memref<2x32x125x80xi32, #tpu.memory_space<hbm>> -> memref<1x32x125x80xi32, #tpu.memory_space<hbm>>
      %dma_wait3A_193 = tpu.memref_squeeze %dma_wait3A_192 : memref<1x32x125x80xi32, #tpu.memory_space<hbm>> -> memref<32x125x80xi32, #tpu.memory_space<hbm>>
      %dma_wait3A_194 = arith.constant 0 : i32
      %dma_wait3A_195 = arith.constant 0 : i32
      %dma_wait3A_196 = tpu.memref_slice %dma_wait3A_193[%add3A_3, %dma_wait3A_194, %dma_wait3A_195] : memref<32x125x80xi32, #tpu.memory_space<hbm>> -> memref<1x125x80xi32, #tpu.memory_space<hbm>>
      %dma_wait3A_197 = tpu.memref_squeeze %dma_wait3A_196 : memref<1x125x80xi32, #tpu.memory_space<hbm>> -> memref<125x80xi32, #tpu.memory_space<hbm>>
      %dma_wait3A_198 = arith.constant 125 : i32
      %dma_wait3A_199 = arith.constant 0 : i32
      %dma_wait3A_200 = tpu.memref_slice %arg5[%dma_wait3A_198, %dma_wait3A_199] : memref<250x80xi32, #tpu.memory_space<vmem>> -> memref<125x80xi32, #tpu.memory_space<vmem>>
      %dma_wait3A_201 = arith.constant 0 : i32
      %dma_wait3A_202 = arith.constant 0 : i32
      %dma_wait3A_203 = arith.constant 0 : i32
      %dma_wait3A_204 = tpu.memref_slice %arg3[%run_scoped3A_4, %dma_wait3A_201, %dma_wait3A_202, %dma_wait3A_203] : memref<2x32x125x80xi32, #tpu.memory_space<hbm>> -> memref<1x32x125x80xi32, #tpu.memory_space<hbm>>
      %dma_wait3A_205 = tpu.memref_squeeze %dma_wait3A_204 : memref<1x32x125x80xi32, #tpu.memory_space<hbm>> -> memref<32x125x80xi32, #tpu.memory_space<hbm>>
      %dma_wait3A_206 = arith.constant 0 : i32
      %dma_wait3A_207 = arith.constant 0 : i32
      %dma_wait3A_208 = tpu.memref_slice %dma_wait3A_205[%add3A_3, %dma_wait3A_206, %dma_wait3A_207] : memref<32x125x80xi32, #tpu.memory_space<hbm>> -> memref<1x125x80xi32, #tpu.memory_space<hbm>>
      %dma_wait3A_209 = tpu.memref_squeeze %dma_wait3A_208 : memref<1x125x80xi32, #tpu.memory_space<hbm>> -> memref<125x80xi32, #tpu.memory_space<hbm>>
      tpu.wait_dma2 semaphore(%run_scoped3A_161 : memref<!tpu.dma_semaphore, #tpu.memory_space<semaphore_mem>>) src(%dma_wait3A_209 : memref<125x80xi32, #tpu.memory_space<hbm>>) dst(%dma_wait3A_200 : memref<125x80xi32, #tpu.memory_space<vmem>>)
      tpu.yield
    }) : () -> ()
    %mul3A_5 = arith.constant 2 : i32
    %mul3A_6 = arith.muli %mul3A_5, %arg1 : i32
    %run_scoped3A_7 = arith.constant 1 : i32
    "tpu.region"() ({
      %run_scoped3A_161 = tpu.sem_alloc : memref<!tpu.dma_semaphore, #tpu.memory_space<semaphore_mem>>
      %dma_start3A_162 = arith.constant 0 : i32
      %dma_start3A_163 = arith.constant 0 : i32
      %dma_start3A_164 = tpu.memref_slice %arg6[%dma_start3A_162, %dma_start3A_163] : memref<250x80xi32, #tpu.memory_space<vmem>> -> memref<125x80xi32, #tpu.memory_space<vmem>>
      %dma_start3A_165 = arith.constant 0 : i32
      %dma_start3A_166 = arith.constant 0 : i32
      %dma_start3A_167 = arith.constant 0 : i32
      %dma_start3A_168 = tpu.memref_slice %arg3[%run_scoped3A_7, %dma_start3A_165, %dma_start3A_166, %dma_start3A_167] : memref<2x32x125x80xi32, #tpu.memory_space<hbm>> -> memref<1x32x125x80xi32, #tpu.memory_space<hbm>>
      %dma_start3A_169 = tpu.memref_squeeze %dma_start3A_168 : memref<1x32x125x80xi32, #tpu.memory_space<hbm>> -> memref<32x125x80xi32, #tpu.memory_space<hbm>>
      %dma_start3A_170 = arith.constant 0 : i32
      %dma_start3A_171 = arith.constant 0 : i32
      %dma_start3A_172 = tpu.memref_slice %dma_start3A_169[%mul3A_6, %dma_start3A_170, %dma_start3A_171] : memref<32x125x80xi32, #tpu.memory_space<hbm>> -> memref<1x125x80xi32, #tpu.memory_space<hbm>>
      %dma_start3A_173 = tpu.memref_squeeze %dma_start3A_172 : memref<1x125x80xi32, #tpu.memory_space<hbm>> -> memref<125x80xi32, #tpu.memory_space<hbm>>
      %dma_start3A_174 = arith.constant 0 : i32
      %dma_start3A_175 = arith.constant 0 : i32
      %dma_start3A_176 = tpu.memref_slice %arg6[%dma_start3A_174, %dma_start3A_175] : memref<250x80xi32, #tpu.memory_space<vmem>> -> memref<125x80xi32, #tpu.memory_space<vmem>>
      %dma_start3A_177 = arith.constant 0 : i32
      %dma_start3A_178 = arith.constant 0 : i32
      %dma_start3A_179 = arith.constant 0 : i32
      %dma_start3A_180 = tpu.memref_slice %arg3[%run_scoped3A_7, %dma_start3A_177, %dma_start3A_178, %dma_start3A_179] : memref<2x32x125x80xi32, #tpu.memory_space<hbm>> -> memref<1x32x125x80xi32, #tpu.memory_space<hbm>>
      %dma_start3A_181 = tpu.memref_squeeze %dma_start3A_180 : memref<1x32x125x80xi32, #tpu.memory_space<hbm>> -> memref<32x125x80xi32, #tpu.memory_space<hbm>>
      %dma_start3A_182 = arith.constant 0 : i32
      %dma_start3A_183 = arith.constant 0 : i32
      %dma_start3A_184 = tpu.memref_slice %dma_start3A_181[%mul3A_6, %dma_start3A_182, %dma_start3A_183] : memref<32x125x80xi32, #tpu.memory_space<hbm>> -> memref<1x125x80xi32, #tpu.memory_space<hbm>>
      %dma_start3A_185 = tpu.memref_squeeze %dma_start3A_184 : memref<1x125x80xi32, #tpu.memory_space<hbm>> -> memref<125x80xi32, #tpu.memory_space<hbm>>
      tpu.enqueue_dma source(%dma_start3A_185 : memref<125x80xi32, #tpu.memory_space<hbm>>) target(%dma_start3A_176 : memref<125x80xi32, #tpu.memory_space<vmem>>) target_semaphore(%run_scoped3A_161 : memref<!tpu.dma_semaphore, #tpu.memory_space<semaphore_mem>>)
      %dma_wait3A_186 = arith.constant 0 : i32
      %dma_wait3A_187 = arith.constant 0 : i32
      %dma_wait3A_188 = tpu.memref_slice %arg6[%dma_wait3A_186, %dma_wait3A_187] : memref<250x80xi32, #tpu.memory_space<vmem>> -> memref<125x80xi32, #tpu.memory_space<vmem>>
      %dma_wait3A_189 = arith.constant 0 : i32
      %dma_wait3A_190 = arith.constant 0 : i32
      %dma_wait3A_191 = arith.constant 0 : i32
      %dma_wait3A_192 = tpu.memref_slice %arg3[%run_scoped3A_7, %dma_wait3A_189, %dma_wait3A_190, %dma_wait3A_191] : memref<2x32x125x80xi32, #tpu.memory_space<hbm>> -> memref<1x32x125x80xi32, #tpu.memory_space<hbm>>
      %dma_wait3A_193 = tpu.memref_squeeze %dma_wait3A_192 : memref<1x32x125x80xi32, #tpu.memory_space<hbm>> -> memref<32x125x80xi32, #tpu.memory_space<hbm>>
      %dma_wait3A_194 = arith.constant 0 : i32
      %dma_wait3A_195 = arith.constant 0 : i32
      %dma_wait3A_196 = tpu.memref_slice %dma_wait3A_193[%mul3A_6, %dma_wait3A_194, %dma_wait3A_195] : memref<32x125x80xi32, #tpu.memory_space<hbm>> -> memref<1x125x80xi32, #tpu.memory_space<hbm>>
      %dma_wait3A_197 = tpu.memref_squeeze %dma_wait3A_196 : memref<1x125x80xi32, #tpu.memory_space<hbm>> -> memref<125x80xi32, #tpu.memory_space<hbm>>
      %dma_wait3A_198 = arith.constant 0 : i32
      %dma_wait3A_199 = arith.constant 0 : i32
      %dma_wait3A_200 = tpu.memref_slice %arg6[%dma_wait3A_198, %dma_wait3A_199] : memref<250x80xi32, #tpu.memory_space<vmem>> -> memref<125x80xi32, #tpu.memory_space<vmem>>
      %dma_wait3A_201 = arith.constant 0 : i32
      %dma_wait3A_202 = arith.constant 0 : i32
      %dma_wait3A_203 = arith.constant 0 : i32
      %dma_wait3A_204 = tpu.memref_slice %arg3[%run_scoped3A_7, %dma_wait3A_201, %dma_wait3A_202, %dma_wait3A_203] : memref<2x32x125x80xi32, #tpu.memory_space<hbm>> -> memref<1x32x125x80xi32, #tpu.memory_space<hbm>>
      %dma_wait3A_205 = tpu.memref_squeeze %dma_wait3A_204 : memref<1x32x125x80xi32, #tpu.memory_space<hbm>> -> memref<32x125x80xi32, #tpu.memory_space<hbm>>
      %dma_wait3A_206 = arith.constant 0 : i32
      %dma_wait3A_207 = arith.constant 0 : i32
      %dma_wait3A_208 = tpu.memref_slice %dma_wait3A_205[%mul3A_6, %dma_wait3A_206, %dma_wait3A_207] : memref<32x125x80xi32, #tpu.memory_space<hbm>> -> memref<1x125x80xi32, #tpu.memory_space<hbm>>
      %dma_wait3A_209 = tpu.memref_squeeze %dma_wait3A_208 : memref<1x125x80xi32, #tpu.memory_space<hbm>> -> memref<125x80xi32, #tpu.memory_space<hbm>>
      tpu.wait_dma2 semaphore(%run_scoped3A_161 : memref<!tpu.dma_semaphore, #tpu.memory_space<semaphore_mem>>) src(%dma_wait3A_209 : memref<125x80xi32, #tpu.memory_space<hbm>>) dst(%dma_wait3A_200 : memref<125x80xi32, #tpu.memory_space<vmem>>)
      tpu.yield
    }) : () -> ()
    %mul3A_8 = arith.constant 2 : i32
    %mul3A_9 = arith.muli %mul3A_8, %arg1 : i32
    %add3A_10 = arith.constant 1 : i32
    %add3A_11 = arith.addi %mul3A_9, %add3A_10 : i32
    %run_scoped3A_12 = arith.constant 1 : i32
    "tpu.region"() ({
      %run_scoped3A_161 = tpu.sem_alloc : memref<!tpu.dma_semaphore, #tpu.memory_space<semaphore_mem>>
      %dma_start3A_162 = arith.constant 125 : i32
      %dma_start3A_163 = arith.constant 0 : i32
      %dma_start3A_164 = tpu.memref_slice %arg6[%dma_start3A_162, %dma_start3A_163] : memref<250x80xi32, #tpu.memory_space<vmem>> -> memref<125x80xi32, #tpu.memory_space<vmem>>
      %dma_start3A_165 = arith.constant 0 : i32
      %dma_start3A_166 = arith.constant 0 : i32
      %dma_start3A_167 = arith.constant 0 : i32
      %dma_start3A_168 = tpu.memref_slice %arg3[%run_scoped3A_12, %dma_start3A_165, %dma_start3A_166, %dma_start3A_167] : memref<2x32x125x80xi32, #tpu.memory_space<hbm>> -> memref<1x32x125x80xi32, #tpu.memory_space<hbm>>
      %dma_start3A_169 = tpu.memref_squeeze %dma_start3A_168 : memref<1x32x125x80xi32, #tpu.memory_space<hbm>> -> memref<32x125x80xi32, #tpu.memory_space<hbm>>
      %dma_start3A_170 = arith.constant 0 : i32
      %dma_start3A_171 = arith.constant 0 : i32
      %dma_start3A_172 = tpu.memref_slice %dma_start3A_169[%add3A_11, %dma_start3A_170, %dma_start3A_171] : memref<32x125x80xi32, #tpu.memory_space<hbm>> -> memref<1x125x80xi32, #tpu.memory_space<hbm>>
      %dma_start3A_173 = tpu.memref_squeeze %dma_start3A_172 : memref<1x125x80xi32, #tpu.memory_space<hbm>> -> memref<125x80xi32, #tpu.memory_space<hbm>>
      %dma_start3A_174 = arith.constant 125 : i32
      %dma_start3A_175 = arith.constant 0 : i32
      %dma_start3A_176 = tpu.memref_slice %arg6[%dma_start3A_174, %dma_start3A_175] : memref<250x80xi32, #tpu.memory_space<vmem>> -> memref<125x80xi32, #tpu.memory_space<vmem>>
      %dma_start3A_177 = arith.constant 0 : i32
      %dma_start3A_178 = arith.constant 0 : i32
      %dma_start3A_179 = arith.constant 0 : i32
      %dma_start3A_180 = tpu.memref_slice %arg3[%run_scoped3A_12, %dma_start3A_177, %dma_start3A_178, %dma_start3A_179] : memref<2x32x125x80xi32, #tpu.memory_space<hbm>> -> memref<1x32x125x80xi32, #tpu.memory_space<hbm>>
      %dma_start3A_181 = tpu.memref_squeeze %dma_start3A_180 : memref<1x32x125x80xi32, #tpu.memory_space<hbm>> -> memref<32x125x80xi32, #tpu.memory_space<hbm>>
      %dma_start3A_182 = arith.constant 0 : i32
      %dma_start3A_183 = arith.constant 0 : i32
      %dma_start3A_184 = tpu.memref_slice %dma_start3A_181[%add3A_11, %dma_start3A_182, %dma_start3A_183] : memref<32x125x80xi32, #tpu.memory_space<hbm>> -> memref<1x125x80xi32, #tpu.memory_space<hbm>>
      %dma_start3A_185 = tpu.memref_squeeze %dma_start3A_184 : memref<1x125x80xi32, #tpu.memory_space<hbm>> -> memref<125x80xi32, #tpu.memory_space<hbm>>
      tpu.enqueue_dma source(%dma_start3A_185 : memref<125x80xi32, #tpu.memory_space<hbm>>) target(%dma_start3A_176 : memref<125x80xi32, #tpu.memory_space<vmem>>) target_semaphore(%run_scoped3A_161 : memref<!tpu.dma_semaphore, #tpu.memory_space<semaphore_mem>>)
      %dma_wait3A_186 = arith.constant 125 : i32
      %dma_wait3A_187 = arith.constant 0 : i32
      %dma_wait3A_188 = tpu.memref_slice %arg6[%dma_wait3A_186, %dma_wait3A_187] : memref<250x80xi32, #tpu.memory_space<vmem>> -> memref<125x80xi32, #tpu.memory_space<vmem>>
      %dma_wait3A_189 = arith.constant 0 : i32
      %dma_wait3A_190 = arith.constant 0 : i32
      %dma_wait3A_191 = arith.constant 0 : i32
      %dma_wait3A_192 = tpu.memref_slice %arg3[%run_scoped3A_12, %dma_wait3A_189, %dma_wait3A_190, %dma_wait3A_191] : memref<2x32x125x80xi32, #tpu.memory_space<hbm>> -> memref<1x32x125x80xi32, #tpu.memory_space<hbm>>
      %dma_wait3A_193 = tpu.memref_squeeze %dma_wait3A_192 : memref<1x32x125x80xi32, #tpu.memory_space<hbm>> -> memref<32x125x80xi32, #tpu.memory_space<hbm>>
      %dma_wait3A_194 = arith.constant 0 : i32
      %dma_wait3A_195 = arith.constant 0 : i32
      %dma_wait3A_196 = tpu.memref_slice %dma_wait3A_193[%add3A_11, %dma_wait3A_194, %dma_wait3A_195] : memref<32x125x80xi32, #tpu.memory_space<hbm>> -> memref<1x125x80xi32, #tpu.memory_space<hbm>>
      %dma_wait3A_197 = tpu.memref_squeeze %dma_wait3A_196 : memref<1x125x80xi32, #tpu.memory_space<hbm>> -> memref<125x80xi32, #tpu.memory_space<hbm>>
      %dma_wait3A_198 = arith.constant 125 : i32
      %dma_wait3A_199 = arith.constant 0 : i32
      %dma_wait3A_200 = tpu.memref_slice %arg6[%dma_wait3A_198, %dma_wait3A_199] : memref<250x80xi32, #tpu.memory_space<vmem>> -> memref<125x80xi32, #tpu.memory_space<vmem>>
      %dma_wait3A_201 = arith.constant 0 : i32
      %dma_wait3A_202 = arith.constant 0 : i32
      %dma_wait3A_203 = arith.constant 0 : i32
      %dma_wait3A_204 = tpu.memref_slice %arg3[%run_scoped3A_12, %dma_wait3A_201, %dma_wait3A_202, %dma_wait3A_203] : memref<2x32x125x80xi32, #tpu.memory_space<hbm>> -> memref<1x32x125x80xi32, #tpu.memory_space<hbm>>
      %dma_wait3A_205 = tpu.memref_squeeze %dma_wait3A_204 : memref<1x32x125x80xi32, #tpu.memory_space<hbm>> -> memref<32x125x80xi32, #tpu.memory_space<hbm>>
      %dma_wait3A_206 = arith.constant 0 : i32
      %dma_wait3A_207 = arith.constant 0 : i32
      %dma_wait3A_208 = tpu.memref_slice %dma_wait3A_205[%add3A_11, %dma_wait3A_206, %dma_wait3A_207] : memref<32x125x80xi32, #tpu.memory_space<hbm>> -> memref<1x125x80xi32, #tpu.memory_space<hbm>>
      %dma_wait3A_209 = tpu.memref_squeeze %dma_wait3A_208 : memref<1x125x80xi32, #tpu.memory_space<hbm>> -> memref<125x80xi32, #tpu.memory_space<hbm>>
      tpu.wait_dma2 semaphore(%run_scoped3A_161 : memref<!tpu.dma_semaphore, #tpu.memory_space<semaphore_mem>>) src(%dma_wait3A_209 : memref<125x80xi32, #tpu.memory_space<hbm>>) dst(%dma_wait3A_200 : memref<125x80xi32, #tpu.memory_space<vmem>>)
      tpu.yield
    }) : () -> ()
    %scan3A = arith.constant 0 : i32
    %scan3A_13 = arith.constant 0 : i32
    %scan3A_14 = arith.constant 80 : i32
    %scan3A_15 = arith.addi %scan3A_13, %scan3A_14 : i32
    %scan3A_16 = arith.constant 1 : i32
    scf.for %scan3A_161 = %scan3A_13 to %scan3A_15 step %scan3A_16  : i32 {
      %broadcast_in_dim3A = arith.constant 0.000000e+00 : f32
      %broadcast_in_dim3A_162 = vector.broadcast %broadcast_in_dim3A : f32 to vector<16xf32>
      %swap3A = arith.index_cast %scan3A_161 : i32 to index
      %swap3A_163 = arith.constant 0 : index
      %swap3A_164 = tpu.vector_load %arg7[%swap3A, %swap3A_163] {strides = array<i32>} : memref<80x64xf32, #tpu.memory_space<vmem>>, vector<1x16xf32>,
      %swap3A_165 = vector.shape_cast %swap3A_164 : vector<1x16xf32> to vector<16xf32>
      %swap3A_166 = vector.shape_cast %broadcast_in_dim3A_162 : vector<16xf32> to vector<1x16xf32>
      tpu.vector_store %arg7[%swap3A, %swap3A_163], %swap3A_166 {strides = array<i32>} : memref<80x64xf32, #tpu.memory_space<vmem>>, vector<1x16xf32>,
      %broadcast_in_dim3A_167 = arith.constant 0.000000e+00 : f32
      %broadcast_in_dim3A_168 = vector.broadcast %broadcast_in_dim3A_167 : f32 to vector<16xf32>
      %swap3A_169 = arith.index_cast %scan3A_161 : i32 to index
      %swap3A_170 = arith.constant 16 : index
      %swap3A_171 = tpu.vector_load %arg7[%swap3A_169, %swap3A_170] {strides = array<i32>} : memref<80x64xf32, #tpu.memory_space<vmem>>, vector<1x16xf32>,
      %swap3A_172 = vector.shape_cast %swap3A_171 : vector<1x16xf32> to vector<16xf32>
      %swap3A_173 = vector.shape_cast %broadcast_in_dim3A_168 : vector<16xf32> to vector<1x16xf32>
      tpu.vector_store %arg7[%swap3A_169, %swap3A_170], %swap3A_173 {strides = array<i32>} : memref<80x64xf32, #tpu.memory_space<vmem>>, vector<1x16xf32>,
      %broadcast_in_dim3A_174 = arith.constant 0.000000e+00 : f32
      %broadcast_in_dim3A_175 = vector.broadcast %broadcast_in_dim3A_174 : f32 to vector<16xf32>
      %swap3A_176 = arith.index_cast %scan3A_161 : i32 to index
      %swap3A_177 = arith.constant 32 : index
      %swap3A_178 = tpu.vector_load %arg7[%swap3A_176, %swap3A_177] {strides = array<i32>} : memref<80x64xf32, #tpu.memory_space<vmem>>, vector<1x16xf32>,
      %swap3A_179 = vector.shape_cast %swap3A_178 : vector<1x16xf32> to vector<16xf32>
      %swap3A_180 = vector.shape_cast %broadcast_in_dim3A_175 : vector<16xf32> to vector<1x16xf32>
      tpu.vector_store %arg7[%swap3A_176, %swap3A_177], %swap3A_180 {strides = array<i32>} : memref<80x64xf32, #tpu.memory_space<vmem>>, vector<1x16xf32>,
      %broadcast_in_dim3A_181 = arith.constant 0.000000e+00 : f32
      %broadcast_in_dim3A_182 = vector.broadcast %broadcast_in_dim3A_181 : f32 to vector<16xf32>
      %swap3A_183 = arith.index_cast %scan3A_161 : i32 to index
      %swap3A_184 = arith.constant 48 : index
      %swap3A_185 = tpu.vector_load %arg7[%swap3A_183, %swap3A_184] {strides = array<i32>} : memref<80x64xf32, #tpu.memory_space<vmem>>, vector<1x16xf32>,
      %swap3A_186 = vector.shape_cast %swap3A_185 : vector<1x16xf32> to vector<16xf32>
      %swap3A_187 = vector.shape_cast %broadcast_in_dim3A_182 : vector<16xf32> to vector<1x16xf32>
      tpu.vector_store %arg7[%swap3A_183, %swap3A_184], %swap3A_187 {strides = array<i32>} : memref<80x64xf32, #tpu.memory_space<vmem>>, vector<1x16xf32>,
    }
    %scan3A_17 = arith.constant 80 : i32
    %mul3A_18 = arith.constant 640 : i32
    %mul3A_19 = arith.muli %arg1, %mul3A_18 : i32
    %add3A_20 = arith.constant 0 : i32
    %add3A_21 = arith.addi %mul3A_19, %add3A_20 : i32
    "tpu.region"() ({
      %run_scoped3A_161 = tpu.sem_alloc : memref<!tpu.dma_semaphore, #tpu.memory_space<semaphore_mem>>
      %dma_start3A_162 = arith.constant 0 : i32
      %dma_start3A_163 = tpu.memref_slice %arg12[%add3A_21, %dma_start3A_162] : memref<10240x64xf32, #tpu.memory_space<vmem_shared>> -> memref<80x64xf32, #tpu.memory_space<vmem_shared>>
      %dma_start3A_164 = arith.constant 0 : i32
      %dma_start3A_165 = tpu.memref_slice %arg12[%add3A_21, %dma_start3A_164] : memref<10240x64xf32, #tpu.memory_space<vmem_shared>> -> memref<80x64xf32, #tpu.memory_space<vmem_shared>>
      tpu.enqueue_dma source(%arg7 : memref<80x64xf32, #tpu.memory_space<vmem>>) target(%dma_start3A_165 : memref<80x64xf32, #tpu.memory_space<vmem_shared>>) target_semaphore(%run_scoped3A_161 : memref<!tpu.dma_semaphore, #tpu.memory_space<semaphore_mem>>)
      %dma_wait3A_166 = arith.constant 0 : i32
      %dma_wait3A_167 = tpu.memref_slice %arg12[%add3A_21, %dma_wait3A_166] : memref<10240x64xf32, #tpu.memory_space<vmem_shared>> -> memref<80x64xf32, #tpu.memory_space<vmem_shared>>
      %dma_wait3A_168 = arith.constant 0 : i32
      %dma_wait3A_169 = tpu.memref_slice %arg12[%add3A_21, %dma_wait3A_168] : memref<10240x64xf32, #tpu.memory_space<vmem_shared>> -> memref<80x64xf32, #tpu.memory_space<vmem_shared>>
      tpu.wait_dma2 semaphore(%run_scoped3A_161 : memref<!tpu.dma_semaphore, #tpu.memory_space<semaphore_mem>>) src(%arg7 : memref<80x64xf32, #tpu.memory_space<vmem>>) dst(%dma_wait3A_169 : memref<80x64xf32, #tpu.memory_space<vmem_shared>>)
      tpu.yield
    }) : () -> ()
    %add3A_22 = arith.constant 80 : i32
    %add3A_23 = arith.addi %mul3A_19, %add3A_22 : i32
    "tpu.region"() ({
      %run_scoped3A_161 = tpu.sem_alloc : memref<!tpu.dma_semaphore, #tpu.memory_space<semaphore_mem>>
      %dma_start3A_162 = arith.constant 0 : i32
      %dma_start3A_163 = tpu.memref_slice %arg12[%add3A_23, %dma_start3A_162] : memref<10240x64xf32, #tpu.memory_space<vmem_shared>> -> memref<80x64xf32, #tpu.memory_space<vmem_shared>>
      %dma_start3A_164 = arith.constant 0 : i32
      %dma_start3A_165 = tpu.memref_slice %arg12[%add3A_23, %dma_start3A_164] : memref<10240x64xf32, #tpu.memory_space<vmem_shared>> -> memref<80x64xf32, #tpu.memory_space<vmem_shared>>
      tpu.enqueue_dma source(%arg7 : memref<80x64xf32, #tpu.memory_space<vmem>>) target(%dma_start3A_165 : memref<80x64xf32, #tpu.memory_space<vmem_shared>>) target_semaphore(%run_scoped3A_161 : memref<!tpu.dma_semaphore, #tpu.memory_space<semaphore_mem>>)
      %dma_wait3A_166 = arith.constant 0 : i32
      %dma_wait3A_167 = tpu.memref_slice %arg12[%add3A_23, %dma_wait3A_166] : memref<10240x64xf32, #tpu.memory_space<vmem_shared>> -> memref<80x64xf32, #tpu.memory_space<vmem_shared>>
      %dma_wait3A_168 = arith.constant 0 : i32
      %dma_wait3A_169 = tpu.memref_slice %arg12[%add3A_23, %dma_wait3A_168] : memref<10240x64xf32, #tpu.memory_space<vmem_shared>> -> memref<80x64xf32, #tpu.memory_space<vmem_shared>>
      tpu.wait_dma2 semaphore(%run_scoped3A_161 : memref<!tpu.dma_semaphore, #tpu.memory_space<semaphore_mem>>) src(%arg7 : memref<80x64xf32, #tpu.memory_space<vmem>>) dst(%dma_wait3A_169 : memref<80x64xf32, #tpu.memory_space<vmem_shared>>)
      tpu.yield
    }) : () -> ()
    %add3A_24 = arith.constant 160 : i32
    %add3A_25 = arith.addi %mul3A_19, %add3A_24 : i32
    "tpu.region"() ({
      %run_scoped3A_161 = tpu.sem_alloc : memref<!tpu.dma_semaphore, #tpu.memory_space<semaphore_mem>>
      %dma_start3A_162 = arith.constant 0 : i32
      %dma_start3A_163 = tpu.memref_slice %arg12[%add3A_25, %dma_start3A_162] : memref<10240x64xf32, #tpu.memory_space<vmem_shared>> -> memref<80x64xf32, #tpu.memory_space<vmem_shared>>
      %dma_start3A_164 = arith.constant 0 : i32
      %dma_start3A_165 = tpu.memref_slice %arg12[%add3A_25, %dma_start3A_164] : memref<10240x64xf32, #tpu.memory_space<vmem_shared>> -> memref<80x64xf32, #tpu.memory_space<vmem_shared>>
      tpu.enqueue_dma source(%arg7 : memref<80x64xf32, #tpu.memory_space<vmem>>) target(%dma_start3A_165 : memref<80x64xf32, #tpu.memory_space<vmem_shared>>) target_semaphore(%run_scoped3A_161 : memref<!tpu.dma_semaphore, #tpu.memory_space<semaphore_mem>>)
      %dma_wait3A_166 = arith.constant 0 : i32
      %dma_wait3A_167 = tpu.memref_slice %arg12[%add3A_25, %dma_wait3A_166] : memref<10240x64xf32, #tpu.memory_space<vmem_shared>> -> memref<80x64xf32, #tpu.memory_space<vmem_shared>>
      %dma_wait3A_168 = arith.constant 0 : i32
      %dma_wait3A_169 = tpu.memref_slice %arg12[%add3A_25, %dma_wait3A_168] : memref<10240x64xf32, #tpu.memory_space<vmem_shared>> -> memref<80x64xf32, #tpu.memory_space<vmem_shared>>
      tpu.wait_dma2 semaphore(%run_scoped3A_161 : memref<!tpu.dma_semaphore, #tpu.memory_space<semaphore_mem>>) src(%arg7 : memref<80x64xf32, #tpu.memory_space<vmem>>) dst(%dma_wait3A_169 : memref<80x64xf32, #tpu.memory_space<vmem_shared>>)
      tpu.yield
    }) : () -> ()
    %add3A_26 = arith.constant 240 : i32
    %add3A_27 = arith.addi %mul3A_19, %add3A_26 : i32
    "tpu.region"() ({
      %run_scoped3A_161 = tpu.sem_alloc : memref<!tpu.dma_semaphore, #tpu.memory_space<semaphore_mem>>
      %dma_start3A_162 = arith.constant 0 : i32
      %dma_start3A_163 = tpu.memref_slice %arg12[%add3A_27, %dma_start3A_162] : memref<10240x64xf32, #tpu.memory_space<vmem_shared>> -> memref<80x64xf32, #tpu.memory_space<vmem_shared>>
      %dma_start3A_164 = arith.constant 0 : i32
      %dma_start3A_165 = tpu.memref_slice %arg12[%add3A_27, %dma_start3A_164] : memref<10240x64xf32, #tpu.memory_space<vmem_shared>> -> memref<80x64xf32, #tpu.memory_space<vmem_shared>>
      tpu.enqueue_dma source(%arg7 : memref<80x64xf32, #tpu.memory_space<vmem>>) target(%dma_start3A_165 : memref<80x64xf32, #tpu.memory_space<vmem_shared>>) target_semaphore(%run_scoped3A_161 : memref<!tpu.dma_semaphore, #tpu.memory_space<semaphore_mem>>)
      %dma_wait3A_166 = arith.constant 0 : i32
      %dma_wait3A_167 = tpu.memref_slice %arg12[%add3A_27, %dma_wait3A_166] : memref<10240x64xf32, #tpu.memory_space<vmem_shared>> -> memref<80x64xf32, #tpu.memory_space<vmem_shared>>
      %dma_wait3A_168 = arith.constant 0 : i32
      %dma_wait3A_169 = tpu.memref_slice %arg12[%add3A_27, %dma_wait3A_168] : memref<10240x64xf32, #tpu.memory_space<vmem_shared>> -> memref<80x64xf32, #tpu.memory_space<vmem_shared>>
      tpu.wait_dma2 semaphore(%run_scoped3A_161 : memref<!tpu.dma_semaphore, #tpu.memory_space<semaphore_mem>>) src(%arg7 : memref<80x64xf32, #tpu.memory_space<vmem>>) dst(%dma_wait3A_169 : memref<80x64xf32, #tpu.memory_space<vmem_shared>>)
      tpu.yield
    }) : () -> ()
    %add3A_28 = arith.constant 320 : i32
    %add3A_29 = arith.addi %mul3A_19, %add3A_28 : i32
    "tpu.region"() ({
      %run_scoped3A_161 = tpu.sem_alloc : memref<!tpu.dma_semaphore, #tpu.memory_space<semaphore_mem>>
      %dma_start3A_162 = arith.constant 0 : i32
      %dma_start3A_163 = tpu.memref_slice %arg12[%add3A_29, %dma_start3A_162] : memref<10240x64xf32, #tpu.memory_space<vmem_shared>> -> memref<80x64xf32, #tpu.memory_space<vmem_shared>>
      %dma_start3A_164 = arith.constant 0 : i32
      %dma_start3A_165 = tpu.memref_slice %arg12[%add3A_29, %dma_start3A_164] : memref<10240x64xf32, #tpu.memory_space<vmem_shared>> -> memref<80x64xf32, #tpu.memory_space<vmem_shared>>
      tpu.enqueue_dma source(%arg7 : memref<80x64xf32, #tpu.memory_space<vmem>>) target(%dma_start3A_165 : memref<80x64xf32, #tpu.memory_space<vmem_shared>>) target_semaphore(%run_scoped3A_161 : memref<!tpu.dma_semaphore, #tpu.memory_space<semaphore_mem>>)
      %dma_wait3A_166 = arith.constant 0 : i32
      %dma_wait3A_167 = tpu.memref_slice %arg12[%add3A_29, %dma_wait3A_166] : memref<10240x64xf32, #tpu.memory_space<vmem_shared>> -> memref<80x64xf32, #tpu.memory_space<vmem_shared>>
      %dma_wait3A_168 = arith.constant 0 : i32
      %dma_wait3A_169 = tpu.memref_slice %arg12[%add3A_29, %dma_wait3A_168] : memref<10240x64xf32, #tpu.memory_space<vmem_shared>> -> memref<80x64xf32, #tpu.memory_space<vmem_shared>>
      tpu.wait_dma2 semaphore(%run_scoped3A_161 : memref<!tpu.dma_semaphore, #tpu.memory_space<semaphore_mem>>) src(%arg7 : memref<80x64xf32, #tpu.memory_space<vmem>>) dst(%dma_wait3A_169 : memref<80x64xf32, #tpu.memory_space<vmem_shared>>)
      tpu.yield
    }) : () -> ()
    %add3A_30 = arith.constant 400 : i32
    %add3A_31 = arith.addi %mul3A_19, %add3A_30 : i32
    "tpu.region"() ({
      %run_scoped3A_161 = tpu.sem_alloc : memref<!tpu.dma_semaphore, #tpu.memory_space<semaphore_mem>>
      %dma_start3A_162 = arith.constant 0 : i32
      %dma_start3A_163 = tpu.memref_slice %arg12[%add3A_31, %dma_start3A_162] : memref<10240x64xf32, #tpu.memory_space<vmem_shared>> -> memref<80x64xf32, #tpu.memory_space<vmem_shared>>
      %dma_start3A_164 = arith.constant 0 : i32
      %dma_start3A_165 = tpu.memref_slice %arg12[%add3A_31, %dma_start3A_164] : memref<10240x64xf32, #tpu.memory_space<vmem_shared>> -> memref<80x64xf32, #tpu.memory_space<vmem_shared>>
      tpu.enqueue_dma source(%arg7 : memref<80x64xf32, #tpu.memory_space<vmem>>) target(%dma_start3A_165 : memref<80x64xf32, #tpu.memory_space<vmem_shared>>) target_semaphore(%run_scoped3A_161 : memref<!tpu.dma_semaphore, #tpu.memory_space<semaphore_mem>>)
      %dma_wait3A_166 = arith.constant 0 : i32
      %dma_wait3A_167 = tpu.memref_slice %arg12[%add3A_31, %dma_wait3A_166] : memref<10240x64xf32, #tpu.memory_space<vmem_shared>> -> memref<80x64xf32, #tpu.memory_space<vmem_shared>>
      %dma_wait3A_168 = arith.constant 0 : i32
      %dma_wait3A_169 = tpu.memref_slice %arg12[%add3A_31, %dma_wait3A_168] : memref<10240x64xf32, #tpu.memory_space<vmem_shared>> -> memref<80x64xf32, #tpu.memory_space<vmem_shared>>
      tpu.wait_dma2 semaphore(%run_scoped3A_161 : memref<!tpu.dma_semaphore, #tpu.memory_space<semaphore_mem>>) src(%arg7 : memref<80x64xf32, #tpu.memory_space<vmem>>) dst(%dma_wait3A_169 : memref<80x64xf32, #tpu.memory_space<vmem_shared>>)
      tpu.yield
    }) : () -> ()
    %add3A_32 = arith.constant 480 : i32
    %add3A_33 = arith.addi %mul3A_19, %add3A_32 : i32
    "tpu.region"() ({
      %run_scoped3A_161 = tpu.sem_alloc : memref<!tpu.dma_semaphore, #tpu.memory_space<semaphore_mem>>
      %dma_start3A_162 = arith.constant 0 : i32
      %dma_start3A_163 = tpu.memref_slice %arg12[%add3A_33, %dma_start3A_162] : memref<10240x64xf32, #tpu.memory_space<vmem_shared>> -> memref<80x64xf32, #tpu.memory_space<vmem_shared>>
      %dma_start3A_164 = arith.constant 0 : i32
      %dma_start3A_165 = tpu.memref_slice %arg12[%add3A_33, %dma_start3A_164] : memref<10240x64xf32, #tpu.memory_space<vmem_shared>> -> memref<80x64xf32, #tpu.memory_space<vmem_shared>>
      tpu.enqueue_dma source(%arg7 : memref<80x64xf32, #tpu.memory_space<vmem>>) target(%dma_start3A_165 : memref<80x64xf32, #tpu.memory_space<vmem_shared>>) target_semaphore(%run_scoped3A_161 : memref<!tpu.dma_semaphore, #tpu.memory_space<semaphore_mem>>)
      %dma_wait3A_166 = arith.constant 0 : i32
      %dma_wait3A_167 = tpu.memref_slice %arg12[%add3A_33, %dma_wait3A_166] : memref<10240x64xf32, #tpu.memory_space<vmem_shared>> -> memref<80x64xf32, #tpu.memory_space<vmem_shared>>
      %dma_wait3A_168 = arith.constant 0 : i32
      %dma_wait3A_169 = tpu.memref_slice %arg12[%add3A_33, %dma_wait3A_168] : memref<10240x64xf32, #tpu.memory_space<vmem_shared>> -> memref<80x64xf32, #tpu.memory_space<vmem_shared>>
      tpu.wait_dma2 semaphore(%run_scoped3A_161 : memref<!tpu.dma_semaphore, #tpu.memory_space<semaphore_mem>>) src(%arg7 : memref<80x64xf32, #tpu.memory_space<vmem>>) dst(%dma_wait3A_169 : memref<80x64xf32, #tpu.memory_space<vmem_shared>>)
      tpu.yield
    }) : () -> ()
    %add3A_34 = arith.constant 560 : i32
    %add3A_35 = arith.addi %mul3A_19, %add3A_34 : i32
    "tpu.region"() ({
      %run_scoped3A_161 = tpu.sem_alloc : memref<!tpu.dma_semaphore, #tpu.memory_space<semaphore_mem>>
      %dma_start3A_162 = arith.constant 0 : i32
      %dma_start3A_163 = tpu.memref_slice %arg12[%add3A_35, %dma_start3A_162] : memref<10240x64xf32, #tpu.memory_space<vmem_shared>> -> memref<80x64xf32, #tpu.memory_space<vmem_shared>>
      %dma_start3A_164 = arith.constant 0 : i32
      %dma_start3A_165 = tpu.memref_slice %arg12[%add3A_35, %dma_start3A_164] : memref<10240x64xf32, #tpu.memory_space<vmem_shared>> -> memref<80x64xf32, #tpu.memory_space<vmem_shared>>
      tpu.enqueue_dma source(%arg7 : memref<80x64xf32, #tpu.memory_space<vmem>>) target(%dma_start3A_165 : memref<80x64xf32, #tpu.memory_space<vmem_shared>>) target_semaphore(%run_scoped3A_161 : memref<!tpu.dma_semaphore, #tpu.memory_space<semaphore_mem>>)
      %dma_wait3A_166 = arith.constant 0 : i32
      %dma_wait3A_167 = tpu.memref_slice %arg12[%add3A_35, %dma_wait3A_166] : memref<10240x64xf32, #tpu.memory_space<vmem_shared>> -> memref<80x64xf32, #tpu.memory_space<vmem_shared>>
      %dma_wait3A_168 = arith.constant 0 : i32
      %dma_wait3A_169 = tpu.memref_slice %arg12[%add3A_35, %dma_wait3A_168] : memref<10240x64xf32, #tpu.memory_space<vmem_shared>> -> memref<80x64xf32, #tpu.memory_space<vmem_shared>>
      tpu.wait_dma2 semaphore(%run_scoped3A_161 : memref<!tpu.dma_semaphore, #tpu.memory_space<semaphore_mem>>) src(%arg7 : memref<80x64xf32, #tpu.memory_space<vmem>>) dst(%dma_wait3A_169 : memref<80x64xf32, #tpu.memory_space<vmem_shared>>)
      tpu.yield
    }) : () -> ()
    %barrier3A = arith.constant 0 : index
    tpu.barrier barrier_id(%barrier3A)
    %dma_start3A = arith.constant 0 : i32
    %dma_start3A_36 = arith.constant 0 : i32
    %dma_start3A_37 = arith.constant 0 : i32
    %dma_start3A_38 = tpu.memref_slice %arg6[%dma_start3A, %dma_start3A_37] : memref<250x80xi32, #tpu.memory_space<vmem>> -> memref<1x80xi32, #tpu.memory_space<vmem>>
    %dma_start3A_39 = tpu.memref_squeeze %dma_start3A_38 : memref<1x80xi32, #tpu.memory_space<vmem>> -> memref<80xi32, #tpu.memory_space<vmem>>
    %dma_start3A_40 = arith.constant 0 : i32
    %dma_start3A_41 = arith.constant 0 : i32
    %dma_start3A_42 = tpu.memref_slice %arg2[%arg0, %dma_start3A_40, %dma_start3A_41] : memref<2x10000x64xf32, #tpu.memory_space<hbm>> -> memref<1x10000x64xf32, #tpu.memory_space<hbm>>
    %dma_start3A_43 = tpu.memref_squeeze %dma_start3A_42 : memref<1x10000x64xf32, #tpu.memory_space<hbm>> -> memref<10000x64xf32, #tpu.memory_space<hbm>>
    %dma_start3A_44 = arith.constant 0 : i32
    %dma_start3A_45 = arith.constant 0 : i32
    %dma_start3A_46 = tpu.memref_slice %dma_start3A_43[%dma_start3A_44, %dma_start3A_45] : memref<10000x64xf32, #tpu.memory_space<hbm>> -> memref<10000x64xf32, #tpu.memory_space<hbm>>
    %dma_start3A_47 = tpu.memref_slice %arg13[%dma_start3A_36] : memref<5x!tpu.dma_semaphore, #tpu.memory_space<semaphore_mem>> -> memref<1x!tpu.dma_semaphore, #tpu.memory_space<semaphore_mem>>
    %dma_start3A_48 = tpu.memref_squeeze %dma_start3A_47 : memref<1x!tpu.dma_semaphore, #tpu.memory_space<semaphore_mem>> -> memref<!tpu.dma_semaphore, #tpu.memory_space<semaphore_mem>>
    tpu.enqueue_indirect_dma source(%dma_start3A_46 : memref<10000x64xf32, #tpu.memory_space<hbm>>) target(%arg7 : memref<80x64xf32, #tpu.memory_space<vmem>>) offsets(%dma_start3A_39 : memref<80xi32, #tpu.memory_space<vmem>>) semaphore(%dma_start3A_48 : memref<!tpu.dma_semaphore, #tpu.memory_space<semaphore_mem>>)
    %dma_start3A_49 = arith.constant 1 : i32
    %dma_start3A_50 = arith.constant 1 : i32
    %dma_start3A_51 = arith.constant 0 : i32
    %dma_start3A_52 = tpu.memref_slice %arg6[%dma_start3A_49, %dma_start3A_51] : memref<250x80xi32, #tpu.memory_space<vmem>> -> memref<1x80xi32, #tpu.memory_space<vmem>>
    %dma_start3A_53 = tpu.memref_squeeze %dma_start3A_52 : memref<1x80xi32, #tpu.memory_space<vmem>> -> memref<80xi32, #tpu.memory_space<vmem>>
    %dma_start3A_54 = arith.constant 0 : i32
    %dma_start3A_55 = arith.constant 0 : i32
    %dma_start3A_56 = tpu.memref_slice %arg2[%arg0, %dma_start3A_54, %dma_start3A_55] : memref<2x10000x64xf32, #tpu.memory_space<hbm>> -> memref<1x10000x64xf32, #tpu.memory_space<hbm>>
    %dma_start3A_57 = tpu.memref_squeeze %dma_start3A_56 : memref<1x10000x64xf32, #tpu.memory_space<hbm>> -> memref<10000x64xf32, #tpu.memory_space<hbm>>
    %dma_start3A_58 = arith.constant 0 : i32
    %dma_start3A_59 = arith.constant 0 : i32
    %dma_start3A_60 = tpu.memref_slice %dma_start3A_57[%dma_start3A_58, %dma_start3A_59] : memref<10000x64xf32, #tpu.memory_space<hbm>> -> memref<10000x64xf32, #tpu.memory_space<hbm>>
    %dma_start3A_61 = tpu.memref_slice %arg13[%dma_start3A_50] : memref<5x!tpu.dma_semaphore, #tpu.memory_space<semaphore_mem>> -> memref<1x!tpu.dma_semaphore, #tpu.memory_space<semaphore_mem>>
    %dma_start3A_62 = tpu.memref_squeeze %dma_start3A_61 : memref<1x!tpu.dma_semaphore, #tpu.memory_space<semaphore_mem>> -> memref<!tpu.dma_semaphore, #tpu.memory_space<semaphore_mem>>
    tpu.enqueue_indirect_dma source(%dma_start3A_60 : memref<10000x64xf32, #tpu.memory_space<hbm>>) target(%arg8 : memref<80x64xf32, #tpu.memory_space<vmem>>) offsets(%dma_start3A_53 : memref<80xi32, #tpu.memory_space<vmem>>) semaphore(%dma_start3A_62 : memref<!tpu.dma_semaphore, #tpu.memory_space<semaphore_mem>>)
    %dma_start3A_63 = arith.constant 2 : i32
    %dma_start3A_64 = arith.constant 2 : i32
    %dma_start3A_65 = arith.constant 0 : i32
    %dma_start3A_66 = tpu.memref_slice %arg6[%dma_start3A_63, %dma_start3A_65] : memref<250x80xi32, #tpu.memory_space<vmem>> -> memref<1x80xi32, #tpu.memory_space<vmem>>
    %dma_start3A_67 = tpu.memref_squeeze %dma_start3A_66 : memref<1x80xi32, #tpu.memory_space<vmem>> -> memref<80xi32, #tpu.memory_space<vmem>>
    %dma_start3A_68 = arith.constant 0 : i32
    %dma_start3A_69 = arith.constant 0 : i32
    %dma_start3A_70 = tpu.memref_slice %arg2[%arg0, %dma_start3A_68, %dma_start3A_69] : memref<2x10000x64xf32, #tpu.memory_space<hbm>> -> memref<1x10000x64xf32, #tpu.memory_space<hbm>>
    %dma_start3A_71 = tpu.memref_squeeze %dma_start3A_70 : memref<1x10000x64xf32, #tpu.memory_space<hbm>> -> memref<10000x64xf32, #tpu.memory_space<hbm>>
    %dma_start3A_72 = arith.constant 0 : i32
    %dma_start3A_73 = arith.constant 0 : i32
    %dma_start3A_74 = tpu.memref_slice %dma_start3A_71[%dma_start3A_72, %dma_start3A_73] : memref<10000x64xf32, #tpu.memory_space<hbm>> -> memref<10000x64xf32, #tpu.memory_space<hbm>>
    %dma_start3A_75 = tpu.memref_slice %arg13[%dma_start3A_64] : memref<5x!tpu.dma_semaphore, #tpu.memory_space<semaphore_mem>> -> memref<1x!tpu.dma_semaphore, #tpu.memory_space<semaphore_mem>>
    %dma_start3A_76 = tpu.memref_squeeze %dma_start3A_75 : memref<1x!tpu.dma_semaphore, #tpu.memory_space<semaphore_mem>> -> memref<!tpu.dma_semaphore, #tpu.memory_space<semaphore_mem>>
    tpu.enqueue_indirect_dma source(%dma_start3A_74 : memref<10000x64xf32, #tpu.memory_space<hbm>>) target(%arg9 : memref<80x64xf32, #tpu.memory_space<vmem>>) offsets(%dma_start3A_67 : memref<80xi32, #tpu.memory_space<vmem>>) semaphore(%dma_start3A_76 : memref<!tpu.dma_semaphore, #tpu.memory_space<semaphore_mem>>)
    %dma_start3A_77 = arith.constant 3 : i32
    %dma_start3A_78 = arith.constant 3 : i32
    %dma_start3A_79 = arith.constant 0 : i32
    %dma_start3A_80 = tpu.memref_slice %arg6[%dma_start3A_77, %dma_start3A_79] : memref<250x80xi32, #tpu.memory_space<vmem>> -> memref<1x80xi32, #tpu.memory_space<vmem>>
    %dma_start3A_81 = tpu.memref_squeeze %dma_start3A_80 : memref<1x80xi32, #tpu.memory_space<vmem>> -> memref<80xi32, #tpu.memory_space<vmem>>
    %dma_start3A_82 = arith.constant 0 : i32
    %dma_start3A_83 = arith.constant 0 : i32
    %dma_start3A_84 = tpu.memref_slice %arg2[%arg0, %dma_start3A_82, %dma_start3A_83] : memref<2x10000x64xf32, #tpu.memory_space<hbm>> -> memref<1x10000x64xf32, #tpu.memory_space<hbm>>
    %dma_start3A_85 = tpu.memref_squeeze %dma_start3A_84 : memref<1x10000x64xf32, #tpu.memory_space<hbm>> -> memref<10000x64xf32, #tpu.memory_space<hbm>>
    %dma_start3A_86 = arith.constant 0 : i32
    %dma_start3A_87 = arith.constant 0 : i32
    %dma_start3A_88 = tpu.memref_slice %dma_start3A_85[%dma_start3A_86, %dma_start3A_87] : memref<10000x64xf32, #tpu.memory_space<hbm>> -> memref<10000x64xf32, #tpu.memory_space<hbm>>
    %dma_start3A_89 = tpu.memref_slice %arg13[%dma_start3A_78] : memref<5x!tpu.dma_semaphore, #tpu.memory_space<semaphore_mem>> -> memref<1x!tpu.dma_semaphore, #tpu.memory_space<semaphore_mem>>
    %dma_start3A_90 = tpu.memref_squeeze %dma_start3A_89 : memref<1x!tpu.dma_semaphore, #tpu.memory_space<semaphore_mem>> -> memref<!tpu.dma_semaphore, #tpu.memory_space<semaphore_mem>>
    tpu.enqueue_indirect_dma source(%dma_start3A_88 : memref<10000x64xf32, #tpu.memory_space<hbm>>) target(%arg10 : memref<80x64xf32, #tpu.memory_space<vmem>>) offsets(%dma_start3A_81 : memref<80xi32, #tpu.memory_space<vmem>>) semaphore(%dma_start3A_90 : memref<!tpu.dma_semaphore, #tpu.memory_space<semaphore_mem>>)
    %dma_start3A_91 = arith.constant 4 : i32
    %dma_start3A_92 = arith.constant 4 : i32
    %dma_start3A_93 = arith.constant 0 : i32
    %dma_start3A_94 = tpu.memref_slice %arg6[%dma_start3A_91, %dma_start3A_93] : memref<250x80xi32, #tpu.memory_space<vmem>> -> memref<1x80xi32, #tpu.memory_space<vmem>>
    %dma_start3A_95 = tpu.memref_squeeze %dma_start3A_94 : memref<1x80xi32, #tpu.memory_space<vmem>> -> memref<80xi32, #tpu.memory_space<vmem>>
    %dma_start3A_96 = arith.constant 0 : i32
    %dma_start3A_97 = arith.constant 0 : i32
    %dma_start3A_98 = tpu.memref_slice %arg2[%arg0, %dma_start3A_96, %dma_start3A_97] : memref<2x10000x64xf32, #tpu.memory_space<hbm>> -> memref<1x10000x64xf32, #tpu.memory_space<hbm>>
    %dma_start3A_99 = tpu.memref_squeeze %dma_start3A_98 : memref<1x10000x64xf32, #tpu.memory_space<hbm>> -> memref<10000x64xf32, #tpu.memory_space<hbm>>
    %dma_start3A_100 = arith.constant 0 : i32
    %dma_start3A_101 = arith.constant 0 : i32
    %dma_start3A_102 = tpu.memref_slice %dma_start3A_99[%dma_start3A_100, %dma_start3A_101] : memref<10000x64xf32, #tpu.memory_space<hbm>> -> memref<10000x64xf32, #tpu.memory_space<hbm>>
    %dma_start3A_103 = tpu.memref_slice %arg13[%dma_start3A_92] : memref<5x!tpu.dma_semaphore, #tpu.memory_space<semaphore_mem>> -> memref<1x!tpu.dma_semaphore, #tpu.memory_space<semaphore_mem>>
    %dma_start3A_104 = tpu.memref_squeeze %dma_start3A_103 : memref<1x!tpu.dma_semaphore, #tpu.memory_space<semaphore_mem>> -> memref<!tpu.dma_semaphore, #tpu.memory_space<semaphore_mem>>
    tpu.enqueue_indirect_dma source(%dma_start3A_102 : memref<10000x64xf32, #tpu.memory_space<hbm>>) target(%arg11 : memref<80x64xf32, #tpu.memory_space<vmem>>) offsets(%dma_start3A_95 : memref<80xi32, #tpu.memory_space<vmem>>) semaphore(%dma_start3A_104 : memref<!tpu.dma_semaphore, #tpu.memory_space<semaphore_mem>>)
    %scan3A_105 = arith.constant 0 : i32
    %scan3A_106 = arith.constant 0 : i32
    %scan3A_107 = arith.constant 50 : i32
    %scan3A_108 = arith.addi %scan3A_106, %scan3A_107 : i32
    %scan3A_109 = arith.constant 1 : i32
    scf.for %scan3A_161 = %scan3A_106 to %scan3A_108 step %scan3A_109  : i32 {
      %mul3A_162 = arith.constant 5 : i32
      %mul3A_163 = arith.muli %scan3A_161, %mul3A_162 : i32
      %add3A_164 = arith.constant 0 : i32
      %add3A_165 = arith.addi %mul3A_163, %add3A_164 : i32
      %dma_wait3A_166 = arith.constant 0 : i32
      %dma_wait3A_167 = arith.constant 0 : i32
      %dma_wait3A_168 = tpu.memref_slice %arg6[%add3A_165, %dma_wait3A_167] : memref<250x80xi32, #tpu.memory_space<vmem>> -> memref<1x80xi32, #tpu.memory_space<vmem>>
      %dma_wait3A_169 = tpu.memref_squeeze %dma_wait3A_168 : memref<1x80xi32, #tpu.memory_space<vmem>> -> memref<80xi32, #tpu.memory_space<vmem>>
      %dma_wait3A_170 = arith.constant 0 : i32
      %dma_wait3A_171 = arith.constant 0 : i32
      %dma_wait3A_172 = tpu.memref_slice %arg2[%arg0, %dma_wait3A_170, %dma_wait3A_171] : memref<2x10000x64xf32, #tpu.memory_space<hbm>> -> memref<1x10000x64xf32, #tpu.memory_space<hbm>>
      %dma_wait3A_173 = tpu.memref_squeeze %dma_wait3A_172 : memref<1x10000x64xf32, #tpu.memory_space<hbm>> -> memref<10000x64xf32, #tpu.memory_space<hbm>>
      %dma_wait3A_174 = arith.constant 0 : i32
      %dma_wait3A_175 = arith.constant 0 : i32
      %dma_wait3A_176 = tpu.memref_slice %dma_wait3A_173[%dma_wait3A_174, %dma_wait3A_175] : memref<10000x64xf32, #tpu.memory_space<hbm>> -> memref<10000x64xf32, #tpu.memory_space<hbm>>
      %dma_wait3A_177 = tpu.memref_slice %arg13[%dma_wait3A_166] : memref<5x!tpu.dma_semaphore, #tpu.memory_space<semaphore_mem>> -> memref<1x!tpu.dma_semaphore, #tpu.memory_space<semaphore_mem>>
      %dma_wait3A_178 = tpu.memref_squeeze %dma_wait3A_177 : memref<1x!tpu.dma_semaphore, #tpu.memory_space<semaphore_mem>> -> memref<!tpu.dma_semaphore, #tpu.memory_space<semaphore_mem>>
      tpu.wait_indirect_dma semaphore(%dma_wait3A_178 : memref<!tpu.dma_semaphore, #tpu.memory_space<semaphore_mem>>) src(%dma_wait3A_176 : memref<10000x64xf32, #tpu.memory_space<hbm>>) dst(%arg7 : memref<80x64xf32, #tpu.memory_space<vmem>>)
      %add3A_179 = arith.constant 0 : i32
      %add3A_180 = arith.addi %mul3A_163, %add3A_179 : i32
      %dma_start3A_181 = arith.constant 0 : i32
      %dma_start3A_182 = arith.constant 0 : i32
      %dma_start3A_183 = tpu.memref_slice %arg5[%add3A_180, %dma_start3A_182] : memref<250x80xi32, #tpu.memory_space<vmem>> -> memref<1x80xi32, #tpu.memory_space<vmem>>
      %dma_start3A_184 = tpu.memref_squeeze %dma_start3A_183 : memref<1x80xi32, #tpu.memory_space<vmem>> -> memref<80xi32, #tpu.memory_space<vmem>>
      %dma_start3A_185 = arith.constant 0 : i32
      %dma_start3A_186 = arith.constant 0 : i32
      %dma_start3A_187 = tpu.memref_slice %arg12[%dma_start3A_185, %dma_start3A_186] : memref<10240x64xf32, #tpu.memory_space<vmem_shared>> -> memref<10240x64xf32, #tpu.memory_space<vmem_shared>>
      %dma_start3A_188 = tpu.memref_slice %arg14[%dma_start3A_181] : memref<5x!tpu.dma_semaphore, #tpu.memory_space<semaphore_mem>> -> memref<1x!tpu.dma_semaphore, #tpu.memory_space<semaphore_mem>>
      %dma_start3A_189 = tpu.memref_squeeze %dma_start3A_188 : memref<1x!tpu.dma_semaphore, #tpu.memory_space<semaphore_mem>> -> memref<!tpu.dma_semaphore, #tpu.memory_space<semaphore_mem>>
      tpu.enqueue_indirect_dma source(%arg7 : memref<80x64xf32, #tpu.memory_space<vmem>>) target(%dma_start3A_187 : memref<10240x64xf32, #tpu.memory_space<vmem_shared>>) offsets(%dma_start3A_184 : memref<80xi32, #tpu.memory_space<vmem>>) semaphore(%dma_start3A_189 : memref<!tpu.dma_semaphore, #tpu.memory_space<semaphore_mem>>) {add = true}
      %add3A_190 = arith.constant 1 : i32
      %add3A_191 = arith.addi %mul3A_163, %add3A_190 : i32
      %dma_wait3A_192 = arith.constant 1 : i32
      %dma_wait3A_193 = arith.constant 0 : i32
      %dma_wait3A_194 = tpu.memref_slice %arg6[%add3A_191, %dma_wait3A_193] : memref<250x80xi32, #tpu.memory_space<vmem>> -> memref<1x80xi32, #tpu.memory_space<vmem>>
      %dma_wait3A_195 = tpu.memref_squeeze %dma_wait3A_194 : memref<1x80xi32, #tpu.memory_space<vmem>> -> memref<80xi32, #tpu.memory_space<vmem>>
      %dma_wait3A_196 = arith.constant 0 : i32
      %dma_wait3A_197 = arith.constant 0 : i32
      %dma_wait3A_198 = tpu.memref_slice %arg2[%arg0, %dma_wait3A_196, %dma_wait3A_197] : memref<2x10000x64xf32, #tpu.memory_space<hbm>> -> memref<1x10000x64xf32, #tpu.memory_space<hbm>>
      %dma_wait3A_199 = tpu.memref_squeeze %dma_wait3A_198 : memref<1x10000x64xf32, #tpu.memory_space<hbm>> -> memref<10000x64xf32, #tpu.memory_space<hbm>>
      %dma_wait3A_200 = arith.constant 0 : i32
      %dma_wait3A_201 = arith.constant 0 : i32
      %dma_wait3A_202 = tpu.memref_slice %dma_wait3A_199[%dma_wait3A_200, %dma_wait3A_201] : memref<10000x64xf32, #tpu.memory_space<hbm>> -> memref<10000x64xf32, #tpu.memory_space<hbm>>
      %dma_wait3A_203 = tpu.memref_slice %arg13[%dma_wait3A_192] : memref<5x!tpu.dma_semaphore, #tpu.memory_space<semaphore_mem>> -> memref<1x!tpu.dma_semaphore, #tpu.memory_space<semaphore_mem>>
      %dma_wait3A_204 = tpu.memref_squeeze %dma_wait3A_203 : memref<1x!tpu.dma_semaphore, #tpu.memory_space<semaphore_mem>> -> memref<!tpu.dma_semaphore, #tpu.memory_space<semaphore_mem>>
      tpu.wait_indirect_dma semaphore(%dma_wait3A_204 : memref<!tpu.dma_semaphore, #tpu.memory_space<semaphore_mem>>) src(%dma_wait3A_202 : memref<10000x64xf32, #tpu.memory_space<hbm>>) dst(%arg8 : memref<80x64xf32, #tpu.memory_space<vmem>>)
      %add3A_205 = arith.constant 1 : i32
      %add3A_206 = arith.addi %mul3A_163, %add3A_205 : i32
      %dma_start3A_207 = arith.constant 1 : i32
      %dma_start3A_208 = arith.constant 0 : i32
      %dma_start3A_209 = tpu.memref_slice %arg5[%add3A_206, %dma_start3A_208] : memref<250x80xi32, #tpu.memory_space<vmem>> -> memref<1x80xi32, #tpu.memory_space<vmem>>
      %dma_start3A_210 = tpu.memref_squeeze %dma_start3A_209 : memref<1x80xi32, #tpu.memory_space<vmem>> -> memref<80xi32, #tpu.memory_space<vmem>>
      %dma_start3A_211 = arith.constant 0 : i32
      %dma_start3A_212 = arith.constant 0 : i32
      %dma_start3A_213 = tpu.memref_slice %arg12[%dma_start3A_211, %dma_start3A_212] : memref<10240x64xf32, #tpu.memory_space<vmem_shared>> -> memref<10240x64xf32, #tpu.memory_space<vmem_shared>>
      %dma_start3A_214 = tpu.memref_slice %arg14[%dma_start3A_207] : memref<5x!tpu.dma_semaphore, #tpu.memory_space<semaphore_mem>> -> memref<1x!tpu.dma_semaphore, #tpu.memory_space<semaphore_mem>>
      %dma_start3A_215 = tpu.memref_squeeze %dma_start3A_214 : memref<1x!tpu.dma_semaphore, #tpu.memory_space<semaphore_mem>> -> memref<!tpu.dma_semaphore, #tpu.memory_space<semaphore_mem>>
      tpu.enqueue_indirect_dma source(%arg8 : memref<80x64xf32, #tpu.memory_space<vmem>>) target(%dma_start3A_213 : memref<10240x64xf32, #tpu.memory_space<vmem_shared>>) offsets(%dma_start3A_210 : memref<80xi32, #tpu.memory_space<vmem>>) semaphore(%dma_start3A_215 : memref<!tpu.dma_semaphore, #tpu.memory_space<semaphore_mem>>) {add = true}
      %add3A_216 = arith.constant 2 : i32
      %add3A_217 = arith.addi %mul3A_163, %add3A_216 : i32
      %dma_wait3A_218 = arith.constant 2 : i32
      %dma_wait3A_219 = arith.constant 0 : i32
      %dma_wait3A_220 = tpu.memref_slice %arg6[%add3A_217, %dma_wait3A_219] : memref<250x80xi32, #tpu.memory_space<vmem>> -> memref<1x80xi32, #tpu.memory_space<vmem>>
      %dma_wait3A_221 = tpu.memref_squeeze %dma_wait3A_220 : memref<1x80xi32, #tpu.memory_space<vmem>> -> memref<80xi32, #tpu.memory_space<vmem>>
      %dma_wait3A_222 = arith.constant 0 : i32
      %dma_wait3A_223 = arith.constant 0 : i32
      %dma_wait3A_224 = tpu.memref_slice %arg2[%arg0, %dma_wait3A_222, %dma_wait3A_223] : memref<2x10000x64xf32, #tpu.memory_space<hbm>> -> memref<1x10000x64xf32, #tpu.memory_space<hbm>>
      %dma_wait3A_225 = tpu.memref_squeeze %dma_wait3A_224 : memref<1x10000x64xf32, #tpu.memory_space<hbm>> -> memref<10000x64xf32, #tpu.memory_space<hbm>>
      %dma_wait3A_226 = arith.constant 0 : i32
      %dma_wait3A_227 = arith.constant 0 : i32
      %dma_wait3A_228 = tpu.memref_slice %dma_wait3A_225[%dma_wait3A_226, %dma_wait3A_227] : memref<10000x64xf32, #tpu.memory_space<hbm>> -> memref<10000x64xf32, #tpu.memory_space<hbm>>
      %dma_wait3A_229 = tpu.memref_slice %arg13[%dma_wait3A_218] : memref<5x!tpu.dma_semaphore, #tpu.memory_space<semaphore_mem>> -> memref<1x!tpu.dma_semaphore, #tpu.memory_space<semaphore_mem>>
      %dma_wait3A_230 = tpu.memref_squeeze %dma_wait3A_229 : memref<1x!tpu.dma_semaphore, #tpu.memory_space<semaphore_mem>> -> memref<!tpu.dma_semaphore, #tpu.memory_space<semaphore_mem>>
      tpu.wait_indirect_dma semaphore(%dma_wait3A_230 : memref<!tpu.dma_semaphore, #tpu.memory_space<semaphore_mem>>) src(%dma_wait3A_228 : memref<10000x64xf32, #tpu.memory_space<hbm>>) dst(%arg9 : memref<80x64xf32, #tpu.memory_space<vmem>>)
      %add3A_231 = arith.constant 2 : i32
      %add3A_232 = arith.addi %mul3A_163, %add3A_231 : i32
      %dma_start3A_233 = arith.constant 2 : i32
      %dma_start3A_234 = arith.constant 0 : i32
      %dma_start3A_235 = tpu.memref_slice %arg5[%add3A_232, %dma_start3A_234] : memref<250x80xi32, #tpu.memory_space<vmem>> -> memref<1x80xi32, #tpu.memory_space<vmem>>
      %dma_start3A_236 = tpu.memref_squeeze %dma_start3A_235 : memref<1x80xi32, #tpu.memory_space<vmem>> -> memref<80xi32, #tpu.memory_space<vmem>>
      %dma_start3A_237 = arith.constant 0 : i32
      %dma_start3A_238 = arith.constant 0 : i32
      %dma_start3A_239 = tpu.memref_slice %arg12[%dma_start3A_237, %dma_start3A_238] : memref<10240x64xf32, #tpu.memory_space<vmem_shared>> -> memref<10240x64xf32, #tpu.memory_space<vmem_shared>>
      %dma_start3A_240 = tpu.memref_slice %arg14[%dma_start3A_233] : memref<5x!tpu.dma_semaphore, #tpu.memory_space<semaphore_mem>> -> memref<1x!tpu.dma_semaphore, #tpu.memory_space<semaphore_mem>>
      %dma_start3A_241 = tpu.memref_squeeze %dma_start3A_240 : memref<1x!tpu.dma_semaphore, #tpu.memory_space<semaphore_mem>> -> memref<!tpu.dma_semaphore, #tpu.memory_space<semaphore_mem>>
      tpu.enqueue_indirect_dma source(%arg9 : memref<80x64xf32, #tpu.memory_space<vmem>>) target(%dma_start3A_239 : memref<10240x64xf32, #tpu.memory_space<vmem_shared>>) offsets(%dma_start3A_236 : memref<80xi32, #tpu.memory_space<vmem>>) semaphore(%dma_start3A_241 : memref<!tpu.dma_semaphore, #tpu.memory_space<semaphore_mem>>) {add = true}
      %add3A_242 = arith.constant 3 : i32
      %add3A_243 = arith.addi %mul3A_163, %add3A_242 : i32
      %dma_wait3A_244 = arith.constant 3 : i32
      %dma_wait3A_245 = arith.constant 0 : i32
      %dma_wait3A_246 = tpu.memref_slice %arg6[%add3A_243, %dma_wait3A_245] : memref<250x80xi32, #tpu.memory_space<vmem>> -> memref<1x80xi32, #tpu.memory_space<vmem>>
      %dma_wait3A_247 = tpu.memref_squeeze %dma_wait3A_246 : memref<1x80xi32, #tpu.memory_space<vmem>> -> memref<80xi32, #tpu.memory_space<vmem>>
      %dma_wait3A_248 = arith.constant 0 : i32
      %dma_wait3A_249 = arith.constant 0 : i32
      %dma_wait3A_250 = tpu.memref_slice %arg2[%arg0, %dma_wait3A_248, %dma_wait3A_249] : memref<2x10000x64xf32, #tpu.memory_space<hbm>> -> memref<1x10000x64xf32, #tpu.memory_space<hbm>>
      %dma_wait3A_251 = tpu.memref_squeeze %dma_wait3A_250 : memref<1x10000x64xf32, #tpu.memory_space<hbm>> -> memref<10000x64xf32, #tpu.memory_space<hbm>>
      %dma_wait3A_252 = arith.constant 0 : i32
      %dma_wait3A_253 = arith.constant 0 : i32
      %dma_wait3A_254 = tpu.memref_slice %dma_wait3A_251[%dma_wait3A_252, %dma_wait3A_253] : memref<10000x64xf32, #tpu.memory_space<hbm>> -> memref<10000x64xf32, #tpu.memory_space<hbm>>
      %dma_wait3A_255 = tpu.memref_slice %arg13[%dma_wait3A_244] : memref<5x!tpu.dma_semaphore, #tpu.memory_space<semaphore_mem>> -> memref<1x!tpu.dma_semaphore, #tpu.memory_space<semaphore_mem>>
      %dma_wait3A_256 = tpu.memref_squeeze %dma_wait3A_255 : memref<1x!tpu.dma_semaphore, #tpu.memory_space<semaphore_mem>> -> memref<!tpu.dma_semaphore, #tpu.memory_space<semaphore_mem>>
      tpu.wait_indirect_dma semaphore(%dma_wait3A_256 : memref<!tpu.dma_semaphore, #tpu.memory_space<semaphore_mem>>) src(%dma_wait3A_254 : memref<10000x64xf32, #tpu.memory_space<hbm>>) dst(%arg10 : memref<80x64xf32, #tpu.memory_space<vmem>>)
      %add3A_257 = arith.constant 3 : i32
      %add3A_258 = arith.addi %mul3A_163, %add3A_257 : i32
      %dma_start3A_259 = arith.constant 3 : i32
      %dma_start3A_260 = arith.constant 0 : i32
      %dma_start3A_261 = tpu.memref_slice %arg5[%add3A_258, %dma_start3A_260] : memref<250x80xi32, #tpu.memory_space<vmem>> -> memref<1x80xi32, #tpu.memory_space<vmem>>
      %dma_start3A_262 = tpu.memref_squeeze %dma_start3A_261 : memref<1x80xi32, #tpu.memory_space<vmem>> -> memref<80xi32, #tpu.memory_space<vmem>>
      %dma_start3A_263 = arith.constant 0 : i32
      %dma_start3A_264 = arith.constant 0 : i32
      %dma_start3A_265 = tpu.memref_slice %arg12[%dma_start3A_263, %dma_start3A_264] : memref<10240x64xf32, #tpu.memory_space<vmem_shared>> -> memref<10240x64xf32, #tpu.memory_space<vmem_shared>>
      %dma_start3A_266 = tpu.memref_slice %arg14[%dma_start3A_259] : memref<5x!tpu.dma_semaphore, #tpu.memory_space<semaphore_mem>> -> memref<1x!tpu.dma_semaphore, #tpu.memory_space<semaphore_mem>>
      %dma_start3A_267 = tpu.memref_squeeze %dma_start3A_266 : memref<1x!tpu.dma_semaphore, #tpu.memory_space<semaphore_mem>> -> memref<!tpu.dma_semaphore, #tpu.memory_space<semaphore_mem>>
      tpu.enqueue_indirect_dma source(%arg10 : memref<80x64xf32, #tpu.memory_space<vmem>>) target(%dma_start3A_265 : memref<10240x64xf32, #tpu.memory_space<vmem_shared>>) offsets(%dma_start3A_262 : memref<80xi32, #tpu.memory_space<vmem>>) semaphore(%dma_start3A_267 : memref<!tpu.dma_semaphore, #tpu.memory_space<semaphore_mem>>) {add = true}
      %add3A_268 = arith.constant 4 : i32
      %add3A_269 = arith.addi %mul3A_163, %add3A_268 : i32
      %dma_wait3A_270 = arith.constant 4 : i32
      %dma_wait3A_271 = arith.constant 0 : i32
      %dma_wait3A_272 = tpu.memref_slice %arg6[%add3A_269, %dma_wait3A_271] : memref<250x80xi32, #tpu.memory_space<vmem>> -> memref<1x80xi32, #tpu.memory_space<vmem>>
      %dma_wait3A_273 = tpu.memref_squeeze %dma_wait3A_272 : memref<1x80xi32, #tpu.memory_space<vmem>> -> memref<80xi32, #tpu.memory_space<vmem>>
      %dma_wait3A_274 = arith.constant 0 : i32
      %dma_wait3A_275 = arith.constant 0 : i32
      %dma_wait3A_276 = tpu.memref_slice %arg2[%arg0, %dma_wait3A_274, %dma_wait3A_275] : memref<2x10000x64xf32, #tpu.memory_space<hbm>> -> memref<1x10000x64xf32, #tpu.memory_space<hbm>>
      %dma_wait3A_277 = tpu.memref_squeeze %dma_wait3A_276 : memref<1x10000x64xf32, #tpu.memory_space<hbm>> -> memref<10000x64xf32, #tpu.memory_space<hbm>>
      %dma_wait3A_278 = arith.constant 0 : i32
      %dma_wait3A_279 = arith.constant 0 : i32
      %dma_wait3A_280 = tpu.memref_slice %dma_wait3A_277[%dma_wait3A_278, %dma_wait3A_279] : memref<10000x64xf32, #tpu.memory_space<hbm>> -> memref<10000x64xf32, #tpu.memory_space<hbm>>
      %dma_wait3A_281 = tpu.memref_slice %arg13[%dma_wait3A_270] : memref<5x!tpu.dma_semaphore, #tpu.memory_space<semaphore_mem>> -> memref<1x!tpu.dma_semaphore, #tpu.memory_space<semaphore_mem>>
      %dma_wait3A_282 = tpu.memref_squeeze %dma_wait3A_281 : memref<1x!tpu.dma_semaphore, #tpu.memory_space<semaphore_mem>> -> memref<!tpu.dma_semaphore, #tpu.memory_space<semaphore_mem>>
      tpu.wait_indirect_dma semaphore(%dma_wait3A_282 : memref<!tpu.dma_semaphore, #tpu.memory_space<semaphore_mem>>) src(%dma_wait3A_280 : memref<10000x64xf32, #tpu.memory_space<hbm>>) dst(%arg11 : memref<80x64xf32, #tpu.memory_space<vmem>>)
      %add3A_283 = arith.constant 4 : i32
      %add3A_284 = arith.addi %mul3A_163, %add3A_283 : i32
      %dma_start3A_285 = arith.constant 4 : i32
      %dma_start3A_286 = arith.constant 0 : i32
      %dma_start3A_287 = tpu.memref_slice %arg5[%add3A_284, %dma_start3A_286] : memref<250x80xi32, #tpu.memory_space<vmem>> -> memref<1x80xi32, #tpu.memory_space<vmem>>
      %dma_start3A_288 = tpu.memref_squeeze %dma_start3A_287 : memref<1x80xi32, #tpu.memory_space<vmem>> -> memref<80xi32, #tpu.memory_space<vmem>>
      %dma_start3A_289 = arith.constant 0 : i32
      %dma_start3A_290 = arith.constant 0 : i32
      %dma_start3A_291 = tpu.memref_slice %arg12[%dma_start3A_289, %dma_start3A_290] : memref<10240x64xf32, #tpu.memory_space<vmem_shared>> -> memref<10240x64xf32, #tpu.memory_space<vmem_shared>>
      %dma_start3A_292 = tpu.memref_slice %arg14[%dma_start3A_285] : memref<5x!tpu.dma_semaphore, #tpu.memory_space<semaphore_mem>> -> memref<1x!tpu.dma_semaphore, #tpu.memory_space<semaphore_mem>>
      %dma_start3A_293 = tpu.memref_squeeze %dma_start3A_292 : memref<1x!tpu.dma_semaphore, #tpu.memory_space<semaphore_mem>> -> memref<!tpu.dma_semaphore, #tpu.memory_space<semaphore_mem>>
      tpu.enqueue_indirect_dma source(%arg11 : memref<80x64xf32, #tpu.memory_space<vmem>>) target(%dma_start3A_291 : memref<10240x64xf32, #tpu.memory_space<vmem_shared>>) offsets(%dma_start3A_288 : memref<80xi32, #tpu.memory_space<vmem>>) semaphore(%dma_start3A_293 : memref<!tpu.dma_semaphore, #tpu.memory_space<semaphore_mem>>) {add = true}
      %add3A_294 = arith.constant 5 : i32
      %add3A_295 = arith.addi %mul3A_163, %add3A_294 : i32
      %lt3A = arith.constant 250 : i32
      %lt3A_296 = arith.cmpi slt, %add3A_295, %lt3A : i32
      %convert_element_type3A = arith.extui %lt3A_296 : i1 to i32
      %cond3A = arith.constant 0 : i32
      %cond3A_297 = arith.cmpi ne, %convert_element_type3A, %cond3A : i32
      scf.if %cond3A_297 {
        %add3A_298 = arith.constant 0 : i32
        %add3A_299 = arith.addi %mul3A_163, %add3A_298 : i32
        %dma_wait3A_300 = arith.constant 0 : i32
        %dma_wait3A_301 = arith.constant 0 : i32
        %dma_wait3A_302 = tpu.memref_slice %arg5[%add3A_299, %dma_wait3A_301] : memref<250x80xi32, #tpu.memory_space<vmem>> -> memref<1x80xi32, #tpu.memory_space<vmem>>
        %dma_wait3A_303 = tpu.memref_squeeze %dma_wait3A_302 : memref<1x80xi32, #tpu.memory_space<vmem>> -> memref<80xi32, #tpu.memory_space<vmem>>
        %dma_wait3A_304 = arith.constant 0 : i32
        %dma_wait3A_305 = arith.constant 0 : i32
        %dma_wait3A_306 = tpu.memref_slice %arg12[%dma_wait3A_304, %dma_wait3A_305] : memref<10240x64xf32, #tpu.memory_space<vmem_shared>> -> memref<10240x64xf32, #tpu.memory_space<vmem_shared>>
        %dma_wait3A_307 = tpu.memref_slice %arg14[%dma_wait3A_300] : memref<5x!tpu.dma_semaphore, #tpu.memory_space<semaphore_mem>> -> memref<1x!tpu.dma_semaphore, #tpu.memory_space<semaphore_mem>>
        %dma_wait3A_308 = tpu.memref_squeeze %dma_wait3A_307 : memref<1x!tpu.dma_semaphore, #tpu.memory_space<semaphore_mem>> -> memref<!tpu.dma_semaphore, #tpu.memory_space<semaphore_mem>>
        tpu.wait_indirect_dma semaphore(%dma_wait3A_308 : memref<!tpu.dma_semaphore, #tpu.memory_space<semaphore_mem>>) src(%arg7 : memref<80x64xf32, #tpu.memory_space<vmem>>) dst(%dma_wait3A_306 : memref<10240x64xf32, #tpu.memory_space<vmem_shared>>)
        %add3A_309 = arith.constant 5 : i32
        %add3A_310 = arith.addi %mul3A_163, %add3A_309 : i32
        %add3A_311 = arith.constant 0 : i32
        %add3A_312 = arith.addi %add3A_310, %add3A_311 : i32
        %dma_start3A_313 = arith.constant 0 : i32
        %dma_start3A_314 = arith.constant 0 : i32
        %dma_start3A_315 = tpu.memref_slice %arg6[%add3A_312, %dma_start3A_314] : memref<250x80xi32, #tpu.memory_space<vmem>> -> memref<1x80xi32, #tpu.memory_space<vmem>>
        %dma_start3A_316 = tpu.memref_squeeze %dma_start3A_315 : memref<1x80xi32, #tpu.memory_space<vmem>> -> memref<80xi32, #tpu.memory_space<vmem>>
        %dma_start3A_317 = arith.constant 0 : i32
        %dma_start3A_318 = arith.constant 0 : i32
        %dma_start3A_319 = tpu.memref_slice %arg2[%arg0, %dma_start3A_317, %dma_start3A_318] : memref<2x10000x64xf32, #tpu.memory_space<hbm>> -> memref<1x10000x64xf32, #tpu.memory_space<hbm>>
        %dma_start3A_320 = tpu.memref_squeeze %dma_start3A_319 : memref<1x10000x64xf32, #tpu.memory_space<hbm>> -> memref<10000x64xf32, #tpu.memory_space<hbm>>
        %dma_start3A_321 = arith.constant 0 : i32
        %dma_start3A_322 = arith.constant 0 : i32
        %dma_start3A_323 = tpu.memref_slice %dma_start3A_320[%dma_start3A_321, %dma_start3A_322] : memref<10000x64xf32, #tpu.memory_space<hbm>> -> memref<10000x64xf32, #tpu.memory_space<hbm>>
        %dma_start3A_324 = tpu.memref_slice %arg13[%dma_start3A_313] : memref<5x!tpu.dma_semaphore, #tpu.memory_space<semaphore_mem>> -> memref<1x!tpu.dma_semaphore, #tpu.memory_space<semaphore_mem>>
        %dma_start3A_325 = tpu.memref_squeeze %dma_start3A_324 : memref<1x!tpu.dma_semaphore, #tpu.memory_space<semaphore_mem>> -> memref<!tpu.dma_semaphore, #tpu.memory_space<semaphore_mem>>
        tpu.enqueue_indirect_dma source(%dma_start3A_323 : memref<10000x64xf32, #tpu.memory_space<hbm>>) target(%arg7 : memref<80x64xf32, #tpu.memory_space<vmem>>) offsets(%dma_start3A_316 : memref<80xi32, #tpu.memory_space<vmem>>) semaphore(%dma_start3A_325 : memref<!tpu.dma_semaphore, #tpu.memory_space<semaphore_mem>>)
        %add3A_326 = arith.constant 1 : i32
        %add3A_327 = arith.addi %mul3A_163, %add3A_326 : i32
        %dma_wait3A_328 = arith.constant 1 : i32
        %dma_wait3A_329 = arith.constant 0 : i32
        %dma_wait3A_330 = tpu.memref_slice %arg5[%add3A_327, %dma_wait3A_329] : memref<250x80xi32, #tpu.memory_space<vmem>> -> memref<1x80xi32, #tpu.memory_space<vmem>>
        %dma_wait3A_331 = tpu.memref_squeeze %dma_wait3A_330 : memref<1x80xi32, #tpu.memory_space<vmem>> -> memref<80xi32, #tpu.memory_space<vmem>>
        %dma_wait3A_332 = arith.constant 0 : i32
        %dma_wait3A_333 = arith.constant 0 : i32
        %dma_wait3A_334 = tpu.memref_slice %arg12[%dma_wait3A_332, %dma_wait3A_333] : memref<10240x64xf32, #tpu.memory_space<vmem_shared>> -> memref<10240x64xf32, #tpu.memory_space<vmem_shared>>
        %dma_wait3A_335 = tpu.memref_slice %arg14[%dma_wait3A_328] : memref<5x!tpu.dma_semaphore, #tpu.memory_space<semaphore_mem>> -> memref<1x!tpu.dma_semaphore, #tpu.memory_space<semaphore_mem>>
        %dma_wait3A_336 = tpu.memref_squeeze %dma_wait3A_335 : memref<1x!tpu.dma_semaphore, #tpu.memory_space<semaphore_mem>> -> memref<!tpu.dma_semaphore, #tpu.memory_space<semaphore_mem>>
        tpu.wait_indirect_dma semaphore(%dma_wait3A_336 : memref<!tpu.dma_semaphore, #tpu.memory_space<semaphore_mem>>) src(%arg8 : memref<80x64xf32, #tpu.memory_space<vmem>>) dst(%dma_wait3A_334 : memref<10240x64xf32, #tpu.memory_space<vmem_shared>>)
        %add3A_337 = arith.constant 5 : i32
        %add3A_338 = arith.addi %mul3A_163, %add3A_337 : i32
        %add3A_339 = arith.constant 1 : i32
        %add3A_340 = arith.addi %add3A_338, %add3A_339 : i32
        %dma_start3A_341 = arith.constant 1 : i32
        %dma_start3A_342 = arith.constant 0 : i32
        %dma_start3A_343 = tpu.memref_slice %arg6[%add3A_340, %dma_start3A_342] : memref<250x80xi32, #tpu.memory_space<vmem>> -> memref<1x80xi32, #tpu.memory_space<vmem>>
        %dma_start3A_344 = tpu.memref_squeeze %dma_start3A_343 : memref<1x80xi32, #tpu.memory_space<vmem>> -> memref<80xi32, #tpu.memory_space<vmem>>
        %dma_start3A_345 = arith.constant 0 : i32
        %dma_start3A_346 = arith.constant 0 : i32
        %dma_start3A_347 = tpu.memref_slice %arg2[%arg0, %dma_start3A_345, %dma_start3A_346] : memref<2x10000x64xf32, #tpu.memory_space<hbm>> -> memref<1x10000x64xf32, #tpu.memory_space<hbm>>
        %dma_start3A_348 = tpu.memref_squeeze %dma_start3A_347 : memref<1x10000x64xf32, #tpu.memory_space<hbm>> -> memref<10000x64xf32, #tpu.memory_space<hbm>>
        %dma_start3A_349 = arith.constant 0 : i32
        %dma_start3A_350 = arith.constant 0 : i32
        %dma_start3A_351 = tpu.memref_slice %dma_start3A_348[%dma_start3A_349, %dma_start3A_350] : memref<10000x64xf32, #tpu.memory_space<hbm>> -> memref<10000x64xf32, #tpu.memory_space<hbm>>
        %dma_start3A_352 = tpu.memref_slice %arg13[%dma_start3A_341] : memref<5x!tpu.dma_semaphore, #tpu.memory_space<semaphore_mem>> -> memref<1x!tpu.dma_semaphore, #tpu.memory_space<semaphore_mem>>
        %dma_start3A_353 = tpu.memref_squeeze %dma_start3A_352 : memref<1x!tpu.dma_semaphore, #tpu.memory_space<semaphore_mem>> -> memref<!tpu.dma_semaphore, #tpu.memory_space<semaphore_mem>>
        tpu.enqueue_indirect_dma source(%dma_start3A_351 : memref<10000x64xf32, #tpu.memory_space<hbm>>) target(%arg8 : memref<80x64xf32, #tpu.memory_space<vmem>>) offsets(%dma_start3A_344 : memref<80xi32, #tpu.memory_space<vmem>>) semaphore(%dma_start3A_353 : memref<!tpu.dma_semaphore, #tpu.memory_space<semaphore_mem>>)
        %add3A_354 = arith.constant 2 : i32
        %add3A_355 = arith.addi %mul3A_163, %add3A_354 : i32
        %dma_wait3A_356 = arith.constant 2 : i32
        %dma_wait3A_357 = arith.constant 0 : i32
        %dma_wait3A_358 = tpu.memref_slice %arg5[%add3A_355, %dma_wait3A_357] : memref<250x80xi32, #tpu.memory_space<vmem>> -> memref<1x80xi32, #tpu.memory_space<vmem>>
        %dma_wait3A_359 = tpu.memref_squeeze %dma_wait3A_358 : memref<1x80xi32, #tpu.memory_space<vmem>> -> memref<80xi32, #tpu.memory_space<vmem>>
        %dma_wait3A_360 = arith.constant 0 : i32
        %dma_wait3A_361 = arith.constant 0 : i32
        %dma_wait3A_362 = tpu.memref_slice %arg12[%dma_wait3A_360, %dma_wait3A_361] : memref<10240x64xf32, #tpu.memory_space<vmem_shared>> -> memref<10240x64xf32, #tpu.memory_space<vmem_shared>>
        %dma_wait3A_363 = tpu.memref_slice %arg14[%dma_wait3A_356] : memref<5x!tpu.dma_semaphore, #tpu.memory_space<semaphore_mem>> -> memref<1x!tpu.dma_semaphore, #tpu.memory_space<semaphore_mem>>
        %dma_wait3A_364 = tpu.memref_squeeze %dma_wait3A_363 : memref<1x!tpu.dma_semaphore, #tpu.memory_space<semaphore_mem>> -> memref<!tpu.dma_semaphore, #tpu.memory_space<semaphore_mem>>
        tpu.wait_indirect_dma semaphore(%dma_wait3A_364 : memref<!tpu.dma_semaphore, #tpu.memory_space<semaphore_mem>>) src(%arg9 : memref<80x64xf32, #tpu.memory_space<vmem>>) dst(%dma_wait3A_362 : memref<10240x64xf32, #tpu.memory_space<vmem_shared>>)
        %add3A_365 = arith.constant 5 : i32
        %add3A_366 = arith.addi %mul3A_163, %add3A_365 : i32
        %add3A_367 = arith.constant 2 : i32
        %add3A_368 = arith.addi %add3A_366, %add3A_367 : i32
        %dma_start3A_369 = arith.constant 2 : i32
        %dma_start3A_370 = arith.constant 0 : i32
        %dma_start3A_371 = tpu.memref_slice %arg6[%add3A_368, %dma_start3A_370] : memref<250x80xi32, #tpu.memory_space<vmem>> -> memref<1x80xi32, #tpu.memory_space<vmem>>
        %dma_start3A_372 = tpu.memref_squeeze %dma_start3A_371 : memref<1x80xi32, #tpu.memory_space<vmem>> -> memref<80xi32, #tpu.memory_space<vmem>>
        %dma_start3A_373 = arith.constant 0 : i32
        %dma_start3A_374 = arith.constant 0 : i32
        %dma_start3A_375 = tpu.memref_slice %arg2[%arg0, %dma_start3A_373, %dma_start3A_374] : memref<2x10000x64xf32, #tpu.memory_space<hbm>> -> memref<1x10000x64xf32, #tpu.memory_space<hbm>>
        %dma_start3A_376 = tpu.memref_squeeze %dma_start3A_375 : memref<1x10000x64xf32, #tpu.memory_space<hbm>> -> memref<10000x64xf32, #tpu.memory_space<hbm>>
        %dma_start3A_377 = arith.constant 0 : i32
        %dma_start3A_378 = arith.constant 0 : i32
        %dma_start3A_379 = tpu.memref_slice %dma_start3A_376[%dma_start3A_377, %dma_start3A_378] : memref<10000x64xf32, #tpu.memory_space<hbm>> -> memref<10000x64xf32, #tpu.memory_space<hbm>>
        %dma_start3A_380 = tpu.memref_slice %arg13[%dma_start3A_369] : memref<5x!tpu.dma_semaphore, #tpu.memory_space<semaphore_mem>> -> memref<1x!tpu.dma_semaphore, #tpu.memory_space<semaphore_mem>>
        %dma_start3A_381 = tpu.memref_squeeze %dma_start3A_380 : memref<1x!tpu.dma_semaphore, #tpu.memory_space<semaphore_mem>> -> memref<!tpu.dma_semaphore, #tpu.memory_space<semaphore_mem>>
        tpu.enqueue_indirect_dma source(%dma_start3A_379 : memref<10000x64xf32, #tpu.memory_space<hbm>>) target(%arg9 : memref<80x64xf32, #tpu.memory_space<vmem>>) offsets(%dma_start3A_372 : memref<80xi32, #tpu.memory_space<vmem>>) semaphore(%dma_start3A_381 : memref<!tpu.dma_semaphore, #tpu.memory_space<semaphore_mem>>)
        %add3A_382 = arith.constant 3 : i32
        %add3A_383 = arith.addi %mul3A_163, %add3A_382 : i32
        %dma_wait3A_384 = arith.constant 3 : i32
        %dma_wait3A_385 = arith.constant 0 : i32
        %dma_wait3A_386 = tpu.memref_slice %arg5[%add3A_383, %dma_wait3A_385] : memref<250x80xi32, #tpu.memory_space<vmem>> -> memref<1x80xi32, #tpu.memory_space<vmem>>
        %dma_wait3A_387 = tpu.memref_squeeze %dma_wait3A_386 : memref<1x80xi32, #tpu.memory_space<vmem>> -> memref<80xi32, #tpu.memory_space<vmem>>
        %dma_wait3A_388 = arith.constant 0 : i32
        %dma_wait3A_389 = arith.constant 0 : i32
        %dma_wait3A_390 = tpu.memref_slice %arg12[%dma_wait3A_388, %dma_wait3A_389] : memref<10240x64xf32, #tpu.memory_space<vmem_shared>> -> memref<10240x64xf32, #tpu.memory_space<vmem_shared>>
        %dma_wait3A_391 = tpu.memref_slice %arg14[%dma_wait3A_384] : memref<5x!tpu.dma_semaphore, #tpu.memory_space<semaphore_mem>> -> memref<1x!tpu.dma_semaphore, #tpu.memory_space<semaphore_mem>>
        %dma_wait3A_392 = tpu.memref_squeeze %dma_wait3A_391 : memref<1x!tpu.dma_semaphore, #tpu.memory_space<semaphore_mem>> -> memref<!tpu.dma_semaphore, #tpu.memory_space<semaphore_mem>>
        tpu.wait_indirect_dma semaphore(%dma_wait3A_392 : memref<!tpu.dma_semaphore, #tpu.memory_space<semaphore_mem>>) src(%arg10 : memref<80x64xf32, #tpu.memory_space<vmem>>) dst(%dma_wait3A_390 : memref<10240x64xf32, #tpu.memory_space<vmem_shared>>)
        %add3A_393 = arith.constant 5 : i32
        %add3A_394 = arith.addi %mul3A_163, %add3A_393 : i32
        %add3A_395 = arith.constant 3 : i32
        %add3A_396 = arith.addi %add3A_394, %add3A_395 : i32
        %dma_start3A_397 = arith.constant 3 : i32
        %dma_start3A_398 = arith.constant 0 : i32
        %dma_start3A_399 = tpu.memref_slice %arg6[%add3A_396, %dma_start3A_398] : memref<250x80xi32, #tpu.memory_space<vmem>> -> memref<1x80xi32, #tpu.memory_space<vmem>>
        %dma_start3A_400 = tpu.memref_squeeze %dma_start3A_399 : memref<1x80xi32, #tpu.memory_space<vmem>> -> memref<80xi32, #tpu.memory_space<vmem>>
        %dma_start3A_401 = arith.constant 0 : i32
        %dma_start3A_402 = arith.constant 0 : i32
        %dma_start3A_403 = tpu.memref_slice %arg2[%arg0, %dma_start3A_401, %dma_start3A_402] : memref<2x10000x64xf32, #tpu.memory_space<hbm>> -> memref<1x10000x64xf32, #tpu.memory_space<hbm>>
        %dma_start3A_404 = tpu.memref_squeeze %dma_start3A_403 : memref<1x10000x64xf32, #tpu.memory_space<hbm>> -> memref<10000x64xf32, #tpu.memory_space<hbm>>
        %dma_start3A_405 = arith.constant 0 : i32
        %dma_start3A_406 = arith.constant 0 : i32
        %dma_start3A_407 = tpu.memref_slice %dma_start3A_404[%dma_start3A_405, %dma_start3A_406] : memref<10000x64xf32, #tpu.memory_space<hbm>> -> memref<10000x64xf32, #tpu.memory_space<hbm>>
        %dma_start3A_408 = tpu.memref_slice %arg13[%dma_start3A_397] : memref<5x!tpu.dma_semaphore, #tpu.memory_space<semaphore_mem>> -> memref<1x!tpu.dma_semaphore, #tpu.memory_space<semaphore_mem>>
        %dma_start3A_409 = tpu.memref_squeeze %dma_start3A_408 : memref<1x!tpu.dma_semaphore, #tpu.memory_space<semaphore_mem>> -> memref<!tpu.dma_semaphore, #tpu.memory_space<semaphore_mem>>
        tpu.enqueue_indirect_dma source(%dma_start3A_407 : memref<10000x64xf32, #tpu.memory_space<hbm>>) target(%arg10 : memref<80x64xf32, #tpu.memory_space<vmem>>) offsets(%dma_start3A_400 : memref<80xi32, #tpu.memory_space<vmem>>) semaphore(%dma_start3A_409 : memref<!tpu.dma_semaphore, #tpu.memory_space<semaphore_mem>>)
        %add3A_410 = arith.constant 4 : i32
        %add3A_411 = arith.addi %mul3A_163, %add3A_410 : i32
        %dma_wait3A_412 = arith.constant 4 : i32
        %dma_wait3A_413 = arith.constant 0 : i32
        %dma_wait3A_414 = tpu.memref_slice %arg5[%add3A_411, %dma_wait3A_413] : memref<250x80xi32, #tpu.memory_space<vmem>> -> memref<1x80xi32, #tpu.memory_space<vmem>>
        %dma_wait3A_415 = tpu.memref_squeeze %dma_wait3A_414 : memref<1x80xi32, #tpu.memory_space<vmem>> -> memref<80xi32, #tpu.memory_space<vmem>>
        %dma_wait3A_416 = arith.constant 0 : i32
        %dma_wait3A_417 = arith.constant 0 : i32
        %dma_wait3A_418 = tpu.memref_slice %arg12[%dma_wait3A_416, %dma_wait3A_417] : memref<10240x64xf32, #tpu.memory_space<vmem_shared>> -> memref<10240x64xf32, #tpu.memory_space<vmem_shared>>
        %dma_wait3A_419 = tpu.memref_slice %arg14[%dma_wait3A_412] : memref<5x!tpu.dma_semaphore, #tpu.memory_space<semaphore_mem>> -> memref<1x!tpu.dma_semaphore, #tpu.memory_space<semaphore_mem>>
        %dma_wait3A_420 = tpu.memref_squeeze %dma_wait3A_419 : memref<1x!tpu.dma_semaphore, #tpu.memory_space<semaphore_mem>> -> memref<!tpu.dma_semaphore, #tpu.memory_space<semaphore_mem>>
        tpu.wait_indirect_dma semaphore(%dma_wait3A_420 : memref<!tpu.dma_semaphore, #tpu.memory_space<semaphore_mem>>) src(%arg11 : memref<80x64xf32, #tpu.memory_space<vmem>>) dst(%dma_wait3A_418 : memref<10240x64xf32, #tpu.memory_space<vmem_shared>>)
        %add3A_421 = arith.constant 5 : i32
        %add3A_422 = arith.addi %mul3A_163, %add3A_421 : i32
        %add3A_423 = arith.constant 4 : i32
        %add3A_424 = arith.addi %add3A_422, %add3A_423 : i32
        %dma_start3A_425 = arith.constant 4 : i32
        %dma_start3A_426 = arith.constant 0 : i32
        %dma_start3A_427 = tpu.memref_slice %arg6[%add3A_424, %dma_start3A_426] : memref<250x80xi32, #tpu.memory_space<vmem>> -> memref<1x80xi32, #tpu.memory_space<vmem>>
        %dma_start3A_428 = tpu.memref_squeeze %dma_start3A_427 : memref<1x80xi32, #tpu.memory_space<vmem>> -> memref<80xi32, #tpu.memory_space<vmem>>
        %dma_start3A_429 = arith.constant 0 : i32
        %dma_start3A_430 = arith.constant 0 : i32
        %dma_start3A_431 = tpu.memref_slice %arg2[%arg0, %dma_start3A_429, %dma_start3A_430] : memref<2x10000x64xf32, #tpu.memory_space<hbm>> -> memref<1x10000x64xf32, #tpu.memory_space<hbm>>
        %dma_start3A_432 = tpu.memref_squeeze %dma_start3A_431 : memref<1x10000x64xf32, #tpu.memory_space<hbm>> -> memref<10000x64xf32, #tpu.memory_space<hbm>>
        %dma_start3A_433 = arith.constant 0 : i32
        %dma_start3A_434 = arith.constant 0 : i32
        %dma_start3A_435 = tpu.memref_slice %dma_start3A_432[%dma_start3A_433, %dma_start3A_434] : memref<10000x64xf32, #tpu.memory_space<hbm>> -> memref<10000x64xf32, #tpu.memory_space<hbm>>
        %dma_start3A_436 = tpu.memref_slice %arg13[%dma_start3A_425] : memref<5x!tpu.dma_semaphore, #tpu.memory_space<semaphore_mem>> -> memref<1x!tpu.dma_semaphore, #tpu.memory_space<semaphore_mem>>
        %dma_start3A_437 = tpu.memref_squeeze %dma_start3A_436 : memref<1x!tpu.dma_semaphore, #tpu.memory_space<semaphore_mem>> -> memref<!tpu.dma_semaphore, #tpu.memory_space<semaphore_mem>>
        tpu.enqueue_indirect_dma source(%dma_start3A_435 : memref<10000x64xf32, #tpu.memory_space<hbm>>) target(%arg11 : memref<80x64xf32, #tpu.memory_space<vmem>>) offsets(%dma_start3A_428 : memref<80xi32, #tpu.memory_space<vmem>>) semaphore(%dma_start3A_437 : memref<!tpu.dma_semaphore, #tpu.memory_space<semaphore_mem>>)
      } else {
      }
    }
    %scan3A_110 = arith.constant 50 : i32
    %dma_wait3A = arith.constant 0 : i32
    %dma_wait3A_111 = arith.constant 0 : i32
    %dma_wait3A_112 = arith.constant 0 : i32
    %dma_wait3A_113 = tpu.memref_slice %arg5[%dma_wait3A, %dma_wait3A_112] : memref<250x80xi32, #tpu.memory_space<vmem>> -> memref<1x80xi32, #tpu.memory_space<vmem>>
    %dma_wait3A_114 = tpu.memref_squeeze %dma_wait3A_113 : memref<1x80xi32, #tpu.memory_space<vmem>> -> memref<80xi32, #tpu.memory_space<vmem>>
    %dma_wait3A_115 = arith.constant 0 : i32
    %dma_wait3A_116 = arith.constant 0 : i32
    %dma_wait3A_117 = tpu.memref_slice %arg12[%dma_wait3A_115, %dma_wait3A_116] : memref<10240x64xf32, #tpu.memory_space<vmem_shared>> -> memref<10240x64xf32, #tpu.memory_space<vmem_shared>>
    %dma_wait3A_118 = tpu.memref_slice %arg14[%dma_wait3A_111] : memref<5x!tpu.dma_semaphore, #tpu.memory_space<semaphore_mem>> -> memref<1x!tpu.dma_semaphore, #tpu.memory_space<semaphore_mem>>
    %dma_wait3A_119 = tpu.memref_squeeze %dma_wait3A_118 : memref<1x!tpu.dma_semaphore, #tpu.memory_space<semaphore_mem>> -> memref<!tpu.dma_semaphore, #tpu.memory_space<semaphore_mem>>
    tpu.wait_indirect_dma semaphore(%dma_wait3A_119 : memref<!tpu.dma_semaphore, #tpu.memory_space<semaphore_mem>>) src(%arg7 : memref<80x64xf32, #tpu.memory_space<vmem>>) dst(%dma_wait3A_117 : memref<10240x64xf32, #tpu.memory_space<vmem_shared>>)
    %dma_wait3A_120 = arith.constant 1 : i32
    %dma_wait3A_121 = arith.constant 1 : i32
    %dma_wait3A_122 = arith.constant 0 : i32
    %dma_wait3A_123 = tpu.memref_slice %arg5[%dma_wait3A_120, %dma_wait3A_122] : memref<250x80xi32, #tpu.memory_space<vmem>> -> memref<1x80xi32, #tpu.memory_space<vmem>>
    %dma_wait3A_124 = tpu.memref_squeeze %dma_wait3A_123 : memref<1x80xi32, #tpu.memory_space<vmem>> -> memref<80xi32, #tpu.memory_space<vmem>>
    %dma_wait3A_125 = arith.constant 0 : i32
    %dma_wait3A_126 = arith.constant 0 : i32
    %dma_wait3A_127 = tpu.memref_slice %arg12[%dma_wait3A_125, %dma_wait3A_126] : memref<10240x64xf32, #tpu.memory_space<vmem_shared>> -> memref<10240x64xf32, #tpu.memory_space<vmem_shared>>
    %dma_wait3A_128 = tpu.memref_slice %arg14[%dma_wait3A_121] : memref<5x!tpu.dma_semaphore, #tpu.memory_space<semaphore_mem>> -> memref<1x!tpu.dma_semaphore, #tpu.memory_space<semaphore_mem>>
    %dma_wait3A_129 = tpu.memref_squeeze %dma_wait3A_128 : memref<1x!tpu.dma_semaphore, #tpu.memory_space<semaphore_mem>> -> memref<!tpu.dma_semaphore, #tpu.memory_space<semaphore_mem>>
    tpu.wait_indirect_dma semaphore(%dma_wait3A_129 : memref<!tpu.dma_semaphore, #tpu.memory_space<semaphore_mem>>) src(%arg8 : memref<80x64xf32, #tpu.memory_space<vmem>>) dst(%dma_wait3A_127 : memref<10240x64xf32, #tpu.memory_space<vmem_shared>>)
    %dma_wait3A_130 = arith.constant 2 : i32
    %dma_wait3A_131 = arith.constant 2 : i32
    %dma_wait3A_132 = arith.constant 0 : i32
    %dma_wait3A_133 = tpu.memref_slice %arg5[%dma_wait3A_130, %dma_wait3A_132] : memref<250x80xi32, #tpu.memory_space<vmem>> -> memref<1x80xi32, #tpu.memory_space<vmem>>
    %dma_wait3A_134 = tpu.memref_squeeze %dma_wait3A_133 : memref<1x80xi32, #tpu.memory_space<vmem>> -> memref<80xi32, #tpu.memory_space<vmem>>
    %dma_wait3A_135 = arith.constant 0 : i32
    %dma_wait3A_136 = arith.constant 0 : i32
    %dma_wait3A_137 = tpu.memref_slice %arg12[%dma_wait3A_135, %dma_wait3A_136] : memref<10240x64xf32, #tpu.memory_space<vmem_shared>> -> memref<10240x64xf32, #tpu.memory_space<vmem_shared>>
    %dma_wait3A_138 = tpu.memref_slice %arg14[%dma_wait3A_131] : memref<5x!tpu.dma_semaphore, #tpu.memory_space<semaphore_mem>> -> memref<1x!tpu.dma_semaphore, #tpu.memory_space<semaphore_mem>>
    %dma_wait3A_139 = tpu.memref_squeeze %dma_wait3A_138 : memref<1x!tpu.dma_semaphore, #tpu.memory_space<semaphore_mem>> -> memref<!tpu.dma_semaphore, #tpu.memory_space<semaphore_mem>>
    tpu.wait_indirect_dma semaphore(%dma_wait3A_139 : memref<!tpu.dma_semaphore, #tpu.memory_space<semaphore_mem>>) src(%arg9 : memref<80x64xf32, #tpu.memory_space<vmem>>) dst(%dma_wait3A_137 : memref<10240x64xf32, #tpu.memory_space<vmem_shared>>)
    %dma_wait3A_140 = arith.constant 3 : i32
    %dma_wait3A_141 = arith.constant 3 : i32
    %dma_wait3A_142 = arith.constant 0 : i32
    %dma_wait3A_143 = tpu.memref_slice %arg5[%dma_wait3A_140, %dma_wait3A_142] : memref<250x80xi32, #tpu.memory_space<vmem>> -> memref<1x80xi32, #tpu.memory_space<vmem>>
    %dma_wait3A_144 = tpu.memref_squeeze %dma_wait3A_143 : memref<1x80xi32, #tpu.memory_space<vmem>> -> memref<80xi32, #tpu.memory_space<vmem>>
    %dma_wait3A_145 = arith.constant 0 : i32
    %dma_wait3A_146 = arith.constant 0 : i32
    %dma_wait3A_147 = tpu.memref_slice %arg12[%dma_wait3A_145, %dma_wait3A_146] : memref<10240x64xf32, #tpu.memory_space<vmem_shared>> -> memref<10240x64xf32, #tpu.memory_space<vmem_shared>>
    %dma_wait3A_148 = tpu.memref_slice %arg14[%dma_wait3A_141] : memref<5x!tpu.dma_semaphore, #tpu.memory_space<semaphore_mem>> -> memref<1x!tpu.dma_semaphore, #tpu.memory_space<semaphore_mem>>
    %dma_wait3A_149 = tpu.memref_squeeze %dma_wait3A_148 : memref<1x!tpu.dma_semaphore, #tpu.memory_space<semaphore_mem>> -> memref<!tpu.dma_semaphore, #tpu.memory_space<semaphore_mem>>
    tpu.wait_indirect_dma semaphore(%dma_wait3A_149 : memref<!tpu.dma_semaphore, #tpu.memory_space<semaphore_mem>>) src(%arg10 : memref<80x64xf32, #tpu.memory_space<vmem>>) dst(%dma_wait3A_147 : memref<10240x64xf32, #tpu.memory_space<vmem_shared>>)
    %dma_wait3A_150 = arith.constant 4 : i32
    %dma_wait3A_151 = arith.constant 4 : i32
    %dma_wait3A_152 = arith.constant 0 : i32
    %dma_wait3A_153 = tpu.memref_slice %arg5[%dma_wait3A_150, %dma_wait3A_152] : memref<250x80xi32, #tpu.memory_space<vmem>> -> memref<1x80xi32, #tpu.memory_space<vmem>>
    %dma_wait3A_154 = tpu.memref_squeeze %dma_wait3A_153 : memref<1x80xi32, #tpu.memory_space<vmem>> -> memref<80xi32, #tpu.memory_space<vmem>>
    %dma_wait3A_155 = arith.constant 0 : i32
    %dma_wait3A_156 = arith.constant 0 : i32
    %dma_wait3A_157 = tpu.memref_slice %arg12[%dma_wait3A_155, %dma_wait3A_156] : memref<10240x64xf32, #tpu.memory_space<vmem_shared>> -> memref<10240x64xf32, #tpu.memory_space<vmem_shared>>
    %dma_wait3A_158 = tpu.memref_slice %arg14[%dma_wait3A_151] : memref<5x!tpu.dma_semaphore, #tpu.memory_space<semaphore_mem>> -> memref<1x!tpu.dma_semaphore, #tpu.memory_space<semaphore_mem>>
    %dma_wait3A_159 = tpu.memref_squeeze %dma_wait3A_158 : memref<1x!tpu.dma_semaphore, #tpu.memory_space<semaphore_mem>> -> memref<!tpu.dma_semaphore, #tpu.memory_space<semaphore_mem>>
    tpu.wait_indirect_dma semaphore(%dma_wait3A_159 : memref<!tpu.dma_semaphore, #tpu.memory_space<semaphore_mem>>) src(%arg11 : memref<80x64xf32, #tpu.memory_space<vmem>>) dst(%dma_wait3A_157 : memref<10240x64xf32, #tpu.memory_space<vmem_shared>>)
    %barrier3A_160 = arith.constant 0 : index
    tpu.barrier barrier_id(%barrier3A_160)
    "tpu.region"() ({
      %run_scoped3A_161 = tpu.sem_alloc : memref<!tpu.dma_semaphore, #tpu.memory_space<semaphore_mem>>
      %dma_start3A_162 = arith.constant 0 : i32
      %dma_start3A_163 = arith.constant 0 : i32
      %dma_start3A_164 = tpu.memref_slice %arg4[%arg0, %dma_start3A_162, %dma_start3A_163] : memref<2x10240x64xf32, #tpu.memory_space<hbm>> -> memref<1x10240x64xf32, #tpu.memory_space<hbm>>
      %dma_start3A_165 = tpu.memref_squeeze %dma_start3A_164 : memref<1x10240x64xf32, #tpu.memory_space<hbm>> -> memref<10240x64xf32, #tpu.memory_space<hbm>>
      %dma_start3A_166 = arith.constant 0 : i32
      %dma_start3A_167 = tpu.memref_slice %dma_start3A_165[%mul3A_19, %dma_start3A_166] : memref<10240x64xf32, #tpu.memory_space<hbm>> -> memref<640x64xf32, #tpu.memory_space<hbm>>
      %dma_start3A_168 = arith.constant 0 : i32
      %dma_start3A_169 = tpu.memref_slice %arg12[%mul3A_19, %dma_start3A_168] : memref<10240x64xf32, #tpu.memory_space<vmem_shared>> -> memref<640x64xf32, #tpu.memory_space<vmem_shared>>
      tpu.enqueue_dma source(%dma_start3A_169 : memref<640x64xf32, #tpu.memory_space<vmem_shared>>) target(%dma_start3A_167 : memref<640x64xf32, #tpu.memory_space<hbm>>) target_semaphore(%run_scoped3A_161 : memref<!tpu.dma_semaphore, #tpu.memory_space<semaphore_mem>>)
      %dma_wait3A_170 = arith.constant 0 : i32
      %dma_wait3A_171 = arith.constant 0 : i32
      %dma_wait3A_172 = tpu.memref_slice %arg4[%arg0, %dma_wait3A_170, %dma_wait3A_171] : memref<2x10240x64xf32, #tpu.memory_space<hbm>> -> memref<1x10240x64xf32, #tpu.memory_space<hbm>>
      %dma_wait3A_173 = tpu.memref_squeeze %dma_wait3A_172 : memref<1x10240x64xf32, #tpu.memory_space<hbm>> -> memref<10240x64xf32, #tpu.memory_space<hbm>>
      %dma_wait3A_174 = arith.constant 0 : i32
      %dma_wait3A_175 = tpu.memref_slice %dma_wait3A_173[%mul3A_19, %dma_wait3A_174] : memref<10240x64xf32, #tpu.memory_space<hbm>> -> memref<640x64xf32, #tpu.memory_space<hbm>>
      %dma_wait3A_176 = arith.constant 0 : i32
      %dma_wait3A_177 = tpu.memref_slice %arg12[%mul3A_19, %dma_wait3A_176] : memref<10240x64xf32, #tpu.memory_space<vmem_shared>> -> memref<640x64xf32, #tpu.memory_space<vmem_shared>>
      tpu.wait_dma2 semaphore(%run_scoped3A_161 : memref<!tpu.dma_semaphore, #tpu.memory_space<semaphore_mem>>) src(%dma_wait3A_177 : memref<640x64xf32, #tpu.memory_space<vmem_shared>>) dst(%dma_wait3A_175 : memref<640x64xf32, #tpu.memory_space<hbm>>)
      tpu.yield
    }) : () -> ()
    return
  }
}

module attributes {stable_mosaic.version = 14 : i64} {
  func.func @body(%arg0: i32, %arg1: memref<1x2000x1xf32, #tpu.memory_space<vmem>>, %arg2: memref<1x2000x1xf32, #tpu.memory_space<vmem>>, %arg3: memref<2000x128xf32, #tpu.memory_space<vmem>>, %arg4: memref<2000x1xf32, #tpu.memory_space<vmem>>, %arg5: memref<2x2000x64xf32, #tpu.memory_space<vmem>>) attributes {dimension_semantics = [#tpu.dimension_semantics<arbitrary>], iteration_bounds = array<i64: 5>, scalar_prefetch = 0 : i64, scratch_operands = 0 : i64, tpu.core_type = #tpu.core_type<tc>, window_params = [{transform_indices = @transform_0, window_bounds = array<i64: 1, 2000, 1>}, {transform_indices = @transform_1, window_bounds = array<i64: 1, 2000, 1>}, {transform_indices = @transform_2, window_bounds = array<i64: 2000, 128>}, {transform_indices = @transform_3, window_bounds = array<i64: 2000, 1>}, {transform_indices = @transform_4, window_bounds = array<i64: 2, 2000, 64>}]} {
    %get3A = arith.constant 0 : index
    %get3A_0 = arith.constant 0 : index
    %get3A_1 = arith.constant 0 : index
    %get3A_2 = vector.load %arg1[%get3A, %get3A_0, %get3A_1] : memref<1x2000x1xf32, #tpu.memory_space<vmem>>, vector<1x2000x1xf32>
    %get3A_3 = vector.shape_cast %get3A_2 : vector<1x2000x1xf32> to vector<2000x1xf32>
    %get3A_4 = arith.constant 0 : index
    %get3A_5 = arith.constant 0 : index
    %get3A_6 = arith.constant 0 : index
    %get3A_7 = vector.load %arg2[%get3A_4, %get3A_5, %get3A_6] : memref<1x2000x1xf32, #tpu.memory_space<vmem>>, vector<1x2000x1xf32>
    %get3A_8 = vector.shape_cast %get3A_7 : vector<1x2000x1xf32> to vector<2000x1xf32>
    %add3A = arith.addf %get3A_3, %get3A_8 : vector<2000x1xf32>
    %rsqrt3A = math.rsqrt %add3A : vector<2000x1xf32>
    %swap3A = arith.constant 0 : index
    %swap3A_9 = arith.constant 0 : index
    %swap3A_10 = vector.load %arg4[%swap3A, %swap3A_9] : memref<2000x1xf32, #tpu.memory_space<vmem>>, vector<2000x1xf32>
    tpu.vector_store %arg4[%swap3A, %swap3A_9], %rsqrt3A {strides = array<i32>} : memref<2000x1xf32, #tpu.memory_space<vmem>>, vector<2000x1xf32>,
    %get3A_11 = arith.constant 0 : index
    %get3A_12 = arith.constant 0 : index
    %get3A_13 = vector.load %arg3[%get3A_11, %get3A_12] : memref<2000x128xf32, #tpu.memory_space<vmem>>, vector<2000x128xf32>
    %mul3A = vector.broadcast %rsqrt3A : vector<2000x1xf32> to vector<2000x128xf32>
    %mul3A_14 = arith.mulf %get3A_13, %mul3A : vector<2000x128xf32>
    %slice3A = vector.extract_strided_slice %mul3A_14 {offsets = [0, 0], sizes = [2000, 64], strides = [1, 1]} : vector<2000x128xf32> to vector<2000x64xf32>
    %swap3A_15 = arith.constant 0 : index
    %swap3A_16 = arith.constant 0 : index
    %swap3A_17 = arith.constant 0 : index
    %swap3A_18 = vector.load %arg5[%swap3A_15, %swap3A_16, %swap3A_17] : memref<2x2000x64xf32, #tpu.memory_space<vmem>>, vector<1x2000x64xf32>
    %swap3A_19 = vector.shape_cast %swap3A_18 : vector<1x2000x64xf32> to vector<2000x64xf32>
    %swap3A_20 = vector.shape_cast %slice3A : vector<2000x64xf32> to vector<1x2000x64xf32>
    tpu.vector_store %arg5[%swap3A_15, %swap3A_16, %swap3A_17], %swap3A_20 {strides = array<i32>} : memref<2x2000x64xf32, #tpu.memory_space<vmem>>, vector<1x2000x64xf32>,
    %slice3A_21 = vector.extract_strided_slice %mul3A_14 {offsets = [0, 64], sizes = [2000, 64], strides = [1, 1]} : vector<2000x128xf32> to vector<2000x64xf32>
    %swap3A_22 = arith.constant 1 : index
    %swap3A_23 = arith.constant 0 : index
    %swap3A_24 = arith.constant 0 : index
    %swap3A_25 = vector.load %arg5[%swap3A_22, %swap3A_23, %swap3A_24] : memref<2x2000x64xf32, #tpu.memory_space<vmem>>, vector<1x2000x64xf32>
    %swap3A_26 = vector.shape_cast %swap3A_25 : vector<1x2000x64xf32> to vector<2000x64xf32>
    %swap3A_27 = vector.shape_cast %slice3A_21 : vector<2000x64xf32> to vector<1x2000x64xf32>
    tpu.vector_store %arg5[%swap3A_22, %swap3A_23, %swap3A_24], %swap3A_27 {strides = array<i32>} : memref<2x2000x64xf32, #tpu.memory_space<vmem>>, vector<1x2000x64xf32>,
    return
  }
  func.func @transform_0(%arg0: i32) -> (i32, i32, i32) {
    %c0_i32 = arith.constant 0 : i32
    %c0_i32_0 = arith.constant 0 : i32
    %c0_i32_1 = arith.constant 0 : i32
    return %c0_i32, %arg0, %c0_i32_0 : i32, i32, i32
  }
  func.func @transform_1(%arg0: i32) -> (i32, i32, i32) {
    %c1_i32 = arith.constant 1 : i32
    %c0_i32 = arith.constant 0 : i32
    %c0_i32_0 = arith.constant 0 : i32
    return %c1_i32, %arg0, %c0_i32 : i32, i32, i32
  }
  func.func @transform_2(%arg0: i32) -> (i32, i32) {
    %c0_i32 = arith.constant 0 : i32
    %c0_i32_0 = arith.constant 0 : i32
    return %arg0, %c0_i32 : i32, i32
  }
  func.func @transform_3(%arg0: i32) -> (i32, i32) {
    %c0_i32 = arith.constant 0 : i32
    %c0_i32_0 = arith.constant 0 : i32
    return %arg0, %c0_i32 : i32, i32
  }
  func.func @transform_4(%arg0: i32) -> (i32, i32, i32) {
    %c0_i32 = arith.constant 0 : i32
    %c0_i32_0 = arith.constant 0 : i32
    %c0_i32_1 = arith.constant 0 : i32
    return %c0_i32, %arg0, %c0_i32_0 : i32, i32, i32
  }
}

module attributes {stable_mosaic.version = 14 : i64} {
  func.func @body(%arg0: i32, %arg1: memref<1x2000x64xf32, #tpu.memory_space<vmem>>, %arg2: memref<1x2000x64xf32, #tpu.memory_space<vmem>>, %arg3: memref<2000x1xf32, #tpu.memory_space<vmem>>, %arg4: memref<128x256xf32, #tpu.memory_space<vmem>>, %arg5: memref<1x256xf32, #tpu.memory_space<vmem>>, %arg6: memref<256x128xf32, #tpu.memory_space<vmem>>, %arg7: memref<2x2000x64xf32, #tpu.memory_space<vmem>>) attributes {dimension_semantics = [#tpu.dimension_semantics<arbitrary>], iteration_bounds = array<i64: 5>, scalar_prefetch = 0 : i64, scratch_operands = 0 : i64, tpu.core_type = #tpu.core_type<tc>, window_params = [{transform_indices = @transform_0, window_bounds = array<i64: 1, 2000, 64>}, {transform_indices = @transform_1, window_bounds = array<i64: 1, 2000, 64>}, {transform_indices = @transform_2, window_bounds = array<i64: 2000, 1>}, {pipeline_mode = #tpu.pipeline_mode<synchronous>, transform_indices = @transform_3, window_bounds = array<i64: 128, 256>}, {pipeline_mode = #tpu.pipeline_mode<synchronous>, transform_indices = @transform_4, window_bounds = array<i64: 1, 256>}, {pipeline_mode = #tpu.pipeline_mode<synchronous>, transform_indices = @transform_5, window_bounds = array<i64: 256, 128>}, {transform_indices = @transform_6, window_bounds = array<i64: 2, 2000, 64>}]} {
    %get3A = arith.constant 0 : index
    %get3A_0 = arith.constant 0 : index
    %get3A_1 = vector.load %arg3[%get3A, %get3A_0] : memref<2000x1xf32, #tpu.memory_space<vmem>>, vector<2000x1xf32>
    %get3A_2 = arith.constant 0 : index
    %get3A_3 = arith.constant 0 : index
    %get3A_4 = arith.constant 0 : index
    %get3A_5 = vector.load %arg1[%get3A_2, %get3A_3, %get3A_4] : memref<1x2000x64xf32, #tpu.memory_space<vmem>>, vector<1x2000x64xf32>
    %get3A_6 = vector.shape_cast %get3A_5 : vector<1x2000x64xf32> to vector<2000x64xf32>
    %get3A_7 = arith.constant 0 : index
    %get3A_8 = arith.constant 0 : index
    %get3A_9 = arith.constant 0 : index
    %get3A_10 = vector.load %arg2[%get3A_7, %get3A_8, %get3A_9] : memref<1x2000x64xf32, #tpu.memory_space<vmem>>, vector<1x2000x64xf32>
    %get3A_11 = vector.shape_cast %get3A_10 : vector<1x2000x64xf32> to vector<2000x64xf32>
    %concatenate3A = tpu.concatenate %get3A_6, %get3A_11 in 1 : vector<2000x64xf32>, vector<2000x64xf32> -> vector<2000x128xf32>
    %mul3A = vector.broadcast %get3A_1 : vector<2000x1xf32> to vector<2000x128xf32>
    %mul3A_12 = arith.mulf %concatenate3A, %mul3A : vector<2000x128xf32>
    %get3A_13 = arith.constant 0 : index
    %get3A_14 = arith.constant 0 : index
    %get3A_15 = vector.load %arg4[%get3A_13, %get3A_14] : memref<128x256xf32, #tpu.memory_space<vmem>>, vector<128x256xf32>
    %dot_general3A = arith.constant dense<0.000000e+00> : vector<2000x256xf32>
    %dot_general3A_16 = tpu.matmul %mul3A_12, %get3A_15, %dot_general3A {dimension_numbers = #tpu.dot_dimension_numbers<[1], [0], [0], [1], [0, 0, 1, 1], [], []>, transpose_lhs_hint = false} : vector<2000x128xf32>, vector<128x256xf32>, vector<2000x256xf32> -> vector<2000x256xf32>
    %get3A_17 = arith.constant 0 : index
    %get3A_18 = arith.constant 0 : index
    %get3A_19 = vector.load %arg5[%get3A_17, %get3A_18] : memref<1x256xf32, #tpu.memory_space<vmem>>, vector<1x256xf32>
    %add3A = vector.broadcast %get3A_19 : vector<1x256xf32> to vector<2000x256xf32>
    %add3A_20 = arith.addf %dot_general3A_16, %add3A : vector<2000x256xf32>
    %max3A = arith.constant 0.000000e+00 : f32
    %max3A_21 = vector.broadcast %max3A : f32 to vector<2000x256xf32>
    %max3A_22 = arith.maximumf %add3A_20, %max3A_21 : vector<2000x256xf32>
    %get3A_23 = arith.constant 0 : index
    %get3A_24 = arith.constant 0 : index
    %get3A_25 = vector.load %arg6[%get3A_23, %get3A_24] : memref<256x128xf32, #tpu.memory_space<vmem>>, vector<256x128xf32>
    %dot_general3A_26 = arith.constant dense<0.000000e+00> : vector<2000x128xf32>
    %dot_general3A_27 = tpu.matmul %max3A_22, %get3A_25, %dot_general3A_26 {dimension_numbers = #tpu.dot_dimension_numbers<[1], [0], [0], [1], [0, 0, 1, 1], [], []>, transpose_lhs_hint = false} : vector<2000x256xf32>, vector<256x128xf32>, vector<2000x128xf32> -> vector<2000x128xf32>
    %mul3A_28 = vector.broadcast %get3A_1 : vector<2000x1xf32> to vector<2000x128xf32>
    %mul3A_29 = arith.mulf %dot_general3A_27, %mul3A_28 : vector<2000x128xf32>
    %slice3A = vector.extract_strided_slice %mul3A_29 {offsets = [0, 0], sizes = [2000, 64], strides = [1, 1]} : vector<2000x128xf32> to vector<2000x64xf32>
    %swap3A = arith.constant 0 : index
    %swap3A_30 = arith.constant 0 : index
    %swap3A_31 = arith.constant 0 : index
    %swap3A_32 = vector.load %arg7[%swap3A, %swap3A_30, %swap3A_31] : memref<2x2000x64xf32, #tpu.memory_space<vmem>>, vector<1x2000x64xf32>
    %swap3A_33 = vector.shape_cast %swap3A_32 : vector<1x2000x64xf32> to vector<2000x64xf32>
    %swap3A_34 = vector.shape_cast %slice3A : vector<2000x64xf32> to vector<1x2000x64xf32>
    tpu.vector_store %arg7[%swap3A, %swap3A_30, %swap3A_31], %swap3A_34 {strides = array<i32>} : memref<2x2000x64xf32, #tpu.memory_space<vmem>>, vector<1x2000x64xf32>,
    %slice3A_35 = vector.extract_strided_slice %mul3A_29 {offsets = [0, 64], sizes = [2000, 64], strides = [1, 1]} : vector<2000x128xf32> to vector<2000x64xf32>
    %swap3A_36 = arith.constant 1 : index
    %swap3A_37 = arith.constant 0 : index
    %swap3A_38 = arith.constant 0 : index
    %swap3A_39 = vector.load %arg7[%swap3A_36, %swap3A_37, %swap3A_38] : memref<2x2000x64xf32, #tpu.memory_space<vmem>>, vector<1x2000x64xf32>
    %swap3A_40 = vector.shape_cast %swap3A_39 : vector<1x2000x64xf32> to vector<2000x64xf32>
    %swap3A_41 = vector.shape_cast %slice3A_35 : vector<2000x64xf32> to vector<1x2000x64xf32>
    tpu.vector_store %arg7[%swap3A_36, %swap3A_37, %swap3A_38], %swap3A_41 {strides = array<i32>} : memref<2x2000x64xf32, #tpu.memory_space<vmem>>, vector<1x2000x64xf32>,
    return
  }
  func.func @transform_0(%arg0: i32) -> (i32, i32, i32) {
    %c0_i32 = arith.constant 0 : i32
    %c0_i32_0 = arith.constant 0 : i32
    %c0_i32_1 = arith.constant 0 : i32
    return %c0_i32, %arg0, %c0_i32_0 : i32, i32, i32
  }
  func.func @transform_1(%arg0: i32) -> (i32, i32, i32) {
    %c1_i32 = arith.constant 1 : i32
    %c0_i32 = arith.constant 0 : i32
    %c0_i32_0 = arith.constant 0 : i32
    return %c1_i32, %arg0, %c0_i32 : i32, i32, i32
  }
  func.func @transform_2(%arg0: i32) -> (i32, i32) {
    %c0_i32 = arith.constant 0 : i32
    %c0_i32_0 = arith.constant 0 : i32
    return %arg0, %c0_i32 : i32, i32
  }
  func.func @transform_3(%arg0: i32) -> (i32, i32) {
    %c0_i32 = arith.constant 0 : i32
    %c0_i32_0 = arith.constant 0 : i32
    %c0_i32_1 = arith.constant 0 : i32
    return %c0_i32, %c0_i32_0 : i32, i32
  }
  func.func @transform_4(%arg0: i32) -> (i32, i32) {
    %c0_i32 = arith.constant 0 : i32
    %c0_i32_0 = arith.constant 0 : i32
    %c0_i32_1 = arith.constant 0 : i32
    return %c0_i32, %c0_i32_0 : i32, i32
  }
  func.func @transform_5(%arg0: i32) -> (i32, i32) {
    %c0_i32 = arith.constant 0 : i32
    %c0_i32_0 = arith.constant 0 : i32
    %c0_i32_1 = arith.constant 0 : i32
    return %c0_i32, %c0_i32_0 : i32, i32
  }
  func.func @transform_6(%arg0: i32) -> (i32, i32, i32) {
    %c0_i32 = arith.constant 0 : i32
    %c0_i32_0 = arith.constant 0 : i32
    %c0_i32_1 = arith.constant 0 : i32
    return %c0_i32, %arg0, %c0_i32_0 : i32, i32, i32
  }
}

module attributes {stable_mosaic.version = 14 : i64} {
  func.func @body(%arg0: i32, %arg1: memref<1x2000x64xf32, #tpu.memory_space<vmem>>, %arg2: memref<1x2000x64xf32, #tpu.memory_space<vmem>>, %arg3: memref<2000x1xf32, #tpu.memory_space<vmem>>, %arg4: memref<1x128xf32, #tpu.memory_space<vmem>>, %arg5: memref<128x16xf32, #tpu.memory_space<vmem>>, %arg6: memref<2000x16xf32, #tpu.memory_space<vmem>>) attributes {dimension_semantics = [#tpu.dimension_semantics<arbitrary>], iteration_bounds = array<i64: 5>, scalar_prefetch = 0 : i64, scratch_operands = 0 : i64, tpu.core_type = #tpu.core_type<tc>, window_params = [{transform_indices = @transform_0, window_bounds = array<i64: 1, 2000, 64>}, {transform_indices = @transform_1, window_bounds = array<i64: 1, 2000, 64>}, {transform_indices = @transform_2, window_bounds = array<i64: 2000, 1>}, {pipeline_mode = #tpu.pipeline_mode<synchronous>, transform_indices = @transform_3, window_bounds = array<i64: 1, 128>}, {pipeline_mode = #tpu.pipeline_mode<synchronous>, transform_indices = @transform_4, window_bounds = array<i64: 128, 16>}, {transform_indices = @transform_5, window_bounds = array<i64: 2000, 16>}]} {
    %get3A = arith.constant 0 : index
    %get3A_0 = arith.constant 0 : index
    %get3A_1 = vector.load %arg3[%get3A, %get3A_0] : memref<2000x1xf32, #tpu.memory_space<vmem>>, vector<2000x1xf32>
    %get3A_2 = arith.constant 0 : index
    %get3A_3 = arith.constant 0 : index
    %get3A_4 = arith.constant 0 : index
    %get3A_5 = vector.load %arg1[%get3A_2, %get3A_3, %get3A_4] : memref<1x2000x64xf32, #tpu.memory_space<vmem>>, vector<1x2000x64xf32>
    %get3A_6 = vector.shape_cast %get3A_5 : vector<1x2000x64xf32> to vector<2000x64xf32>
    %get3A_7 = arith.constant 0 : index
    %get3A_8 = arith.constant 0 : index
    %get3A_9 = arith.constant 0 : index
    %get3A_10 = vector.load %arg2[%get3A_7, %get3A_8, %get3A_9] : memref<1x2000x64xf32, #tpu.memory_space<vmem>>, vector<1x2000x64xf32>
    %get3A_11 = vector.shape_cast %get3A_10 : vector<1x2000x64xf32> to vector<2000x64xf32>
    %concatenate3A = tpu.concatenate %get3A_6, %get3A_11 in 1 : vector<2000x64xf32>, vector<2000x64xf32> -> vector<2000x128xf32>
    %mul3A = vector.broadcast %get3A_1 : vector<2000x1xf32> to vector<2000x128xf32>
    %mul3A_12 = arith.mulf %concatenate3A, %mul3A : vector<2000x128xf32>
    %get3A_13 = arith.constant 0 : index
    %get3A_14 = arith.constant 0 : index
    %get3A_15 = vector.load %arg4[%get3A_13, %get3A_14] : memref<1x128xf32, #tpu.memory_space<vmem>>, vector<1x128xf32>
    %add3A = vector.broadcast %get3A_15 : vector<1x128xf32> to vector<2000x128xf32>
    %add3A_16 = arith.addf %mul3A_12, %add3A : vector<2000x128xf32>
    %max3A = arith.constant 0.000000e+00 : f32
    %max3A_17 = vector.broadcast %max3A : f32 to vector<2000x128xf32>
    %max3A_18 = arith.maximumf %add3A_16, %max3A_17 : vector<2000x128xf32>
    %get3A_19 = arith.constant 0 : index
    %get3A_20 = arith.constant 0 : index
    %get3A_21 = vector.load %arg5[%get3A_19, %get3A_20] : memref<128x16xf32, #tpu.memory_space<vmem>>, vector<128x16xf32>
    %dot_general3A = arith.constant dense<0.000000e+00> : vector<2000x16xf32>
    %dot_general3A_22 = tpu.matmul %max3A_18, %get3A_21, %dot_general3A {dimension_numbers = #tpu.dot_dimension_numbers<[1], [0], [0], [1], [0, 0, 1, 1], [], []>, transpose_lhs_hint = false} : vector<2000x128xf32>, vector<128x16xf32>, vector<2000x16xf32> -> vector<2000x16xf32>
    %mul3A_23 = vector.broadcast %get3A_1 : vector<2000x1xf32> to vector<2000x16xf32>
    %mul3A_24 = arith.mulf %dot_general3A_22, %mul3A_23 : vector<2000x16xf32>
    %swap3A = arith.constant 0 : index
    %swap3A_25 = arith.constant 0 : index
    %swap3A_26 = vector.load %arg6[%swap3A, %swap3A_25] : memref<2000x16xf32, #tpu.memory_space<vmem>>, vector<2000x16xf32>
    tpu.vector_store %arg6[%swap3A, %swap3A_25], %mul3A_24 {strides = array<i32>} : memref<2000x16xf32, #tpu.memory_space<vmem>>, vector<2000x16xf32>,
    return
  }
  func.func @transform_0(%arg0: i32) -> (i32, i32, i32) {
    %c0_i32 = arith.constant 0 : i32
    %c0_i32_0 = arith.constant 0 : i32
    %c0_i32_1 = arith.constant 0 : i32
    return %c0_i32, %arg0, %c0_i32_0 : i32, i32, i32
  }
  func.func @transform_1(%arg0: i32) -> (i32, i32, i32) {
    %c1_i32 = arith.constant 1 : i32
    %c0_i32 = arith.constant 0 : i32
    %c0_i32_0 = arith.constant 0 : i32
    return %c1_i32, %arg0, %c0_i32 : i32, i32, i32
  }
  func.func @transform_2(%arg0: i32) -> (i32, i32) {
    %c0_i32 = arith.constant 0 : i32
    %c0_i32_0 = arith.constant 0 : i32
    return %arg0, %c0_i32 : i32, i32
  }
  func.func @transform_3(%arg0: i32) -> (i32, i32) {
    %c0_i32 = arith.constant 0 : i32
    %c0_i32_0 = arith.constant 0 : i32
    %c0_i32_1 = arith.constant 0 : i32
    return %c0_i32, %c0_i32_0 : i32, i32
  }
  func.func @transform_4(%arg0: i32) -> (i32, i32) {
    %c0_i32 = arith.constant 0 : i32
    %c0_i32_0 = arith.constant 0 : i32
    %c0_i32_1 = arith.constant 0 : i32
    return %c0_i32, %c0_i32_0 : i32, i32
  }
  func.func @transform_5(%arg0: i32) -> (i32, i32) {
    %c0_i32 = arith.constant 0 : i32
    %c0_i32_0 = arith.constant 0 : i32
    return %arg0, %c0_i32 : i32, i32
  }
}

module attributes {stable_mosaic.version = 14 : i64} {
  func.func @body(%arg0: i32, %arg1: memref<1x2000x16xf32, #tpu.memory_space<vmem>>, %arg2: memref<1x2000x16xf32, #tpu.memory_space<vmem>>, %arg3: memref<2000x1xf32, #tpu.memory_space<vmem>>, %arg4: memref<1x16xf32, #tpu.memory_space<vmem>>, %arg5: memref<2000x16xf32, #tpu.memory_space<vmem>>) attributes {dimension_semantics = [#tpu.dimension_semantics<arbitrary>], iteration_bounds = array<i64: 5>, scalar_prefetch = 0 : i64, scratch_operands = 0 : i64, tpu.core_type = #tpu.core_type<tc>, window_params = [{transform_indices = @transform_0, window_bounds = array<i64: 1, 2000, 16>}, {transform_indices = @transform_1, window_bounds = array<i64: 1, 2000, 16>}, {transform_indices = @transform_2, window_bounds = array<i64: 2000, 1>}, {pipeline_mode = #tpu.pipeline_mode<synchronous>, transform_indices = @transform_3, window_bounds = array<i64: 1, 16>}, {transform_indices = @transform_4, window_bounds = array<i64: 2000, 16>}]} {
    %get3A = arith.constant 0 : index
    %get3A_0 = arith.constant 0 : index
    %get3A_1 = arith.constant 0 : index
    %get3A_2 = vector.load %arg1[%get3A, %get3A_0, %get3A_1] : memref<1x2000x16xf32, #tpu.memory_space<vmem>>, vector<1x2000x16xf32>
    %get3A_3 = vector.shape_cast %get3A_2 : vector<1x2000x16xf32> to vector<2000x16xf32>
    %get3A_4 = arith.constant 0 : index
    %get3A_5 = arith.constant 0 : index
    %get3A_6 = arith.constant 0 : index
    %get3A_7 = vector.load %arg2[%get3A_4, %get3A_5, %get3A_6] : memref<1x2000x16xf32, #tpu.memory_space<vmem>>, vector<1x2000x16xf32>
    %get3A_8 = vector.shape_cast %get3A_7 : vector<1x2000x16xf32> to vector<2000x16xf32>
    %add3A = arith.addf %get3A_3, %get3A_8 : vector<2000x16xf32>
    %get3A_9 = arith.constant 0 : index
    %get3A_10 = arith.constant 0 : index
    %get3A_11 = vector.load %arg3[%get3A_9, %get3A_10] : memref<2000x1xf32, #tpu.memory_space<vmem>>, vector<2000x1xf32>
    %mul3A = vector.broadcast %get3A_11 : vector<2000x1xf32> to vector<2000x16xf32>
    %mul3A_12 = arith.mulf %add3A, %mul3A : vector<2000x16xf32>
    %get3A_13 = arith.constant 0 : index
    %get3A_14 = arith.constant 0 : index
    %get3A_15 = vector.load %arg4[%get3A_13, %get3A_14] : memref<1x16xf32, #tpu.memory_space<vmem>>, vector<1x16xf32>
    %add3A_16 = vector.broadcast %get3A_15 : vector<1x16xf32> to vector<2000x16xf32>
    %add3A_17 = arith.addf %mul3A_12, %add3A_16 : vector<2000x16xf32>
    %reduce_max3A = arith.constant dense<0xFF800000> : vector<2000xf32>
    %reduce_max3A_18 = vector.multi_reduction <maximumf>, %add3A_17, %reduce_max3A [1] : vector<2000x16xf32> to vector<2000xf32>
    %broadcast_in_dim3A = vector.shape_cast %reduce_max3A_18 : vector<2000xf32> to vector<2000x1xf32>
    %sub3A = vector.broadcast %broadcast_in_dim3A : vector<2000x1xf32> to vector<2000x16xf32>
    %sub3A_19 = arith.subf %add3A_17, %sub3A : vector<2000x16xf32>
    %exp3A = math.exp %sub3A_19 : vector<2000x16xf32>
    %reduce_sum3A = arith.constant dense<0.000000e+00> : vector<2000xf32>
    %reduce_sum3A_20 = vector.multi_reduction <add>, %exp3A, %reduce_sum3A [1] : vector<2000x16xf32> to vector<2000xf32>
    %broadcast_in_dim3A_21 = vector.shape_cast %reduce_sum3A_20 : vector<2000xf32> to vector<2000x1xf32>
    %div3A = vector.broadcast %broadcast_in_dim3A_21 : vector<2000x1xf32> to vector<2000x16xf32>
    %div3A_22 = arith.divf %exp3A, %div3A : vector<2000x16xf32>
    %swap3A = arith.constant 0 : index
    %swap3A_23 = arith.constant 0 : index
    %swap3A_24 = vector.load %arg5[%swap3A, %swap3A_23] : memref<2000x16xf32, #tpu.memory_space<vmem>>, vector<2000x16xf32>
    tpu.vector_store %arg5[%swap3A, %swap3A_23], %div3A_22 {strides = array<i32>} : memref<2000x16xf32, #tpu.memory_space<vmem>>, vector<2000x16xf32>,
    return
  }
  func.func @transform_0(%arg0: i32) -> (i32, i32, i32) {
    %c0_i32 = arith.constant 0 : i32
    %c0_i32_0 = arith.constant 0 : i32
    %c0_i32_1 = arith.constant 0 : i32
    return %c0_i32, %arg0, %c0_i32_0 : i32, i32, i32
  }
  func.func @transform_1(%arg0: i32) -> (i32, i32, i32) {
    %c1_i32 = arith.constant 1 : i32
    %c0_i32 = arith.constant 0 : i32
    %c0_i32_0 = arith.constant 0 : i32
    return %c1_i32, %arg0, %c0_i32 : i32, i32, i32
  }
  func.func @transform_2(%arg0: i32) -> (i32, i32) {
    %c0_i32 = arith.constant 0 : i32
    %c0_i32_0 = arith.constant 0 : i32
    return %arg0, %c0_i32 : i32, i32
  }
  func.func @transform_3(%arg0: i32) -> (i32, i32) {
    %c0_i32 = arith.constant 0 : i32
    %c0_i32_0 = arith.constant 0 : i32
    %c0_i32_1 = arith.constant 0 : i32
    return %c0_i32, %c0_i32_0 : i32, i32
  }
  func.func @transform_4(%arg0: i32) -> (i32, i32) {
    %c0_i32 = arith.constant 0 : i32
    %c0_i32_0 = arith.constant 0 : i32
    return %arg0, %c0_i32 : i32, i32
  }
}

</mosaic_0001>

<sc_bundles>
// kernel: kernel.10.cloned.1.call-start
scs
__scs_entry_jumppad:
0x0: {  	(pc) =	sbr.rel $0x88, $3  }
0x1: {  	(tag) =	ssettag $0x0;
	lr =	simm.s32 $0x1  }
0x2: {  	[smem:$0x3F99] =	sst lr;
	_ =	strace $0xD0000000  }
0x3: {  	_ = 	snop  }
0x4: {  	_ = 	snop  }
0x5: {  	_ = 	snop  }
0x6: {  	_ = 	snop  }
0x7: {  	_ = 	snop  }
__scs_overlays_trampoline_lowered:
0x8: {  	[smem:$0x3FA8] =	sst s0  }
0x9: {  	[smem:$0x3FA9] =	sst s1  }
0xa: {  	[smem:$0x3FAA] =	sst s2  }
0xb: {  	[smem:$0x3FAB] =	sst s3  }
0xc: {  	[smem:$0x3FAC] =	sst s4  }
0xd: {  	[smem:$0x3FAD] =	sst s5  }
0xe: {  	[smem:$0x3FAE] =	sst s6  }
0xf: {  	[smem:$0x3FAF] =	sst s7  }
0x10: {  	[smem:$0x3FB0] =	sst s8  }
0x11: {  	[smem:$0x3FB1] =	sst s9;
	s0 =	simm.s32 @!p0 $0x0  }
0x12: {  	s1 =	sld [smem:$0x3F97];
	s0 =	simm.s32 @p0 $0x1  }
0x13: {  	[smem:$0x3FB2] =	sst s0;
	s0 =	simm.s32 @!p1 $0x0  }
0x14: {  	s2 =	sld [smem:$0x3F96];
	s0 =	simm.s32 @p1 $0x1  }
0x15: {  	[smem:$0x3FB3] =	sst s0;
	s0 =	simm.s32 @!p2 $0x0  }
0x16: {  	s3 =	sld [smem:$0x3FDB];
	s0 =	simm.s32 @p2 $0x1  }
0x17: {  	s4 =	simm.s32 $0x1BF5;
	[smem:$0x3FB5] =	sst s0  }
0x18: {  	s0 =	sld [smem:$0x3F98];
	_ =	swait.ge [sflag:s4], $0x0  }
0x19: {  	s7 =	sld [smem:$0x3F99]  }
0x1a: {  	s8 =	sadd.s32 $0xFFFFE003, lr  }
0x1b: {  	s9 =	sadd.s32 $0xFFFFFEF7, lr;
	s5 =	simm.s32 $0xFFFFFFFF;
	p2 =	slt.u32 s8, $0xFFFFF086  }
0x1c: {  	p1 =	slt.u32 s9, $0xF7A;
	s5 =	simm.s32 @!p2 $0x0  }
0x1d: {  	s5 =	simm.s32 @p1 $0x1;
	p0 =	seq.s32 s7, s2  }
0x1e: {  	s7 =	smul.u32 @!p0 $0xF7A, s2;
	p2 =	seq.s32 @!p0 s5, $0x0  }
0x1f: {  	s9 =	smul.u32 $0xF7A, s1;
	s8 =	simm.s32 @!p0 $0x1BF5;
	p2 =	por !p2, p0  }
0x20: {  	[sflag:s8] =	ssyncset.s32 @!p0 $0xFFFFF086;
	s6 =	sadd.s32 @!p0 s3, s7;
	s7 =	simm.s32 @!p0 $0x108  }
0x21: {  	s3 =	sadd.s32 s3, s9;
	s6 =	sadd.s32 @!p0 $0x88, s6;
	s7 =	simm.s32 @p2 $0x1082  }
0x22: {  	[simem:s7], [sflag:s8] =	dma.local @!p0 [hbm:s6], $0xF7A  }
0x23: {  	s9 =	sor.u32 $0xD0000000, s2;
	s6 =	simm.s32 $0x108;
	_ =	swait.ge @!p0 [sflag:s8], $0x0  }
0x24: {  	s3 =	sadd.s32 $0x88, s3;
	s6 =	simm.s32 @!p1 $0x1082;
	[sflag:s4] =	ssyncset.s32 $0xFFFFF086  }
0x25: {  	[simem:s6], [sflag:s4] =	dma.local [hbm:s3], $0xF7A  }
0x26: {  	[smem:$0x3F99] =	sst s1;
	(tag) =	ssettag s2;
	_ =	strace s9  }
0x27: {  	s1 =	sld [smem:$0x3FA9]  }
0x28: {  	s2 =	sld [smem:$0x3FAA]  }
0x29: {  	s4 =	sld [smem:$0x3FAC]  }
0x2a: {  	p0 =	seq.s32 s5, $0x0;
	s5 =	sld [smem:$0x3FAD]  }
0x2b: {  	s6 =	sld [smem:$0x3FAE]  }
0x2c: {  	s7 =	sld [smem:$0x3FAF]  }
0x2d: {  	s3 =	simm.s32 $0x108;
	s8 =	sld [smem:$0x3FB0]  }
0x2e: {  	s3 =	simm.s32 @!p0 $0x1082;
	s9 =	sld [smem:$0x3FB1]  }
0x2f: {  	lr =	sadd.s32 s0, s3;
	s0 =	sld [smem:$0x3FA8]  }
0x30: {  	s3 =	sld [smem:$0x3FAB]  }
0x31: {  	[smem:$0x3FB4] =	sst s10  }
0x32: {  	s10 =	sld [smem:$0x3FB2];
	_ =	sdelay $0x3  }
0x33: {  	p0 =	seq.s32 s10, $0x1;
	s10 =	sld [smem:$0x3FB4];
	_ =	sdelay $0x3  }
0x34: {  	[smem:$0x3FB4] =	sst s10  }
0x35: {  	s10 =	sld [smem:$0x3FB3];
	_ =	sdelay $0x3  }
0x36: {  	p1 =	seq.s32 s10, $0x1;
	s10 =	sld [smem:$0x3FB4];
	_ =	sdelay $0x3  }
0x37: {  	[smem:$0x3FB4] =	sst s10  }
0x38: {  	s10 =	sld [smem:$0x3FB5]  }
0x39: {  	_ = 	snop;
	(pc) =	sbr.ind lr, $3  }
0x3a: {  	_ = 	snop  }
0x3b: {  	_ = 	snop  }
0x3c: {  	p2 =	seq.s32 s10, $0x1;
	s10 =	sld [smem:$0x3FB4]  }
0x3d: {  	_ =	shalt  }
0x3e: {  	_ =	shalt  }
0x3f: {  	_ =	shalt  }
0x40: {  	_ =	shalt  }
0x41: {  	_ =	shalt  }
0x42: {  	_ =	shalt  }
0x43: {  	_ =	shalt  }
0x44: {  	_ =	shalt  }
0x45: {  	_ =	shalt  }
0x46: {  	_ =	shalt  }
0x47: {  	_ =	shalt  }
0x48: {  	_ =	shalt  }
0x49: {  	_ =	shalt  }
0x4a: {  	_ =	shalt  }
0x4b: {  	_ =	shalt  }
0x4c: {  	_ =	shalt  }
0x4d: {  	_ =	shalt  }
0x4e: {  	_ =	shalt  }
0x4f: {  	_ =	shalt  }
0x50: {  	_ =	shalt  }
0x51: {  	_ =	shalt  }
0x52: {  	_ =	shalt  }
0x53: {  	_ =	shalt  }
0x54: {  	_ =	shalt  }
0x55: {  	_ =	shalt  }
0x56: {  	_ =	shalt  }
0x57: {  	_ =	shalt  }
0x58: {  	_ =	shalt  }
0x59: {  	_ =	shalt  }
0x5a: {  	_ =	shalt  }
0x5b: {  	_ =	shalt  }
0x5c: {  	_ =	shalt  }
0x5d: {  	_ =	shalt  }
0x5e: {  	_ =	shalt  }
0x5f: {  	_ =	shalt  }
0x60: {  	_ =	shalt  }
0x61: {  	_ =	shalt  }
0x62: {  	_ =	shalt  }
0x63: {  	_ =	shalt  }
0x64: {  	_ =	shalt  }
0x65: {  	_ =	shalt  }
0x66: {  	_ =	shalt  }
0x67: {  	_ =	shalt  }
0x68: {  	_ =	shalt  }
0x69: {  	_ =	shalt  }
0x6a: {  	_ =	shalt  }
0x6b: {  	_ =	shalt  }
0x6c: {  	_ =	shalt  }
0x6d: {  	_ =	shalt  }
0x6e: {  	_ =	shalt  }
0x6f: {  	_ =	shalt  }
0x70: {  	_ =	shalt  }
0x71: {  	_ =	shalt  }
0x72: {  	_ =	shalt  }
0x73: {  	_ =	shalt  }
0x74: {  	_ =	shalt  }
0x75: {  	_ =	shalt  }
0x76: {  	_ =	shalt  }
0x77: {  	_ =	shalt  }
0x78: {  	_ =	shalt  }
0x79: {  	_ =	shalt  }
0x7a: {  	_ =	shalt  }
0x7b: {  	_ =	shalt  }
0x7c: {  	_ =	shalt  }
0x7d: {  	_ =	shalt  }
0x7e: {  	_ =	shalt  }
0x7f: {  	_ =	shalt  }
0x80: {  	_ =	shalt  }
0x81: {  	_ =	shalt  }
0x82: {  	_ =	shalt  }
0x83: {  	_ =	shalt  }
0x84: {  	_ =	shalt  }
0x85: {  	_ =	shalt  }
0x86: {  	_ =	shalt  }
0x87: {  	_ =	shalt  }
.Lfunc_end0:
.L_simem_size_0:
called_computation_lowered:
.L_overlay_start_0:
0x88: {  	s2 =	sld [smem:$0x3FD9]  }
0x89: {  	s3 =	sld [smem:$0x3FFE];
	_ =	sdelay $0x1  }
0x8a: {  	s1 =	srdreg.scid  }
0x8b: {  	s0 =	sand.u32 $0x1, s1  }
0x8c: {  	s17 =	sshll.u32 s0, $0xA;
	s2 =	sadd.s32 s3, s2  }
0x8d: {  	s2 =	sadd.s32 s2, s17  }
0x8e: {  	[smem:$0x3FC0] =	sst s2  }
0x8f: {  	_ = 	snop  }
0x90: {  	s2 =	sld [smem:$0x3FD0];
	(tm) =	ssettm $0x1  }
0x91: {  	s18 =	sld [smem:$0x3FFB];
	_ =	sdelay $0x3  }
0x92: {  	_ =	strace s18  }
0x93: {  	s3 =	sld [smem:$0x3FFC];
	_ =	sdelay $0x3  }
0x94: {  	_ =	strace s3  }
0x95: {  	s3 =	sld [smem:$0x3FFD];
	_ =	sdelay $0x3  }
0x96: {  	_ =	strace s3  }
0x97: {  	_ =	strace $0x8FFFFFFF  }
0x98: {  	s19 =	sld [smem:$0x3FDB];
	_ =	sdelay $0x1  }
0x99: {  	s4 =	simm.s32 $_scs_section_size  }
0x9a: {  	s5 =	simm.s32 $_size__tile_overlayer_lowered;
	s6 =	simm.s32 $_tile_overlayer_lowered  }
0x9b: {  	s22 =	simm.s32 $0x1BFF;
	s21 =	sshll.u32 s6, $0x1;
	s3 =	sadd.s32 s4, s19  }
0x9c: {  	s7 =	simm.s32 $0x0;
	s20 =	sshll.u32 s5, $0x1;
	s5 =	sadd.s32 s21, s3  }
0x9d: {  	[timem:s7], [sflag:s22] =	dma.local [hbm:s5], s20  }
0x9e: {  	_ =	swait.ge [sflag:s22], s20  }
0x9f: {  	s4 =	ssub.s32 $0x0, s20;
	[sflag:s22] =	ssyncset.done $0x0  }
0xa0: {  	[sflag:s22] =	ssyncadd.s32 s4;
	_ =	sdelay $0x1  }
0xa1: {  	s23 =	simm.s32 $0x1B8B  }
0xa2: {  	_ =	swait.ge [sflag:s23], $0x1  }
0xa3: {  	[sflag:s23] =	ssyncset.done $0x0  }
0xa4: {  	s25 =	simm.s32 $0x1B8E;
	s24 =	sld [smem:$0x3FFE];
	[sflag:s23] =	ssyncadd.s32 $0xFFFFFFFF  }
0xa5: {  	s26 =	simm.s32 $execute0_lowered;
	[smem:$0x3FD2] =	sst s25  }
0xa6: {  	s5 =	sshll.u32 s26, $0x1;
	_ =	strace $0x80000046;
	[dreg:$0x1] =	wrdreg $0xFFFFFFFF  }
0xa7: {  	s28 =	simm.s32 $_size_execute0_lowered;
	s3 =	sadd.s32 s3, s5;
	[dreg:$0x0] =	wrdreg $0x0  }
0xa8: {  	s5 =	sshll.u32 s28, $0x1;
	[dreg:$0x2] =	wrdreg s3  }
0xa9: {  	[dreg:$0x3] =	wrdreg s5  }
0xaa: {  	[dreg:$0x4] =	wrdreg $0xC0  }
0xab: {  	_ =	task [dreg:s7], $0x5FFFF  }
0xac: {  	[dreg:$0x1] =	wrdreg $0xFFFFFFFF  }
0xad: {  	[dreg:$0x0] =	wrdreg $0x60  }
0xae: {  	[dreg:$0x2] =	wrdreg s24  }
0xaf: {  	[dreg:$0x3] =	wrdreg s2  }
0xb0: {  	[dreg:$0x4] =	wrdreg $0x43000  }
0xb1: {  	[dreg:$0x5] =	wrdreg $0x9  }
0xb2: {  	_ =	task.clear_ibuf [dreg:s7], $0x6FFFF;
	_ =	strace $0x90000046  }
0xb3: {  	s29 =	simm.s32 $0x9;
	_ =	strace $0x80000048  }
0xb4: {  	_ =	swait.ge [sflag:s29], $0x1  }
0xb5: {  	[sflag:s29] =	ssyncadd.s32 $0xFFFFFFFF  }
0xb6: {  	_ =	strace $0x90000048  }
0xb7: {  	_ =	sfence  }
0xb8: {  	s30 =	sld [smem:$0x0];
	_ =	sdelay $0x2  }
0xb9: {  	s31 =	sshll.u32 s1, $0xD;
	s1 =	sshrl.u32 s1, $0x2  }
0xba: {  	s3 =	sand.u32 $0x4000, s31;
	s1 =	sadd.s32 s1, s30  }
0xbb: {  	s0 =	sor.u32 s3, s0;
	s1 =	sshll.u32 s1, $0x11  }
0xbc: {  	s0 =	sor.u32 s1, s0  }
0xbd: {  	s0 =	sadd.s32 $0x8F2B, s0  }
0xbe: {  	[sflag:s0] =	ssyncadd.remote.s32 $0x1  }
0xbf: {  	_ =	sfence.sel $0xFFFF  }
0xc0: {  	[dreg:$0x0] =	wrdreg $0xFFFFFFFF;
	(pc) =	sbr.abs _section_cstart, $3  }
0xc1: {  	[dreg:$0x1] =	wrdreg $0xFFFFFFFF  }
0xc2: {  	_ =	task.clear_ibuf [dreg:s7], $0x2FFFF;
	_ =	strace $0x9FFFFFFF  }
0xc3: {  	(tm) =	ssettm $0x7FFFFFFF  }
tec
execute0_lowered:
.L_overlay_start_1:
0x0: {  	(tag) =	ssettag $0x1  }
0x1: {  	s4 =	rddreg [dreg:$0x0]  }
0x2: {  	s6 =	rddreg [dreg:$0x1]  }
0x3: {  	s2 =	rddreg [dreg:$0x2]  }
0x4: {  	s0 =	rddreg [dreg:$0x3]  }
0x5: {  	s1 =	stileid.u32;
	s5 =	srdreg.scid  }
0x6: {  	s3 =	simm.s32 $0x0;
	s14 =	simm.s32 $0x20;
	s15 =	simm.s32 $0x10  }
0x7: {  	s16 =	simm.s32 $0x0;
	s7 =	sshll.u32 s1, $0xB;
	s10 =	smul.u32 $0xA00, s1  }
0x8: {  	s5 =	sand.u32 $0x1, s5;
	[smem:$0x7FF] =	sst s3;
	s12 =	smul.u32 $0xA0, s1  }
0x9: {  	s13 =	sshll.u32 s1, $0x6;
	s4 =	sadd.s32 s7, s4;
	s29 =	ssub.s32 $0x2, s5  }
0xa: {  	s9 =	sshll.u32 s5, $0xF;
	_ =	strace $0x80000047;
	s31 =	sshll.u32 s5, $0x4  }
0xb: {  	s8 =	sshrl.u32 s29, $0x1;
	s4 =	sadd.s32 s9, s4;
	s30 =	sshrl.u32 s10, $0x2  }
0xc: {  	s11 =	sadd.s32 s6, s31;
	s9 =	simm.s32 $0x50;
	s10 =	simm.s32 $0x4000  }
0xd: {  	s7 =	ssub.s32 s29, s8;
	s4 =	sadd.s32 $0x2800, s4;
	s5 =	sadd.s32 s30, s2  }
0xe: {  	s8 =	simm.s32 $0x4080;
	s11 =	sadd.s32 s12, s11;
	s12 =	sor.u32 $0x1C01, s13  }
0xf: {  	v0 =	vimm.f32 $1.000000000e+00;
	v1 =	vimm.f32 $0.0e+00;
	s6 =	smax.u32 s7, $0x1;
	s7 =	simm.s32 $0x1;
	s13 =	sshrl.u32 s5, $0x3  }
.LBB2_1:
0x10: {  	[tilespmem:$0x4000] =	vst v0  }
0x11: {  	[tilespmem:$0x4010] =	vst v0  }
0x12: {  	[tilespmem:$0x4020] =	vst v0  }
0x13: {  	[tilespmem:$0x4030] =	vst v0  }
0x14: {  	[tilespmem:$0x4040] =	vst v0  }
0x15: {  	[tilespmem:$0x4080] =	vst v1  }
0x16: {  	[tilespmem:$0x4090] =	vst v1  }
0x17: {  	[tilespmem:$0x40A0] =	vst v1  }
0x18: {  	[tilespmem:$0x40B0] =	vst v1  }
0x19: {  	[tilespmem:$0x40C0] =	vst v1  }
0x1a: {  	[tilespmem:$0x40D0] =	vst v1  }
0x1b: {  	[tilespmem:$0x40E0] =	vst v1  }
0x1c: {  	[tilespmem:$0x40F0] =	vst v1  }
0x1d: {  	[tilespmem:$0x4100] =	vst v1  }
0x1e: {  	[tilespmem:$0x4110] =	vst v1  }
0x1f: {  	[tilespmem:$0x4120] =	vst v1  }
0x20: {  	[tilespmem:$0x4130] =	vst v1  }
0x21: {  	[tilespmem:$0x4140] =	vst v1  }
0x22: {  	[tilespmem:$0x4150] =	vst v1  }
0x23: {  	[tilespmem:$0x4160] =	vst v1  }
0x24: {  	[tilespmem:$0x4170] =	vst v1  }
0x25: {  	[tilespmem:$0x4180] =	vst v1  }
0x26: {  	[tilespmem:$0x4190] =	vst v1  }
0x27: {  	[tilespmem:$0x41A0] =	vst v1  }
0x28: {  	[tilespmem:$0x41B0] =	vst v1  }
0x29: {  	[tilespmem:$0x41C0] =	vst v1  }
0x2a: {  	[tilespmem:$0x41D0] =	vst v1  }
0x2b: {  	[tilespmem:$0x41E0] =	vst v1  }
0x2c: {  	[tilespmem:$0x41F0] =	vst v1  }
0x2d: {  	[tilespmem:$0x4200] =	vst v1  }
0x2e: {  	[tilespmem:$0x4210] =	vst v1  }
0x2f: {  	[tilespmem:$0x4220] =	vst v1  }
0x30: {  	[tilespmem:$0x4230] =	vst v1  }
0x31: {  	[tilespmem:$0x4240] =	vst v1  }
0x32: {  	[tilespmem:$0x4250] =	vst v1  }
0x33: {  	[tilespmem:$0x4260] =	vst v1  }
0x34: {  	[tilespmem:$0x4270] =	vst v1  }
0x35: {  	[tilespmem:$0x4280] =	vst v1  }
0x36: {  	[tilespmem:$0x4290] =	vst v1  }
0x37: {  	[tilespmem:$0x42A0] =	vst v1  }
0x38: {  	[tilespmem:$0x42B0] =	vst v1  }
0x39: {  	[tilespmem:$0x42C0] =	vst v1  }
0x3a: {  	[tilespmem:$0x42D0] =	vst v1  }
0x3b: {  	[tilespmem:$0x42E0] =	vst v1  }
0x3c: {  	[tilespmem:$0x42F0] =	vst v1  }
0x3d: {  	[tilespmem:s3], [sflag:$0x1] =	stream.linear.gather [hbm4b:s4+s3], $0x3E80, $0x38;
	[tilespmem:$0x4580] =	vst v63  }
0x3e: {  	_ =	swait.ge [sflag:s7], $0x3E80  }
0x3f: {  	[sflag:s7] =	ssyncset.done $0x0  }
0x40: {  	[sflag:s7] =	ssyncadd.s32 $0xFFFFC180  }
0x41: {  	[spmem:s5] =	stream.linear.scatter [tilespmem:s8], [sflag:$0x1], $0x280, $0x38;
	[tilespmem:$0x4580] =	vst v63  }
0x42: {  	_ =	swait.ge [sflag:s7], $0x280  }
0x43: {  	[sflag:s7] =	ssyncset.done $0x0  }
0x44: {  	[sflag:s7] =	ssyncadd.s32 $0xFFFFFD80  }
0x45: {  	s17 =	simm.s32 $0x0;
	[bflag:$0x0] =	sbarrier.arrive $0xFFFF  }
0x46: {  	[spmem:s2] =	stream.indirect.scatter.add.f32 [tilespmem:s10], [sflag:$0x1], $0x1, s17, s9, $0xb8;
	[tilespmem:$0x4580] =	vst v63  }
0x47: {  	_ =	swait.ge [sflag:s7], $0x50  }
0x48: {  	s17 =	simm.s32 $0x200;
	[sflag:s7] =	ssyncset.done $0x0  }
.LBB2_2:
0x49: {  	s18 =	sshra.s32 s17, $0x2;
	[sflag:s7] =	ssyncadd.s32 $0xFFFFFFB0;
	p0 =	sne.s32 s17, $0xF800  }
0x4a: {  	[spmem:s2] =	stream.indirect.scatter.add.f32 [tilespmem:s10], [sflag:$0x1], $0x1, s18, s9, $0xb8;
	[tilespmem:$0x4580] =	vst v63  }
.Ltmp0:
0x4b: {  	_ = 	snop;
	(pc) =	sbr.rel @p0 .LBB2_2-.Ltmp0, $4  }
0x4c: {  	_ = 	snop  }
0x4d: {  	s17 =	sadd.s32 $0x200, s17  }
0x4e: {  	_ =	swait.ge [sflag:s7], $0x50  }
0x4f: {  	[sflag:s7] =	ssyncset.done $0x0  }
0x50: {  	s16 =	sadd.s32 $0x1, s16  }
0x51: {  	[sflag:s7] =	ssyncadd.s32 $0xFFFFFFB0;
	p0 =	sne.s32 s16, s6  }
.Ltmp1:
0x52: {  	[bflag:$0x0] =	sbarrier.arrive $0xFFFF;
	(pc) =	sbr.rel @p0 .LBB2_1-.Ltmp1, $4  }
0x53: {  	[hbm:s11@s14], [sflag:s12] =	dma.strided [spmem:s13@s15], $0x50, s7, $0x10   }
0x54: {  	_ =	swait.ge [sflag:s7], $0x50  }
0x55: {  	[sflag:s7] =	ssyncset.done $0x0  }
0x56: {  	[sflag:s7] =	ssyncadd.s32 $0xFFFFFFB0  }
0x57: {  	_ =	sfence.sel $0x180000  }
0x58: {  	[bflag:$0x0] =	sbarrier.arrive $0xFFFF  }
0x59: {  	p0 =	sne.s32 s1, $0x0;
	_ =	strace $0x90000047  }
0x5a: {  	s0 =	sadd.s32 @!p0 $0x100000, s0;
	[bflag:$0x2] =	sbarrier.arrive $0xFFFF  }
0x5b: {  	[sflag:s0] =	ssyncadd.tile.s32 @!p0 $0x1;
	_ =	shalt  }
.Lfunc_end2:
_tile_overlayer_lowered:
.L_overlay_start_2:
0x5c: {  	(tag) =	ssettag $0x2  }
0x5d: {  	s0 =	rddreg [dreg:$0x0];
	s2 =	stileid.u32  }
0x5e: {  	s1 =	rddreg [dreg:$0x1];
	p0 =	sne.s32 s2, $0x0  }
0x5f: {  	s3 =	rddreg [dreg:$0x2];
	[bflag:$0x3] =	sbarrier.arrive $0xFFFF;
	s2 =	simm.s32 @!p0 $0x1C01  }
0x60: {  	[timem:s3], [sflag:s2] =	dma.local @!p0 [hbm:s0], s1  }
0x61: {  	s0 =	simm.s32 @!p0 $0x1  }
0x62: {  	_ =	swait.ge @!p0 [sflag:s0], s1  }
0x63: {  	s1 =	ssub.s32 @!p0 $0x0, s1;
	[sflag:s0] =	ssyncset.done @!p0 $0x0  }
0x64: {  	[sflag:s0] =	ssyncadd.s32 @!p0 s1  }
0x65: {  	[bflag:$0x3] =	sbarrier.arrive $0xFFFF  }
0x66: {  	_ =	shalt  }

// kernel: kernel.13.cloned.1.call-start
scs
__scs_entry_jumppad:
0x0: {  	(pc) =	sbr.rel $0x88, $3  }
0x1: {  	(tag) =	ssettag $0x0;
	lr =	simm.s32 $0x1  }
0x2: {  	[smem:$0x3F99] =	sst lr;
	_ =	strace $0xD0000000  }
0x3: {  	_ = 	snop  }
0x4: {  	_ = 	snop  }
0x5: {  	_ = 	snop  }
0x6: {  	_ = 	snop  }
0x7: {  	_ = 	snop  }
__scs_overlays_trampoline_lowered:
0x8: {  	[smem:$0x3FA8] =	sst s0  }
0x9: {  	[smem:$0x3FA9] =	sst s1  }
0xa: {  	[smem:$0x3FAA] =	sst s2  }
0xb: {  	[smem:$0x3FAB] =	sst s3  }
0xc: {  	[smem:$0x3FAC] =	sst s4  }
0xd: {  	[smem:$0x3FAD] =	sst s5  }
0xe: {  	[smem:$0x3FAE] =	sst s6  }
0xf: {  	[smem:$0x3FAF] =	sst s7  }
0x10: {  	[smem:$0x3FB0] =	sst s8  }
0x11: {  	[smem:$0x3FB1] =	sst s9;
	s0 =	simm.s32 @!p0 $0x0  }
0x12: {  	s1 =	sld [smem:$0x3F97];
	s0 =	simm.s32 @p0 $0x1  }
0x13: {  	[smem:$0x3FB2] =	sst s0;
	s0 =	simm.s32 @!p1 $0x0  }
0x14: {  	s2 =	sld [smem:$0x3F96];
	s0 =	simm.s32 @p1 $0x1  }
0x15: {  	[smem:$0x3FB3] =	sst s0;
	s0 =	simm.s32 @!p2 $0x0  }
0x16: {  	s3 =	sld [smem:$0x3FDB];
	s0 =	simm.s32 @p2 $0x1  }
0x17: {  	s4 =	simm.s32 $0x1BF5;
	[smem:$0x3FB5] =	sst s0  }
0x18: {  	s0 =	sld [smem:$0x3F98];
	_ =	swait.ge [sflag:s4], $0x0  }
0x19: {  	s7 =	sld [smem:$0x3F99]  }
0x1a: {  	s8 =	sadd.s32 $0xFFFFE003, lr  }
0x1b: {  	s9 =	sadd.s32 $0xFFFFFEF7, lr;
	s5 =	simm.s32 $0xFFFFFFFF;
	p2 =	slt.u32 s8, $0xFFFFF086  }
0x1c: {  	p1 =	slt.u32 s9, $0xF7A;
	s5 =	simm.s32 @!p2 $0x0  }
0x1d: {  	s5 =	simm.s32 @p1 $0x1;
	p0 =	seq.s32 s7, s2  }
0x1e: {  	s7 =	smul.u32 @!p0 $0xF7A, s2;
	p2 =	seq.s32 @!p0 s5, $0x0  }
0x1f: {  	s9 =	smul.u32 $0xF7A, s1;
	s8 =	simm.s32 @!p0 $0x1BF5;
	p2 =	por !p2, p0  }
0x20: {  	[sflag:s8] =	ssyncset.s32 @!p0 $0xFFFFF086;
	s6 =	sadd.s32 @!p0 s3, s7;
	s7 =	simm.s32 @!p0 $0x108  }
0x21: {  	s3 =	sadd.s32 s3, s9;
	s6 =	sadd.s32 @!p0 $0x88, s6;
	s7 =	simm.s32 @p2 $0x1082  }
0x22: {  	[simem:s7], [sflag:s8] =	dma.local @!p0 [hbm:s6], $0xF7A  }
0x23: {  	s9 =	sor.u32 $0xD0000000, s2;
	s6 =	simm.s32 $0x108;
	_ =	swait.ge @!p0 [sflag:s8], $0x0  }
0x24: {  	s3 =	sadd.s32 $0x88, s3;
	s6 =	simm.s32 @!p1 $0x1082;
	[sflag:s4] =	ssyncset.s32 $0xFFFFF086  }
0x25: {  	[simem:s6], [sflag:s4] =	dma.local [hbm:s3], $0xF7A  }
0x26: {  	[smem:$0x3F99] =	sst s1;
	(tag) =	ssettag s2;
	_ =	strace s9  }
0x27: {  	s1 =	sld [smem:$0x3FA9]  }
0x28: {  	s2 =	sld [smem:$0x3FAA]  }
0x29: {  	s4 =	sld [smem:$0x3FAC]  }
0x2a: {  	p0 =	seq.s32 s5, $0x0;
	s5 =	sld [smem:$0x3FAD]  }
0x2b: {  	s6 =	sld [smem:$0x3FAE]  }
0x2c: {  	s7 =	sld [smem:$0x3FAF]  }
0x2d: {  	s3 =	simm.s32 $0x108;
	s8 =	sld [smem:$0x3FB0]  }
0x2e: {  	s3 =	simm.s32 @!p0 $0x1082;
	s9 =	sld [smem:$0x3FB1]  }
0x2f: {  	lr =	sadd.s32 s0, s3;
	s0 =	sld [smem:$0x3FA8]  }
0x30: {  	s3 =	sld [smem:$0x3FAB]  }
0x31: {  	[smem:$0x3FB4] =	sst s10  }
0x32: {  	s10 =	sld [smem:$0x3FB2];
	_ =	sdelay $0x3  }
0x33: {  	p0 =	seq.s32 s10, $0x1;
	s10 =	sld [smem:$0x3FB4];
	_ =	sdelay $0x3  }
0x34: {  	[smem:$0x3FB4] =	sst s10  }
0x35: {  	s10 =	sld [smem:$0x3FB3];
	_ =	sdelay $0x3  }
0x36: {  	p1 =	seq.s32 s10, $0x1;
	s10 =	sld [smem:$0x3FB4];
	_ =	sdelay $0x3  }
0x37: {  	[smem:$0x3FB4] =	sst s10  }
0x38: {  	s10 =	sld [smem:$0x3FB5]  }
0x39: {  	_ = 	snop;
	(pc) =	sbr.ind lr, $3  }
0x3a: {  	_ = 	snop  }
0x3b: {  	_ = 	snop  }
0x3c: {  	p2 =	seq.s32 s10, $0x1;
	s10 =	sld [smem:$0x3FB4]  }
0x3d: {  	_ =	shalt  }
0x3e: {  	_ =	shalt  }
0x3f: {  	_ =	shalt  }
0x40: {  	_ =	shalt  }
0x41: {  	_ =	shalt  }
0x42: {  	_ =	shalt  }
0x43: {  	_ =	shalt  }
0x44: {  	_ =	shalt  }
0x45: {  	_ =	shalt  }
0x46: {  	_ =	shalt  }
0x47: {  	_ =	shalt  }
0x48: {  	_ =	shalt  }
0x49: {  	_ =	shalt  }
0x4a: {  	_ =	shalt  }
0x4b: {  	_ =	shalt  }
0x4c: {  	_ =	shalt  }
0x4d: {  	_ =	shalt  }
0x4e: {  	_ =	shalt  }
0x4f: {  	_ =	shalt  }
0x50: {  	_ =	shalt  }
0x51: {  	_ =	shalt  }
0x52: {  	_ =	shalt  }
0x53: {  	_ =	shalt  }
0x54: {  	_ =	shalt  }
0x55: {  	_ =	shalt  }
0x56: {  	_ =	shalt  }
0x57: {  	_ =	shalt  }
0x58: {  	_ =	shalt  }
0x59: {  	_ =	shalt  }
0x5a: {  	_ =	shalt  }
0x5b: {  	_ =	shalt  }
0x5c: {  	_ =	shalt  }
0x5d: {  	_ =	shalt  }
0x5e: {  	_ =	shalt  }
0x5f: {  	_ =	shalt  }
0x60: {  	_ =	shalt  }
0x61: {  	_ =	shalt  }
0x62: {  	_ =	shalt  }
0x63: {  	_ =	shalt  }
0x64: {  	_ =	shalt  }
0x65: {  	_ =	shalt  }
0x66: {  	_ =	shalt  }
0x67: {  	_ =	shalt  }
0x68: {  	_ =	shalt  }
0x69: {  	_ =	shalt  }
0x6a: {  	_ =	shalt  }
0x6b: {  	_ =	shalt  }
0x6c: {  	_ =	shalt  }
0x6d: {  	_ =	shalt  }
0x6e: {  	_ =	shalt  }
0x6f: {  	_ =	shalt  }
0x70: {  	_ =	shalt  }
0x71: {  	_ =	shalt  }
0x72: {  	_ =	shalt  }
0x73: {  	_ =	shalt  }
0x74: {  	_ =	shalt  }
0x75: {  	_ =	shalt  }
0x76: {  	_ =	shalt  }
0x77: {  	_ =	shalt  }
0x78: {  	_ =	shalt  }
0x79: {  	_ =	shalt  }
0x7a: {  	_ =	shalt  }
0x7b: {  	_ =	shalt  }
0x7c: {  	_ =	shalt  }
0x7d: {  	_ =	shalt  }
0x7e: {  	_ =	shalt  }
0x7f: {  	_ =	shalt  }
0x80: {  	_ =	shalt  }
0x81: {  	_ =	shalt  }
0x82: {  	_ =	shalt  }
0x83: {  	_ =	shalt  }
0x84: {  	_ =	shalt  }
0x85: {  	_ =	shalt  }
0x86: {  	_ =	shalt  }
0x87: {  	_ =	shalt  }
.Lfunc_end0:
.L_simem_size_0:
called_computation.1_lowered:
.L_overlay_start_0:
0x88: {  	s2 =	sld [smem:$0x3FD9]  }
0x89: {  	s3 =	sld [smem:$0x3FFE];
	_ =	sdelay $0x1  }
0x8a: {  	s1 =	srdreg.scid  }
0x8b: {  	s0 =	sand.u32 $0x1, s1  }
0x8c: {  	s16 =	sshll.u32 s0, $0xA;
	s2 =	sadd.s32 s3, s2  }
0x8d: {  	s2 =	sadd.s32 s2, s16  }
0x8e: {  	[smem:$0x3FC0] =	sst s2  }
0x8f: {  	_ = 	snop  }
0x90: {  	(tm) =	ssettm $0x1  }
0x91: {  	s17 =	sld [smem:$0x3FFB];
	_ =	sdelay $0x3  }
0x92: {  	_ =	strace s17  }
0x93: {  	s2 =	sld [smem:$0x3FFC];
	_ =	sdelay $0x3  }
0x94: {  	_ =	strace s2  }
0x95: {  	s2 =	sld [smem:$0x3FFD];
	_ =	sdelay $0x3  }
0x96: {  	_ =	strace s2  }
0x97: {  	_ =	strace $0x8FFFFFFF  }
0x98: {  	s18 =	sld [smem:$0x3FDB];
	_ =	sdelay $0x1  }
0x99: {  	s19 =	simm.s32 $_scs_section_size  }
0x9a: {  	s4 =	simm.s32 $_size__tile_overlayer_lowered;
	s5 =	simm.s32 $_tile_overlayer_lowered  }
0x9b: {  	s22 =	simm.s32 $0x1BFF;
	s21 =	sshll.u32 s5, $0x1;
	s2 =	sadd.s32 s19, s18  }
0x9c: {  	s6 =	simm.s32 $0x0;
	s20 =	sshll.u32 s4, $0x1;
	s4 =	sadd.s32 s21, s2  }
0x9d: {  	[timem:s6], [sflag:s22] =	dma.local [hbm:s4], s20  }
0x9e: {  	_ =	swait.ge [sflag:s22], s20  }
0x9f: {  	s3 =	ssub.s32 $0x0, s20;
	[sflag:s22] =	ssyncset.done $0x0  }
0xa0: {  	[sflag:s22] =	ssyncadd.s32 s3;
	_ =	sdelay $0x1  }
0xa1: {  	s23 =	simm.s32 $0x1B8B  }
0xa2: {  	_ =	swait.ge [sflag:s23], $0x1  }
0xa3: {  	[sflag:s23] =	ssyncset.done $0x0  }
0xa4: {  	s25 =	simm.s32 $0x1B8E;
	s24 =	sld [smem:$0x3FFE];
	[sflag:s23] =	ssyncadd.s32 $0xFFFFFFFF  }
0xa5: {  	s26 =	simm.s32 $execute0_lowered;
	[smem:$0x3FD2] =	sst s25  }
0xa6: {  	s4 =	sshll.u32 s26, $0x1;
	_ =	strace $0x80000049;
	[dreg:$0x1] =	wrdreg $0xFFFFFFFF  }
0xa7: {  	s28 =	simm.s32 $_size_execute0_lowered;
	s2 =	sadd.s32 s2, s4;
	[dreg:$0x0] =	wrdreg $0x0  }
0xa8: {  	s4 =	sshll.u32 s28, $0x1;
	[dreg:$0x2] =	wrdreg s2  }
0xa9: {  	[dreg:$0x3] =	wrdreg s4  }
0xaa: {  	[dreg:$0x4] =	wrdreg $0xC0  }
0xab: {  	_ =	task [dreg:s6], $0x5FFFF  }
0xac: {  	[dreg:$0x1] =	wrdreg $0xFFFFFFFF  }
0xad: {  	[dreg:$0x0] =	wrdreg $0x60  }
0xae: {  	[dreg:$0x2] =	wrdreg s24  }
0xaf: {  	[dreg:$0x3] =	wrdreg $0x100400  }
0xb0: {  	[dreg:$0x4] =	wrdreg $0x9  }
0xb1: {  	_ =	task.clear_ibuf [dreg:s6], $0x5FFFF;
	_ =	strace $0x90000049  }
0xb2: {  	s29 =	simm.s32 $0x9;
	_ =	strace $0x8000004B  }
0xb3: {  	_ =	swait.ge [sflag:s29], $0x1  }
0xb4: {  	[sflag:s29] =	ssyncadd.s32 $0xFFFFFFFF  }
0xb5: {  	_ =	strace $0x9000004B  }
0xb6: {  	_ =	sfence  }
0xb7: {  	s30 =	sld [smem:$0x0];
	_ =	sdelay $0x2  }
0xb8: {  	s31 =	sshll.u32 s1, $0xD;
	s1 =	sshrl.u32 s1, $0x2  }
0xb9: {  	s3 =	sand.u32 $0x4000, s31;
	s1 =	sadd.s32 s1, s30  }
0xba: {  	s0 =	sor.u32 s3, s0;
	s1 =	sshll.u32 s1, $0x11  }
0xbb: {  	s0 =	sor.u32 s1, s0  }
0xbc: {  	s0 =	sadd.s32 $0x8F2B, s0  }
0xbd: {  	[sflag:s0] =	ssyncadd.remote.s32 $0x1  }
0xbe: {  	_ =	sfence.sel $0xFFFF  }
0xbf: {  	[dreg:$0x0] =	wrdreg $0xFFFFFFFF;
	(pc) =	sbr.abs _section_cstart, $3  }
0xc0: {  	[dreg:$0x1] =	wrdreg $0xFFFFFFFF  }
0xc1: {  	_ =	task.clear_ibuf [dreg:s6], $0x2FFFF;
	_ =	strace $0x9FFFFFFF  }
0xc2: {  	(tm) =	ssettm $0x7FFFFFFF  }
0xc3: {  	_ =	shalt  }
tec
execute0_lowered:
.L_overlay_start_1:
0x0: {  	(tag) =	ssettag $0x1  }
0x1: {  	s0 =	rddreg [dreg:$0x0]  }
0x2: {  	s1 =	rddreg [dreg:$0x1];
	s11 =	stileid.u32  }
0x3: {  	s3 =	srdreg.scid;
	s2 =	simm.s32 $0x0;
	s7 =	smul.u32 $0x4E20, s11  }
0x4: {  	s28 =	simm.s32 $0xB040;
	s30 =	simm.s32 $0xC440;
	s9 =	smul.u32 $0x28000, s11  }
0x5: {  	s29 =	simm.s32 $0x2;
	s3 =	sand.u32 $0x1, s3;
	s10 =	smul.u32 $0x9C4, s11  }
0x6: {  	s31 =	simm.s32 $0x3;
	[smem:$0x7FF] =	sst s2;
	s4 =	smul.u32 $0x13880, s3  }
0x7: {  	s6 =	sadd.s32 $0x22800, s0;
	s5 =	smul.u32 $0x14000, s3;
	s3 =	ssub.s32 $0x2, s3  }
0x8: {  	s11 =	smul.u32 $0xA000, s11;
	_ =	strace $0x8000004A;
	s8 =	sshrl.u32 s3, $0x1  }
0x9: {  	s7 =	sshrl.u32 s7, $0x3;
	s16 =	sshrl.u32 s9, $0x2;
	s17 =	sadd.s32 s6, s10  }
0xa: {  	s26 =	sshrl.u32 s11, $0x3;
	s9 =	simm.s32 $0x8;
	s4 =	sadd.s32 s4, s0  }
0xb: {  	s5 =	sadd.s32 s5, s0;
	s3 =	ssub.s32 s3, s8;
	s15 =	sadd.s32 $0x4E2, s7  }
0xc: {  	[dreg:$0x4] =	wrdreg s17;
	s18 =	sadd.s32 s16, s1;
	s7 =	sadd.s32 $0x2C440, s0  }
0xd: {  	s8 =	sadd.s32 s11, s1;
	s0 =	simm.s32 $0xD840;
	s11 =	simm.s32 $0xA  }
0xe: {  	[dreg:$0x3] =	wrdreg s15;
	s6 =	sadd.s32 s6, s15;
	s19 =	sadd.s32 $0x1400, s18  }
0xf: {  	s20 =	sadd.s32 $0x2800, s18;
	s21 =	sadd.s32 $0x3C00, s18;
	[dreg:$0x5] =	wrdreg s6  }
0x10: {  	s22 =	sadd.s32 $0x5000, s18;
	s23 =	sadd.s32 $0x6400, s18;
	[dreg:$0x6] =	wrdreg s19  }
0x11: {  	s24 =	sadd.s32 $0x7800, s18;
	s15 =	sadd.s32 $0x8C00, s18;
	[dreg:$0x7] =	wrdreg s20  }
0x12: {  	s16 =	sadd.s32 $0x36200, s4;
	s25 =	sadd.s32 $0x5D400, s5;
	[dreg:$0x8] =	wrdreg s21  }
0x13: {  	s17 =	smax.u32 s3, $0x1;
	s18 =	simm.s32 $0xB;
	[dreg:$0x9] =	wrdreg s22  }
0x14: {  	s3 =	simm.s32 $0x5;
	s5 =	simm.s32 $0x6;
	[dreg:$0xa] =	wrdreg s23  }
0x15: {  	s4 =	simm.s32 $0x0;
	[dreg:$0xb] =	wrdreg s24;
	s20 =	sadd.s32 s10, s7  }
0x16: {  	s21 =	simm.s32 $0x4E20;
	s23 =	simm.s32 $0x9C40;
	s24 =	sadd.s32 s26, s25  }
0x17: {  	s25 =	simm.s32 $0x50;
	s22 =	simm.s32 $0xEC40;
	s26 =	simm.s32 $0x1  }
0x18: {  	v0 =	vimm.f32 $0.0e+00;
	s19 =	simm.s32 $0x4;
	s6 =	simm.s32 $0x7;
	s10 =	simm.s32 $0x9  }
.LBB2_1:
0x19: {  	s12 =	rddreg [dreg:$0x4]  }
0x1a: {  	[tilespmem:s2], [sflag:$0xB] =	stream.linear.gather [hbm4b:s12+s2], $0x2710, $0x38;
	[tilespmem:$0x1A040] =	vst v63  }
0x1b: {  	_ =	swait.ge [sflag:s18], $0x2710  }
0x1c: {  	[sflag:s18] =	ssyncset.done $0x0  }
0x1d: {  	s13 =	simm.s32 $0x2710;
	s14 =	rddreg [dreg:$0x5];
	[sflag:s18] =	ssyncadd.s32 $0xFFFFD8F0  }
0x1e: {  	[tilespmem:s13], [sflag:$0xB] =	stream.linear.gather [hbm4b:s14+s2], $0x2710, $0x38;
	[tilespmem:$0x1A040] =	vst v63  }
0x1f: {  	_ =	swait.ge [sflag:s18], $0x2710  }
0x20: {  	[sflag:s18] =	ssyncset.done $0x0  }
0x21: {  	[sflag:s18] =	ssyncadd.s32 $0xFFFFD8F0  }
0x22: {  	[tilespmem:s21], [sflag:$0xB] =	stream.linear.gather [hbm4b:s20+s2], $0x2710, $0x38;
	[tilespmem:$0x1A040] =	vst v63  }
0x23: {  	_ =	swait.ge [sflag:s18], $0x2710  }
0x24: {  	[sflag:s18] =	ssyncset.done $0x0;
	s13 =	rddreg [dreg:$0x3]  }
0x25: {  	s14 =	simm.s32 $0x7530;
	[sflag:s18] =	ssyncadd.s32 $0xFFFFD8F0;
	s12 =	sadd.s32 s13, s7  }
0x26: {  	[tilespmem:s14], [sflag:$0xB] =	stream.linear.gather [hbm4b:s12+s2], $0x2710, $0x38;
	[tilespmem:$0x1A040] =	vst v63  }
0x27: {  	_ =	swait.ge [sflag:s18], $0x2710  }
0x28: {  	[sflag:s18] =	ssyncset.done $0x0  }
0x29: {  	s13 =	simm.s32 $0x100;
	s12 =	simm.s32 $0x0;
	[sflag:s18] =	ssyncadd.s32 $0xFFFFD8F0  }
.LBB2_2:
0x2a: {  	p0 =	sne.s32 s13, $0x4F00;
	[tilespmem:s12+$0x9C70] =	vst v0;
	s14 =	smov.u32 s13;
	s13 =	sadd.s32 $0x100, s13  }
.Ltmp0:
0x2b: {  	[tilespmem:s12+$0x9C60] =	vst v0;
	(pc) =	sbr.rel @p0 .LBB2_2-.Ltmp0, $3  }
0x2c: {  	[tilespmem:s12+$0x9C40] =	vst v0  }
0x2d: {  	[tilespmem:s12+$0x9C50] =	vst v0;
	_ =	sdelay $0x1  }
0x2e: {  	s12 =	sshra.s32 s14, $0x2  }
0x2f: {  	[tilespmem:s12+$0x9C70] =	vst v0  }
0x30: {  	[tilespmem:s12+$0x9C60] =	vst v0  }
0x31: {  	[tilespmem:s12+$0x9C40] =	vst v0  }
0x32: {  	[tilespmem:s12+$0x9C50] =	vst v0  }
0x33: {  	[spmem:s8] =	stream.linear.scatter [tilespmem:s23], [sflag:$0xB], $0x1400, $0x38;
	[tilespmem:$0x1A040] =	vst v63  }
0x34: {  	_ =	swait.ge [sflag:s18], $0x1400  }
0x35: {  	[sflag:s18] =	ssyncset.done $0x0  }
0x36: {  	s14 =	rddreg [dreg:$0x6];
	[sflag:s18] =	ssyncadd.s32 $0xFFFFEC00  }
0x37: {  	[spmem:s14] =	stream.linear.scatter [tilespmem:s23], [sflag:$0xB], $0x1400, $0x38;
	[tilespmem:$0x1A040] =	vst v63  }
0x38: {  	_ =	swait.ge [sflag:s18], $0x1400  }
0x39: {  	[sflag:s18] =	ssyncset.done $0x0  }
0x3a: {  	s13 =	rddreg [dreg:$0x7];
	[sflag:s18] =	ssyncadd.s32 $0xFFFFEC00  }
0x3b: {  	[spmem:s13] =	stream.linear.scatter [tilespmem:s23], [sflag:$0xB], $0x1400, $0x38;
	[tilespmem:$0x1A040] =	vst v63  }
0x3c: {  	_ =	swait.ge [sflag:s18], $0x1400  }
0x3d: {  	[sflag:s18] =	ssyncset.done $0x0  }
0x3e: {  	s14 =	rddreg [dreg:$0x8];
	[sflag:s18] =	ssyncadd.s32 $0xFFFFEC00  }
0x3f: {  	[spmem:s14] =	stream.linear.scatter [tilespmem:s23], [sflag:$0xB], $0x1400, $0x38;
	[tilespmem:$0x1A040] =	vst v63  }
0x40: {  	_ =	swait.ge [sflag:s18], $0x1400  }
0x41: {  	[sflag:s18] =	ssyncset.done $0x0  }
0x42: {  	s13 =	rddreg [dreg:$0x9];
	[sflag:s18] =	ssyncadd.s32 $0xFFFFEC00  }
0x43: {  	[spmem:s13] =	stream.linear.scatter [tilespmem:s23], [sflag:$0xB], $0x1400, $0x38;
	[tilespmem:$0x1A040] =	vst v63  }
0x44: {  	_ =	swait.ge [sflag:s18], $0x1400  }
0x45: {  	[sflag:s18] =	ssyncset.done $0x0  }
0x46: {  	s14 =	rddreg [dreg:$0xa];
	[sflag:s18] =	ssyncadd.s32 $0xFFFFEC00  }
0x47: {  	[spmem:s14] =	stream.linear.scatter [tilespmem:s23], [sflag:$0xB], $0x1400, $0x38;
	[tilespmem:$0x1A040] =	vst v63  }
0x48: {  	_ =	swait.ge [sflag:s18], $0x1400  }
0x49: {  	[sflag:s18] =	ssyncset.done $0x0  }
0x4a: {  	s13 =	rddreg [dreg:$0xb];
	[sflag:s18] =	ssyncadd.s32 $0xFFFFEC00  }
0x4b: {  	[spmem:s13] =	stream.linear.scatter [tilespmem:s23], [sflag:$0xB], $0x1400, $0x38;
	[tilespmem:$0x1A040] =	vst v63  }
0x4c: {  	_ =	swait.ge [sflag:s18], $0x1400  }
0x4d: {  	[sflag:s18] =	ssyncset.done $0x0  }
0x4e: {  	[sflag:s18] =	ssyncadd.s32 $0xFFFFEC00  }
0x4f: {  	[spmem:s15] =	stream.linear.scatter [tilespmem:s23], [sflag:$0xB], $0x1400, $0x38;
	[tilespmem:$0x1A040] =	vst v63  }
0x50: {  	_ =	swait.ge [sflag:s18], $0x1400  }
0x51: {  	[sflag:s18] =	ssyncset.done $0x0  }
0x52: {  	[sflag:s18] =	ssyncadd.s32 $0xFFFFEC00  }
0x53: {  	[bflag:$0x0] =	sbarrier.arrive $0xFFFF  }
0x54: {  	[tilespmem:s23], [sflag:$0x1] =	stream.indirect.gather [hbm4b:s16+s25], $0x40, s21, s25, $0xb8;
	[tilespmem:$0x1A040] =	vst v63  }
0x55: {  	s14 =	simm.s32 $0x4E70  }
0x56: {  	[tilespmem:s28], [sflag:$0x2] =	stream.indirect.gather [hbm4b:s16+s25], $0x40, s14, s25, $0xb8;
	[tilespmem:$0x1A040] =	vst v63  }
0x57: {  	s13 =	simm.s32 $0x4EC0  }
0x58: {  	[tilespmem:s30], [sflag:$0x3] =	stream.indirect.gather [hbm4b:s16+s25], $0x40, s13, s25, $0xb8;
	[tilespmem:$0x1A040] =	vst v63  }
0x59: {  	s14 =	simm.s32 $0x4F10  }
0x5a: {  	[tilespmem:s0], [sflag:$0x4] =	stream.indirect.gather [hbm4b:s16+s25], $0x40, s14, s25, $0xb8;
	[tilespmem:$0x1A040] =	vst v63  }
0x5b: {  	s13 =	simm.s32 $0x4F60  }
0x5c: {  	[tilespmem:s22], [sflag:$0x5] =	stream.indirect.gather [hbm4b:s16+s25], $0x40, s13, s25, $0xb8;
	[tilespmem:$0x1A040] =	vst v63  }
0x5d: {  	_ =	swait.ge [sflag:s26], $0x1400  }
0x5e: {  	[sflag:s26] =	ssyncset.done $0x0  }
0x5f: {  	s14 =	simm.s32 $0x0;
	[sflag:s26] =	ssyncadd.s32 $0xFFFFEC00  }
0x60: {  	[spmem:s1] =	stream.indirect.scatter.add.f32 [tilespmem:s23], [sflag:$0x6], $0x40, s14, s25, $0xb8;
	[tilespmem:$0x1A040] =	vst v63  }
0x61: {  	_ =	swait.ge [sflag:s29], $0x1400  }
0x62: {  	[sflag:s29] =	ssyncset.done $0x0  }
0x63: {  	s13 =	simm.s32 $0x50;
	[sflag:s29] =	ssyncadd.s32 $0xFFFFEC00  }
0x64: {  	[spmem:s1] =	stream.indirect.scatter.add.f32 [tilespmem:s28], [sflag:$0x7], $0x40, s13, s25, $0xb8;
	[tilespmem:$0x1A040] =	vst v63  }
0x65: {  	_ =	swait.ge [sflag:s31], $0x1400  }
0x66: {  	[sflag:s31] =	ssyncset.done $0x0  }
0x67: {  	s14 =	simm.s32 $0xA0;
	[sflag:s31] =	ssyncadd.s32 $0xFFFFEC00  }
0x68: {  	[spmem:s1] =	stream.indirect.scatter.add.f32 [tilespmem:s30], [sflag:$0x8], $0x40, s14, s25, $0xb8;
	[tilespmem:$0x1A040] =	vst v63  }
0x69: {  	_ =	swait.ge [sflag:s19], $0x1400  }
0x6a: {  	[sflag:s19] =	ssyncset.done $0x0  }
0x6b: {  	s13 =	simm.s32 $0xF0;
	[sflag:s19] =	ssyncadd.s32 $0xFFFFEC00  }
0x6c: {  	[spmem:s1] =	stream.indirect.scatter.add.f32 [tilespmem:s0], [sflag:$0x9], $0x40, s13, s25, $0xb8;
	[tilespmem:$0x1A040] =	vst v63  }
0x6d: {  	_ =	swait.ge [sflag:s3], $0x1400  }
0x6e: {  	[sflag:s3] =	ssyncset.done $0x0  }
0x6f: {  	s14 =	simm.s32 $0x140;
	[sflag:s3] =	ssyncadd.s32 $0xFFFFEC00  }
0x70: {  	[spmem:s1] =	stream.indirect.scatter.add.f32 [tilespmem:s22], [sflag:$0xA], $0x40, s14, s25, $0xb8;
	[tilespmem:$0x1A040] =	vst v63  }
0x71: {  	_ =	swait.ge [sflag:s5], $0x1400  }
0x72: {  	[sflag:s5] =	ssyncset.done $0x0  }
0x73: {  	s13 =	simm.s32 $0x4FB0;
	[sflag:s5] =	ssyncadd.s32 $0xFFFFEC00  }
0x74: {  	[tilespmem:s23], [sflag:$0x1] =	stream.indirect.gather [hbm4b:s16+s25], $0x40, s13, s25, $0xb8;
	[tilespmem:$0x1A040] =	vst v63  }
0x75: {  	_ =	swait.ge [sflag:s6], $0x1400  }
0x76: {  	[sflag:s6] =	ssyncset.done $0x0  }
0x77: {  	s14 =	simm.s32 $0x5000;
	[sflag:s6] =	ssyncadd.s32 $0xFFFFEC00  }
0x78: {  	[tilespmem:s28], [sflag:$0x2] =	stream.indirect.gather [hbm4b:s16+s25], $0x40, s14, s25, $0xb8;
	[tilespmem:$0x1A040] =	vst v63  }
0x79: {  	_ =	swait.ge [sflag:s9], $0x1400  }
0x7a: {  	[sflag:s9] =	ssyncset.done $0x0  }
0x7b: {  	s13 =	simm.s32 $0x5050;
	[sflag:s9] =	ssyncadd.s32 $0xFFFFEC00  }
0x7c: {  	[tilespmem:s30], [sflag:$0x3] =	stream.indirect.gather [hbm4b:s16+s25], $0x40, s13, s25, $0xb8;
	[tilespmem:$0x1A040] =	vst v63  }
0x7d: {  	_ =	swait.ge [sflag:s10], $0x1400  }
0x7e: {  	[sflag:s10] =	ssyncset.done $0x0  }
0x7f: {  	s14 =	simm.s32 $0x50A0;
	[sflag:s10] =	ssyncadd.s32 $0xFFFFEC00  }
0x80: {  	[tilespmem:s0], [sflag:$0x4] =	stream.indirect.gather [hbm4b:s16+s25], $0x40, s14, s25, $0xb8;
	[tilespmem:$0x1A040] =	vst v63  }
0x81: {  	_ =	swait.ge [sflag:s11], $0x1400  }
0x82: {  	[sflag:s11] =	ssyncset.done $0x0  }
0x83: {  	s12 =	simm.s32 $0x640;
	s13 =	simm.s32 $0x50F0;
	[sflag:s11] =	ssyncadd.s32 $0xFFFFEC00  }
.LBB2_4:
0x84: {  	[tilespmem:s22], [sflag:$0x5] =	stream.indirect.gather [hbm4b:s16+s25], $0x40, s13, s25, $0xb8;
	[tilespmem:$0x1A040] =	vst v63  }
0x85: {  	s13 =	smov.u32 s12  }
0x86: {  	p0 =	sne.s32 s12, $0x12C00;
	s12 =	sadd.s32 $0x640, s12;
	_ =	swait.ge [sflag:s26], $0x1400  }
0x87: {  	[sflag:s26] =	ssyncset.done $0x0  }
0x88: {  	s13 =	sshra.s32 s13, $0x2;
	[sflag:s26] =	ssyncadd.s32 $0xFFFFEC00  }
0x89: {  	[spmem:s1] =	stream.indirect.scatter.add.f32 [tilespmem:s23], [sflag:$0x6], $0x40, s13, s25, $0xb8;
	[tilespmem:$0x1A040] =	vst v63  }
0x8a: {  	_ =	swait.ge [sflag:s29], $0x1400  }
0x8b: {  	[sflag:s29] =	ssyncset.done $0x0  }
0x8c: {  	s14 =	sadd.s32 $0x50, s13;
	[sflag:s29] =	ssyncadd.s32 $0xFFFFEC00  }
0x8d: {  	[spmem:s1] =	stream.indirect.scatter.add.f32 [tilespmem:s28], [sflag:$0x7], $0x40, s14, s25, $0xb8;
	[tilespmem:$0x1A040] =	vst v63  }
0x8e: {  	_ =	swait.ge [sflag:s31], $0x1400  }
0x8f: {  	[sflag:s31] =	ssyncset.done $0x0  }
0x90: {  	s14 =	sadd.s32 $0xA0, s13;
	[sflag:s31] =	ssyncadd.s32 $0xFFFFEC00  }
0x91: {  	[spmem:s1] =	stream.indirect.scatter.add.f32 [tilespmem:s30], [sflag:$0x8], $0x40, s14, s25, $0xb8;
	[tilespmem:$0x1A040] =	vst v63  }
0x92: {  	_ =	swait.ge [sflag:s19], $0x1400  }
0x93: {  	[sflag:s19] =	ssyncset.done $0x0  }
0x94: {  	s14 =	sadd.s32 $0xF0, s13;
	[sflag:s19] =	ssyncadd.s32 $0xFFFFEC00  }
0x95: {  	[spmem:s1] =	stream.indirect.scatter.add.f32 [tilespmem:s0], [sflag:$0x9], $0x40, s14, s25, $0xb8;
	[tilespmem:$0x1A040] =	vst v63  }
0x96: {  	_ =	swait.ge [sflag:s3], $0x1400  }
0x97: {  	[sflag:s3] =	ssyncset.done $0x0  }
0x98: {  	s14 =	sadd.s32 $0x140, s13;
	[sflag:s3] =	ssyncadd.s32 $0xFFFFEC00  }
0x99: {  	[spmem:s1] =	stream.indirect.scatter.add.f32 [tilespmem:s22], [sflag:$0xA], $0x40, s14, s25, $0xb8;
	[tilespmem:$0x1A040] =	vst v63  }
0x9a: {  	_ =	swait.ge [sflag:s5], $0x1400  }
0x9b: {  	[sflag:s5] =	ssyncset.done $0x0  }
0x9c: {  	s14 =	sadd.s32 $0x4FB0, s13;
	[sflag:s5] =	ssyncadd.s32 $0xFFFFEC00  }
0x9d: {  	[tilespmem:s23], [sflag:$0x1] =	stream.indirect.gather [hbm4b:s16+s25], $0x40, s14, s25, $0xb8;
	[tilespmem:$0x1A040] =	vst v63  }
0x9e: {  	_ =	swait.ge [sflag:s6], $0x1400  }
0x9f: {  	[sflag:s6] =	ssyncset.done $0x0  }
0xa0: {  	s14 =	sadd.s32 $0x5000, s13;
	[sflag:s6] =	ssyncadd.s32 $0xFFFFEC00  }
0xa1: {  	[tilespmem:s28], [sflag:$0x2] =	stream.indirect.gather [hbm4b:s16+s25], $0x40, s14, s25, $0xb8;
	[tilespmem:$0x1A040] =	vst v63  }
0xa2: {  	_ =	swait.ge [sflag:s9], $0x1400  }
0xa3: {  	[sflag:s9] =	ssyncset.done $0x0  }
0xa4: {  	s14 =	sadd.s32 $0x5050, s13;
	[sflag:s9] =	ssyncadd.s32 $0xFFFFEC00  }
0xa5: {  	[tilespmem:s30], [sflag:$0x3] =	stream.indirect.gather [hbm4b:s16+s25], $0x40, s14, s25, $0xb8;
	[tilespmem:$0x1A040] =	vst v63  }
0xa6: {  	_ =	swait.ge [sflag:s10], $0x1400  }
0xa7: {  	[sflag:s10] =	ssyncset.done $0x0  }
.Ltmp1:
0xa8: {  	s14 =	sadd.s32 $0x50A0, s13;
	[sflag:s10] =	ssyncadd.s32 $0xFFFFEC00;
	(pc) =	sbr.rel @p0 .LBB2_4-.Ltmp1, $4  }
0xa9: {  	[tilespmem:s0], [sflag:$0x4] =	stream.indirect.gather [hbm4b:s16+s25], $0x40, s14, s25, $0xb8;
	[tilespmem:$0x1A040] =	vst v63  }
0xaa: {  	_ =	swait.ge [sflag:s11], $0x1400  }
0xab: {  	[sflag:s11] =	ssyncset.done $0x0  }
0xac: {  	s13 =	sadd.s32 $0x50F0, s13;
	[sflag:s11] =	ssyncadd.s32 $0xFFFFEC00  }
0xad: {  	[tilespmem:s22], [sflag:$0x5] =	stream.indirect.gather [hbm4b:s16+s25], $0x40, s13, s25, $0xb8;
	[tilespmem:$0x1A040] =	vst v63  }
0xae: {  	_ =	swait.ge [sflag:s26], $0x1400  }
0xaf: {  	[sflag:s26] =	ssyncset.done $0x0  }
0xb0: {  	s12 =	simm.s32 $0x4C90;
	[sflag:s26] =	ssyncadd.s32 $0xFFFFEC00  }
0xb1: {  	[spmem:s1] =	stream.indirect.scatter.add.f32 [tilespmem:s23], [sflag:$0x6], $0x40, s12, s25, $0xb8;
	[tilespmem:$0x1A040] =	vst v63  }
0xb2: {  	_ =	swait.ge [sflag:s29], $0x1400  }
0xb3: {  	[sflag:s29] =	ssyncset.done $0x0  }
0xb4: {  	s13 =	simm.s32 $0x4CE0;
	[sflag:s29] =	ssyncadd.s32 $0xFFFFEC00  }
0xb5: {  	[spmem:s1] =	stream.indirect.scatter.add.f32 [tilespmem:s28], [sflag:$0x7], $0x40, s13, s25, $0xb8;
	[tilespmem:$0x1A040] =	vst v63  }
0xb6: {  	_ =	swait.ge [sflag:s31], $0x1400  }
0xb7: {  	[sflag:s31] =	ssyncset.done $0x0  }
0xb8: {  	s14 =	simm.s32 $0x4D30;
	[sflag:s31] =	ssyncadd.s32 $0xFFFFEC00  }
0xb9: {  	[spmem:s1] =	stream.indirect.scatter.add.f32 [tilespmem:s30], [sflag:$0x8], $0x40, s14, s25, $0xb8;
	[tilespmem:$0x1A040] =	vst v63  }
0xba: {  	_ =	swait.ge [sflag:s19], $0x1400  }
0xbb: {  	[sflag:s19] =	ssyncset.done $0x0  }
0xbc: {  	s13 =	simm.s32 $0x4D80;
	[sflag:s19] =	ssyncadd.s32 $0xFFFFEC00  }
0xbd: {  	[spmem:s1] =	stream.indirect.scatter.add.f32 [tilespmem:s0], [sflag:$0x9], $0x40, s13, s25, $0xb8;
	[tilespmem:$0x1A040] =	vst v63  }
0xbe: {  	_ =	swait.ge [sflag:s3], $0x1400  }
0xbf: {  	[sflag:s3] =	ssyncset.done $0x0  }
0xc0: {  	s14 =	simm.s32 $0x4DD0;
	[sflag:s3] =	ssyncadd.s32 $0xFFFFEC00  }
0xc1: {  	[spmem:s1] =	stream.indirect.scatter.add.f32 [tilespmem:s22], [sflag:$0xA], $0x40, s14, s25, $0xb8;
	[tilespmem:$0x1A040] =	vst v63  }
0xc2: {  	_ =	swait.ge [sflag:s5], $0x1400  }
0xc3: {  	[sflag:s5] =	ssyncset.done $0x0  }
0xc4: {  	[sflag:s5] =	ssyncadd.s32 $0xFFFFEC00  }
0xc5: {  	_ =	swait.ge [sflag:s6], $0x1400  }
0xc6: {  	[sflag:s6] =	ssyncset.done $0x0  }
0xc7: {  	[sflag:s6] =	ssyncadd.s32 $0xFFFFEC00  }
0xc8: {  	_ =	swait.ge [sflag:s9], $0x1400  }
0xc9: {  	[sflag:s9] =	ssyncset.done $0x0  }
0xca: {  	[sflag:s9] =	ssyncadd.s32 $0xFFFFEC00  }
0xcb: {  	_ =	swait.ge [sflag:s10], $0x1400  }
0xcc: {  	[sflag:s10] =	ssyncset.done $0x0  }
0xcd: {  	[sflag:s10] =	ssyncadd.s32 $0xFFFFEC00  }
0xce: {  	s13 =	stileid.u32;
	_ =	swait.ge [sflag:s11], $0x1400  }
0xcf: {  	s4 =	sadd.s32 $0x1, s4;
	s12 =	sshll.u32 s13, $0x6;
	[sflag:s11] =	ssyncset.done $0x0  }
0xd0: {  	p0 =	sne.s32 s4, s17;
	s12 =	sor.u32 $0x1C0B, s12;
	[sflag:s11] =	ssyncadd.s32 $0xFFFFEC00  }
.Ltmp2:
0xd1: {  	s14 =	sshrl.u32 s8, $0x3;
	[bflag:$0x0] =	sbarrier.arrive $0xFFFF;
	(pc) =	sbr.rel @p0 .LBB2_1-.Ltmp2, $4  }
0xd2: {  	[hbm:s24], [sflag:s12] =	dma.local [spmem:s14], $0x1400  }
0xd3: {  	_ =	swait.ge [sflag:s18], $0x1400  }
0xd4: {  	[sflag:s18] =	ssyncset.done $0x0  }
0xd5: {  	[sflag:s18] =	ssyncadd.s32 $0xFFFFEC00  }
0xd6: {  	_ =	sfence.sel $0x180000  }
0xd7: {  	[bflag:$0x0] =	sbarrier.arrive $0xFFFF  }
0xd8: {  	_ =	strace $0x9000004A  }
0xd9: {  	s0 =	stileid.u32;
	[bflag:$0x2] =	sbarrier.arrive $0xFFFF  }
0xda: {  	p0 =	sne.s32 s0, $0x0;
	s0 =	rddreg [dreg:$0x2]  }
0xdb: {  	s0 =	sadd.s32 @!p0 $0x100000, s0  }
0xdc: {  	[sflag:s0] =	ssyncadd.tile.s32 @!p0 $0x1;
	_ =	shalt  }
.Lfunc_end2:
_tile_overlayer_lowered:
.L_overlay_start_2:
0xdd: {  	(tag) =	ssettag $0x2  }
0xde: {  	s0 =	rddreg [dreg:$0x0];
	s2 =	stileid.u32  }
0xdf: {  	s1 =	rddreg [dreg:$0x1];
	p0 =	sne.s32 s2, $0x0  }
0xe0: {  	s3 =	rddreg [dreg:$0x2];
	[bflag:$0x3] =	sbarrier.arrive $0xFFFF;
	s2 =	simm.s32 @!p0 $0x1C0B  }
0xe1: {  	[timem:s3], [sflag:s2] =	dma.local @!p0 [hbm:s0], s1  }
0xe2: {  	s0 =	simm.s32 @!p0 $0xB  }
0xe3: {  	_ =	swait.ge @!p0 [sflag:s0], s1  }
0xe4: {  	s1 =	ssub.s32 @!p0 $0x0, s1;
	[sflag:s0] =	ssyncset.done @!p0 $0x0  }
0xe5: {  	[sflag:s0] =	ssyncadd.s32 @!p0 s1  }
0xe6: {  	[bflag:$0x3] =	sbarrier.arrive $0xFFFF  }
0xe7: {  	_ =	shalt  }

// kernel: kernel.16.cloned.1.call-start
scs
__scs_entry_jumppad:
0x0: {  	(pc) =	sbr.rel $0x88, $3  }
0x1: {  	(tag) =	ssettag $0x0;
	lr =	simm.s32 $0x1  }
0x2: {  	[smem:$0x3F99] =	sst lr;
	_ =	strace $0xD0000000  }
0x3: {  	_ = 	snop  }
0x4: {  	_ = 	snop  }
0x5: {  	_ = 	snop  }
0x6: {  	_ = 	snop  }
0x7: {  	_ = 	snop  }
__scs_overlays_trampoline_lowered:
0x8: {  	[smem:$0x3FA8] =	sst s0  }
0x9: {  	[smem:$0x3FA9] =	sst s1  }
0xa: {  	[smem:$0x3FAA] =	sst s2  }
0xb: {  	[smem:$0x3FAB] =	sst s3  }
0xc: {  	[smem:$0x3FAC] =	sst s4  }
0xd: {  	[smem:$0x3FAD] =	sst s5  }
0xe: {  	[smem:$0x3FAE] =	sst s6  }
0xf: {  	[smem:$0x3FAF] =	sst s7  }
0x10: {  	[smem:$0x3FB0] =	sst s8  }
0x11: {  	[smem:$0x3FB1] =	sst s9;
	s0 =	simm.s32 @!p0 $0x0  }
0x12: {  	s1 =	sld [smem:$0x3F97];
	s0 =	simm.s32 @p0 $0x1  }
0x13: {  	[smem:$0x3FB2] =	sst s0;
	s0 =	simm.s32 @!p1 $0x0  }
0x14: {  	s2 =	sld [smem:$0x3F96];
	s0 =	simm.s32 @p1 $0x1  }
0x15: {  	[smem:$0x3FB3] =	sst s0;
	s0 =	simm.s32 @!p2 $0x0  }
0x16: {  	s3 =	sld [smem:$0x3FDB];
	s0 =	simm.s32 @p2 $0x1  }
0x17: {  	s4 =	simm.s32 $0x1BF5;
	[smem:$0x3FB5] =	sst s0  }
0x18: {  	s0 =	sld [smem:$0x3F98];
	_ =	swait.ge [sflag:s4], $0x0  }
0x19: {  	s7 =	sld [smem:$0x3F99]  }
0x1a: {  	s8 =	sadd.s32 $0xFFFFE003, lr  }
0x1b: {  	s9 =	sadd.s32 $0xFFFFFEF7, lr;
	s5 =	simm.s32 $0xFFFFFFFF;
	p2 =	slt.u32 s8, $0xFFFFF086  }
0x1c: {  	p1 =	slt.u32 s9, $0xF7A;
	s5 =	simm.s32 @!p2 $0x0  }
0x1d: {  	s5 =	simm.s32 @p1 $0x1;
	p0 =	seq.s32 s7, s2  }
0x1e: {  	s7 =	smul.u32 @!p0 $0xF7A, s2;
	p2 =	seq.s32 @!p0 s5, $0x0  }
0x1f: {  	s9 =	smul.u32 $0xF7A, s1;
	s8 =	simm.s32 @!p0 $0x1BF5;
	p2 =	por !p2, p0  }
0x20: {  	[sflag:s8] =	ssyncset.s32 @!p0 $0xFFFFF086;
	s6 =	sadd.s32 @!p0 s3, s7;
	s7 =	simm.s32 @!p0 $0x108  }
0x21: {  	s3 =	sadd.s32 s3, s9;
	s6 =	sadd.s32 @!p0 $0x88, s6;
	s7 =	simm.s32 @p2 $0x1082  }
0x22: {  	[simem:s7], [sflag:s8] =	dma.local @!p0 [hbm:s6], $0xF7A  }
0x23: {  	s9 =	sor.u32 $0xD0000000, s2;
	s6 =	simm.s32 $0x108;
	_ =	swait.ge @!p0 [sflag:s8], $0x0  }
0x24: {  	s3 =	sadd.s32 $0x88, s3;
	s6 =	simm.s32 @!p1 $0x1082;
	[sflag:s4] =	ssyncset.s32 $0xFFFFF086  }
0x25: {  	[simem:s6], [sflag:s4] =	dma.local [hbm:s3], $0xF7A  }
0x26: {  	[smem:$0x3F99] =	sst s1;
	(tag) =	ssettag s2;
	_ =	strace s9  }
0x27: {  	s1 =	sld [smem:$0x3FA9]  }
0x28: {  	s2 =	sld [smem:$0x3FAA]  }
0x29: {  	s4 =	sld [smem:$0x3FAC]  }
0x2a: {  	p0 =	seq.s32 s5, $0x0;
	s5 =	sld [smem:$0x3FAD]  }
0x2b: {  	s6 =	sld [smem:$0x3FAE]  }
0x2c: {  	s7 =	sld [smem:$0x3FAF]  }
0x2d: {  	s3 =	simm.s32 $0x108;
	s8 =	sld [smem:$0x3FB0]  }
0x2e: {  	s3 =	simm.s32 @!p0 $0x1082;
	s9 =	sld [smem:$0x3FB1]  }
0x2f: {  	lr =	sadd.s32 s0, s3;
	s0 =	sld [smem:$0x3FA8]  }
0x30: {  	s3 =	sld [smem:$0x3FAB]  }
0x31: {  	[smem:$0x3FB4] =	sst s10  }
0x32: {  	s10 =	sld [smem:$0x3FB2];
	_ =	sdelay $0x3  }
0x33: {  	p0 =	seq.s32 s10, $0x1;
	s10 =	sld [smem:$0x3FB4];
	_ =	sdelay $0x3  }
0x34: {  	[smem:$0x3FB4] =	sst s10  }
0x35: {  	s10 =	sld [smem:$0x3FB3];
	_ =	sdelay $0x3  }
0x36: {  	p1 =	seq.s32 s10, $0x1;
	s10 =	sld [smem:$0x3FB4];
	_ =	sdelay $0x3  }
0x37: {  	[smem:$0x3FB4] =	sst s10  }
0x38: {  	s10 =	sld [smem:$0x3FB5]  }
0x39: {  	_ = 	snop;
	(pc) =	sbr.ind lr, $3  }
0x3a: {  	_ = 	snop  }
0x3b: {  	_ = 	snop  }
0x3c: {  	p2 =	seq.s32 s10, $0x1;
	s10 =	sld [smem:$0x3FB4]  }
0x3d: {  	_ =	shalt  }
0x3e: {  	_ =	shalt  }
0x3f: {  	_ =	shalt  }
0x40: {  	_ =	shalt  }
0x41: {  	_ =	shalt  }
0x42: {  	_ =	shalt  }
0x43: {  	_ =	shalt  }
0x44: {  	_ =	shalt  }
0x45: {  	_ =	shalt  }
0x46: {  	_ =	shalt  }
0x47: {  	_ =	shalt  }
0x48: {  	_ =	shalt  }
0x49: {  	_ =	shalt  }
0x4a: {  	_ =	shalt  }
0x4b: {  	_ =	shalt  }
0x4c: {  	_ =	shalt  }
0x4d: {  	_ =	shalt  }
0x4e: {  	_ =	shalt  }
0x4f: {  	_ =	shalt  }
0x50: {  	_ =	shalt  }
0x51: {  	_ =	shalt  }
0x52: {  	_ =	shalt  }
0x53: {  	_ =	shalt  }
0x54: {  	_ =	shalt  }
0x55: {  	_ =	shalt  }
0x56: {  	_ =	shalt  }
0x57: {  	_ =	shalt  }
0x58: {  	_ =	shalt  }
0x59: {  	_ =	shalt  }
0x5a: {  	_ =	shalt  }
0x5b: {  	_ =	shalt  }
0x5c: {  	_ =	shalt  }
0x5d: {  	_ =	shalt  }
0x5e: {  	_ =	shalt  }
0x5f: {  	_ =	shalt  }
0x60: {  	_ =	shalt  }
0x61: {  	_ =	shalt  }
0x62: {  	_ =	shalt  }
0x63: {  	_ =	shalt  }
0x64: {  	_ =	shalt  }
0x65: {  	_ =	shalt  }
0x66: {  	_ =	shalt  }
0x67: {  	_ =	shalt  }
0x68: {  	_ =	shalt  }
0x69: {  	_ =	shalt  }
0x6a: {  	_ =	shalt  }
0x6b: {  	_ =	shalt  }
0x6c: {  	_ =	shalt  }
0x6d: {  	_ =	shalt  }
0x6e: {  	_ =	shalt  }
0x6f: {  	_ =	shalt  }
0x70: {  	_ =	shalt  }
0x71: {  	_ =	shalt  }
0x72: {  	_ =	shalt  }
0x73: {  	_ =	shalt  }
0x74: {  	_ =	shalt  }
0x75: {  	_ =	shalt  }
0x76: {  	_ =	shalt  }
0x77: {  	_ =	shalt  }
0x78: {  	_ =	shalt  }
0x79: {  	_ =	shalt  }
0x7a: {  	_ =	shalt  }
0x7b: {  	_ =	shalt  }
0x7c: {  	_ =	shalt  }
0x7d: {  	_ =	shalt  }
0x7e: {  	_ =	shalt  }
0x7f: {  	_ =	shalt  }
0x80: {  	_ =	shalt  }
0x81: {  	_ =	shalt  }
0x82: {  	_ =	shalt  }
0x83: {  	_ =	shalt  }
0x84: {  	_ =	shalt  }
0x85: {  	_ =	shalt  }
0x86: {  	_ =	shalt  }
0x87: {  	_ =	shalt  }
.Lfunc_end0:
.L_simem_size_0:
called_computation.2_lowered:
.L_overlay_start_0:
0x88: {  	s2 =	sld [smem:$0x3FD9]  }
0x89: {  	s3 =	sld [smem:$0x3FFE];
	_ =	sdelay $0x1  }
0x8a: {  	s1 =	srdreg.scid  }
0x8b: {  	s0 =	sand.u32 $0x1, s1  }
0x8c: {  	s16 =	sshll.u32 s0, $0xA;
	s2 =	sadd.s32 s3, s2  }
0x8d: {  	s2 =	sadd.s32 s2, s16  }
0x8e: {  	[smem:$0x3FC0] =	sst s2  }
0x8f: {  	_ = 	snop  }
0x90: {  	(tm) =	ssettm $0x1  }
0x91: {  	s17 =	sld [smem:$0x3FFB];
	_ =	sdelay $0x3  }
0x92: {  	_ =	strace s17  }
0x93: {  	s2 =	sld [smem:$0x3FFC];
	_ =	sdelay $0x3  }
0x94: {  	_ =	strace s2  }
0x95: {  	s2 =	sld [smem:$0x3FFD];
	_ =	sdelay $0x3  }
0x96: {  	_ =	strace s2  }
0x97: {  	_ =	strace $0x8FFFFFFF  }
0x98: {  	s18 =	sld [smem:$0x3FDB];
	_ =	sdelay $0x1  }
0x99: {  	s19 =	simm.s32 $_scs_section_size  }
0x9a: {  	s4 =	simm.s32 $_size__tile_overlayer_lowered;
	s5 =	simm.s32 $_tile_overlayer_lowered  }
0x9b: {  	s22 =	simm.s32 $0x1BFF;
	s21 =	sshll.u32 s5, $0x1;
	s2 =	sadd.s32 s19, s18  }
0x9c: {  	s6 =	simm.s32 $0x0;
	s20 =	sshll.u32 s4, $0x1;
	s4 =	sadd.s32 s21, s2  }
0x9d: {  	[timem:s6], [sflag:s22] =	dma.local [hbm:s4], s20  }
0x9e: {  	_ =	swait.ge [sflag:s22], s20  }
0x9f: {  	s3 =	ssub.s32 $0x0, s20;
	[sflag:s22] =	ssyncset.done $0x0  }
0xa0: {  	[sflag:s22] =	ssyncadd.s32 s3;
	_ =	sdelay $0x1  }
0xa1: {  	s23 =	simm.s32 $0x1B8B  }
0xa2: {  	_ =	swait.ge [sflag:s23], $0x1  }
0xa3: {  	[sflag:s23] =	ssyncset.done $0x0  }
0xa4: {  	s25 =	simm.s32 $0x1B8E;
	s24 =	sld [smem:$0x3FFE];
	[sflag:s23] =	ssyncadd.s32 $0xFFFFFFFF  }
0xa5: {  	s26 =	simm.s32 $execute0_lowered;
	[smem:$0x3FD2] =	sst s25  }
0xa6: {  	s4 =	sshll.u32 s26, $0x1;
	_ =	strace $0x8000004C;
	[dreg:$0x1] =	wrdreg $0xFFFFFFFF  }
0xa7: {  	s28 =	simm.s32 $_size_execute0_lowered;
	s2 =	sadd.s32 s2, s4;
	[dreg:$0x0] =	wrdreg $0x0  }
0xa8: {  	s4 =	sshll.u32 s28, $0x1;
	[dreg:$0x2] =	wrdreg s2  }
0xa9: {  	[dreg:$0x3] =	wrdreg s4  }
0xaa: {  	[dreg:$0x4] =	wrdreg $0xC0  }
0xab: {  	_ =	task [dreg:s6], $0x5FFFF  }
0xac: {  	[dreg:$0x1] =	wrdreg $0xFFFFFFFF  }
0xad: {  	[dreg:$0x0] =	wrdreg $0x60  }
0xae: {  	[dreg:$0x2] =	wrdreg s24  }
0xaf: {  	[dreg:$0x3] =	wrdreg $0x100400  }
0xb0: {  	[dreg:$0x4] =	wrdreg $0x9  }
0xb1: {  	_ =	task.clear_ibuf [dreg:s6], $0x5FFFF;
	_ =	strace $0x9000004C  }
0xb2: {  	s29 =	simm.s32 $0x9;
	_ =	strace $0x8000004E  }
0xb3: {  	_ =	swait.ge [sflag:s29], $0x1  }
0xb4: {  	[sflag:s29] =	ssyncadd.s32 $0xFFFFFFFF  }
0xb5: {  	_ =	strace $0x9000004E  }
0xb6: {  	_ =	sfence  }
0xb7: {  	s30 =	sld [smem:$0x0];
	_ =	sdelay $0x2  }
0xb8: {  	s31 =	sshll.u32 s1, $0xD;
	s1 =	sshrl.u32 s1, $0x2  }
0xb9: {  	s3 =	sand.u32 $0x4000, s31;
	s1 =	sadd.s32 s1, s30  }
0xba: {  	s0 =	sor.u32 s3, s0;
	s1 =	sshll.u32 s1, $0x11  }
0xbb: {  	s0 =	sor.u32 s1, s0  }
0xbc: {  	s0 =	sadd.s32 $0x8F2B, s0  }
0xbd: {  	[sflag:s0] =	ssyncadd.remote.s32 $0x1  }
0xbe: {  	_ =	sfence.sel $0xFFFF  }
0xbf: {  	[dreg:$0x0] =	wrdreg $0xFFFFFFFF;
	(pc) =	sbr.abs _section_cstart, $3  }
0xc0: {  	[dreg:$0x1] =	wrdreg $0xFFFFFFFF  }
0xc1: {  	_ =	task.clear_ibuf [dreg:s6], $0x2FFFF;
	_ =	strace $0x9FFFFFFF  }
0xc2: {  	(tm) =	ssettm $0x7FFFFFFF  }
0xc3: {  	_ =	shalt  }
tec
execute0_lowered:
.L_overlay_start_1:
0x0: {  	(tag) =	ssettag $0x1  }
0x1: {  	s0 =	rddreg [dreg:$0x0]  }
0x2: {  	s1 =	rddreg [dreg:$0x1];
	s11 =	stileid.u32  }
0x3: {  	s3 =	srdreg.scid;
	s2 =	simm.s32 $0x0;
	s7 =	smul.u32 $0x4E20, s11  }
0x4: {  	s28 =	simm.s32 $0xB040;
	s30 =	simm.s32 $0xC440;
	s9 =	smul.u32 $0x28000, s11  }
0x5: {  	s29 =	simm.s32 $0x2;
	s3 =	sand.u32 $0x1, s3;
	s10 =	smul.u32 $0x9C4, s11  }
0x6: {  	s31 =	simm.s32 $0x3;
	[smem:$0x7FF] =	sst s2;
	s4 =	smul.u32 $0x13880, s3  }
0x7: {  	s6 =	sadd.s32 $0x22800, s0;
	s5 =	smul.u32 $0x14000, s3;
	s3 =	ssub.s32 $0x2, s3  }
0x8: {  	s11 =	smul.u32 $0xA000, s11;
	_ =	strace $0x8000004D;
	s8 =	sshrl.u32 s3, $0x1  }
0x9: {  	s7 =	sshrl.u32 s7, $0x3;
	s16 =	sshrl.u32 s9, $0x2;
	s17 =	sadd.s32 s6, s10  }
0xa: {  	s26 =	sshrl.u32 s11, $0x3;
	s9 =	simm.s32 $0x8;
	s4 =	sadd.s32 s4, s0  }
0xb: {  	s5 =	sadd.s32 s5, s0;
	s3 =	ssub.s32 s3, s8;
	s15 =	sadd.s32 $0x4E2, s7  }
0xc: {  	[dreg:$0x4] =	wrdreg s17;
	s18 =	sadd.s32 s16, s1;
	s7 =	sadd.s32 $0x2C440, s0  }
0xd: {  	s8 =	sadd.s32 s11, s1;
	s0 =	simm.s32 $0xD840;
	s11 =	simm.s32 $0xA  }
0xe: {  	[dreg:$0x3] =	wrdreg s15;
	s6 =	sadd.s32 s6, s15;
	s19 =	sadd.s32 $0x1400, s18  }
0xf: {  	s20 =	sadd.s32 $0x2800, s18;
	s21 =	sadd.s32 $0x3C00, s18;
	[dreg:$0x5] =	wrdreg s6  }
0x10: {  	s22 =	sadd.s32 $0x5000, s18;
	s23 =	sadd.s32 $0x6400, s18;
	[dreg:$0x6] =	wrdreg s19  }
0x11: {  	s24 =	sadd.s32 $0x7800, s18;
	s15 =	sadd.s32 $0x8C00, s18;
	[dreg:$0x7] =	wrdreg s20  }
0x12: {  	s16 =	sadd.s32 $0x36200, s4;
	s25 =	sadd.s32 $0x5D400, s5;
	[dreg:$0x8] =	wrdreg s21  }
0x13: {  	s17 =	smax.u32 s3, $0x1;
	s18 =	simm.s32 $0xB;
	[dreg:$0x9] =	wrdreg s22  }
0x14: {  	s3 =	simm.s32 $0x5;
	s5 =	simm.s32 $0x6;
	[dreg:$0xa] =	wrdreg s23  }
0x15: {  	s4 =	simm.s32 $0x0;
	[dreg:$0xb] =	wrdreg s24;
	s20 =	sadd.s32 s10, s7  }
0x16: {  	s21 =	simm.s32 $0x4E20;
	s23 =	simm.s32 $0x9C40;
	s24 =	sadd.s32 s26, s25  }
0x17: {  	s25 =	simm.s32 $0x50;
	s22 =	simm.s32 $0xEC40;
	s26 =	simm.s32 $0x1  }
0x18: {  	v0 =	vimm.f32 $0.0e+00;
	s19 =	simm.s32 $0x4;
	s6 =	simm.s32 $0x7;
	s10 =	simm.s32 $0x9  }
.LBB2_1:
0x19: {  	s12 =	rddreg [dreg:$0x4]  }
0x1a: {  	[tilespmem:s2], [sflag:$0xB] =	stream.linear.gather [hbm4b:s12+s2], $0x2710, $0x38;
	[tilespmem:$0x1A040] =	vst v63  }
0x1b: {  	_ =	swait.ge [sflag:s18], $0x2710  }
0x1c: {  	[sflag:s18] =	ssyncset.done $0x0  }
0x1d: {  	s13 =	simm.s32 $0x2710;
	s14 =	rddreg [dreg:$0x5];
	[sflag:s18] =	ssyncadd.s32 $0xFFFFD8F0  }
0x1e: {  	[tilespmem:s13], [sflag:$0xB] =	stream.linear.gather [hbm4b:s14+s2], $0x2710, $0x38;
	[tilespmem:$0x1A040] =	vst v63  }
0x1f: {  	_ =	swait.ge [sflag:s18], $0x2710  }
0x20: {  	[sflag:s18] =	ssyncset.done $0x0  }
0x21: {  	[sflag:s18] =	ssyncadd.s32 $0xFFFFD8F0  }
0x22: {  	[tilespmem:s21], [sflag:$0xB] =	stream.linear.gather [hbm4b:s20+s2], $0x2710, $0x38;
	[tilespmem:$0x1A040] =	vst v63  }
0x23: {  	_ =	swait.ge [sflag:s18], $0x2710  }
0x24: {  	[sflag:s18] =	ssyncset.done $0x0;
	s13 =	rddreg [dreg:$0x3]  }
0x25: {  	s14 =	simm.s32 $0x7530;
	[sflag:s18] =	ssyncadd.s32 $0xFFFFD8F0;
	s12 =	sadd.s32 s13, s7  }
0x26: {  	[tilespmem:s14], [sflag:$0xB] =	stream.linear.gather [hbm4b:s12+s2], $0x2710, $0x38;
	[tilespmem:$0x1A040] =	vst v63  }
0x27: {  	_ =	swait.ge [sflag:s18], $0x2710  }
0x28: {  	[sflag:s18] =	ssyncset.done $0x0  }
0x29: {  	s13 =	simm.s32 $0x100;
	s12 =	simm.s32 $0x0;
	[sflag:s18] =	ssyncadd.s32 $0xFFFFD8F0  }
.LBB2_2:
0x2a: {  	p0 =	sne.s32 s13, $0x4F00;
	[tilespmem:s12+$0x9C70] =	vst v0;
	s14 =	smov.u32 s13;
	s13 =	sadd.s32 $0x100, s13  }
.Ltmp0:
0x2b: {  	[tilespmem:s12+$0x9C60] =	vst v0;
	(pc) =	sbr.rel @p0 .LBB2_2-.Ltmp0, $3  }
0x2c: {  	[tilespmem:s12+$0x9C40] =	vst v0  }
0x2d: {  	[tilespmem:s12+$0x9C50] =	vst v0;
	_ =	sdelay $0x1  }
0x2e: {  	s12 =	sshra.s32 s14, $0x2  }
0x2f: {  	[tilespmem:s12+$0x9C70] =	vst v0  }
0x30: {  	[tilespmem:s12+$0x9C60] =	vst v0  }
0x31: {  	[tilespmem:s12+$0x9C40] =	vst v0  }
0x32: {  	[tilespmem:s12+$0x9C50] =	vst v0  }
0x33: {  	[spmem:s8] =	stream.linear.scatter [tilespmem:s23], [sflag:$0xB], $0x1400, $0x38;
	[tilespmem:$0x1A040] =	vst v63  }
0x34: {  	_ =	swait.ge [sflag:s18], $0x1400  }
0x35: {  	[sflag:s18] =	ssyncset.done $0x0  }
0x36: {  	s14 =	rddreg [dreg:$0x6];
	[sflag:s18] =	ssyncadd.s32 $0xFFFFEC00  }
0x37: {  	[spmem:s14] =	stream.linear.scatter [tilespmem:s23], [sflag:$0xB], $0x1400, $0x38;
	[tilespmem:$0x1A040] =	vst v63  }
0x38: {  	_ =	swait.ge [sflag:s18], $0x1400  }
0x39: {  	[sflag:s18] =	ssyncset.done $0x0  }
0x3a: {  	s13 =	rddreg [dreg:$0x7];
	[sflag:s18] =	ssyncadd.s32 $0xFFFFEC00  }
0x3b: {  	[spmem:s13] =	stream.linear.scatter [tilespmem:s23], [sflag:$0xB], $0x1400, $0x38;
	[tilespmem:$0x1A040] =	vst v63  }
0x3c: {  	_ =	swait.ge [sflag:s18], $0x1400  }
0x3d: {  	[sflag:s18] =	ssyncset.done $0x0  }
0x3e: {  	s14 =	rddreg [dreg:$0x8];
	[sflag:s18] =	ssyncadd.s32 $0xFFFFEC00  }
0x3f: {  	[spmem:s14] =	stream.linear.scatter [tilespmem:s23], [sflag:$0xB], $0x1400, $0x38;
	[tilespmem:$0x1A040] =	vst v63  }
0x40: {  	_ =	swait.ge [sflag:s18], $0x1400  }
0x41: {  	[sflag:s18] =	ssyncset.done $0x0  }
0x42: {  	s13 =	rddreg [dreg:$0x9];
	[sflag:s18] =	ssyncadd.s32 $0xFFFFEC00  }
0x43: {  	[spmem:s13] =	stream.linear.scatter [tilespmem:s23], [sflag:$0xB], $0x1400, $0x38;
	[tilespmem:$0x1A040] =	vst v63  }
0x44: {  	_ =	swait.ge [sflag:s18], $0x1400  }
0x45: {  	[sflag:s18] =	ssyncset.done $0x0  }
0x46: {  	s14 =	rddreg [dreg:$0xa];
	[sflag:s18] =	ssyncadd.s32 $0xFFFFEC00  }
0x47: {  	[spmem:s14] =	stream.linear.scatter [tilespmem:s23], [sflag:$0xB], $0x1400, $0x38;
	[tilespmem:$0x1A040] =	vst v63  }
0x48: {  	_ =	swait.ge [sflag:s18], $0x1400  }
0x49: {  	[sflag:s18] =	ssyncset.done $0x0  }
0x4a: {  	s13 =	rddreg [dreg:$0xb];
	[sflag:s18] =	ssyncadd.s32 $0xFFFFEC00  }
0x4b: {  	[spmem:s13] =	stream.linear.scatter [tilespmem:s23], [sflag:$0xB], $0x1400, $0x38;
	[tilespmem:$0x1A040] =	vst v63  }
0x4c: {  	_ =	swait.ge [sflag:s18], $0x1400  }
0x4d: {  	[sflag:s18] =	ssyncset.done $0x0  }
0x4e: {  	[sflag:s18] =	ssyncadd.s32 $0xFFFFEC00  }
0x4f: {  	[spmem:s15] =	stream.linear.scatter [tilespmem:s23], [sflag:$0xB], $0x1400, $0x38;
	[tilespmem:$0x1A040] =	vst v63  }
0x50: {  	_ =	swait.ge [sflag:s18], $0x1400  }
0x51: {  	[sflag:s18] =	ssyncset.done $0x0  }
0x52: {  	[sflag:s18] =	ssyncadd.s32 $0xFFFFEC00  }
0x53: {  	[bflag:$0x0] =	sbarrier.arrive $0xFFFF  }
0x54: {  	[tilespmem:s23], [sflag:$0x1] =	stream.indirect.gather [hbm4b:s16+s25], $0x40, s21, s25, $0xb8;
	[tilespmem:$0x1A040] =	vst v63  }
0x55: {  	s14 =	simm.s32 $0x4E70  }
0x56: {  	[tilespmem:s28], [sflag:$0x2] =	stream.indirect.gather [hbm4b:s16+s25], $0x40, s14, s25, $0xb8;
	[tilespmem:$0x1A040] =	vst v63  }
0x57: {  	s13 =	simm.s32 $0x4EC0  }
0x58: {  	[tilespmem:s30], [sflag:$0x3] =	stream.indirect.gather [hbm4b:s16+s25], $0x40, s13, s25, $0xb8;
	[tilespmem:$0x1A040] =	vst v63  }
0x59: {  	s14 =	simm.s32 $0x4F10  }
0x5a: {  	[tilespmem:s0], [sflag:$0x4] =	stream.indirect.gather [hbm4b:s16+s25], $0x40, s14, s25, $0xb8;
	[tilespmem:$0x1A040] =	vst v63  }
0x5b: {  	s13 =	simm.s32 $0x4F60  }
0x5c: {  	[tilespmem:s22], [sflag:$0x5] =	stream.indirect.gather [hbm4b:s16+s25], $0x40, s13, s25, $0xb8;
	[tilespmem:$0x1A040] =	vst v63  }
0x5d: {  	_ =	swait.ge [sflag:s26], $0x1400  }
0x5e: {  	[sflag:s26] =	ssyncset.done $0x0  }
0x5f: {  	s14 =	simm.s32 $0x0;
	[sflag:s26] =	ssyncadd.s32 $0xFFFFEC00  }
0x60: {  	[spmem:s1] =	stream.indirect.scatter.add.f32 [tilespmem:s23], [sflag:$0x6], $0x40, s14, s25, $0xb8;
	[tilespmem:$0x1A040] =	vst v63  }
0x61: {  	_ =	swait.ge [sflag:s29], $0x1400  }
0x62: {  	[sflag:s29] =	ssyncset.done $0x0  }
0x63: {  	s13 =	simm.s32 $0x50;
	[sflag:s29] =	ssyncadd.s32 $0xFFFFEC00  }
0x64: {  	[spmem:s1] =	stream.indirect.scatter.add.f32 [tilespmem:s28], [sflag:$0x7], $0x40, s13, s25, $0xb8;
	[tilespmem:$0x1A040] =	vst v63  }
0x65: {  	_ =	swait.ge [sflag:s31], $0x1400  }
0x66: {  	[sflag:s31] =	ssyncset.done $0x0  }
0x67: {  	s14 =	simm.s32 $0xA0;
	[sflag:s31] =	ssyncadd.s32 $0xFFFFEC00  }
0x68: {  	[spmem:s1] =	stream.indirect.scatter.add.f32 [tilespmem:s30], [sflag:$0x8], $0x40, s14, s25, $0xb8;
	[tilespmem:$0x1A040] =	vst v63  }
0x69: {  	_ =	swait.ge [sflag:s19], $0x1400  }
0x6a: {  	[sflag:s19] =	ssyncset.done $0x0  }
0x6b: {  	s13 =	simm.s32 $0xF0;
	[sflag:s19] =	ssyncadd.s32 $0xFFFFEC00  }
0x6c: {  	[spmem:s1] =	stream.indirect.scatter.add.f32 [tilespmem:s0], [sflag:$0x9], $0x40, s13, s25, $0xb8;
	[tilespmem:$0x1A040] =	vst v63  }
0x6d: {  	_ =	swait.ge [sflag:s3], $0x1400  }
0x6e: {  	[sflag:s3] =	ssyncset.done $0x0  }
0x6f: {  	s14 =	simm.s32 $0x140;
	[sflag:s3] =	ssyncadd.s32 $0xFFFFEC00  }
0x70: {  	[spmem:s1] =	stream.indirect.scatter.add.f32 [tilespmem:s22], [sflag:$0xA], $0x40, s14, s25, $0xb8;
	[tilespmem:$0x1A040] =	vst v63  }
0x71: {  	_ =	swait.ge [sflag:s5], $0x1400  }
0x72: {  	[sflag:s5] =	ssyncset.done $0x0  }
0x73: {  	s13 =	simm.s32 $0x4FB0;
	[sflag:s5] =	ssyncadd.s32 $0xFFFFEC00  }
0x74: {  	[tilespmem:s23], [sflag:$0x1] =	stream.indirect.gather [hbm4b:s16+s25], $0x40, s13, s25, $0xb8;
	[tilespmem:$0x1A040] =	vst v63  }
0x75: {  	_ =	swait.ge [sflag:s6], $0x1400  }
0x76: {  	[sflag:s6] =	ssyncset.done $0x0  }
0x77: {  	s14 =	simm.s32 $0x5000;
	[sflag:s6] =	ssyncadd.s32 $0xFFFFEC00  }
0x78: {  	[tilespmem:s28], [sflag:$0x2] =	stream.indirect.gather [hbm4b:s16+s25], $0x40, s14, s25, $0xb8;
	[tilespmem:$0x1A040] =	vst v63  }
0x79: {  	_ =	swait.ge [sflag:s9], $0x1400  }
0x7a: {  	[sflag:s9] =	ssyncset.done $0x0  }
0x7b: {  	s13 =	simm.s32 $0x5050;
	[sflag:s9] =	ssyncadd.s32 $0xFFFFEC00  }
0x7c: {  	[tilespmem:s30], [sflag:$0x3] =	stream.indirect.gather [hbm4b:s16+s25], $0x40, s13, s25, $0xb8;
	[tilespmem:$0x1A040] =	vst v63  }
0x7d: {  	_ =	swait.ge [sflag:s10], $0x1400  }
0x7e: {  	[sflag:s10] =	ssyncset.done $0x0  }
0x7f: {  	s14 =	simm.s32 $0x50A0;
	[sflag:s10] =	ssyncadd.s32 $0xFFFFEC00  }
0x80: {  	[tilespmem:s0], [sflag:$0x4] =	stream.indirect.gather [hbm4b:s16+s25], $0x40, s14, s25, $0xb8;
	[tilespmem:$0x1A040] =	vst v63  }
0x81: {  	_ =	swait.ge [sflag:s11], $0x1400  }
0x82: {  	[sflag:s11] =	ssyncset.done $0x0  }
0x83: {  	s12 =	simm.s32 $0x640;
	s13 =	simm.s32 $0x50F0;
	[sflag:s11] =	ssyncadd.s32 $0xFFFFEC00  }
.LBB2_4:
0x84: {  	[tilespmem:s22], [sflag:$0x5] =	stream.indirect.gather [hbm4b:s16+s25], $0x40, s13, s25, $0xb8;
	[tilespmem:$0x1A040] =	vst v63  }
0x85: {  	s13 =	smov.u32 s12  }
0x86: {  	p0 =	sne.s32 s12, $0x12C00;
	s12 =	sadd.s32 $0x640, s12;
	_ =	swait.ge [sflag:s26], $0x1400  }
0x87: {  	[sflag:s26] =	ssyncset.done $0x0  }
0x88: {  	s13 =	sshra.s32 s13, $0x2;
	[sflag:s26] =	ssyncadd.s32 $0xFFFFEC00  }
0x89: {  	[spmem:s1] =	stream.indirect.scatter.add.f32 [tilespmem:s23], [sflag:$0x6], $0x40, s13, s25, $0xb8;
	[tilespmem:$0x1A040] =	vst v63  }
0x8a: {  	_ =	swait.ge [sflag:s29], $0x1400  }
0x8b: {  	[sflag:s29] =	ssyncset.done $0x0  }
0x8c: {  	s14 =	sadd.s32 $0x50, s13;
	[sflag:s29] =	ssyncadd.s32 $0xFFFFEC00  }
0x8d: {  	[spmem:s1] =	stream.indirect.scatter.add.f32 [tilespmem:s28], [sflag:$0x7], $0x40, s14, s25, $0xb8;
	[tilespmem:$0x1A040] =	vst v63  }
0x8e: {  	_ =	swait.ge [sflag:s31], $0x1400  }
0x8f: {  	[sflag:s31] =	ssyncset.done $0x0  }
0x90: {  	s14 =	sadd.s32 $0xA0, s13;
	[sflag:s31] =	ssyncadd.s32 $0xFFFFEC00  }
0x91: {  	[spmem:s1] =	stream.indirect.scatter.add.f32 [tilespmem:s30], [sflag:$0x8], $0x40, s14, s25, $0xb8;
	[tilespmem:$0x1A040] =	vst v63  }
0x92: {  	_ =	swait.ge [sflag:s19], $0x1400  }
0x93: {  	[sflag:s19] =	ssyncset.done $0x0  }
0x94: {  	s14 =	sadd.s32 $0xF0, s13;
	[sflag:s19] =	ssyncadd.s32 $0xFFFFEC00  }
0x95: {  	[spmem:s1] =	stream.indirect.scatter.add.f32 [tilespmem:s0], [sflag:$0x9], $0x40, s14, s25, $0xb8;
	[tilespmem:$0x1A040] =	vst v63  }
0x96: {  	_ =	swait.ge [sflag:s3], $0x1400  }
0x97: {  	[sflag:s3] =	ssyncset.done $0x0  }
0x98: {  	s14 =	sadd.s32 $0x140, s13;
	[sflag:s3] =	ssyncadd.s32 $0xFFFFEC00  }
0x99: {  	[spmem:s1] =	stream.indirect.scatter.add.f32 [tilespmem:s22], [sflag:$0xA], $0x40, s14, s25, $0xb8;
	[tilespmem:$0x1A040] =	vst v63  }
0x9a: {  	_ =	swait.ge [sflag:s5], $0x1400  }
0x9b: {  	[sflag:s5] =	ssyncset.done $0x0  }
0x9c: {  	s14 =	sadd.s32 $0x4FB0, s13;
	[sflag:s5] =	ssyncadd.s32 $0xFFFFEC00  }
0x9d: {  	[tilespmem:s23], [sflag:$0x1] =	stream.indirect.gather [hbm4b:s16+s25], $0x40, s14, s25, $0xb8;
	[tilespmem:$0x1A040] =	vst v63  }
0x9e: {  	_ =	swait.ge [sflag:s6], $0x1400  }
0x9f: {  	[sflag:s6] =	ssyncset.done $0x0  }
0xa0: {  	s14 =	sadd.s32 $0x5000, s13;
	[sflag:s6] =	ssyncadd.s32 $0xFFFFEC00  }
0xa1: {  	[tilespmem:s28], [sflag:$0x2] =	stream.indirect.gather [hbm4b:s16+s25], $0x40, s14, s25, $0xb8;
	[tilespmem:$0x1A040] =	vst v63  }
0xa2: {  	_ =	swait.ge [sflag:s9], $0x1400  }
0xa3: {  	[sflag:s9] =	ssyncset.done $0x0  }
0xa4: {  	s14 =	sadd.s32 $0x5050, s13;
	[sflag:s9] =	ssyncadd.s32 $0xFFFFEC00  }
0xa5: {  	[tilespmem:s30], [sflag:$0x3] =	stream.indirect.gather [hbm4b:s16+s25], $0x40, s14, s25, $0xb8;
	[tilespmem:$0x1A040] =	vst v63  }
0xa6: {  	_ =	swait.ge [sflag:s10], $0x1400  }
0xa7: {  	[sflag:s10] =	ssyncset.done $0x0  }
.Ltmp1:
0xa8: {  	s14 =	sadd.s32 $0x50A0, s13;
	[sflag:s10] =	ssyncadd.s32 $0xFFFFEC00;
	(pc) =	sbr.rel @p0 .LBB2_4-.Ltmp1, $4  }
0xa9: {  	[tilespmem:s0], [sflag:$0x4] =	stream.indirect.gather [hbm4b:s16+s25], $0x40, s14, s25, $0xb8;
	[tilespmem:$0x1A040] =	vst v63  }
0xaa: {  	_ =	swait.ge [sflag:s11], $0x1400  }
0xab: {  	[sflag:s11] =	ssyncset.done $0x0  }
0xac: {  	s13 =	sadd.s32 $0x50F0, s13;
	[sflag:s11] =	ssyncadd.s32 $0xFFFFEC00  }
0xad: {  	[tilespmem:s22], [sflag:$0x5] =	stream.indirect.gather [hbm4b:s16+s25], $0x40, s13, s25, $0xb8;
	[tilespmem:$0x1A040] =	vst v63  }
0xae: {  	_ =	swait.ge [sflag:s26], $0x1400  }
0xaf: {  	[sflag:s26] =	ssyncset.done $0x0  }
0xb0: {  	s12 =	simm.s32 $0x4C90;
	[sflag:s26] =	ssyncadd.s32 $0xFFFFEC00  }
0xb1: {  	[spmem:s1] =	stream.indirect.scatter.add.f32 [tilespmem:s23], [sflag:$0x6], $0x40, s12, s25, $0xb8;
	[tilespmem:$0x1A040] =	vst v63  }
0xb2: {  	_ =	swait.ge [sflag:s29], $0x1400  }
0xb3: {  	[sflag:s29] =	ssyncset.done $0x0  }
0xb4: {  	s13 =	simm.s32 $0x4CE0;
	[sflag:s29] =	ssyncadd.s32 $0xFFFFEC00  }
0xb5: {  	[spmem:s1] =	stream.indirect.scatter.add.f32 [tilespmem:s28], [sflag:$0x7], $0x40, s13, s25, $0xb8;
	[tilespmem:$0x1A040] =	vst v63  }
0xb6: {  	_ =	swait.ge [sflag:s31], $0x1400  }
0xb7: {  	[sflag:s31] =	ssyncset.done $0x0  }
0xb8: {  	s14 =	simm.s32 $0x4D30;
	[sflag:s31] =	ssyncadd.s32 $0xFFFFEC00  }
0xb9: {  	[spmem:s1] =	stream.indirect.scatter.add.f32 [tilespmem:s30], [sflag:$0x8], $0x40, s14, s25, $0xb8;
	[tilespmem:$0x1A040] =	vst v63  }
0xba: {  	_ =	swait.ge [sflag:s19], $0x1400  }
0xbb: {  	[sflag:s19] =	ssyncset.done $0x0  }
0xbc: {  	s13 =	simm.s32 $0x4D80;
	[sflag:s19] =	ssyncadd.s32 $0xFFFFEC00  }
0xbd: {  	[spmem:s1] =	stream.indirect.scatter.add.f32 [tilespmem:s0], [sflag:$0x9], $0x40, s13, s25, $0xb8;
	[tilespmem:$0x1A040] =	vst v63  }
0xbe: {  	_ =	swait.ge [sflag:s3], $0x1400  }
0xbf: {  	[sflag:s3] =	ssyncset.done $0x0  }
0xc0: {  	s14 =	simm.s32 $0x4DD0;
	[sflag:s3] =	ssyncadd.s32 $0xFFFFEC00  }
0xc1: {  	[spmem:s1] =	stream.indirect.scatter.add.f32 [tilespmem:s22], [sflag:$0xA], $0x40, s14, s25, $0xb8;
	[tilespmem:$0x1A040] =	vst v63  }
0xc2: {  	_ =	swait.ge [sflag:s5], $0x1400  }
0xc3: {  	[sflag:s5] =	ssyncset.done $0x0  }
0xc4: {  	[sflag:s5] =	ssyncadd.s32 $0xFFFFEC00  }
0xc5: {  	_ =	swait.ge [sflag:s6], $0x1400  }
0xc6: {  	[sflag:s6] =	ssyncset.done $0x0  }
0xc7: {  	[sflag:s6] =	ssyncadd.s32 $0xFFFFEC00  }
0xc8: {  	_ =	swait.ge [sflag:s9], $0x1400  }
0xc9: {  	[sflag:s9] =	ssyncset.done $0x0  }
0xca: {  	[sflag:s9] =	ssyncadd.s32 $0xFFFFEC00  }
0xcb: {  	_ =	swait.ge [sflag:s10], $0x1400  }
0xcc: {  	[sflag:s10] =	ssyncset.done $0x0  }
0xcd: {  	[sflag:s10] =	ssyncadd.s32 $0xFFFFEC00  }
0xce: {  	s13 =	stileid.u32;
	_ =	swait.ge [sflag:s11], $0x1400  }
0xcf: {  	s4 =	sadd.s32 $0x1, s4;
	s12 =	sshll.u32 s13, $0x6;
	[sflag:s11] =	ssyncset.done $0x0  }
0xd0: {  	p0 =	sne.s32 s4, s17;
	s12 =	sor.u32 $0x1C0B, s12;
	[sflag:s11] =	ssyncadd.s32 $0xFFFFEC00  }
.Ltmp2:
0xd1: {  	s14 =	sshrl.u32 s8, $0x3;
	[bflag:$0x0] =	sbarrier.arrive $0xFFFF;
	(pc) =	sbr.rel @p0 .LBB2_1-.Ltmp2, $4  }
0xd2: {  	[hbm:s24], [sflag:s12] =	dma.local [spmem:s14], $0x1400  }
0xd3: {  	_ =	swait.ge [sflag:s18], $0x1400  }
0xd4: {  	[sflag:s18] =	ssyncset.done $0x0  }
0xd5: {  	[sflag:s18] =	ssyncadd.s32 $0xFFFFEC00  }
0xd6: {  	_ =	sfence.sel $0x180000  }
0xd7: {  	[bflag:$0x0] =	sbarrier.arrive $0xFFFF  }
0xd8: {  	_ =	strace $0x9000004D  }
0xd9: {  	s0 =	stileid.u32;
	[bflag:$0x2] =	sbarrier.arrive $0xFFFF  }
0xda: {  	p0 =	sne.s32 s0, $0x0;
	s0 =	rddreg [dreg:$0x2]  }
0xdb: {  	s0 =	sadd.s32 @!p0 $0x100000, s0  }
0xdc: {  	[sflag:s0] =	ssyncadd.tile.s32 @!p0 $0x1;
	_ =	shalt  }
.Lfunc_end2:
_tile_overlayer_lowered:
.L_overlay_start_2:
0xdd: {  	(tag) =	ssettag $0x2  }
0xde: {  	s0 =	rddreg [dreg:$0x0];
	s2 =	stileid.u32  }
0xdf: {  	s1 =	rddreg [dreg:$0x1];
	p0 =	sne.s32 s2, $0x0  }
0xe0: {  	s3 =	rddreg [dreg:$0x2];
	[bflag:$0x3] =	sbarrier.arrive $0xFFFF;
	s2 =	simm.s32 @!p0 $0x1C0B  }
0xe1: {  	[timem:s3], [sflag:s2] =	dma.local @!p0 [hbm:s0], s1  }
0xe2: {  	s0 =	simm.s32 @!p0 $0xB  }
0xe3: {  	_ =	swait.ge @!p0 [sflag:s0], s1  }
0xe4: {  	s1 =	ssub.s32 @!p0 $0x0, s1;
	[sflag:s0] =	ssyncset.done @!p0 $0x0  }
0xe5: {  	[sflag:s0] =	ssyncadd.s32 @!p0 s1  }
0xe6: {  	[bflag:$0x3] =	sbarrier.arrive $0xFFFF  }
0xe7: {  	_ =	shalt  }

// kernel: kernel.19.cloned.1.call-start
scs
__scs_entry_jumppad:
0x0: {  	(pc) =	sbr.rel $0x88, $3  }
0x1: {  	(tag) =	ssettag $0x0;
	lr =	simm.s32 $0x1  }
0x2: {  	[smem:$0x3F99] =	sst lr;
	_ =	strace $0xD0000000  }
0x3: {  	_ = 	snop  }
0x4: {  	_ = 	snop  }
0x5: {  	_ = 	snop  }
0x6: {  	_ = 	snop  }
0x7: {  	_ = 	snop  }
__scs_overlays_trampoline_lowered:
0x8: {  	[smem:$0x3FA8] =	sst s0  }
0x9: {  	[smem:$0x3FA9] =	sst s1  }
0xa: {  	[smem:$0x3FAA] =	sst s2  }
0xb: {  	[smem:$0x3FAB] =	sst s3  }
0xc: {  	[smem:$0x3FAC] =	sst s4  }
0xd: {  	[smem:$0x3FAD] =	sst s5  }
0xe: {  	[smem:$0x3FAE] =	sst s6  }
0xf: {  	[smem:$0x3FAF] =	sst s7  }
0x10: {  	[smem:$0x3FB0] =	sst s8  }
0x11: {  	[smem:$0x3FB1] =	sst s9;
	s0 =	simm.s32 @!p0 $0x0  }
0x12: {  	s1 =	sld [smem:$0x3F97];
	s0 =	simm.s32 @p0 $0x1  }
0x13: {  	[smem:$0x3FB2] =	sst s0;
	s0 =	simm.s32 @!p1 $0x0  }
0x14: {  	s2 =	sld [smem:$0x3F96];
	s0 =	simm.s32 @p1 $0x1  }
0x15: {  	[smem:$0x3FB3] =	sst s0;
	s0 =	simm.s32 @!p2 $0x0  }
0x16: {  	s3 =	sld [smem:$0x3FDB];
	s0 =	simm.s32 @p2 $0x1  }
0x17: {  	s4 =	simm.s32 $0x1BF5;
	[smem:$0x3FB5] =	sst s0  }
0x18: {  	s0 =	sld [smem:$0x3F98];
	_ =	swait.ge [sflag:s4], $0x0  }
0x19: {  	s7 =	sld [smem:$0x3F99]  }
0x1a: {  	s8 =	sadd.s32 $0xFFFFE003, lr  }
0x1b: {  	s9 =	sadd.s32 $0xFFFFFEF7, lr;
	s5 =	simm.s32 $0xFFFFFFFF;
	p2 =	slt.u32 s8, $0xFFFFF086  }
0x1c: {  	p1 =	slt.u32 s9, $0xF7A;
	s5 =	simm.s32 @!p2 $0x0  }
0x1d: {  	s5 =	simm.s32 @p1 $0x1;
	p0 =	seq.s32 s7, s2  }
0x1e: {  	s7 =	smul.u32 @!p0 $0xF7A, s2;
	p2 =	seq.s32 @!p0 s5, $0x0  }
0x1f: {  	s9 =	smul.u32 $0xF7A, s1;
	s8 =	simm.s32 @!p0 $0x1BF5;
	p2 =	por !p2, p0  }
0x20: {  	[sflag:s8] =	ssyncset.s32 @!p0 $0xFFFFF086;
	s6 =	sadd.s32 @!p0 s3, s7;
	s7 =	simm.s32 @!p0 $0x108  }
0x21: {  	s3 =	sadd.s32 s3, s9;
	s6 =	sadd.s32 @!p0 $0x88, s6;
	s7 =	simm.s32 @p2 $0x1082  }
0x22: {  	[simem:s7], [sflag:s8] =	dma.local @!p0 [hbm:s6], $0xF7A  }
0x23: {  	s9 =	sor.u32 $0xD0000000, s2;
	s6 =	simm.s32 $0x108;
	_ =	swait.ge @!p0 [sflag:s8], $0x0  }
0x24: {  	s3 =	sadd.s32 $0x88, s3;
	s6 =	simm.s32 @!p1 $0x1082;
	[sflag:s4] =	ssyncset.s32 $0xFFFFF086  }
0x25: {  	[simem:s6], [sflag:s4] =	dma.local [hbm:s3], $0xF7A  }
0x26: {  	[smem:$0x3F99] =	sst s1;
	(tag) =	ssettag s2;
	_ =	strace s9  }
0x27: {  	s1 =	sld [smem:$0x3FA9]  }
0x28: {  	s2 =	sld [smem:$0x3FAA]  }
0x29: {  	s4 =	sld [smem:$0x3FAC]  }
0x2a: {  	p0 =	seq.s32 s5, $0x0;
	s5 =	sld [smem:$0x3FAD]  }
0x2b: {  	s6 =	sld [smem:$0x3FAE]  }
0x2c: {  	s7 =	sld [smem:$0x3FAF]  }
0x2d: {  	s3 =	simm.s32 $0x108;
	s8 =	sld [smem:$0x3FB0]  }
0x2e: {  	s3 =	simm.s32 @!p0 $0x1082;
	s9 =	sld [smem:$0x3FB1]  }
0x2f: {  	lr =	sadd.s32 s0, s3;
	s0 =	sld [smem:$0x3FA8]  }
0x30: {  	s3 =	sld [smem:$0x3FAB]  }
0x31: {  	[smem:$0x3FB4] =	sst s10  }
0x32: {  	s10 =	sld [smem:$0x3FB2];
	_ =	sdelay $0x3  }
0x33: {  	p0 =	seq.s32 s10, $0x1;
	s10 =	sld [smem:$0x3FB4];
	_ =	sdelay $0x3  }
0x34: {  	[smem:$0x3FB4] =	sst s10  }
0x35: {  	s10 =	sld [smem:$0x3FB3];
	_ =	sdelay $0x3  }
0x36: {  	p1 =	seq.s32 s10, $0x1;
	s10 =	sld [smem:$0x3FB4];
	_ =	sdelay $0x3  }
0x37: {  	[smem:$0x3FB4] =	sst s10  }
0x38: {  	s10 =	sld [smem:$0x3FB5]  }
0x39: {  	_ = 	snop;
	(pc) =	sbr.ind lr, $3  }
0x3a: {  	_ = 	snop  }
0x3b: {  	_ = 	snop  }
0x3c: {  	p2 =	seq.s32 s10, $0x1;
	s10 =	sld [smem:$0x3FB4]  }
0x3d: {  	_ =	shalt  }
0x3e: {  	_ =	shalt  }
0x3f: {  	_ =	shalt  }
0x40: {  	_ =	shalt  }
0x41: {  	_ =	shalt  }
0x42: {  	_ =	shalt  }
0x43: {  	_ =	shalt  }
0x44: {  	_ =	shalt  }
0x45: {  	_ =	shalt  }
0x46: {  	_ =	shalt  }
0x47: {  	_ =	shalt  }
0x48: {  	_ =	shalt  }
0x49: {  	_ =	shalt  }
0x4a: {  	_ =	shalt  }
0x4b: {  	_ =	shalt  }
0x4c: {  	_ =	shalt  }
0x4d: {  	_ =	shalt  }
0x4e: {  	_ =	shalt  }
0x4f: {  	_ =	shalt  }
0x50: {  	_ =	shalt  }
0x51: {  	_ =	shalt  }
0x52: {  	_ =	shalt  }
0x53: {  	_ =	shalt  }
0x54: {  	_ =	shalt  }
0x55: {  	_ =	shalt  }
0x56: {  	_ =	shalt  }
0x57: {  	_ =	shalt  }
0x58: {  	_ =	shalt  }
0x59: {  	_ =	shalt  }
0x5a: {  	_ =	shalt  }
0x5b: {  	_ =	shalt  }
0x5c: {  	_ =	shalt  }
0x5d: {  	_ =	shalt  }
0x5e: {  	_ =	shalt  }
0x5f: {  	_ =	shalt  }
0x60: {  	_ =	shalt  }
0x61: {  	_ =	shalt  }
0x62: {  	_ =	shalt  }
0x63: {  	_ =	shalt  }
0x64: {  	_ =	shalt  }
0x65: {  	_ =	shalt  }
0x66: {  	_ =	shalt  }
0x67: {  	_ =	shalt  }
0x68: {  	_ =	shalt  }
0x69: {  	_ =	shalt  }
0x6a: {  	_ =	shalt  }
0x6b: {  	_ =	shalt  }
0x6c: {  	_ =	shalt  }
0x6d: {  	_ =	shalt  }
0x6e: {  	_ =	shalt  }
0x6f: {  	_ =	shalt  }
0x70: {  	_ =	shalt  }
0x71: {  	_ =	shalt  }
0x72: {  	_ =	shalt  }
0x73: {  	_ =	shalt  }
0x74: {  	_ =	shalt  }
0x75: {  	_ =	shalt  }
0x76: {  	_ =	shalt  }
0x77: {  	_ =	shalt  }
0x78: {  	_ =	shalt  }
0x79: {  	_ =	shalt  }
0x7a: {  	_ =	shalt  }
0x7b: {  	_ =	shalt  }
0x7c: {  	_ =	shalt  }
0x7d: {  	_ =	shalt  }
0x7e: {  	_ =	shalt  }
0x7f: {  	_ =	shalt  }
0x80: {  	_ =	shalt  }
0x81: {  	_ =	shalt  }
0x82: {  	_ =	shalt  }
0x83: {  	_ =	shalt  }
0x84: {  	_ =	shalt  }
0x85: {  	_ =	shalt  }
0x86: {  	_ =	shalt  }
0x87: {  	_ =	shalt  }
.Lfunc_end0:
.L_simem_size_0:
called_computation.3_lowered:
.L_overlay_start_0:
0x88: {  	s2 =	sld [smem:$0x3FD9]  }
0x89: {  	s3 =	sld [smem:$0x3FFE];
	_ =	sdelay $0x1  }
0x8a: {  	s1 =	srdreg.scid  }
0x8b: {  	s0 =	sand.u32 $0x1, s1  }
0x8c: {  	s17 =	sshll.u32 s0, $0xA;
	s2 =	sadd.s32 s3, s2  }
0x8d: {  	s2 =	sadd.s32 s2, s17  }
0x8e: {  	[smem:$0x3FC0] =	sst s2  }
0x8f: {  	_ = 	snop  }
0x90: {  	s2 =	sld [smem:$0x3FD0];
	(tm) =	ssettm $0x1  }
0x91: {  	s18 =	sld [smem:$0x3FFB];
	_ =	sdelay $0x3  }
0x92: {  	_ =	strace s18  }
0x93: {  	s3 =	sld [smem:$0x3FFC];
	_ =	sdelay $0x3  }
0x94: {  	_ =	strace s3  }
0x95: {  	s3 =	sld [smem:$0x3FFD];
	_ =	sdelay $0x3  }
0x96: {  	_ =	strace s3  }
0x97: {  	_ =	strace $0x8FFFFFFF  }
0x98: {  	s19 =	sld [smem:$0x3FDB];
	_ =	sdelay $0x1  }
0x99: {  	s4 =	simm.s32 $_scs_section_size  }
0x9a: {  	s5 =	simm.s32 $_size__tile_overlayer_lowered;
	s6 =	simm.s32 $_tile_overlayer_lowered  }
0x9b: {  	s22 =	simm.s32 $0x1BFF;
	s21 =	sshll.u32 s6, $0x1;
	s3 =	sadd.s32 s4, s19  }
0x9c: {  	s7 =	simm.s32 $0x0;
	s20 =	sshll.u32 s5, $0x1;
	s5 =	sadd.s32 s21, s3  }
0x9d: {  	[timem:s7], [sflag:s22] =	dma.local [hbm:s5], s20  }
0x9e: {  	_ =	swait.ge [sflag:s22], s20  }
0x9f: {  	s4 =	ssub.s32 $0x0, s20;
	[sflag:s22] =	ssyncset.done $0x0  }
0xa0: {  	[sflag:s22] =	ssyncadd.s32 s4;
	_ =	sdelay $0x1  }
0xa1: {  	s23 =	simm.s32 $0x1B8B  }
0xa2: {  	_ =	swait.ge [sflag:s23], $0x1  }
0xa3: {  	[sflag:s23] =	ssyncset.done $0x0  }
0xa4: {  	s25 =	simm.s32 $0x1B8E;
	s24 =	sld [smem:$0x3FFE];
	[sflag:s23] =	ssyncadd.s32 $0xFFFFFFFF  }
0xa5: {  	s26 =	simm.s32 $execute0_lowered;
	[smem:$0x3FD2] =	sst s25  }
0xa6: {  	s5 =	sshll.u32 s26, $0x1;
	_ =	strace $0x8000004F;
	[dreg:$0x1] =	wrdreg $0xFFFFFFFF  }
0xa7: {  	s28 =	simm.s32 $_size_execute0_lowered;
	s3 =	sadd.s32 s3, s5;
	[dreg:$0x0] =	wrdreg $0x0  }
0xa8: {  	s5 =	sshll.u32 s28, $0x1;
	[dreg:$0x2] =	wrdreg s3  }
0xa9: {  	[dreg:$0x3] =	wrdreg s5  }
0xaa: {  	[dreg:$0x4] =	wrdreg $0xC0  }
0xab: {  	_ =	task [dreg:s7], $0x5FFFF  }
0xac: {  	[dreg:$0x1] =	wrdreg $0xFFFFFFFF  }
0xad: {  	[dreg:$0x0] =	wrdreg $0x60  }
0xae: {  	[dreg:$0x2] =	wrdreg s2  }
0xaf: {  	[dreg:$0x3] =	wrdreg s24  }
0xb0: {  	[dreg:$0x4] =	wrdreg $0x67200  }
0xb1: {  	[dreg:$0x5] =	wrdreg $0x9  }
0xb2: {  	_ =	task.clear_ibuf [dreg:s7], $0x6FFFF;
	_ =	strace $0x9000004F  }
0xb3: {  	s29 =	simm.s32 $0x9;
	_ =	strace $0x80000051  }
0xb4: {  	_ =	swait.ge [sflag:s29], $0x1  }
0xb5: {  	[sflag:s29] =	ssyncadd.s32 $0xFFFFFFFF  }
0xb6: {  	_ =	strace $0x90000051  }
0xb7: {  	_ =	sfence  }
0xb8: {  	s30 =	sld [smem:$0x0];
	_ =	sdelay $0x2  }
0xb9: {  	s31 =	sshll.u32 s1, $0xD;
	s1 =	sshrl.u32 s1, $0x2  }
0xba: {  	s3 =	sand.u32 $0x4000, s31;
	s1 =	sadd.s32 s1, s30  }
0xbb: {  	s0 =	sor.u32 s3, s0;
	s1 =	sshll.u32 s1, $0x11  }
0xbc: {  	s0 =	sor.u32 s1, s0  }
0xbd: {  	s0 =	sadd.s32 $0x8F2B, s0  }
0xbe: {  	[sflag:s0] =	ssyncadd.remote.s32 $0x1  }
0xbf: {  	_ =	sfence.sel $0xFFFF  }
0xc0: {  	[dreg:$0x0] =	wrdreg $0xFFFFFFFF;
	(pc) =	sbr.abs _section_cstart, $3  }
0xc1: {  	[dreg:$0x1] =	wrdreg $0xFFFFFFFF  }
0xc2: {  	_ =	task.clear_ibuf [dreg:s7], $0x2FFFF;
	_ =	strace $0x9FFFFFFF  }
0xc3: {  	(tm) =	ssettm $0x7FFFFFFF  }
tec
execute0_lowered:
.L_overlay_start_1:
0x0: {  	(tag) =	ssettag $0x1  }
0x1: {  	s0 =	srdreg.scid;
	s1 =	rddreg [dreg:$0x0]  }
0x2: {  	s2 =	rddreg [dreg:$0x1];
	s9 =	stileid.u32  }
0x3: {  	s3 =	rddreg [dreg:$0x2];
	s5 =	simm.s32 $0x0;
	s15 =	simm.s32 $0xB  }
0x4: {  	s17 =	simm.s32 $0x2710;
	s18 =	simm.s32 $0x4E20;
	s19 =	simm.s32 $0x50  }
0x5: {  	s29 =	simm.s32 $0x6220;
	s30 =	simm.s32 $0x1;
	s31 =	simm.s32 $0x2  }
0x6: {  	s28 =	simm.s32 $0x8;
	s0 =	sand.u32 $0x1, s0;
	s6 =	smul.u32 $0xA000, s9  }
0x7: {  	[smem:$0x7FF] =	sst s5;
	s4 =	sshll.u32 s0, $0x4;
	s20 =	smul.u32 $0x5000, s0  }
0x8: {  	_ =	strace $0x80000050;
	s0 =	ssub.s32 $0x2, s0;
	s4 =	sor.u32 s9, s4  }
0x9: {  	s8 =	sshrl.u32 s0, $0x1;
	s9 =	smul.u32 $0x2800, s9;
	s6 =	sshrl.u32 s6, $0x2  }
0xa: {  	s4 =	smul.u32 $0x4E2, s4;
	s5 =	sadd.s32 s20, s2;
	s0 =	ssub.s32 s0, s8  }
0xb: {  	s21 =	sadd.s32 s6, s3;
	s20 =	simm.s32 $0x5;
	s6 =	sadd.s32 s9, s3  }
0xc: {  	s22 =	sadd.s32 $0x500, s21;
	s23 =	sadd.s32 $0xA00, s21;
	s24 =	sadd.s32 $0xF00, s21  }
0xd: {  	s25 =	sadd.s32 $0x1400, s21;
	s11 =	sadd.s32 $0x1900, s21;
	s12 =	sadd.s32 $0x1E00, s21  }
0xe: {  	s13 =	sadd.s32 $0x2300, s21;
	s5 =	sadd.s32 $0x2800, s5;
	[dreg:$0x5] =	wrdreg s22  }
0xf: {  	s26 =	sshrl.u32 s9, $0x3;
	s14 =	smax.u32 s0, $0x1;
	[dreg:$0x6] =	wrdreg s23  }
0x10: {  	s21 =	simm.s32 $0x5320;
	s0 =	simm.s32 $0x4;
	[dreg:$0x7] =	wrdreg s24  }
0x11: {  	s7 =	sadd.s32 s4, s2;
	s2 =	sadd.s32 $0x2C440, s2;
	[dreg:$0x8] =	wrdreg s25  }
0x12: {  	s23 =	simm.s32 $0x5820;
	s24 =	sadd.s32 s26, s5;
	s26 =	simm.s32 $0x5D20  }
0x13: {  	s22 =	simm.s32 $0x6;
	s25 =	simm.s32 $0x7;
	s5 =	simm.s32 $0xA  }
0x14: {  	s7 =	sadd.s32 $0x22800, s7;
	s16 =	sadd.s32 s4, s2;
	s2 =	simm.s32 $0x3  }
0x15: {  	v0 =	vimm.f32 $0.0e+00;
	s4 =	simm.s32 $0x9;
	[dreg:$0x4] =	wrdreg s7;
	s7 =	simm.s32 $0x0  }
.LBB2_1:
0x16: {  	s8 =	simm.s32 $0x0;
	s9 =	rddreg [dreg:$0x4]  }
0x17: {  	[tilespmem:s8], [sflag:$0xB] =	stream.linear.gather [hbm4b:s9+s8], $0x2710, $0x38;
	[tilespmem:$0x8F20] =	vst v63  }
0x18: {  	_ =	swait.ge [sflag:s15], $0x2710  }
0x19: {  	[sflag:s15] =	ssyncset.done $0x0  }
0x1a: {  	[sflag:s15] =	ssyncadd.s32 $0xFFFFD8F0  }
0x1b: {  	[tilespmem:s17], [sflag:$0xB] =	stream.linear.gather [hbm4b:s16+s8], $0x2710, $0x38;
	[tilespmem:$0x8F20] =	vst v63  }
0x1c: {  	_ =	swait.ge [sflag:s15], $0x2710  }
0x1d: {  	[sflag:s15] =	ssyncset.done $0x0  }
0x1e: {  	s9 =	simm.s32 $0x0;
	s8 =	simm.s32 $0x40;
	[sflag:s15] =	ssyncadd.s32 $0xFFFFD8F0  }
.LBB2_2:
0x1f: {  	p0 =	sne.s32 s8, $0x13C0;
	[tilespmem:s9+$0x4E20] =	vst v0;
	s9 =	smov.u32 s8;
	s8 =	sadd.s32 $0x40, s8  }
.Ltmp0:
0x20: {  	(pc) =	sbr.rel @p0 .LBB2_2-.Ltmp0, $2  }
0x21: {  	_ =	sdelay $0x2  }
0x22: {  	s9 =	sshra.s32 s9, $0x2  }
0x23: {  	[tilespmem:s9+$0x4E20] =	vst v0  }
0x24: {  	[spmem:s6] =	stream.linear.scatter [tilespmem:s18], [sflag:$0xB], $0x500, $0x38;
	[tilespmem:$0x8F20] =	vst v63  }
0x25: {  	_ =	swait.ge [sflag:s15], $0x500  }
0x26: {  	[sflag:s15] =	ssyncset.done $0x0  }
0x27: {  	s8 =	rddreg [dreg:$0x5];
	[sflag:s15] =	ssyncadd.s32 $0xFFFFFB00  }
0x28: {  	[spmem:s8] =	stream.linear.scatter [tilespmem:s18], [sflag:$0xB], $0x500, $0x38;
	[tilespmem:$0x8F20] =	vst v63  }
0x29: {  	_ =	swait.ge [sflag:s15], $0x500  }
0x2a: {  	[sflag:s15] =	ssyncset.done $0x0  }
0x2b: {  	s9 =	rddreg [dreg:$0x6];
	[sflag:s15] =	ssyncadd.s32 $0xFFFFFB00  }
0x2c: {  	[spmem:s9] =	stream.linear.scatter [tilespmem:s18], [sflag:$0xB], $0x500, $0x38;
	[tilespmem:$0x8F20] =	vst v63  }
0x2d: {  	_ =	swait.ge [sflag:s15], $0x500  }
0x2e: {  	[sflag:s15] =	ssyncset.done $0x0  }
0x2f: {  	s10 =	rddreg [dreg:$0x7];
	[sflag:s15] =	ssyncadd.s32 $0xFFFFFB00  }
0x30: {  	[spmem:s10] =	stream.linear.scatter [tilespmem:s18], [sflag:$0xB], $0x500, $0x38;
	[tilespmem:$0x8F20] =	vst v63  }
0x31: {  	_ =	swait.ge [sflag:s15], $0x500  }
0x32: {  	[sflag:s15] =	ssyncset.done $0x0  }
0x33: {  	s9 =	rddreg [dreg:$0x8];
	[sflag:s15] =	ssyncadd.s32 $0xFFFFFB00  }
0x34: {  	[spmem:s9] =	stream.linear.scatter [tilespmem:s18], [sflag:$0xB], $0x500, $0x38;
	[tilespmem:$0x8F20] =	vst v63  }
0x35: {  	_ =	swait.ge [sflag:s15], $0x500  }
0x36: {  	[sflag:s15] =	ssyncset.done $0x0  }
0x37: {  	[sflag:s15] =	ssyncadd.s32 $0xFFFFFB00  }
0x38: {  	[spmem:s11] =	stream.linear.scatter [tilespmem:s18], [sflag:$0xB], $0x500, $0x38;
	[tilespmem:$0x8F20] =	vst v63  }
0x39: {  	_ =	swait.ge [sflag:s15], $0x500  }
0x3a: {  	[sflag:s15] =	ssyncset.done $0x0  }
0x3b: {  	[sflag:s15] =	ssyncadd.s32 $0xFFFFFB00  }
0x3c: {  	[spmem:s12] =	stream.linear.scatter [tilespmem:s18], [sflag:$0xB], $0x500, $0x38;
	[tilespmem:$0x8F20] =	vst v63  }
0x3d: {  	_ =	swait.ge [sflag:s15], $0x500  }
0x3e: {  	[sflag:s15] =	ssyncset.done $0x0  }
0x3f: {  	[sflag:s15] =	ssyncadd.s32 $0xFFFFFB00  }
0x40: {  	[spmem:s13] =	stream.linear.scatter [tilespmem:s18], [sflag:$0xB], $0x500, $0x38;
	[tilespmem:$0x8F20] =	vst v63  }
0x41: {  	_ =	swait.ge [sflag:s15], $0x500  }
0x42: {  	[sflag:s15] =	ssyncset.done $0x0  }
0x43: {  	[sflag:s15] =	ssyncadd.s32 $0xFFFFFB00  }
0x44: {  	[bflag:$0x0] =	sbarrier.arrive $0xFFFF  }
0x45: {  	[tilespmem:s18], [sflag:$0x1] =	stream.indirect.gather [hbm4b:s1+s19], $0x10, s17, s19, $0xb8;
	[tilespmem:$0x8F20] =	vst v63  }
0x46: {  	s10 =	simm.s32 $0x2760  }
0x47: {  	[tilespmem:s21], [sflag:$0x2] =	stream.indirect.gather [hbm4b:s1+s19], $0x10, s10, s19, $0xb8;
	[tilespmem:$0x8F20] =	vst v63  }
0x48: {  	s9 =	simm.s32 $0x27B0  }
0x49: {  	[tilespmem:s23], [sflag:$0x3] =	stream.indirect.gather [hbm4b:s1+s19], $0x10, s9, s19, $0xb8;
	[tilespmem:$0x8F20] =	vst v63  }
0x4a: {  	s10 =	simm.s32 $0x2800  }
0x4b: {  	[tilespmem:s26], [sflag:$0x4] =	stream.indirect.gather [hbm4b:s1+s19], $0x10, s10, s19, $0xb8;
	[tilespmem:$0x8F20] =	vst v63  }
0x4c: {  	s9 =	simm.s32 $0x2850  }
0x4d: {  	[tilespmem:s29], [sflag:$0x5] =	stream.indirect.gather [hbm4b:s1+s19], $0x10, s9, s19, $0xb8;
	[tilespmem:$0x8F20] =	vst v63  }
0x4e: {  	_ =	swait.ge [sflag:s30], $0x500  }
0x4f: {  	[sflag:s30] =	ssyncset.done $0x0  }
0x50: {  	s10 =	simm.s32 $0x0;
	[sflag:s30] =	ssyncadd.s32 $0xFFFFFB00  }
0x51: {  	[spmem:s3] =	stream.indirect.scatter.add.f32 [tilespmem:s18], [sflag:$0x6], $0x10, s10, s19, $0xb8;
	[tilespmem:$0x8F20] =	vst v63  }
0x52: {  	_ =	swait.ge [sflag:s31], $0x500  }
0x53: {  	[sflag:s31] =	ssyncset.done $0x0  }
0x54: {  	s9 =	simm.s32 $0x50;
	[sflag:s31] =	ssyncadd.s32 $0xFFFFFB00  }
0x55: {  	[spmem:s3] =	stream.indirect.scatter.add.f32 [tilespmem:s21], [sflag:$0x7], $0x10, s9, s19, $0xb8;
	[tilespmem:$0x8F20] =	vst v63  }
0x56: {  	_ =	swait.ge [sflag:s2], $0x500  }
0x57: {  	[sflag:s2] =	ssyncset.done $0x0  }
0x58: {  	s10 =	simm.s32 $0xA0;
	[sflag:s2] =	ssyncadd.s32 $0xFFFFFB00  }
0x59: {  	[spmem:s3] =	stream.indirect.scatter.add.f32 [tilespmem:s23], [sflag:$0x8], $0x10, s10, s19, $0xb8;
	[tilespmem:$0x8F20] =	vst v63  }
0x5a: {  	_ =	swait.ge [sflag:s0], $0x500  }
0x5b: {  	[sflag:s0] =	ssyncset.done $0x0  }
0x5c: {  	s9 =	simm.s32 $0xF0;
	[sflag:s0] =	ssyncadd.s32 $0xFFFFFB00  }
0x5d: {  	[spmem:s3] =	stream.indirect.scatter.add.f32 [tilespmem:s26], [sflag:$0x9], $0x10, s9, s19, $0xb8;
	[tilespmem:$0x8F20] =	vst v63  }
0x5e: {  	_ =	swait.ge [sflag:s20], $0x500  }
0x5f: {  	[sflag:s20] =	ssyncset.done $0x0  }
0x60: {  	s10 =	simm.s32 $0x140;
	[sflag:s20] =	ssyncadd.s32 $0xFFFFFB00  }
0x61: {  	[spmem:s3] =	stream.indirect.scatter.add.f32 [tilespmem:s29], [sflag:$0xA], $0x10, s10, s19, $0xb8;
	[tilespmem:$0x8F20] =	vst v63  }
0x62: {  	_ =	swait.ge [sflag:s22], $0x500  }
0x63: {  	[sflag:s22] =	ssyncset.done $0x0  }
0x64: {  	s9 =	simm.s32 $0x28A0;
	[sflag:s22] =	ssyncadd.s32 $0xFFFFFB00  }
0x65: {  	[tilespmem:s18], [sflag:$0x1] =	stream.indirect.gather [hbm4b:s1+s19], $0x10, s9, s19, $0xb8;
	[tilespmem:$0x8F20] =	vst v63  }
0x66: {  	_ =	swait.ge [sflag:s25], $0x500  }
0x67: {  	[sflag:s25] =	ssyncset.done $0x0  }
0x68: {  	s10 =	simm.s32 $0x28F0;
	[sflag:s25] =	ssyncadd.s32 $0xFFFFFB00  }
0x69: {  	[tilespmem:s21], [sflag:$0x2] =	stream.indirect.gather [hbm4b:s1+s19], $0x10, s10, s19, $0xb8;
	[tilespmem:$0x8F20] =	vst v63  }
0x6a: {  	_ =	swait.ge [sflag:s28], $0x500  }
0x6b: {  	[sflag:s28] =	ssyncset.done $0x0  }
0x6c: {  	s9 =	simm.s32 $0x2940;
	[sflag:s28] =	ssyncadd.s32 $0xFFFFFB00  }
0x6d: {  	[tilespmem:s23], [sflag:$0x3] =	stream.indirect.gather [hbm4b:s1+s19], $0x10, s9, s19, $0xb8;
	[tilespmem:$0x8F20] =	vst v63  }
0x6e: {  	_ =	swait.ge [sflag:s4], $0x500  }
0x6f: {  	[sflag:s4] =	ssyncset.done $0x0  }
0x70: {  	s10 =	simm.s32 $0x2990;
	[sflag:s4] =	ssyncadd.s32 $0xFFFFFB00  }
0x71: {  	[tilespmem:s26], [sflag:$0x4] =	stream.indirect.gather [hbm4b:s1+s19], $0x10, s10, s19, $0xb8;
	[tilespmem:$0x8F20] =	vst v63  }
0x72: {  	_ =	swait.ge [sflag:s5], $0x500  }
0x73: {  	[sflag:s5] =	ssyncset.done $0x0  }
0x74: {  	s8 =	simm.s32 $0x640;
	s9 =	simm.s32 $0x29E0;
	[sflag:s5] =	ssyncadd.s32 $0xFFFFFB00  }
.LBB2_4:
0x75: {  	[tilespmem:s29], [sflag:$0x5] =	stream.indirect.gather [hbm4b:s1+s19], $0x10, s9, s19, $0xb8;
	[tilespmem:$0x8F20] =	vst v63  }
0x76: {  	s9 =	smov.u32 s8  }
0x77: {  	p0 =	sne.s32 s8, $0x8FC0;
	s8 =	sadd.s32 $0x640, s8;
	_ =	swait.ge [sflag:s30], $0x500  }
0x78: {  	[sflag:s30] =	ssyncset.done $0x0  }
0x79: {  	s9 =	sshra.s32 s9, $0x2;
	[sflag:s30] =	ssyncadd.s32 $0xFFFFFB00  }
0x7a: {  	[spmem:s3] =	stream.indirect.scatter.add.f32 [tilespmem:s18], [sflag:$0x6], $0x10, s9, s19, $0xb8;
	[tilespmem:$0x8F20] =	vst v63  }
0x7b: {  	_ =	swait.ge [sflag:s31], $0x500  }
0x7c: {  	[sflag:s31] =	ssyncset.done $0x0  }
0x7d: {  	s10 =	sadd.s32 $0x50, s9;
	[sflag:s31] =	ssyncadd.s32 $0xFFFFFB00  }
0x7e: {  	[spmem:s3] =	stream.indirect.scatter.add.f32 [tilespmem:s21], [sflag:$0x7], $0x10, s10, s19, $0xb8;
	[tilespmem:$0x8F20] =	vst v63  }
0x7f: {  	_ =	swait.ge [sflag:s2], $0x500  }
0x80: {  	[sflag:s2] =	ssyncset.done $0x0  }
0x81: {  	s10 =	sadd.s32 $0xA0, s9;
	[sflag:s2] =	ssyncadd.s32 $0xFFFFFB00  }
0x82: {  	[spmem:s3] =	stream.indirect.scatter.add.f32 [tilespmem:s23], [sflag:$0x8], $0x10, s10, s19, $0xb8;
	[tilespmem:$0x8F20] =	vst v63  }
0x83: {  	_ =	swait.ge [sflag:s0], $0x500  }
0x84: {  	[sflag:s0] =	ssyncset.done $0x0  }
0x85: {  	s10 =	sadd.s32 $0xF0, s9;
	[sflag:s0] =	ssyncadd.s32 $0xFFFFFB00  }
0x86: {  	[spmem:s3] =	stream.indirect.scatter.add.f32 [tilespmem:s26], [sflag:$0x9], $0x10, s10, s19, $0xb8;
	[tilespmem:$0x8F20] =	vst v63  }
0x87: {  	_ =	swait.ge [sflag:s20], $0x500  }
0x88: {  	[sflag:s20] =	ssyncset.done $0x0  }
0x89: {  	s10 =	sadd.s32 $0x140, s9;
	[sflag:s20] =	ssyncadd.s32 $0xFFFFFB00  }
0x8a: {  	[spmem:s3] =	stream.indirect.scatter.add.f32 [tilespmem:s29], [sflag:$0xA], $0x10, s10, s19, $0xb8;
	[tilespmem:$0x8F20] =	vst v63  }
0x8b: {  	_ =	swait.ge [sflag:s22], $0x500  }
0x8c: {  	[sflag:s22] =	ssyncset.done $0x0  }
0x8d: {  	s10 =	sadd.s32 $0x28A0, s9;
	[sflag:s22] =	ssyncadd.s32 $0xFFFFFB00  }
0x8e: {  	[tilespmem:s18], [sflag:$0x1] =	stream.indirect.gather [hbm4b:s1+s19], $0x10, s10, s19, $0xb8;
	[tilespmem:$0x8F20] =	vst v63  }
0x8f: {  	_ =	swait.ge [sflag:s25], $0x500  }
0x90: {  	[sflag:s25] =	ssyncset.done $0x0  }
0x91: {  	s10 =	sadd.s32 $0x28F0, s9;
	[sflag:s25] =	ssyncadd.s32 $0xFFFFFB00  }
0x92: {  	[tilespmem:s21], [sflag:$0x2] =	stream.indirect.gather [hbm4b:s1+s19], $0x10, s10, s19, $0xb8;
	[tilespmem:$0x8F20] =	vst v63  }
0x93: {  	_ =	swait.ge [sflag:s28], $0x500  }
0x94: {  	[sflag:s28] =	ssyncset.done $0x0  }
0x95: {  	s10 =	sadd.s32 $0x2940, s9;
	[sflag:s28] =	ssyncadd.s32 $0xFFFFFB00  }
0x96: {  	[tilespmem:s23], [sflag:$0x3] =	stream.indirect.gather [hbm4b:s1+s19], $0x10, s10, s19, $0xb8;
	[tilespmem:$0x8F20] =	vst v63  }
0x97: {  	_ =	swait.ge [sflag:s4], $0x500  }
0x98: {  	[sflag:s4] =	ssyncset.done $0x0  }
.Ltmp1:
0x99: {  	s10 =	sadd.s32 $0x2990, s9;
	[sflag:s4] =	ssyncadd.s32 $0xFFFFFB00;
	(pc) =	sbr.rel @p0 .LBB2_4-.Ltmp1, $4  }
0x9a: {  	[tilespmem:s26], [sflag:$0x4] =	stream.indirect.gather [hbm4b:s1+s19], $0x10, s10, s19, $0xb8;
	[tilespmem:$0x8F20] =	vst v63  }
0x9b: {  	_ =	swait.ge [sflag:s5], $0x500  }
0x9c: {  	[sflag:s5] =	ssyncset.done $0x0  }
0x9d: {  	s9 =	sadd.s32 $0x29E0, s9;
	[sflag:s5] =	ssyncadd.s32 $0xFFFFFB00  }
0x9e: {  	[tilespmem:s29], [sflag:$0x5] =	stream.indirect.gather [hbm4b:s1+s19], $0x10, s9, s19, $0xb8;
	[tilespmem:$0x8F20] =	vst v63  }
0x9f: {  	_ =	swait.ge [sflag:s30], $0x500  }
0xa0: {  	[sflag:s30] =	ssyncset.done $0x0  }
0xa1: {  	s8 =	simm.s32 $0x2580;
	[sflag:s30] =	ssyncadd.s32 $0xFFFFFB00  }
0xa2: {  	[spmem:s3] =	stream.indirect.scatter.add.f32 [tilespmem:s18], [sflag:$0x6], $0x10, s8, s19, $0xb8;
	[tilespmem:$0x8F20] =	vst v63  }
0xa3: {  	_ =	swait.ge [sflag:s31], $0x500  }
0xa4: {  	[sflag:s31] =	ssyncset.done $0x0  }
0xa5: {  	s9 =	simm.s32 $0x25D0;
	[sflag:s31] =	ssyncadd.s32 $0xFFFFFB00  }
0xa6: {  	[spmem:s3] =	stream.indirect.scatter.add.f32 [tilespmem:s21], [sflag:$0x7], $0x10, s9, s19, $0xb8;
	[tilespmem:$0x8F20] =	vst v63  }
0xa7: {  	_ =	swait.ge [sflag:s2], $0x500  }
0xa8: {  	[sflag:s2] =	ssyncset.done $0x0  }
0xa9: {  	s10 =	simm.s32 $0x2620;
	[sflag:s2] =	ssyncadd.s32 $0xFFFFFB00  }
0xaa: {  	[spmem:s3] =	stream.indirect.scatter.add.f32 [tilespmem:s23], [sflag:$0x8], $0x10, s10, s19, $0xb8;
	[tilespmem:$0x8F20] =	vst v63  }
0xab: {  	_ =	swait.ge [sflag:s0], $0x500  }
0xac: {  	[sflag:s0] =	ssyncset.done $0x0  }
0xad: {  	s9 =	simm.s32 $0x2670;
	[sflag:s0] =	ssyncadd.s32 $0xFFFFFB00  }
0xae: {  	[spmem:s3] =	stream.indirect.scatter.add.f32 [tilespmem:s26], [sflag:$0x9], $0x10, s9, s19, $0xb8;
	[tilespmem:$0x8F20] =	vst v63  }
0xaf: {  	_ =	swait.ge [sflag:s20], $0x500  }
0xb0: {  	[sflag:s20] =	ssyncset.done $0x0  }
0xb1: {  	s10 =	simm.s32 $0x26C0;
	[sflag:s20] =	ssyncadd.s32 $0xFFFFFB00  }
0xb2: {  	[spmem:s3] =	stream.indirect.scatter.add.f32 [tilespmem:s29], [sflag:$0xA], $0x10, s10, s19, $0xb8;
	[tilespmem:$0x8F20] =	vst v63  }
0xb3: {  	_ =	swait.ge [sflag:s22], $0x500  }
0xb4: {  	[sflag:s22] =	ssyncset.done $0x0  }
0xb5: {  	[sflag:s22] =	ssyncadd.s32 $0xFFFFFB00  }
0xb6: {  	_ =	swait.ge [sflag:s25], $0x500  }
0xb7: {  	[sflag:s25] =	ssyncset.done $0x0  }
0xb8: {  	[sflag:s25] =	ssyncadd.s32 $0xFFFFFB00  }
0xb9: {  	_ =	swait.ge [sflag:s28], $0x500  }
0xba: {  	[sflag:s28] =	ssyncset.done $0x0  }
0xbb: {  	[sflag:s28] =	ssyncadd.s32 $0xFFFFFB00  }
0xbc: {  	_ =	swait.ge [sflag:s4], $0x500  }
0xbd: {  	[sflag:s4] =	ssyncset.done $0x0  }
0xbe: {  	[sflag:s4] =	ssyncadd.s32 $0xFFFFFB00  }
0xbf: {  	s9 =	stileid.u32;
	_ =	swait.ge [sflag:s5], $0x500  }
0xc0: {  	s7 =	sadd.s32 $0x1, s7;
	s8 =	sshll.u32 s9, $0x6;
	[sflag:s5] =	ssyncset.done $0x0  }
0xc1: {  	p0 =	sne.s32 s7, s14;
	s8 =	sor.u32 $0x1C0B, s8;
	[sflag:s5] =	ssyncadd.s32 $0xFFFFFB00  }
.Ltmp2:
0xc2: {  	s10 =	sshrl.u32 s6, $0x3;
	[bflag:$0x0] =	sbarrier.arrive $0xFFFF;
	(pc) =	sbr.rel @p0 .LBB2_1-.Ltmp2, $4  }
0xc3: {  	[hbm:s24], [sflag:s8] =	dma.local [spmem:s10], $0x500  }
0xc4: {  	_ =	swait.ge [sflag:s15], $0x500  }
0xc5: {  	[sflag:s15] =	ssyncset.done $0x0  }
0xc6: {  	[sflag:s15] =	ssyncadd.s32 $0xFFFFFB00  }
0xc7: {  	_ =	sfence.sel $0x180000  }
0xc8: {  	[bflag:$0x0] =	sbarrier.arrive $0xFFFF  }
0xc9: {  	_ =	strace $0x90000050  }
0xca: {  	s0 =	stileid.u32;
	[bflag:$0x2] =	sbarrier.arrive $0xFFFF  }
0xcb: {  	p0 =	sne.s32 s0, $0x0;
	s0 =	rddreg [dreg:$0x3]  }
0xcc: {  	s0 =	sadd.s32 @!p0 $0x100000, s0  }
0xcd: {  	[sflag:s0] =	ssyncadd.tile.s32 @!p0 $0x1;
	_ =	shalt  }
.Lfunc_end2:
_tile_overlayer_lowered:
.L_overlay_start_2:
0xce: {  	(tag) =	ssettag $0x2  }
0xcf: {  	s0 =	rddreg [dreg:$0x0];
	s2 =	stileid.u32  }
0xd0: {  	s1 =	rddreg [dreg:$0x1];
	p0 =	sne.s32 s2, $0x0  }
0xd1: {  	s3 =	rddreg [dreg:$0x2];
	[bflag:$0x3] =	sbarrier.arrive $0xFFFF;
	s2 =	simm.s32 @!p0 $0x1C0B  }
0xd2: {  	[timem:s3], [sflag:s2] =	dma.local @!p0 [hbm:s0], s1  }
0xd3: {  	s0 =	simm.s32 @!p0 $0xB  }
0xd4: {  	_ =	swait.ge @!p0 [sflag:s0], s1  }
0xd5: {  	s1 =	ssub.s32 @!p0 $0x0, s1;
	[sflag:s0] =	ssyncset.done @!p0 $0x0  }
0xd6: {  	[sflag:s0] =	ssyncadd.s32 @!p0 s1  }
0xd7: {  	[bflag:$0x3] =	sbarrier.arrive $0xFFFF  }
0xd8: {  	_ =	shalt  }

</sc_bundles>
